<compile_context>
chip_gen: v7x
topology: tpu7x:2x2x1
jax: 0.10.2.dev20260603
libtpu: 0.0.44.dev20260713+nightly
codegen_flags: <defaults>
</compile_context>

<pallas_src>
import functools

import jax
import jax.numpy as jnp
from jax import lax
from jax.experimental import pallas as pl
from jax.experimental.pallas import tpu as pltpu
from jax.experimental.pallas import tpu_sc as plsc

N = 10000
D = 128
E = 320000
ONE_PLUS_EPS = 1.0 + 0.1

NC = 2
NS = 16
L = 16
NW = NC * NS
NP = 10240
SLICE = NP // NS
BATCH = 80
NBP = 125

_MESH = plsc.VectorSubcoreMesh(core_axis_name="c", subcore_axis_name="s")


def _fill(ref, value, n):
    vec = jnp.full((L,), value, dtype=ref.dtype)
    for i in range(n // L):
        ref[pl.ds(i * L, L)] = vec


RB = 320
TAIL_ROWS = N - (NW - 1) * RB


@functools.partial(
    pl.kernel,
    out_type=(jax.ShapeDtypeStruct((D,), jnp.float32),
              jax.ShapeDtypeStruct((3 * NC * NP,), jnp.float32),
              jax.ShapeDtypeStruct((NC * D,), jnp.float32)),
    mesh=_MESH,
    compiler_params=pltpu.CompilerParams(needs_layout_passes=False),
    scratch_types=[
        pltpu.VMEM((NBP, BATCH), jnp.int32),
        pltpu.VMEM((NBP, BATCH), jnp.int32),
        pltpu.VMEM((NP,), jnp.float32),
        pltpu.VMEM((NBP, BATCH), jnp.float32),
        pltpu.VMEM((SLICE,), jnp.float32),
        pltpu.VMEM((SLICE,), jnp.float32),
        pltpu.VMEM((SLICE,), jnp.float32),
        pltpu.VMEM((SLICE,), jnp.float32),
        pltpu.VMEM((RB, D), jnp.float32),
        pltpu.VMEM((RB,), jnp.float32),
        pltpu.VMEM((D,), jnp.float32),
        pltpu.VMEM((NC * D,), jnp.float32),
        pltpu.VMEM((D,), jnp.int32),
        pltpu.VMEM_SHARED((NP,), jnp.float32),
        pltpu.VMEM_SHARED((NP,), jnp.float32),
        pltpu.VMEM_SHARED((D,), jnp.float32),
        pltpu.SemaphoreType.DMA,
        pltpu.SemaphoreType.DMA,
        pltpu.SemaphoreType.REGULAR,
    ],
)
def _u_kernel(srcp, dstp, x, vp, q_out, xchg, qx,
              src_v, dst_v, w_v, vals_v, rem_v, loc_v, comb_v, zb_v,
              xb_v, vpb_v, qb_v, qall_v, qidx_v,
              w_sp, acc_sp, q_sp, dsem, xsem_dma, xsem):
    c = lax.axis_index("c")
    s = lax.axis_index("s")
    wid = s * NC + c
    sl = pl.ds(s * SLICE, SLICE)
    r0 = wid * RB

    last = r0 + RB > N

    @pl.when(jnp.logical_not(last))
    def _():
        pltpu.async_copy(x.at[pl.ds(r0, RB)], xb_v, xsem_dma)
        pltpu.async_copy(vp.at[pl.ds(r0, RB)], vpb_v, xsem_dma)

    @pl.when(last)
    def _():
        pltpu.async_copy(x.at[pl.ds(r0, TAIL_ROWS)],
                         xb_v.at[pl.ds(0, TAIL_ROWS)], xsem_dma)
        pltpu.async_copy(vp.at[pl.ds(r0, TAIL_ROWS)],
                         vpb_v.at[pl.ds(0, TAIL_ROWS)], xsem_dma)

    def xbarrier():
        plsc.subcore_barrier()

        @pl.when(s == 0)
        def _():
            pltpu.semaphore_signal(xsem, 1, core_index=1 - c)
            pltpu.semaphore_wait(xsem, 1)

        plsc.subcore_barrier()

    _fill(zb_v, 0.0, SLICE)
    pltpu.sync_copy(zb_v, acc_sp.at[sl])
    for d in range(D // L):
        qidx_v[pl.ds(d * L, L)] = lax.iota(jnp.int32, L) + d * L

    @pl.when(s == 0)
    def _():
        pltpu.sync_copy(zb_v.at[pl.ds(0, D)], q_sp)
    pltpu.sync_copy(srcp.at[wid], src_v)
    pltpu.sync_copy(dstp.at[wid], dst_v)
    _fill(vals_v.at[0], 1.0, BATCH)

    def ones_body(j, carry):
        pltpu.async_copy(vals_v.at[0], acc_sp.at[src_v.at[j]], dsem, add=True)
        return carry

    def ones_drain(j, carry):
        pltpu.make_async_copy(vals_v.at[0], acc_sp.at[src_v.at[j]],
                              dsem).wait()
        return carry

    plsc.subcore_barrier()
    lax.fori_loop(0, NBP, ones_body, 0)
    lax.fori_loop(0, NBP, ones_drain, 0)
    plsc.subcore_barrier()
    pltpu.sync_copy(acc_sp.at[sl],
                    xchg.at[pl.ds(c * NP + s * SLICE, SLICE)])
    xbarrier()

    for p in range(2):
        pltpu.sync_copy(
            xchg.at[pl.ds((p * NC + (1 - c)) * NP + s * SLICE, SLICE)], rem_v)
        pltpu.sync_copy(acc_sp.at[sl], loc_v)
        for i in range(SLICE // L):
            ii = pl.ds(i * L, L)
            if p == 0:
                wprev = ONE_PLUS_EPS
            else:
                wprev = ONE_PLUS_EPS * w_v[pl.ds(s * SLICE + i * L, L)]
            comb_v[ii] = wprev + loc_v[ii] + rem_v[ii]
        pltpu.sync_copy(comb_v, w_sp.at[sl])
        pltpu.sync_copy(zb_v, acc_sp.at[sl])
        plsc.subcore_barrier()
        pltpu.sync_copy(w_sp, w_v)

        def gbody(j, carry):
            for t in range(BATCH // L):
                idx = dst_v[j, pl.ds(t * L, L)]
                vals_v[j, pl.ds(t * L, L)] = plsc.load_gather(w_v, [idx])
            pltpu.async_copy(vals_v.at[j], acc_sp.at[src_v.at[j]], dsem,
                             add=True)
            return carry

        lax.fori_loop(0, NBP, gbody, 0)

        def gdrain(j, carry):
            pltpu.make_async_copy(vals_v.at[j], acc_sp.at[src_v.at[j]],
                                  dsem).wait()
            return carry

        lax.fori_loop(0, NBP, gdrain, 0)
        plsc.subcore_barrier()
        pltpu.sync_copy(
            acc_sp.at[sl],
            xchg.at[pl.ds(((p + 1) * NC + c) * NP + s * SLICE, SLICE)])
        xbarrier()

    pltpu.sync_copy(xchg.at[pl.ds((2 * NC + (1 - c)) * NP + r0, RB)],
                    rem_v.at[pl.ds(0, RB)])
    pltpu.sync_copy(acc_sp.at[pl.ds(r0, RB)], loc_v.at[pl.ds(0, RB)])

    @pl.when(jnp.logical_not(last))
    def _():
        pltpu.make_async_copy(x.at[pl.ds(r0, RB)], xb_v, xsem_dma).wait()
        pltpu.make_async_copy(vp.at[pl.ds(r0, RB)], vpb_v, xsem_dma).wait()

    @pl.when(last)
    def _():
        pltpu.make_async_copy(x.at[pl.ds(r0, TAIL_ROWS)],
                              xb_v.at[pl.ds(0, TAIL_ROWS)], xsem_dma).wait()
        pltpu.make_async_copy(vp.at[pl.ds(r0, TAIL_ROWS)],
                              vpb_v.at[pl.ds(0, TAIL_ROWS)], xsem_dma).wait()

    for i in range(RB // L):
        ii = pl.ds(i * L, L)
        comb_v[ii] = (ONE_PLUS_EPS * w_v[pl.ds(r0 + i * L, L)]
                      + loc_v[ii] + rem_v[ii]) * vpb_v[ii]

    nblk = jnp.minimum(RB, N - r0) // L
    ND = D // L

    def mblk(b, qsall):
        cvec = comb_v[pl.ds(b * L, L)]
        qsA = qsall[:ND]
        qsB = qsall[ND:]
        for k in range(0, L, 2):
            cvA = jnp.full((L,), cvec[k], jnp.float32)
            cvB = jnp.full((L,), cvec[k + 1], jnp.float32)
            iA = b * L + k
            iB = b * L + k + 1
            qsA = tuple(qsA[d] + cvA * xb_v[iA, pl.ds(d * L, L)]
                        for d in range(ND))
            qsB = tuple(qsB[d] + cvB * xb_v[iB, pl.ds(d * L, L)]
                        for d in range(ND))
        return qsA + qsB

    qs = lax.fori_loop(0, nblk, mblk,
                       tuple(jnp.zeros((L,), jnp.float32)
                             for _ in range(2 * ND)))
    for d in range(ND):
        qb_v[pl.ds(d * L, L)] = qs[d] + qs[d + ND]
    pltpu.sync_copy(qb_v, q_sp.at[qidx_v], add=True)
    plsc.subcore_barrier()

    @pl.when(s == 0)
    def _():
        pltpu.sync_copy(q_sp, qx.at[pl.ds(c * D, D)])

    xbarrier()

    @pl.when(jnp.logical_and(c == 0, s == 0))
    def _():
        pltpu.sync_copy(qx, qall_v)
        for d in range(ND):
            qb_v[pl.ds(d * L, L)] = (qall_v[pl.ds(d * L, L)]
                                     + qall_v[pl.ds(D + d * L, L)])
        pltpu.sync_copy(qb_v, q_out)


def kernel(x, v, edge_index):
    srcp = edge_index[0].reshape(NW, NBP, BATCH)
    dstp = edge_index[1].reshape(NW, NBP, BATCH)
    q, _, _ = _u_kernel(srcp, dstp, x, v)
    return q

# --- scband reference (transcript-rebuilt; emitter-appended) ---
"""Pipeline reference for scband-tree-search-5583457485035 (READ-ONLY COPY).

The authoritative reference and input builder live on the scoring server;
editing this copy changes nothing except your own understanding.
"""

import jax, jax.numpy as jnp
import numpy as np

N = 10000
E = 320000
D = 128
EPS = 0.1


def _gin_conv(h, src, dst, eps):
    # GINConv with identity nn (nn1 = lambda x: x in the original module):
    # out[i] = (1 + eps) * h[i] + sum_{j in N(i)} h[j]
    msg = jnp.take(h, src, axis=0)                      # gather  [E, D]
    agg = jax.ops.segment_sum(msg, dst, num_segments=N)  # scatter-add [N, D]
    return (1.0 + eps) * h + agg


def setup_inputs(seed: int = 0) -> dict:
    key = jax.random.key(seed)
    k1, k2, k3 = jax.random.split(key, 3)
    x = jax.random.normal(k1, (N, D), dtype=jnp.float32)
    v = jax.random.uniform(k2, (N,), dtype=jnp.float32)  # soft node-selection mask
    edge_index = jax.random.randint(k3, (2, E), 0, N, dtype=jnp.int32)
    return {"x": x, "v": v, "edge_index": edge_index}


def reference(x, v, edge_index):
    # Faithful translation of TreeSearch._get_subgraph_embedding used inside
    # _try_selecting_node_pair: mask node features by the selection vector v,
    # run the 3-layer GIN stack (conv1/conv2/conv3 with identity MLPs,
    # eps parsed from stop_strategy = 0.1), then sum-pool to a subgraph
    # embedding q used for the ||q1 - q2|| stopping criterion.
    src = edge_index[0]
    dst = edge_index[1]
    h = x * v[:, None]
    h = _gin_conv(h, src, dst, EPS)
    h = _gin_conv(h, src, dst, EPS)
    h = _gin_conv(h, src, dst, EPS)
    q = jnp.sum(h, axis=0)
    return q

if __name__ == "__main__":
    import jax
    _d = setup_inputs()
    print(jax.jit(kernel)(*tuple(_d.values())))

</pallas_src>

<mosaic_0001>
#map = affine_map<(d0, d1) -> (0, 0, 0)>
#map1 = affine_map<(d0, d1) -> (0, 0)>
#map2 = affine_map<(d0, d1) -> (0)>
module attributes {stable_mosaic.version = 14 : i64} {
  func.func @_u_kernel(%arg0: i32, %arg1: i32, %arg2: memref<32x125x80xi32, #tpu.memory_space<hbm>>, %arg3: memref<32x125x80xi32, #tpu.memory_space<hbm>>, %arg4: memref<10000x128xf32, #tpu.memory_space<hbm>>, %arg5: memref<10000xf32, #tpu.memory_space<hbm>>, %arg6: memref<128xf32, #tpu.memory_space<hbm>>, %arg7: memref<61440xf32, #tpu.memory_space<hbm>>, %arg8: memref<256xf32, #tpu.memory_space<hbm>>, %arg9: memref<125x80xi32, #tpu.memory_space<vmem>>, %arg10: memref<125x80xi32, #tpu.memory_space<vmem>>, %arg11: memref<10240xf32, #tpu.memory_space<vmem>>, %arg12: memref<125x80xf32, #tpu.memory_space<vmem>>, %arg13: memref<640xf32, #tpu.memory_space<vmem>>, %arg14: memref<640xf32, #tpu.memory_space<vmem>>, %arg15: memref<640xf32, #tpu.memory_space<vmem>>, %arg16: memref<640xf32, #tpu.memory_space<vmem>>, %arg17: memref<320x128xf32, #tpu.memory_space<vmem>>, %arg18: memref<320xf32, #tpu.memory_space<vmem>>, %arg19: memref<128xf32, #tpu.memory_space<vmem>>, %arg20: memref<256xf32, #tpu.memory_space<vmem>>, %arg21: memref<128xi32, #tpu.memory_space<vmem>>, %arg22: memref<10240xf32, #tpu.memory_space<vmem_shared>>, %arg23: memref<10240xf32, #tpu.memory_space<vmem_shared>>, %arg24: memref<128xf32, #tpu.memory_space<vmem_shared>>, %arg25: memref<!tpu.dma_semaphore, #tpu.memory_space<semaphore_mem>>, %arg26: memref<!tpu.dma_semaphore, #tpu.memory_space<semaphore_mem>>, %arg27: memref<!tpu.semaphore, #tpu.memory_space<semaphore_mem>>) attributes {dimension_semantics = [#tpu.dimension_semantics<core_parallel>, #tpu.dimension_semantics<subcore_parallel>], iteration_bounds = array<i64: 2, 16>, scalar_prefetch = 0 : i64, scratch_operands = 19 : i64, tpu.core_type = #tpu.core_type<sc_vector_subcore>, window_params = [{transform_indices = #map}, {transform_indices = #map}, {transform_indices = #map1}, {transform_indices = #map2}, {transform_indices = #map2}, {transform_indices = #map2}, {transform_indices = #map2}]} {
    %mul3A = arith.constant 2 : i32
    %mul3A_0 = arith.muli %arg1, %mul3A : i32
    %add3A = arith.addi %mul3A_0, %arg0 : i32
    %mul3A_1 = arith.constant 640 : i32
    %mul3A_2 = arith.muli %arg1, %mul3A_1 : i32
    %mul3A_3 = arith.constant 320 : i32
    %mul3A_4 = arith.muli %add3A, %mul3A_3 : i32
    %add3A_5 = arith.constant 320 : i32
    %add3A_6 = arith.addi %mul3A_4, %add3A_5 : i32
    %gt3A = arith.constant 10000 : i32
    %gt3A_7 = arith.cmpi sgt, %add3A_6, %gt3A : i32
    %not3A = arith.constant true
    %not3A_8 = arith.xori %gt3A_7, %not3A : i1
    %convert_element_type3A = arith.extui %not3A_8 : i1 to i32
    %cond3A = arith.constant 0 : i32
    %cond3A_9 = arith.cmpi ne, %convert_element_type3A, %cond3A : i32
    scf.if %cond3A_9 {
      %dma_start3A = arith.constant 0 : i32
      %dma_start3A_1834 = tpu.memref_slice %arg4[%mul3A_4, %dma_start3A] : memref<10000x128xf32, #tpu.memory_space<hbm>> -> memref<320x128xf32, #tpu.memory_space<hbm>>
      %dma_start3A_1835 = arith.constant 0 : i32
      %dma_start3A_1836 = tpu.memref_slice %arg4[%mul3A_4, %dma_start3A_1835] : memref<10000x128xf32, #tpu.memory_space<hbm>> -> memref<320x128xf32, #tpu.memory_space<hbm>>
      tpu.enqueue_dma source(%dma_start3A_1836 : memref<320x128xf32, #tpu.memory_space<hbm>>) target(%arg17 : memref<320x128xf32, #tpu.memory_space<vmem>>) target_semaphore(%arg26 : memref<!tpu.dma_semaphore, #tpu.memory_space<semaphore_mem>>)
      %dma_start3A_1837 = tpu.memref_slice %arg5[%mul3A_4] : memref<10000xf32, #tpu.memory_space<hbm>> -> memref<320xf32, #tpu.memory_space<hbm>>
      %dma_start3A_1838 = tpu.memref_slice %arg5[%mul3A_4] : memref<10000xf32, #tpu.memory_space<hbm>> -> memref<320xf32, #tpu.memory_space<hbm>>
      tpu.enqueue_dma source(%dma_start3A_1838 : memref<320xf32, #tpu.memory_space<hbm>>) target(%arg18 : memref<320xf32, #tpu.memory_space<vmem>>) target_semaphore(%arg26 : memref<!tpu.dma_semaphore, #tpu.memory_space<semaphore_mem>>)
    } else {
    }
    %convert_element_type3A_10 = arith.extui %gt3A_7 : i1 to i32
    %cond3A_11 = arith.constant 0 : i32
    %cond3A_12 = arith.cmpi ne, %convert_element_type3A_10, %cond3A_11 : i32
    scf.if %cond3A_12 {
      %dma_start3A = arith.constant 0 : i32
      %dma_start3A_1834 = arith.constant 0 : i32
      %dma_start3A_1835 = tpu.memref_slice %arg17[%dma_start3A, %dma_start3A_1834] : memref<320x128xf32, #tpu.memory_space<vmem>> -> memref<80x128xf32, #tpu.memory_space<vmem>>
      %dma_start3A_1836 = arith.constant 0 : i32
      %dma_start3A_1837 = tpu.memref_slice %arg4[%mul3A_4, %dma_start3A_1836] : memref<10000x128xf32, #tpu.memory_space<hbm>> -> memref<80x128xf32, #tpu.memory_space<hbm>>
      %dma_start3A_1838 = arith.constant 0 : i32
      %dma_start3A_1839 = arith.constant 0 : i32
      %dma_start3A_1840 = tpu.memref_slice %arg17[%dma_start3A_1838, %dma_start3A_1839] : memref<320x128xf32, #tpu.memory_space<vmem>> -> memref<80x128xf32, #tpu.memory_space<vmem>>
      %dma_start3A_1841 = arith.constant 0 : i32
      %dma_start3A_1842 = tpu.memref_slice %arg4[%mul3A_4, %dma_start3A_1841] : memref<10000x128xf32, #tpu.memory_space<hbm>> -> memref<80x128xf32, #tpu.memory_space<hbm>>
      tpu.enqueue_dma source(%dma_start3A_1842 : memref<80x128xf32, #tpu.memory_space<hbm>>) target(%dma_start3A_1840 : memref<80x128xf32, #tpu.memory_space<vmem>>) target_semaphore(%arg26 : memref<!tpu.dma_semaphore, #tpu.memory_space<semaphore_mem>>)
      %dma_start3A_1843 = arith.constant 0 : i32
      %dma_start3A_1844 = tpu.memref_slice %arg18[%dma_start3A_1843] : memref<320xf32, #tpu.memory_space<vmem>> -> memref<80xf32, #tpu.memory_space<vmem>>
      %dma_start3A_1845 = tpu.memref_slice %arg5[%mul3A_4] : memref<10000xf32, #tpu.memory_space<hbm>> -> memref<80xf32, #tpu.memory_space<hbm>>
      %dma_start3A_1846 = arith.constant 0 : i32
      %dma_start3A_1847 = tpu.memref_slice %arg18[%dma_start3A_1846] : memref<320xf32, #tpu.memory_space<vmem>> -> memref<80xf32, #tpu.memory_space<vmem>>
      %dma_start3A_1848 = tpu.memref_slice %arg5[%mul3A_4] : memref<10000xf32, #tpu.memory_space<hbm>> -> memref<80xf32, #tpu.memory_space<hbm>>
      tpu.enqueue_dma source(%dma_start3A_1848 : memref<80xf32, #tpu.memory_space<hbm>>) target(%dma_start3A_1847 : memref<80xf32, #tpu.memory_space<vmem>>) target_semaphore(%arg26 : memref<!tpu.dma_semaphore, #tpu.memory_space<semaphore_mem>>)
    } else {
    }
    %broadcast_in_dim3A = arith.constant 0.000000e+00 : f32
    %broadcast_in_dim3A_13 = vector.broadcast %broadcast_in_dim3A : f32 to vector<16xf32>
    %swap3A = arith.constant 0 : index
    %swap3A_14 = tpu.vector_load %arg16[%swap3A] {strides = array<i32>} : memref<640xf32, #tpu.memory_space<vmem>>, vector<16xf32>,
    tpu.vector_store %arg16[%swap3A], %broadcast_in_dim3A_13 {strides = array<i32>} : memref<640xf32, #tpu.memory_space<vmem>>, vector<16xf32>,
    %swap3A_15 = arith.constant 16 : index
    %swap3A_16 = tpu.vector_load %arg16[%swap3A_15] {strides = array<i32>} : memref<640xf32, #tpu.memory_space<vmem>>, vector<16xf32>,
    tpu.vector_store %arg16[%swap3A_15], %broadcast_in_dim3A_13 {strides = array<i32>} : memref<640xf32, #tpu.memory_space<vmem>>, vector<16xf32>,
    %swap3A_17 = arith.constant 32 : index
    %swap3A_18 = tpu.vector_load %arg16[%swap3A_17] {strides = array<i32>} : memref<640xf32, #tpu.memory_space<vmem>>, vector<16xf32>,
    tpu.vector_store %arg16[%swap3A_17], %broadcast_in_dim3A_13 {strides = array<i32>} : memref<640xf32, #tpu.memory_space<vmem>>, vector<16xf32>,
    %swap3A_19 = arith.constant 48 : index
    %swap3A_20 = tpu.vector_load %arg16[%swap3A_19] {strides = array<i32>} : memref<640xf32, #tpu.memory_space<vmem>>, vector<16xf32>,
    tpu.vector_store %arg16[%swap3A_19], %broadcast_in_dim3A_13 {strides = array<i32>} : memref<640xf32, #tpu.memory_space<vmem>>, vector<16xf32>,
    %swap3A_21 = arith.constant 64 : index
    %swap3A_22 = tpu.vector_load %arg16[%swap3A_21] {strides = array<i32>} : memref<640xf32, #tpu.memory_space<vmem>>, vector<16xf32>,
    tpu.vector_store %arg16[%swap3A_21], %broadcast_in_dim3A_13 {strides = array<i32>} : memref<640xf32, #tpu.memory_space<vmem>>, vector<16xf32>,
    %swap3A_23 = arith.constant 80 : index
    %swap3A_24 = tpu.vector_load %arg16[%swap3A_23] {strides = array<i32>} : memref<640xf32, #tpu.memory_space<vmem>>, vector<16xf32>,
    tpu.vector_store %arg16[%swap3A_23], %broadcast_in_dim3A_13 {strides = array<i32>} : memref<640xf32, #tpu.memory_space<vmem>>, vector<16xf32>,
    %swap3A_25 = arith.constant 96 : index
    %swap3A_26 = tpu.vector_load %arg16[%swap3A_25] {strides = array<i32>} : memref<640xf32, #tpu.memory_space<vmem>>, vector<16xf32>,
    tpu.vector_store %arg16[%swap3A_25], %broadcast_in_dim3A_13 {strides = array<i32>} : memref<640xf32, #tpu.memory_space<vmem>>, vector<16xf32>,
    %swap3A_27 = arith.constant 112 : index
    %swap3A_28 = tpu.vector_load %arg16[%swap3A_27] {strides = array<i32>} : memref<640xf32, #tpu.memory_space<vmem>>, vector<16xf32>,
    tpu.vector_store %arg16[%swap3A_27], %broadcast_in_dim3A_13 {strides = array<i32>} : memref<640xf32, #tpu.memory_space<vmem>>, vector<16xf32>,
    %swap3A_29 = arith.constant 128 : index
    %swap3A_30 = tpu.vector_load %arg16[%swap3A_29] {strides = array<i32>} : memref<640xf32, #tpu.memory_space<vmem>>, vector<16xf32>,
    tpu.vector_store %arg16[%swap3A_29], %broadcast_in_dim3A_13 {strides = array<i32>} : memref<640xf32, #tpu.memory_space<vmem>>, vector<16xf32>,
    %swap3A_31 = arith.constant 144 : index
    %swap3A_32 = tpu.vector_load %arg16[%swap3A_31] {strides = array<i32>} : memref<640xf32, #tpu.memory_space<vmem>>, vector<16xf32>,
    tpu.vector_store %arg16[%swap3A_31], %broadcast_in_dim3A_13 {strides = array<i32>} : memref<640xf32, #tpu.memory_space<vmem>>, vector<16xf32>,
    %swap3A_33 = arith.constant 160 : index
    %swap3A_34 = tpu.vector_load %arg16[%swap3A_33] {strides = array<i32>} : memref<640xf32, #tpu.memory_space<vmem>>, vector<16xf32>,
    tpu.vector_store %arg16[%swap3A_33], %broadcast_in_dim3A_13 {strides = array<i32>} : memref<640xf32, #tpu.memory_space<vmem>>, vector<16xf32>,
    %swap3A_35 = arith.constant 176 : index
    %swap3A_36 = tpu.vector_load %arg16[%swap3A_35] {strides = array<i32>} : memref<640xf32, #tpu.memory_space<vmem>>, vector<16xf32>,
    tpu.vector_store %arg16[%swap3A_35], %broadcast_in_dim3A_13 {strides = array<i32>} : memref<640xf32, #tpu.memory_space<vmem>>, vector<16xf32>,
    %swap3A_37 = arith.constant 192 : index
    %swap3A_38 = tpu.vector_load %arg16[%swap3A_37] {strides = array<i32>} : memref<640xf32, #tpu.memory_space<vmem>>, vector<16xf32>,
    tpu.vector_store %arg16[%swap3A_37], %broadcast_in_dim3A_13 {strides = array<i32>} : memref<640xf32, #tpu.memory_space<vmem>>, vector<16xf32>,
    %swap3A_39 = arith.constant 208 : index
    %swap3A_40 = tpu.vector_load %arg16[%swap3A_39] {strides = array<i32>} : memref<640xf32, #tpu.memory_space<vmem>>, vector<16xf32>,
    tpu.vector_store %arg16[%swap3A_39], %broadcast_in_dim3A_13 {strides = array<i32>} : memref<640xf32, #tpu.memory_space<vmem>>, vector<16xf32>,
    %swap3A_41 = arith.constant 224 : index
    %swap3A_42 = tpu.vector_load %arg16[%swap3A_41] {strides = array<i32>} : memref<640xf32, #tpu.memory_space<vmem>>, vector<16xf32>,
    tpu.vector_store %arg16[%swap3A_41], %broadcast_in_dim3A_13 {strides = array<i32>} : memref<640xf32, #tpu.memory_space<vmem>>, vector<16xf32>,
    %swap3A_43 = arith.constant 240 : index
    %swap3A_44 = tpu.vector_load %arg16[%swap3A_43] {strides = array<i32>} : memref<640xf32, #tpu.memory_space<vmem>>, vector<16xf32>,
    tpu.vector_store %arg16[%swap3A_43], %broadcast_in_dim3A_13 {strides = array<i32>} : memref<640xf32, #tpu.memory_space<vmem>>, vector<16xf32>,
    %swap3A_45 = arith.constant 256 : index
    %swap3A_46 = tpu.vector_load %arg16[%swap3A_45] {strides = array<i32>} : memref<640xf32, #tpu.memory_space<vmem>>, vector<16xf32>,
    tpu.vector_store %arg16[%swap3A_45], %broadcast_in_dim3A_13 {strides = array<i32>} : memref<640xf32, #tpu.memory_space<vmem>>, vector<16xf32>,
    %swap3A_47 = arith.constant 272 : index
    %swap3A_48 = tpu.vector_load %arg16[%swap3A_47] {strides = array<i32>} : memref<640xf32, #tpu.memory_space<vmem>>, vector<16xf32>,
    tpu.vector_store %arg16[%swap3A_47], %broadcast_in_dim3A_13 {strides = array<i32>} : memref<640xf32, #tpu.memory_space<vmem>>, vector<16xf32>,
    %swap3A_49 = arith.constant 288 : index
    %swap3A_50 = tpu.vector_load %arg16[%swap3A_49] {strides = array<i32>} : memref<640xf32, #tpu.memory_space<vmem>>, vector<16xf32>,
    tpu.vector_store %arg16[%swap3A_49], %broadcast_in_dim3A_13 {strides = array<i32>} : memref<640xf32, #tpu.memory_space<vmem>>, vector<16xf32>,
    %swap3A_51 = arith.constant 304 : index
    %swap3A_52 = tpu.vector_load %arg16[%swap3A_51] {strides = array<i32>} : memref<640xf32, #tpu.memory_space<vmem>>, vector<16xf32>,
    tpu.vector_store %arg16[%swap3A_51], %broadcast_in_dim3A_13 {strides = array<i32>} : memref<640xf32, #tpu.memory_space<vmem>>, vector<16xf32>,
    %swap3A_53 = arith.constant 320 : index
    %swap3A_54 = tpu.vector_load %arg16[%swap3A_53] {strides = array<i32>} : memref<640xf32, #tpu.memory_space<vmem>>, vector<16xf32>,
    tpu.vector_store %arg16[%swap3A_53], %broadcast_in_dim3A_13 {strides = array<i32>} : memref<640xf32, #tpu.memory_space<vmem>>, vector<16xf32>,
    %swap3A_55 = arith.constant 336 : index
    %swap3A_56 = tpu.vector_load %arg16[%swap3A_55] {strides = array<i32>} : memref<640xf32, #tpu.memory_space<vmem>>, vector<16xf32>,
    tpu.vector_store %arg16[%swap3A_55], %broadcast_in_dim3A_13 {strides = array<i32>} : memref<640xf32, #tpu.memory_space<vmem>>, vector<16xf32>,
    %swap3A_57 = arith.constant 352 : index
    %swap3A_58 = tpu.vector_load %arg16[%swap3A_57] {strides = array<i32>} : memref<640xf32, #tpu.memory_space<vmem>>, vector<16xf32>,
    tpu.vector_store %arg16[%swap3A_57], %broadcast_in_dim3A_13 {strides = array<i32>} : memref<640xf32, #tpu.memory_space<vmem>>, vector<16xf32>,
    %swap3A_59 = arith.constant 368 : index
    %swap3A_60 = tpu.vector_load %arg16[%swap3A_59] {strides = array<i32>} : memref<640xf32, #tpu.memory_space<vmem>>, vector<16xf32>,
    tpu.vector_store %arg16[%swap3A_59], %broadcast_in_dim3A_13 {strides = array<i32>} : memref<640xf32, #tpu.memory_space<vmem>>, vector<16xf32>,
    %swap3A_61 = arith.constant 384 : index
    %swap3A_62 = tpu.vector_load %arg16[%swap3A_61] {strides = array<i32>} : memref<640xf32, #tpu.memory_space<vmem>>, vector<16xf32>,
    tpu.vector_store %arg16[%swap3A_61], %broadcast_in_dim3A_13 {strides = array<i32>} : memref<640xf32, #tpu.memory_space<vmem>>, vector<16xf32>,
    %swap3A_63 = arith.constant 400 : index
    %swap3A_64 = tpu.vector_load %arg16[%swap3A_63] {strides = array<i32>} : memref<640xf32, #tpu.memory_space<vmem>>, vector<16xf32>,
    tpu.vector_store %arg16[%swap3A_63], %broadcast_in_dim3A_13 {strides = array<i32>} : memref<640xf32, #tpu.memory_space<vmem>>, vector<16xf32>,
    %swap3A_65 = arith.constant 416 : index
    %swap3A_66 = tpu.vector_load %arg16[%swap3A_65] {strides = array<i32>} : memref<640xf32, #tpu.memory_space<vmem>>, vector<16xf32>,
    tpu.vector_store %arg16[%swap3A_65], %broadcast_in_dim3A_13 {strides = array<i32>} : memref<640xf32, #tpu.memory_space<vmem>>, vector<16xf32>,
    %swap3A_67 = arith.constant 432 : index
    %swap3A_68 = tpu.vector_load %arg16[%swap3A_67] {strides = array<i32>} : memref<640xf32, #tpu.memory_space<vmem>>, vector<16xf32>,
    tpu.vector_store %arg16[%swap3A_67], %broadcast_in_dim3A_13 {strides = array<i32>} : memref<640xf32, #tpu.memory_space<vmem>>, vector<16xf32>,
    %swap3A_69 = arith.constant 448 : index
    %swap3A_70 = tpu.vector_load %arg16[%swap3A_69] {strides = array<i32>} : memref<640xf32, #tpu.memory_space<vmem>>, vector<16xf32>,
    tpu.vector_store %arg16[%swap3A_69], %broadcast_in_dim3A_13 {strides = array<i32>} : memref<640xf32, #tpu.memory_space<vmem>>, vector<16xf32>,
    %swap3A_71 = arith.constant 464 : index
    %swap3A_72 = tpu.vector_load %arg16[%swap3A_71] {strides = array<i32>} : memref<640xf32, #tpu.memory_space<vmem>>, vector<16xf32>,
    tpu.vector_store %arg16[%swap3A_71], %broadcast_in_dim3A_13 {strides = array<i32>} : memref<640xf32, #tpu.memory_space<vmem>>, vector<16xf32>,
    %swap3A_73 = arith.constant 480 : index
    %swap3A_74 = tpu.vector_load %arg16[%swap3A_73] {strides = array<i32>} : memref<640xf32, #tpu.memory_space<vmem>>, vector<16xf32>,
    tpu.vector_store %arg16[%swap3A_73], %broadcast_in_dim3A_13 {strides = array<i32>} : memref<640xf32, #tpu.memory_space<vmem>>, vector<16xf32>,
    %swap3A_75 = arith.constant 496 : index
    %swap3A_76 = tpu.vector_load %arg16[%swap3A_75] {strides = array<i32>} : memref<640xf32, #tpu.memory_space<vmem>>, vector<16xf32>,
    tpu.vector_store %arg16[%swap3A_75], %broadcast_in_dim3A_13 {strides = array<i32>} : memref<640xf32, #tpu.memory_space<vmem>>, vector<16xf32>,
    %swap3A_77 = arith.constant 512 : index
    %swap3A_78 = tpu.vector_load %arg16[%swap3A_77] {strides = array<i32>} : memref<640xf32, #tpu.memory_space<vmem>>, vector<16xf32>,
    tpu.vector_store %arg16[%swap3A_77], %broadcast_in_dim3A_13 {strides = array<i32>} : memref<640xf32, #tpu.memory_space<vmem>>, vector<16xf32>,
    %swap3A_79 = arith.constant 528 : index
    %swap3A_80 = tpu.vector_load %arg16[%swap3A_79] {strides = array<i32>} : memref<640xf32, #tpu.memory_space<vmem>>, vector<16xf32>,
    tpu.vector_store %arg16[%swap3A_79], %broadcast_in_dim3A_13 {strides = array<i32>} : memref<640xf32, #tpu.memory_space<vmem>>, vector<16xf32>,
    %swap3A_81 = arith.constant 544 : index
    %swap3A_82 = tpu.vector_load %arg16[%swap3A_81] {strides = array<i32>} : memref<640xf32, #tpu.memory_space<vmem>>, vector<16xf32>,
    tpu.vector_store %arg16[%swap3A_81], %broadcast_in_dim3A_13 {strides = array<i32>} : memref<640xf32, #tpu.memory_space<vmem>>, vector<16xf32>,
    %swap3A_83 = arith.constant 560 : index
    %swap3A_84 = tpu.vector_load %arg16[%swap3A_83] {strides = array<i32>} : memref<640xf32, #tpu.memory_space<vmem>>, vector<16xf32>,
    tpu.vector_store %arg16[%swap3A_83], %broadcast_in_dim3A_13 {strides = array<i32>} : memref<640xf32, #tpu.memory_space<vmem>>, vector<16xf32>,
    %swap3A_85 = arith.constant 576 : index
    %swap3A_86 = tpu.vector_load %arg16[%swap3A_85] {strides = array<i32>} : memref<640xf32, #tpu.memory_space<vmem>>, vector<16xf32>,
    tpu.vector_store %arg16[%swap3A_85], %broadcast_in_dim3A_13 {strides = array<i32>} : memref<640xf32, #tpu.memory_space<vmem>>, vector<16xf32>,
    %swap3A_87 = arith.constant 592 : index
    %swap3A_88 = tpu.vector_load %arg16[%swap3A_87] {strides = array<i32>} : memref<640xf32, #tpu.memory_space<vmem>>, vector<16xf32>,
    tpu.vector_store %arg16[%swap3A_87], %broadcast_in_dim3A_13 {strides = array<i32>} : memref<640xf32, #tpu.memory_space<vmem>>, vector<16xf32>,
    %swap3A_89 = arith.constant 608 : index
    %swap3A_90 = tpu.vector_load %arg16[%swap3A_89] {strides = array<i32>} : memref<640xf32, #tpu.memory_space<vmem>>, vector<16xf32>,
    tpu.vector_store %arg16[%swap3A_89], %broadcast_in_dim3A_13 {strides = array<i32>} : memref<640xf32, #tpu.memory_space<vmem>>, vector<16xf32>,
    %swap3A_91 = arith.constant 624 : index
    %swap3A_92 = tpu.vector_load %arg16[%swap3A_91] {strides = array<i32>} : memref<640xf32, #tpu.memory_space<vmem>>, vector<16xf32>,
    tpu.vector_store %arg16[%swap3A_91], %broadcast_in_dim3A_13 {strides = array<i32>} : memref<640xf32, #tpu.memory_space<vmem>>, vector<16xf32>,
    "tpu.region"() ({
      %run_scoped3A = tpu.sem_alloc : memref<!tpu.dma_semaphore, #tpu.memory_space<semaphore_mem>>
      %dma_start3A = tpu.memref_slice %arg23[%mul3A_2] : memref<10240xf32, #tpu.memory_space<vmem_shared>> -> memref<640xf32, #tpu.memory_space<vmem_shared>>
      %dma_start3A_1834 = tpu.memref_slice %arg23[%mul3A_2] : memref<10240xf32, #tpu.memory_space<vmem_shared>> -> memref<640xf32, #tpu.memory_space<vmem_shared>>
      tpu.enqueue_dma source(%arg16 : memref<640xf32, #tpu.memory_space<vmem>>) target(%dma_start3A_1834 : memref<640xf32, #tpu.memory_space<vmem_shared>>) target_semaphore(%run_scoped3A : memref<!tpu.dma_semaphore, #tpu.memory_space<semaphore_mem>>)
      %dma_wait3A = tpu.memref_slice %arg23[%mul3A_2] : memref<10240xf32, #tpu.memory_space<vmem_shared>> -> memref<640xf32, #tpu.memory_space<vmem_shared>>
      %dma_wait3A_1835 = tpu.memref_slice %arg23[%mul3A_2] : memref<10240xf32, #tpu.memory_space<vmem_shared>> -> memref<640xf32, #tpu.memory_space<vmem_shared>>
      tpu.wait_dma2 semaphore(%run_scoped3A : memref<!tpu.dma_semaphore, #tpu.memory_space<semaphore_mem>>) src(%arg16 : memref<640xf32, #tpu.memory_space<vmem>>) dst(%dma_wait3A_1835 : memref<640xf32, #tpu.memory_space<vmem_shared>>)
      tpu.yield
    }) : () -> ()
    %iota3A = tpu.iota {dimensions = array<i32: 0>} : vector<16xi32>
    %add3A_93 = arith.constant 0 : i32
    %add3A_94 = vector.broadcast %add3A_93 : i32 to vector<16xi32>
    %add3A_95 = arith.addi %iota3A, %add3A_94 : vector<16xi32>
    %swap3A_96 = arith.constant 0 : index
    %swap3A_97 = tpu.vector_load %arg21[%swap3A_96] {strides = array<i32>} : memref<128xi32, #tpu.memory_space<vmem>>, vector<16xi32>,
    tpu.vector_store %arg21[%swap3A_96], %add3A_95 {strides = array<i32>} : memref<128xi32, #tpu.memory_space<vmem>>, vector<16xi32>,
    %iota3A_98 = tpu.iota {dimensions = array<i32: 0>} : vector<16xi32>
    %add3A_99 = arith.constant 16 : i32
    %add3A_100 = vector.broadcast %add3A_99 : i32 to vector<16xi32>
    %add3A_101 = arith.addi %iota3A_98, %add3A_100 : vector<16xi32>
    %swap3A_102 = arith.constant 16 : index
    %swap3A_103 = tpu.vector_load %arg21[%swap3A_102] {strides = array<i32>} : memref<128xi32, #tpu.memory_space<vmem>>, vector<16xi32>,
    tpu.vector_store %arg21[%swap3A_102], %add3A_101 {strides = array<i32>} : memref<128xi32, #tpu.memory_space<vmem>>, vector<16xi32>,
    %iota3A_104 = tpu.iota {dimensions = array<i32: 0>} : vector<16xi32>
    %add3A_105 = arith.constant 32 : i32
    %add3A_106 = vector.broadcast %add3A_105 : i32 to vector<16xi32>
    %add3A_107 = arith.addi %iota3A_104, %add3A_106 : vector<16xi32>
    %swap3A_108 = arith.constant 32 : index
    %swap3A_109 = tpu.vector_load %arg21[%swap3A_108] {strides = array<i32>} : memref<128xi32, #tpu.memory_space<vmem>>, vector<16xi32>,
    tpu.vector_store %arg21[%swap3A_108], %add3A_107 {strides = array<i32>} : memref<128xi32, #tpu.memory_space<vmem>>, vector<16xi32>,
    %iota3A_110 = tpu.iota {dimensions = array<i32: 0>} : vector<16xi32>
    %add3A_111 = arith.constant 48 : i32
    %add3A_112 = vector.broadcast %add3A_111 : i32 to vector<16xi32>
    %add3A_113 = arith.addi %iota3A_110, %add3A_112 : vector<16xi32>
    %swap3A_114 = arith.constant 48 : index
    %swap3A_115 = tpu.vector_load %arg21[%swap3A_114] {strides = array<i32>} : memref<128xi32, #tpu.memory_space<vmem>>, vector<16xi32>,
    tpu.vector_store %arg21[%swap3A_114], %add3A_113 {strides = array<i32>} : memref<128xi32, #tpu.memory_space<vmem>>, vector<16xi32>,
    %iota3A_116 = tpu.iota {dimensions = array<i32: 0>} : vector<16xi32>
    %add3A_117 = arith.constant 64 : i32
    %add3A_118 = vector.broadcast %add3A_117 : i32 to vector<16xi32>
    %add3A_119 = arith.addi %iota3A_116, %add3A_118 : vector<16xi32>
    %swap3A_120 = arith.constant 64 : index
    %swap3A_121 = tpu.vector_load %arg21[%swap3A_120] {strides = array<i32>} : memref<128xi32, #tpu.memory_space<vmem>>, vector<16xi32>,
    tpu.vector_store %arg21[%swap3A_120], %add3A_119 {strides = array<i32>} : memref<128xi32, #tpu.memory_space<vmem>>, vector<16xi32>,
    %iota3A_122 = tpu.iota {dimensions = array<i32: 0>} : vector<16xi32>
    %add3A_123 = arith.constant 80 : i32
    %add3A_124 = vector.broadcast %add3A_123 : i32 to vector<16xi32>
    %add3A_125 = arith.addi %iota3A_122, %add3A_124 : vector<16xi32>
    %swap3A_126 = arith.constant 80 : index
    %swap3A_127 = tpu.vector_load %arg21[%swap3A_126] {strides = array<i32>} : memref<128xi32, #tpu.memory_space<vmem>>, vector<16xi32>,
    tpu.vector_store %arg21[%swap3A_126], %add3A_125 {strides = array<i32>} : memref<128xi32, #tpu.memory_space<vmem>>, vector<16xi32>,
    %iota3A_128 = tpu.iota {dimensions = array<i32: 0>} : vector<16xi32>
    %add3A_129 = arith.constant 96 : i32
    %add3A_130 = vector.broadcast %add3A_129 : i32 to vector<16xi32>
    %add3A_131 = arith.addi %iota3A_128, %add3A_130 : vector<16xi32>
    %swap3A_132 = arith.constant 96 : index
    %swap3A_133 = tpu.vector_load %arg21[%swap3A_132] {strides = array<i32>} : memref<128xi32, #tpu.memory_space<vmem>>, vector<16xi32>,
    tpu.vector_store %arg21[%swap3A_132], %add3A_131 {strides = array<i32>} : memref<128xi32, #tpu.memory_space<vmem>>, vector<16xi32>,
    %iota3A_134 = tpu.iota {dimensions = array<i32: 0>} : vector<16xi32>
    %add3A_135 = arith.constant 112 : i32
    %add3A_136 = vector.broadcast %add3A_135 : i32 to vector<16xi32>
    %add3A_137 = arith.addi %iota3A_134, %add3A_136 : vector<16xi32>
    %swap3A_138 = arith.constant 112 : index
    %swap3A_139 = tpu.vector_load %arg21[%swap3A_138] {strides = array<i32>} : memref<128xi32, #tpu.memory_space<vmem>>, vector<16xi32>,
    tpu.vector_store %arg21[%swap3A_138], %add3A_137 {strides = array<i32>} : memref<128xi32, #tpu.memory_space<vmem>>, vector<16xi32>,
    %eq3A = arith.constant 0 : i32
    %eq3A_140 = arith.cmpi eq, %arg1, %eq3A : i32
    %convert_element_type3A_141 = arith.extui %eq3A_140 : i1 to i32
    %cond3A_142 = arith.constant 0 : i32
    %cond3A_143 = arith.cmpi ne, %convert_element_type3A_141, %cond3A_142 : i32
    scf.if %cond3A_143 {
      "tpu.region"() ({
        %run_scoped3A = tpu.sem_alloc : memref<!tpu.dma_semaphore, #tpu.memory_space<semaphore_mem>>
        %dma_start3A = arith.constant 0 : i32
        %dma_start3A_1834 = tpu.memref_slice %arg16[%dma_start3A] : memref<640xf32, #tpu.memory_space<vmem>> -> memref<128xf32, #tpu.memory_space<vmem>>
        %dma_start3A_1835 = arith.constant 0 : i32
        %dma_start3A_1836 = tpu.memref_slice %arg16[%dma_start3A_1835] : memref<640xf32, #tpu.memory_space<vmem>> -> memref<128xf32, #tpu.memory_space<vmem>>
        tpu.enqueue_dma source(%dma_start3A_1836 : memref<128xf32, #tpu.memory_space<vmem>>) target(%arg24 : memref<128xf32, #tpu.memory_space<vmem_shared>>) target_semaphore(%run_scoped3A : memref<!tpu.dma_semaphore, #tpu.memory_space<semaphore_mem>>)
        %dma_wait3A = arith.constant 0 : i32
        %dma_wait3A_1837 = tpu.memref_slice %arg16[%dma_wait3A] : memref<640xf32, #tpu.memory_space<vmem>> -> memref<128xf32, #tpu.memory_space<vmem>>
        %dma_wait3A_1838 = arith.constant 0 : i32
        %dma_wait3A_1839 = tpu.memref_slice %arg16[%dma_wait3A_1838] : memref<640xf32, #tpu.memory_space<vmem>> -> memref<128xf32, #tpu.memory_space<vmem>>
        tpu.wait_dma2 semaphore(%run_scoped3A : memref<!tpu.dma_semaphore, #tpu.memory_space<semaphore_mem>>) src(%dma_wait3A_1839 : memref<128xf32, #tpu.memory_space<vmem>>) dst(%arg24 : memref<128xf32, #tpu.memory_space<vmem_shared>>)
        tpu.yield
      }) : () -> ()
    } else {
    }
    "tpu.region"() ({
      %run_scoped3A = tpu.sem_alloc : memref<!tpu.dma_semaphore, #tpu.memory_space<semaphore_mem>>
      %dma_start3A = arith.constant 0 : i32
      %dma_start3A_1834 = arith.constant 0 : i32
      %dma_start3A_1835 = tpu.memref_slice %arg2[%add3A, %dma_start3A, %dma_start3A_1834] : memref<32x125x80xi32, #tpu.memory_space<hbm>> -> memref<1x125x80xi32, #tpu.memory_space<hbm>>
      %dma_start3A_1836 = tpu.memref_squeeze %dma_start3A_1835 : memref<1x125x80xi32, #tpu.memory_space<hbm>> -> memref<125x80xi32, #tpu.memory_space<hbm>>
      %dma_start3A_1837 = arith.constant 0 : i32
      %dma_start3A_1838 = arith.constant 0 : i32
      %dma_start3A_1839 = tpu.memref_slice %arg2[%add3A, %dma_start3A_1837, %dma_start3A_1838] : memref<32x125x80xi32, #tpu.memory_space<hbm>> -> memref<1x125x80xi32, #tpu.memory_space<hbm>>
      %dma_start3A_1840 = tpu.memref_squeeze %dma_start3A_1839 : memref<1x125x80xi32, #tpu.memory_space<hbm>> -> memref<125x80xi32, #tpu.memory_space<hbm>>
      tpu.enqueue_dma source(%dma_start3A_1840 : memref<125x80xi32, #tpu.memory_space<hbm>>) target(%arg9 : memref<125x80xi32, #tpu.memory_space<vmem>>) target_semaphore(%run_scoped3A : memref<!tpu.dma_semaphore, #tpu.memory_space<semaphore_mem>>)
      %dma_wait3A = arith.constant 0 : i32
      %dma_wait3A_1841 = arith.constant 0 : i32
      %dma_wait3A_1842 = tpu.memref_slice %arg2[%add3A, %dma_wait3A, %dma_wait3A_1841] : memref<32x125x80xi32, #tpu.memory_space<hbm>> -> memref<1x125x80xi32, #tpu.memory_space<hbm>>
      %dma_wait3A_1843 = tpu.memref_squeeze %dma_wait3A_1842 : memref<1x125x80xi32, #tpu.memory_space<hbm>> -> memref<125x80xi32, #tpu.memory_space<hbm>>
      %dma_wait3A_1844 = arith.constant 0 : i32
      %dma_wait3A_1845 = arith.constant 0 : i32
      %dma_wait3A_1846 = tpu.memref_slice %arg2[%add3A, %dma_wait3A_1844, %dma_wait3A_1845] : memref<32x125x80xi32, #tpu.memory_space<hbm>> -> memref<1x125x80xi32, #tpu.memory_space<hbm>>
      %dma_wait3A_1847 = tpu.memref_squeeze %dma_wait3A_1846 : memref<1x125x80xi32, #tpu.memory_space<hbm>> -> memref<125x80xi32, #tpu.memory_space<hbm>>
      tpu.wait_dma2 semaphore(%run_scoped3A : memref<!tpu.dma_semaphore, #tpu.memory_space<semaphore_mem>>) src(%dma_wait3A_1847 : memref<125x80xi32, #tpu.memory_space<hbm>>) dst(%arg9 : memref<125x80xi32, #tpu.memory_space<vmem>>)
      tpu.yield
    }) : () -> ()
    "tpu.region"() ({
      %run_scoped3A = tpu.sem_alloc : memref<!tpu.dma_semaphore, #tpu.memory_space<semaphore_mem>>
      %dma_start3A = arith.constant 0 : i32
      %dma_start3A_1834 = arith.constant 0 : i32
      %dma_start3A_1835 = tpu.memref_slice %arg3[%add3A, %dma_start3A, %dma_start3A_1834] : memref<32x125x80xi32, #tpu.memory_space<hbm>> -> memref<1x125x80xi32, #tpu.memory_space<hbm>>
      %dma_start3A_1836 = tpu.memref_squeeze %dma_start3A_1835 : memref<1x125x80xi32, #tpu.memory_space<hbm>> -> memref<125x80xi32, #tpu.memory_space<hbm>>
      %dma_start3A_1837 = arith.constant 0 : i32
      %dma_start3A_1838 = arith.constant 0 : i32
      %dma_start3A_1839 = tpu.memref_slice %arg3[%add3A, %dma_start3A_1837, %dma_start3A_1838] : memref<32x125x80xi32, #tpu.memory_space<hbm>> -> memref<1x125x80xi32, #tpu.memory_space<hbm>>
      %dma_start3A_1840 = tpu.memref_squeeze %dma_start3A_1839 : memref<1x125x80xi32, #tpu.memory_space<hbm>> -> memref<125x80xi32, #tpu.memory_space<hbm>>
      tpu.enqueue_dma source(%dma_start3A_1840 : memref<125x80xi32, #tpu.memory_space<hbm>>) target(%arg10 : memref<125x80xi32, #tpu.memory_space<vmem>>) target_semaphore(%run_scoped3A : memref<!tpu.dma_semaphore, #tpu.memory_space<semaphore_mem>>)
      %dma_wait3A = arith.constant 0 : i32
      %dma_wait3A_1841 = arith.constant 0 : i32
      %dma_wait3A_1842 = tpu.memref_slice %arg3[%add3A, %dma_wait3A, %dma_wait3A_1841] : memref<32x125x80xi32, #tpu.memory_space<hbm>> -> memref<1x125x80xi32, #tpu.memory_space<hbm>>
      %dma_wait3A_1843 = tpu.memref_squeeze %dma_wait3A_1842 : memref<1x125x80xi32, #tpu.memory_space<hbm>> -> memref<125x80xi32, #tpu.memory_space<hbm>>
      %dma_wait3A_1844 = arith.constant 0 : i32
      %dma_wait3A_1845 = arith.constant 0 : i32
      %dma_wait3A_1846 = tpu.memref_slice %arg3[%add3A, %dma_wait3A_1844, %dma_wait3A_1845] : memref<32x125x80xi32, #tpu.memory_space<hbm>> -> memref<1x125x80xi32, #tpu.memory_space<hbm>>
      %dma_wait3A_1847 = tpu.memref_squeeze %dma_wait3A_1846 : memref<1x125x80xi32, #tpu.memory_space<hbm>> -> memref<125x80xi32, #tpu.memory_space<hbm>>
      tpu.wait_dma2 semaphore(%run_scoped3A : memref<!tpu.dma_semaphore, #tpu.memory_space<semaphore_mem>>) src(%dma_wait3A_1847 : memref<125x80xi32, #tpu.memory_space<hbm>>) dst(%arg10 : memref<125x80xi32, #tpu.memory_space<vmem>>)
      tpu.yield
    }) : () -> ()
    %broadcast_in_dim3A_144 = arith.constant 1.000000e+00 : f32
    %broadcast_in_dim3A_145 = vector.broadcast %broadcast_in_dim3A_144 : f32 to vector<16xf32>
    %swap3A_146 = arith.constant 0 : i32
    %swap3A_147 = arith.constant 0 : i32
    %swap3A_148 = tpu.memref_slice %arg12[%swap3A_146, %swap3A_147] : memref<125x80xf32, #tpu.memory_space<vmem>> -> memref<1x80xf32, #tpu.memory_space<vmem>>
    %swap3A_149 = tpu.memref_squeeze %swap3A_148 : memref<1x80xf32, #tpu.memory_space<vmem>> -> memref<80xf32, #tpu.memory_space<vmem>>
    %swap3A_150 = arith.constant 0 : index
    %swap3A_151 = tpu.vector_load %swap3A_149[%swap3A_150] {strides = array<i32>} : memref<80xf32, #tpu.memory_space<vmem>>, vector<16xf32>,
    tpu.vector_store %swap3A_149[%swap3A_150], %broadcast_in_dim3A_145 {strides = array<i32>} : memref<80xf32, #tpu.memory_space<vmem>>, vector<16xf32>,
    %swap3A_152 = arith.constant 0 : i32
    %swap3A_153 = arith.constant 0 : i32
    %swap3A_154 = tpu.memref_slice %arg12[%swap3A_152, %swap3A_153] : memref<125x80xf32, #tpu.memory_space<vmem>> -> memref<1x80xf32, #tpu.memory_space<vmem>>
    %swap3A_155 = tpu.memref_squeeze %swap3A_154 : memref<1x80xf32, #tpu.memory_space<vmem>> -> memref<80xf32, #tpu.memory_space<vmem>>
    %swap3A_156 = arith.constant 16 : index
    %swap3A_157 = tpu.vector_load %swap3A_155[%swap3A_156] {strides = array<i32>} : memref<80xf32, #tpu.memory_space<vmem>>, vector<16xf32>,
    tpu.vector_store %swap3A_155[%swap3A_156], %broadcast_in_dim3A_145 {strides = array<i32>} : memref<80xf32, #tpu.memory_space<vmem>>, vector<16xf32>,
    %swap3A_158 = arith.constant 0 : i32
    %swap3A_159 = arith.constant 0 : i32
    %swap3A_160 = tpu.memref_slice %arg12[%swap3A_158, %swap3A_159] : memref<125x80xf32, #tpu.memory_space<vmem>> -> memref<1x80xf32, #tpu.memory_space<vmem>>
    %swap3A_161 = tpu.memref_squeeze %swap3A_160 : memref<1x80xf32, #tpu.memory_space<vmem>> -> memref<80xf32, #tpu.memory_space<vmem>>
    %swap3A_162 = arith.constant 32 : index
    %swap3A_163 = tpu.vector_load %swap3A_161[%swap3A_162] {strides = array<i32>} : memref<80xf32, #tpu.memory_space<vmem>>, vector<16xf32>,
    tpu.vector_store %swap3A_161[%swap3A_162], %broadcast_in_dim3A_145 {strides = array<i32>} : memref<80xf32, #tpu.memory_space<vmem>>, vector<16xf32>,
    %swap3A_164 = arith.constant 0 : i32
    %swap3A_165 = arith.constant 0 : i32
    %swap3A_166 = tpu.memref_slice %arg12[%swap3A_164, %swap3A_165] : memref<125x80xf32, #tpu.memory_space<vmem>> -> memref<1x80xf32, #tpu.memory_space<vmem>>
    %swap3A_167 = tpu.memref_squeeze %swap3A_166 : memref<1x80xf32, #tpu.memory_space<vmem>> -> memref<80xf32, #tpu.memory_space<vmem>>
    %swap3A_168 = arith.constant 48 : index
    %swap3A_169 = tpu.vector_load %swap3A_167[%swap3A_168] {strides = array<i32>} : memref<80xf32, #tpu.memory_space<vmem>>, vector<16xf32>,
    tpu.vector_store %swap3A_167[%swap3A_168], %broadcast_in_dim3A_145 {strides = array<i32>} : memref<80xf32, #tpu.memory_space<vmem>>, vector<16xf32>,
    %swap3A_170 = arith.constant 0 : i32
    %swap3A_171 = arith.constant 0 : i32
    %swap3A_172 = tpu.memref_slice %arg12[%swap3A_170, %swap3A_171] : memref<125x80xf32, #tpu.memory_space<vmem>> -> memref<1x80xf32, #tpu.memory_space<vmem>>
    %swap3A_173 = tpu.memref_squeeze %swap3A_172 : memref<1x80xf32, #tpu.memory_space<vmem>> -> memref<80xf32, #tpu.memory_space<vmem>>
    %swap3A_174 = arith.constant 64 : index
    %swap3A_175 = tpu.vector_load %swap3A_173[%swap3A_174] {strides = array<i32>} : memref<80xf32, #tpu.memory_space<vmem>>, vector<16xf32>,
    tpu.vector_store %swap3A_173[%swap3A_174], %broadcast_in_dim3A_145 {strides = array<i32>} : memref<80xf32, #tpu.memory_space<vmem>>, vector<16xf32>,
    %barrier3A = arith.constant 0 : index
    tpu.barrier barrier_id(%barrier3A)
    %scan3A = arith.constant 0 : i32
    %scan3A_176 = arith.constant 0 : i32
    %scan3A_177 = arith.constant 125 : i32
    %scan3A_178 = arith.addi %scan3A_176, %scan3A_177 : i32
    %scan3A_179 = arith.constant 1 : i32
    scf.for %scan3A_1834 = %scan3A_176 to %scan3A_178 step %scan3A_179  : i32 {
      %dma_start3A = arith.constant 0 : i32
      %dma_start3A_1835 = arith.constant 0 : i32
      %dma_start3A_1836 = tpu.memref_slice %arg12[%dma_start3A, %dma_start3A_1835] : memref<125x80xf32, #tpu.memory_space<vmem>> -> memref<1x80xf32, #tpu.memory_space<vmem>>
      %dma_start3A_1837 = tpu.memref_squeeze %dma_start3A_1836 : memref<1x80xf32, #tpu.memory_space<vmem>> -> memref<80xf32, #tpu.memory_space<vmem>>
      %dma_start3A_1838 = arith.constant 0 : i32
      %dma_start3A_1839 = tpu.memref_slice %arg9[%scan3A_1834, %dma_start3A_1838] : memref<125x80xi32, #tpu.memory_space<vmem>> -> memref<1x80xi32, #tpu.memory_space<vmem>>
      %dma_start3A_1840 = tpu.memref_squeeze %dma_start3A_1839 : memref<1x80xi32, #tpu.memory_space<vmem>> -> memref<80xi32, #tpu.memory_space<vmem>>
      %dma_start3A_1841 = arith.constant 0 : i32
      %dma_start3A_1842 = tpu.memref_slice %arg23[%dma_start3A_1841] : memref<10240xf32, #tpu.memory_space<vmem_shared>> -> memref<10240xf32, #tpu.memory_space<vmem_shared>>
      tpu.enqueue_indirect_dma source(%dma_start3A_1837 : memref<80xf32, #tpu.memory_space<vmem>>) target(%dma_start3A_1842 : memref<10240xf32, #tpu.memory_space<vmem_shared>>) offsets(%dma_start3A_1840 : memref<80xi32, #tpu.memory_space<vmem>>) semaphore(%arg25 : memref<!tpu.dma_semaphore, #tpu.memory_space<semaphore_mem>>) {add = true}
    }
    %scan3A_180 = arith.constant 125 : i32
    %scan3A_181 = arith.constant 0 : i32
    %scan3A_182 = arith.constant 0 : i32
    %scan3A_183 = arith.constant 125 : i32
    %scan3A_184 = arith.addi %scan3A_182, %scan3A_183 : i32
    %scan3A_185 = arith.constant 1 : i32
    scf.for %scan3A_1834 = %scan3A_182 to %scan3A_184 step %scan3A_185  : i32 {
      %dma_wait3A = arith.constant 0 : i32
      %dma_wait3A_1835 = arith.constant 0 : i32
      %dma_wait3A_1836 = tpu.memref_slice %arg12[%dma_wait3A, %dma_wait3A_1835] : memref<125x80xf32, #tpu.memory_space<vmem>> -> memref<1x80xf32, #tpu.memory_space<vmem>>
      %dma_wait3A_1837 = tpu.memref_squeeze %dma_wait3A_1836 : memref<1x80xf32, #tpu.memory_space<vmem>> -> memref<80xf32, #tpu.memory_space<vmem>>
      %dma_wait3A_1838 = arith.constant 0 : i32
      %dma_wait3A_1839 = tpu.memref_slice %arg9[%scan3A_1834, %dma_wait3A_1838] : memref<125x80xi32, #tpu.memory_space<vmem>> -> memref<1x80xi32, #tpu.memory_space<vmem>>
      %dma_wait3A_1840 = tpu.memref_squeeze %dma_wait3A_1839 : memref<1x80xi32, #tpu.memory_space<vmem>> -> memref<80xi32, #tpu.memory_space<vmem>>
      %dma_wait3A_1841 = arith.constant 0 : i32
      %dma_wait3A_1842 = tpu.memref_slice %arg23[%dma_wait3A_1841] : memref<10240xf32, #tpu.memory_space<vmem_shared>> -> memref<10240xf32, #tpu.memory_space<vmem_shared>>
      tpu.wait_indirect_dma semaphore(%arg25 : memref<!tpu.dma_semaphore, #tpu.memory_space<semaphore_mem>>) src(%dma_wait3A_1837 : memref<80xf32, #tpu.memory_space<vmem>>) dst(%dma_wait3A_1842 : memref<10240xf32, #tpu.memory_space<vmem_shared>>)
    }
    %scan3A_186 = arith.constant 125 : i32
    %barrier3A_187 = arith.constant 0 : index
    tpu.barrier barrier_id(%barrier3A_187)
    %mul3A_188 = arith.constant 10240 : i32
    %mul3A_189 = arith.muli %arg0, %mul3A_188 : i32
    %mul3A_190 = arith.constant 640 : i32
    %mul3A_191 = arith.muli %arg1, %mul3A_190 : i32
    %add3A_192 = arith.addi %mul3A_189, %mul3A_191 : i32
    "tpu.region"() ({
      %run_scoped3A = tpu.sem_alloc : memref<!tpu.dma_semaphore, #tpu.memory_space<semaphore_mem>>
      %dma_start3A = tpu.memref_slice %arg7[%add3A_192] : memref<61440xf32, #tpu.memory_space<hbm>> -> memref<640xf32, #tpu.memory_space<hbm>>
      %dma_start3A_1834 = tpu.memref_slice %arg23[%mul3A_2] : memref<10240xf32, #tpu.memory_space<vmem_shared>> -> memref<640xf32, #tpu.memory_space<vmem_shared>>
      tpu.enqueue_dma source(%dma_start3A_1834 : memref<640xf32, #tpu.memory_space<vmem_shared>>) target(%dma_start3A : memref<640xf32, #tpu.memory_space<hbm>>) target_semaphore(%run_scoped3A : memref<!tpu.dma_semaphore, #tpu.memory_space<semaphore_mem>>)
      %dma_wait3A = tpu.memref_slice %arg7[%add3A_192] : memref<61440xf32, #tpu.memory_space<hbm>> -> memref<640xf32, #tpu.memory_space<hbm>>
      %dma_wait3A_1835 = tpu.memref_slice %arg23[%mul3A_2] : memref<10240xf32, #tpu.memory_space<vmem_shared>> -> memref<640xf32, #tpu.memory_space<vmem_shared>>
      tpu.wait_dma2 semaphore(%run_scoped3A : memref<!tpu.dma_semaphore, #tpu.memory_space<semaphore_mem>>) src(%dma_wait3A_1835 : memref<640xf32, #tpu.memory_space<vmem_shared>>) dst(%dma_wait3A : memref<640xf32, #tpu.memory_space<hbm>>)
      tpu.yield
    }) : () -> ()
    %barrier3A_193 = arith.constant 0 : index
    tpu.barrier barrier_id(%barrier3A_193)
    %eq3A_194 = arith.constant 0 : i32
    %eq3A_195 = arith.cmpi eq, %arg1, %eq3A_194 : i32
    %convert_element_type3A_196 = arith.extui %eq3A_195 : i1 to i32
    %cond3A_197 = arith.constant 0 : i32
    %cond3A_198 = arith.cmpi ne, %convert_element_type3A_196, %cond3A_197 : i32
    scf.if %cond3A_198 {
      %sub3A_1834 = arith.constant 1 : i32
      %sub3A_1835 = arith.subi %sub3A_1834, %arg0 : i32
      %semaphore_signal3A = arith.constant 1 : i32
      tpu.sem_signal %arg27, %semaphore_signal3A core_id %sub3A_1835 : memref<!tpu.semaphore, #tpu.memory_space<semaphore_mem>>
      %semaphore_wait3A = arith.constant 1 : i32
      %semaphore_wait3A_1836 = arith.constant true
      tpu.sem_wait %arg27, %semaphore_wait3A : memref<!tpu.semaphore, #tpu.memory_space<semaphore_mem>>
    } else {
    }
    %barrier3A_199 = arith.constant 0 : index
    tpu.barrier barrier_id(%barrier3A_199)
    %sub3A = arith.constant 1 : i32
    %sub3A_200 = arith.subi %sub3A, %arg0 : i32
    %add3A_201 = arith.constant 0 : i32
    %add3A_202 = arith.addi %add3A_201, %sub3A_200 : i32
    %mul3A_203 = arith.constant 10240 : i32
    %mul3A_204 = arith.muli %add3A_202, %mul3A_203 : i32
    %mul3A_205 = arith.constant 640 : i32
    %mul3A_206 = arith.muli %arg1, %mul3A_205 : i32
    %add3A_207 = arith.addi %mul3A_204, %mul3A_206 : i32
    "tpu.region"() ({
      %run_scoped3A = tpu.sem_alloc : memref<!tpu.dma_semaphore, #tpu.memory_space<semaphore_mem>>
      %dma_start3A = tpu.memref_slice %arg7[%add3A_207] : memref<61440xf32, #tpu.memory_space<hbm>> -> memref<640xf32, #tpu.memory_space<hbm>>
      %dma_start3A_1834 = tpu.memref_slice %arg7[%add3A_207] : memref<61440xf32, #tpu.memory_space<hbm>> -> memref<640xf32, #tpu.memory_space<hbm>>
      tpu.enqueue_dma source(%dma_start3A_1834 : memref<640xf32, #tpu.memory_space<hbm>>) target(%arg13 : memref<640xf32, #tpu.memory_space<vmem>>) target_semaphore(%run_scoped3A : memref<!tpu.dma_semaphore, #tpu.memory_space<semaphore_mem>>)
      %dma_wait3A = tpu.memref_slice %arg7[%add3A_207] : memref<61440xf32, #tpu.memory_space<hbm>> -> memref<640xf32, #tpu.memory_space<hbm>>
      %dma_wait3A_1835 = tpu.memref_slice %arg7[%add3A_207] : memref<61440xf32, #tpu.memory_space<hbm>> -> memref<640xf32, #tpu.memory_space<hbm>>
      tpu.wait_dma2 semaphore(%run_scoped3A : memref<!tpu.dma_semaphore, #tpu.memory_space<semaphore_mem>>) src(%dma_wait3A_1835 : memref<640xf32, #tpu.memory_space<hbm>>) dst(%arg13 : memref<640xf32, #tpu.memory_space<vmem>>)
      tpu.yield
    }) : () -> ()
    "tpu.region"() ({
      %run_scoped3A = tpu.sem_alloc : memref<!tpu.dma_semaphore, #tpu.memory_space<semaphore_mem>>
      %dma_start3A = tpu.memref_slice %arg23[%mul3A_2] : memref<10240xf32, #tpu.memory_space<vmem_shared>> -> memref<640xf32, #tpu.memory_space<vmem_shared>>
      %dma_start3A_1834 = tpu.memref_slice %arg23[%mul3A_2] : memref<10240xf32, #tpu.memory_space<vmem_shared>> -> memref<640xf32, #tpu.memory_space<vmem_shared>>
      tpu.enqueue_dma source(%dma_start3A_1834 : memref<640xf32, #tpu.memory_space<vmem_shared>>) target(%arg14 : memref<640xf32, #tpu.memory_space<vmem>>) target_semaphore(%run_scoped3A : memref<!tpu.dma_semaphore, #tpu.memory_space<semaphore_mem>>)
      %dma_wait3A = tpu.memref_slice %arg23[%mul3A_2] : memref<10240xf32, #tpu.memory_space<vmem_shared>> -> memref<640xf32, #tpu.memory_space<vmem_shared>>
      %dma_wait3A_1835 = tpu.memref_slice %arg23[%mul3A_2] : memref<10240xf32, #tpu.memory_space<vmem_shared>> -> memref<640xf32, #tpu.memory_space<vmem_shared>>
      tpu.wait_dma2 semaphore(%run_scoped3A : memref<!tpu.dma_semaphore, #tpu.memory_space<semaphore_mem>>) src(%dma_wait3A_1835 : memref<640xf32, #tpu.memory_space<vmem_shared>>) dst(%arg14 : memref<640xf32, #tpu.memory_space<vmem>>)
      tpu.yield
    }) : () -> ()
    %get3A = arith.constant 0 : index
    %get3A_208 = tpu.vector_load %arg14[%get3A] {strides = array<i32>} : memref<640xf32, #tpu.memory_space<vmem>>, vector<16xf32>,
    %add3A_209 = arith.constant 1.100000e+00 : f32
    %add3A_210 = vector.broadcast %add3A_209 : f32 to vector<16xf32>
    %add3A_211 = arith.addf %add3A_210, %get3A_208 : vector<16xf32>
    %get3A_212 = arith.constant 0 : index
    %get3A_213 = tpu.vector_load %arg13[%get3A_212] {strides = array<i32>} : memref<640xf32, #tpu.memory_space<vmem>>, vector<16xf32>,
    %add3A_214 = arith.addf %add3A_211, %get3A_213 : vector<16xf32>
    %swap3A_215 = arith.constant 0 : index
    %swap3A_216 = tpu.vector_load %arg15[%swap3A_215] {strides = array<i32>} : memref<640xf32, #tpu.memory_space<vmem>>, vector<16xf32>,
    tpu.vector_store %arg15[%swap3A_215], %add3A_214 {strides = array<i32>} : memref<640xf32, #tpu.memory_space<vmem>>, vector<16xf32>,
    %get3A_217 = arith.constant 16 : index
    %get3A_218 = tpu.vector_load %arg14[%get3A_217] {strides = array<i32>} : memref<640xf32, #tpu.memory_space<vmem>>, vector<16xf32>,
    %add3A_219 = arith.constant 1.100000e+00 : f32
    %add3A_220 = vector.broadcast %add3A_219 : f32 to vector<16xf32>
    %add3A_221 = arith.addf %add3A_220, %get3A_218 : vector<16xf32>
    %get3A_222 = arith.constant 16 : index
    %get3A_223 = tpu.vector_load %arg13[%get3A_222] {strides = array<i32>} : memref<640xf32, #tpu.memory_space<vmem>>, vector<16xf32>,
    %add3A_224 = arith.addf %add3A_221, %get3A_223 : vector<16xf32>
    %swap3A_225 = arith.constant 16 : index
    %swap3A_226 = tpu.vector_load %arg15[%swap3A_225] {strides = array<i32>} : memref<640xf32, #tpu.memory_space<vmem>>, vector<16xf32>,
    tpu.vector_store %arg15[%swap3A_225], %add3A_224 {strides = array<i32>} : memref<640xf32, #tpu.memory_space<vmem>>, vector<16xf32>,
    %get3A_227 = arith.constant 32 : index
    %get3A_228 = tpu.vector_load %arg14[%get3A_227] {strides = array<i32>} : memref<640xf32, #tpu.memory_space<vmem>>, vector<16xf32>,
    %add3A_229 = arith.constant 1.100000e+00 : f32
    %add3A_230 = vector.broadcast %add3A_229 : f32 to vector<16xf32>
    %add3A_231 = arith.addf %add3A_230, %get3A_228 : vector<16xf32>
    %get3A_232 = arith.constant 32 : index
    %get3A_233 = tpu.vector_load %arg13[%get3A_232] {strides = array<i32>} : memref<640xf32, #tpu.memory_space<vmem>>, vector<16xf32>,
    %add3A_234 = arith.addf %add3A_231, %get3A_233 : vector<16xf32>
    %swap3A_235 = arith.constant 32 : index
    %swap3A_236 = tpu.vector_load %arg15[%swap3A_235] {strides = array<i32>} : memref<640xf32, #tpu.memory_space<vmem>>, vector<16xf32>,
    tpu.vector_store %arg15[%swap3A_235], %add3A_234 {strides = array<i32>} : memref<640xf32, #tpu.memory_space<vmem>>, vector<16xf32>,
    %get3A_237 = arith.constant 48 : index
    %get3A_238 = tpu.vector_load %arg14[%get3A_237] {strides = array<i32>} : memref<640xf32, #tpu.memory_space<vmem>>, vector<16xf32>,
    %add3A_239 = arith.constant 1.100000e+00 : f32
    %add3A_240 = vector.broadcast %add3A_239 : f32 to vector<16xf32>
    %add3A_241 = arith.addf %add3A_240, %get3A_238 : vector<16xf32>
    %get3A_242 = arith.constant 48 : index
    %get3A_243 = tpu.vector_load %arg13[%get3A_242] {strides = array<i32>} : memref<640xf32, #tpu.memory_space<vmem>>, vector<16xf32>,
    %add3A_244 = arith.addf %add3A_241, %get3A_243 : vector<16xf32>
    %swap3A_245 = arith.constant 48 : index
    %swap3A_246 = tpu.vector_load %arg15[%swap3A_245] {strides = array<i32>} : memref<640xf32, #tpu.memory_space<vmem>>, vector<16xf32>,
    tpu.vector_store %arg15[%swap3A_245], %add3A_244 {strides = array<i32>} : memref<640xf32, #tpu.memory_space<vmem>>, vector<16xf32>,
    %get3A_247 = arith.constant 64 : index
    %get3A_248 = tpu.vector_load %arg14[%get3A_247] {strides = array<i32>} : memref<640xf32, #tpu.memory_space<vmem>>, vector<16xf32>,
    %add3A_249 = arith.constant 1.100000e+00 : f32
    %add3A_250 = vector.broadcast %add3A_249 : f32 to vector<16xf32>
    %add3A_251 = arith.addf %add3A_250, %get3A_248 : vector<16xf32>
    %get3A_252 = arith.constant 64 : index
    %get3A_253 = tpu.vector_load %arg13[%get3A_252] {strides = array<i32>} : memref<640xf32, #tpu.memory_space<vmem>>, vector<16xf32>,
    %add3A_254 = arith.addf %add3A_251, %get3A_253 : vector<16xf32>
    %swap3A_255 = arith.constant 64 : index
    %swap3A_256 = tpu.vector_load %arg15[%swap3A_255] {strides = array<i32>} : memref<640xf32, #tpu.memory_space<vmem>>, vector<16xf32>,
    tpu.vector_store %arg15[%swap3A_255], %add3A_254 {strides = array<i32>} : memref<640xf32, #tpu.memory_space<vmem>>, vector<16xf32>,
    %get3A_257 = arith.constant 80 : index
    %get3A_258 = tpu.vector_load %arg14[%get3A_257] {strides = array<i32>} : memref<640xf32, #tpu.memory_space<vmem>>, vector<16xf32>,
    %add3A_259 = arith.constant 1.100000e+00 : f32
    %add3A_260 = vector.broadcast %add3A_259 : f32 to vector<16xf32>
    %add3A_261 = arith.addf %add3A_260, %get3A_258 : vector<16xf32>
    %get3A_262 = arith.constant 80 : index
    %get3A_263 = tpu.vector_load %arg13[%get3A_262] {strides = array<i32>} : memref<640xf32, #tpu.memory_space<vmem>>, vector<16xf32>,
    %add3A_264 = arith.addf %add3A_261, %get3A_263 : vector<16xf32>
    %swap3A_265 = arith.constant 80 : index
    %swap3A_266 = tpu.vector_load %arg15[%swap3A_265] {strides = array<i32>} : memref<640xf32, #tpu.memory_space<vmem>>, vector<16xf32>,
    tpu.vector_store %arg15[%swap3A_265], %add3A_264 {strides = array<i32>} : memref<640xf32, #tpu.memory_space<vmem>>, vector<16xf32>,
    %get3A_267 = arith.constant 96 : index
    %get3A_268 = tpu.vector_load %arg14[%get3A_267] {strides = array<i32>} : memref<640xf32, #tpu.memory_space<vmem>>, vector<16xf32>,
    %add3A_269 = arith.constant 1.100000e+00 : f32
    %add3A_270 = vector.broadcast %add3A_269 : f32 to vector<16xf32>
    %add3A_271 = arith.addf %add3A_270, %get3A_268 : vector<16xf32>
    %get3A_272 = arith.constant 96 : index
    %get3A_273 = tpu.vector_load %arg13[%get3A_272] {strides = array<i32>} : memref<640xf32, #tpu.memory_space<vmem>>, vector<16xf32>,
    %add3A_274 = arith.addf %add3A_271, %get3A_273 : vector<16xf32>
    %swap3A_275 = arith.constant 96 : index
    %swap3A_276 = tpu.vector_load %arg15[%swap3A_275] {strides = array<i32>} : memref<640xf32, #tpu.memory_space<vmem>>, vector<16xf32>,
    tpu.vector_store %arg15[%swap3A_275], %add3A_274 {strides = array<i32>} : memref<640xf32, #tpu.memory_space<vmem>>, vector<16xf32>,
    %get3A_277 = arith.constant 112 : index
    %get3A_278 = tpu.vector_load %arg14[%get3A_277] {strides = array<i32>} : memref<640xf32, #tpu.memory_space<vmem>>, vector<16xf32>,
    %add3A_279 = arith.constant 1.100000e+00 : f32
    %add3A_280 = vector.broadcast %add3A_279 : f32 to vector<16xf32>
    %add3A_281 = arith.addf %add3A_280, %get3A_278 : vector<16xf32>
    %get3A_282 = arith.constant 112 : index
    %get3A_283 = tpu.vector_load %arg13[%get3A_282] {strides = array<i32>} : memref<640xf32, #tpu.memory_space<vmem>>, vector<16xf32>,
    %add3A_284 = arith.addf %add3A_281, %get3A_283 : vector<16xf32>
    %swap3A_285 = arith.constant 112 : index
    %swap3A_286 = tpu.vector_load %arg15[%swap3A_285] {strides = array<i32>} : memref<640xf32, #tpu.memory_space<vmem>>, vector<16xf32>,
    tpu.vector_store %arg15[%swap3A_285], %add3A_284 {strides = array<i32>} : memref<640xf32, #tpu.memory_space<vmem>>, vector<16xf32>,
    %get3A_287 = arith.constant 128 : index
    %get3A_288 = tpu.vector_load %arg14[%get3A_287] {strides = array<i32>} : memref<640xf32, #tpu.memory_space<vmem>>, vector<16xf32>,
    %add3A_289 = arith.constant 1.100000e+00 : f32
    %add3A_290 = vector.broadcast %add3A_289 : f32 to vector<16xf32>
    %add3A_291 = arith.addf %add3A_290, %get3A_288 : vector<16xf32>
    %get3A_292 = arith.constant 128 : index
    %get3A_293 = tpu.vector_load %arg13[%get3A_292] {strides = array<i32>} : memref<640xf32, #tpu.memory_space<vmem>>, vector<16xf32>,
    %add3A_294 = arith.addf %add3A_291, %get3A_293 : vector<16xf32>
    %swap3A_295 = arith.constant 128 : index
    %swap3A_296 = tpu.vector_load %arg15[%swap3A_295] {strides = array<i32>} : memref<640xf32, #tpu.memory_space<vmem>>, vector<16xf32>,
    tpu.vector_store %arg15[%swap3A_295], %add3A_294 {strides = array<i32>} : memref<640xf32, #tpu.memory_space<vmem>>, vector<16xf32>,
    %get3A_297 = arith.constant 144 : index
    %get3A_298 = tpu.vector_load %arg14[%get3A_297] {strides = array<i32>} : memref<640xf32, #tpu.memory_space<vmem>>, vector<16xf32>,
    %add3A_299 = arith.constant 1.100000e+00 : f32
    %add3A_300 = vector.broadcast %add3A_299 : f32 to vector<16xf32>
    %add3A_301 = arith.addf %add3A_300, %get3A_298 : vector<16xf32>
    %get3A_302 = arith.constant 144 : index
    %get3A_303 = tpu.vector_load %arg13[%get3A_302] {strides = array<i32>} : memref<640xf32, #tpu.memory_space<vmem>>, vector<16xf32>,
    %add3A_304 = arith.addf %add3A_301, %get3A_303 : vector<16xf32>
    %swap3A_305 = arith.constant 144 : index
    %swap3A_306 = tpu.vector_load %arg15[%swap3A_305] {strides = array<i32>} : memref<640xf32, #tpu.memory_space<vmem>>, vector<16xf32>,
    tpu.vector_store %arg15[%swap3A_305], %add3A_304 {strides = array<i32>} : memref<640xf32, #tpu.memory_space<vmem>>, vector<16xf32>,
    %get3A_307 = arith.constant 160 : index
    %get3A_308 = tpu.vector_load %arg14[%get3A_307] {strides = array<i32>} : memref<640xf32, #tpu.memory_space<vmem>>, vector<16xf32>,
    %add3A_309 = arith.constant 1.100000e+00 : f32
    %add3A_310 = vector.broadcast %add3A_309 : f32 to vector<16xf32>
    %add3A_311 = arith.addf %add3A_310, %get3A_308 : vector<16xf32>
    %get3A_312 = arith.constant 160 : index
    %get3A_313 = tpu.vector_load %arg13[%get3A_312] {strides = array<i32>} : memref<640xf32, #tpu.memory_space<vmem>>, vector<16xf32>,
    %add3A_314 = arith.addf %add3A_311, %get3A_313 : vector<16xf32>
    %swap3A_315 = arith.constant 160 : index
    %swap3A_316 = tpu.vector_load %arg15[%swap3A_315] {strides = array<i32>} : memref<640xf32, #tpu.memory_space<vmem>>, vector<16xf32>,
    tpu.vector_store %arg15[%swap3A_315], %add3A_314 {strides = array<i32>} : memref<640xf32, #tpu.memory_space<vmem>>, vector<16xf32>,
    %get3A_317 = arith.constant 176 : index
    %get3A_318 = tpu.vector_load %arg14[%get3A_317] {strides = array<i32>} : memref<640xf32, #tpu.memory_space<vmem>>, vector<16xf32>,
    %add3A_319 = arith.constant 1.100000e+00 : f32
    %add3A_320 = vector.broadcast %add3A_319 : f32 to vector<16xf32>
    %add3A_321 = arith.addf %add3A_320, %get3A_318 : vector<16xf32>
    %get3A_322 = arith.constant 176 : index
    %get3A_323 = tpu.vector_load %arg13[%get3A_322] {strides = array<i32>} : memref<640xf32, #tpu.memory_space<vmem>>, vector<16xf32>,
    %add3A_324 = arith.addf %add3A_321, %get3A_323 : vector<16xf32>
    %swap3A_325 = arith.constant 176 : index
    %swap3A_326 = tpu.vector_load %arg15[%swap3A_325] {strides = array<i32>} : memref<640xf32, #tpu.memory_space<vmem>>, vector<16xf32>,
    tpu.vector_store %arg15[%swap3A_325], %add3A_324 {strides = array<i32>} : memref<640xf32, #tpu.memory_space<vmem>>, vector<16xf32>,
    %get3A_327 = arith.constant 192 : index
    %get3A_328 = tpu.vector_load %arg14[%get3A_327] {strides = array<i32>} : memref<640xf32, #tpu.memory_space<vmem>>, vector<16xf32>,
    %add3A_329 = arith.constant 1.100000e+00 : f32
    %add3A_330 = vector.broadcast %add3A_329 : f32 to vector<16xf32>
    %add3A_331 = arith.addf %add3A_330, %get3A_328 : vector<16xf32>
    %get3A_332 = arith.constant 192 : index
    %get3A_333 = tpu.vector_load %arg13[%get3A_332] {strides = array<i32>} : memref<640xf32, #tpu.memory_space<vmem>>, vector<16xf32>,
    %add3A_334 = arith.addf %add3A_331, %get3A_333 : vector<16xf32>
    %swap3A_335 = arith.constant 192 : index
    %swap3A_336 = tpu.vector_load %arg15[%swap3A_335] {strides = array<i32>} : memref<640xf32, #tpu.memory_space<vmem>>, vector<16xf32>,
    tpu.vector_store %arg15[%swap3A_335], %add3A_334 {strides = array<i32>} : memref<640xf32, #tpu.memory_space<vmem>>, vector<16xf32>,
    %get3A_337 = arith.constant 208 : index
    %get3A_338 = tpu.vector_load %arg14[%get3A_337] {strides = array<i32>} : memref<640xf32, #tpu.memory_space<vmem>>, vector<16xf32>,
    %add3A_339 = arith.constant 1.100000e+00 : f32
    %add3A_340 = vector.broadcast %add3A_339 : f32 to vector<16xf32>
    %add3A_341 = arith.addf %add3A_340, %get3A_338 : vector<16xf32>
    %get3A_342 = arith.constant 208 : index
    %get3A_343 = tpu.vector_load %arg13[%get3A_342] {strides = array<i32>} : memref<640xf32, #tpu.memory_space<vmem>>, vector<16xf32>,
    %add3A_344 = arith.addf %add3A_341, %get3A_343 : vector<16xf32>
    %swap3A_345 = arith.constant 208 : index
    %swap3A_346 = tpu.vector_load %arg15[%swap3A_345] {strides = array<i32>} : memref<640xf32, #tpu.memory_space<vmem>>, vector<16xf32>,
    tpu.vector_store %arg15[%swap3A_345], %add3A_344 {strides = array<i32>} : memref<640xf32, #tpu.memory_space<vmem>>, vector<16xf32>,
    %get3A_347 = arith.constant 224 : index
    %get3A_348 = tpu.vector_load %arg14[%get3A_347] {strides = array<i32>} : memref<640xf32, #tpu.memory_space<vmem>>, vector<16xf32>,
    %add3A_349 = arith.constant 1.100000e+00 : f32
    %add3A_350 = vector.broadcast %add3A_349 : f32 to vector<16xf32>
    %add3A_351 = arith.addf %add3A_350, %get3A_348 : vector<16xf32>
    %get3A_352 = arith.constant 224 : index
    %get3A_353 = tpu.vector_load %arg13[%get3A_352] {strides = array<i32>} : memref<640xf32, #tpu.memory_space<vmem>>, vector<16xf32>,
    %add3A_354 = arith.addf %add3A_351, %get3A_353 : vector<16xf32>
    %swap3A_355 = arith.constant 224 : index
    %swap3A_356 = tpu.vector_load %arg15[%swap3A_355] {strides = array<i32>} : memref<640xf32, #tpu.memory_space<vmem>>, vector<16xf32>,
    tpu.vector_store %arg15[%swap3A_355], %add3A_354 {strides = array<i32>} : memref<640xf32, #tpu.memory_space<vmem>>, vector<16xf32>,
    %get3A_357 = arith.constant 240 : index
    %get3A_358 = tpu.vector_load %arg14[%get3A_357] {strides = array<i32>} : memref<640xf32, #tpu.memory_space<vmem>>, vector<16xf32>,
    %add3A_359 = arith.constant 1.100000e+00 : f32
    %add3A_360 = vector.broadcast %add3A_359 : f32 to vector<16xf32>
    %add3A_361 = arith.addf %add3A_360, %get3A_358 : vector<16xf32>
    %get3A_362 = arith.constant 240 : index
    %get3A_363 = tpu.vector_load %arg13[%get3A_362] {strides = array<i32>} : memref<640xf32, #tpu.memory_space<vmem>>, vector<16xf32>,
    %add3A_364 = arith.addf %add3A_361, %get3A_363 : vector<16xf32>
    %swap3A_365 = arith.constant 240 : index
    %swap3A_366 = tpu.vector_load %arg15[%swap3A_365] {strides = array<i32>} : memref<640xf32, #tpu.memory_space<vmem>>, vector<16xf32>,
    tpu.vector_store %arg15[%swap3A_365], %add3A_364 {strides = array<i32>} : memref<640xf32, #tpu.memory_space<vmem>>, vector<16xf32>,
    %get3A_367 = arith.constant 256 : index
    %get3A_368 = tpu.vector_load %arg14[%get3A_367] {strides = array<i32>} : memref<640xf32, #tpu.memory_space<vmem>>, vector<16xf32>,
    %add3A_369 = arith.constant 1.100000e+00 : f32
    %add3A_370 = vector.broadcast %add3A_369 : f32 to vector<16xf32>
    %add3A_371 = arith.addf %add3A_370, %get3A_368 : vector<16xf32>
    %get3A_372 = arith.constant 256 : index
    %get3A_373 = tpu.vector_load %arg13[%get3A_372] {strides = array<i32>} : memref<640xf32, #tpu.memory_space<vmem>>, vector<16xf32>,
    %add3A_374 = arith.addf %add3A_371, %get3A_373 : vector<16xf32>
    %swap3A_375 = arith.constant 256 : index
    %swap3A_376 = tpu.vector_load %arg15[%swap3A_375] {strides = array<i32>} : memref<640xf32, #tpu.memory_space<vmem>>, vector<16xf32>,
    tpu.vector_store %arg15[%swap3A_375], %add3A_374 {strides = array<i32>} : memref<640xf32, #tpu.memory_space<vmem>>, vector<16xf32>,
    %get3A_377 = arith.constant 272 : index
    %get3A_378 = tpu.vector_load %arg14[%get3A_377] {strides = array<i32>} : memref<640xf32, #tpu.memory_space<vmem>>, vector<16xf32>,
    %add3A_379 = arith.constant 1.100000e+00 : f32
    %add3A_380 = vector.broadcast %add3A_379 : f32 to vector<16xf32>
    %add3A_381 = arith.addf %add3A_380, %get3A_378 : vector<16xf32>
    %get3A_382 = arith.constant 272 : index
    %get3A_383 = tpu.vector_load %arg13[%get3A_382] {strides = array<i32>} : memref<640xf32, #tpu.memory_space<vmem>>, vector<16xf32>,
    %add3A_384 = arith.addf %add3A_381, %get3A_383 : vector<16xf32>
    %swap3A_385 = arith.constant 272 : index
    %swap3A_386 = tpu.vector_load %arg15[%swap3A_385] {strides = array<i32>} : memref<640xf32, #tpu.memory_space<vmem>>, vector<16xf32>,
    tpu.vector_store %arg15[%swap3A_385], %add3A_384 {strides = array<i32>} : memref<640xf32, #tpu.memory_space<vmem>>, vector<16xf32>,
    %get3A_387 = arith.constant 288 : index
    %get3A_388 = tpu.vector_load %arg14[%get3A_387] {strides = array<i32>} : memref<640xf32, #tpu.memory_space<vmem>>, vector<16xf32>,
    %add3A_389 = arith.constant 1.100000e+00 : f32
    %add3A_390 = vector.broadcast %add3A_389 : f32 to vector<16xf32>
    %add3A_391 = arith.addf %add3A_390, %get3A_388 : vector<16xf32>
    %get3A_392 = arith.constant 288 : index
    %get3A_393 = tpu.vector_load %arg13[%get3A_392] {strides = array<i32>} : memref<640xf32, #tpu.memory_space<vmem>>, vector<16xf32>,
    %add3A_394 = arith.addf %add3A_391, %get3A_393 : vector<16xf32>
    %swap3A_395 = arith.constant 288 : index
    %swap3A_396 = tpu.vector_load %arg15[%swap3A_395] {strides = array<i32>} : memref<640xf32, #tpu.memory_space<vmem>>, vector<16xf32>,
    tpu.vector_store %arg15[%swap3A_395], %add3A_394 {strides = array<i32>} : memref<640xf32, #tpu.memory_space<vmem>>, vector<16xf32>,
    %get3A_397 = arith.constant 304 : index
    %get3A_398 = tpu.vector_load %arg14[%get3A_397] {strides = array<i32>} : memref<640xf32, #tpu.memory_space<vmem>>, vector<16xf32>,
    %add3A_399 = arith.constant 1.100000e+00 : f32
    %add3A_400 = vector.broadcast %add3A_399 : f32 to vector<16xf32>
    %add3A_401 = arith.addf %add3A_400, %get3A_398 : vector<16xf32>
    %get3A_402 = arith.constant 304 : index
    %get3A_403 = tpu.vector_load %arg13[%get3A_402] {strides = array<i32>} : memref<640xf32, #tpu.memory_space<vmem>>, vector<16xf32>,
    %add3A_404 = arith.addf %add3A_401, %get3A_403 : vector<16xf32>
    %swap3A_405 = arith.constant 304 : index
    %swap3A_406 = tpu.vector_load %arg15[%swap3A_405] {strides = array<i32>} : memref<640xf32, #tpu.memory_space<vmem>>, vector<16xf32>,
    tpu.vector_store %arg15[%swap3A_405], %add3A_404 {strides = array<i32>} : memref<640xf32, #tpu.memory_space<vmem>>, vector<16xf32>,
    %get3A_407 = arith.constant 320 : index
    %get3A_408 = tpu.vector_load %arg14[%get3A_407] {strides = array<i32>} : memref<640xf32, #tpu.memory_space<vmem>>, vector<16xf32>,
    %add3A_409 = arith.constant 1.100000e+00 : f32
    %add3A_410 = vector.broadcast %add3A_409 : f32 to vector<16xf32>
    %add3A_411 = arith.addf %add3A_410, %get3A_408 : vector<16xf32>
    %get3A_412 = arith.constant 320 : index
    %get3A_413 = tpu.vector_load %arg13[%get3A_412] {strides = array<i32>} : memref<640xf32, #tpu.memory_space<vmem>>, vector<16xf32>,
    %add3A_414 = arith.addf %add3A_411, %get3A_413 : vector<16xf32>
    %swap3A_415 = arith.constant 320 : index
    %swap3A_416 = tpu.vector_load %arg15[%swap3A_415] {strides = array<i32>} : memref<640xf32, #tpu.memory_space<vmem>>, vector<16xf32>,
    tpu.vector_store %arg15[%swap3A_415], %add3A_414 {strides = array<i32>} : memref<640xf32, #tpu.memory_space<vmem>>, vector<16xf32>,
    %get3A_417 = arith.constant 336 : index
    %get3A_418 = tpu.vector_load %arg14[%get3A_417] {strides = array<i32>} : memref<640xf32, #tpu.memory_space<vmem>>, vector<16xf32>,
    %add3A_419 = arith.constant 1.100000e+00 : f32
    %add3A_420 = vector.broadcast %add3A_419 : f32 to vector<16xf32>
    %add3A_421 = arith.addf %add3A_420, %get3A_418 : vector<16xf32>
    %get3A_422 = arith.constant 336 : index
    %get3A_423 = tpu.vector_load %arg13[%get3A_422] {strides = array<i32>} : memref<640xf32, #tpu.memory_space<vmem>>, vector<16xf32>,
    %add3A_424 = arith.addf %add3A_421, %get3A_423 : vector<16xf32>
    %swap3A_425 = arith.constant 336 : index
    %swap3A_426 = tpu.vector_load %arg15[%swap3A_425] {strides = array<i32>} : memref<640xf32, #tpu.memory_space<vmem>>, vector<16xf32>,
    tpu.vector_store %arg15[%swap3A_425], %add3A_424 {strides = array<i32>} : memref<640xf32, #tpu.memory_space<vmem>>, vector<16xf32>,
    %get3A_427 = arith.constant 352 : index
    %get3A_428 = tpu.vector_load %arg14[%get3A_427] {strides = array<i32>} : memref<640xf32, #tpu.memory_space<vmem>>, vector<16xf32>,
    %add3A_429 = arith.constant 1.100000e+00 : f32
    %add3A_430 = vector.broadcast %add3A_429 : f32 to vector<16xf32>
    %add3A_431 = arith.addf %add3A_430, %get3A_428 : vector<16xf32>
    %get3A_432 = arith.constant 352 : index
    %get3A_433 = tpu.vector_load %arg13[%get3A_432] {strides = array<i32>} : memref<640xf32, #tpu.memory_space<vmem>>, vector<16xf32>,
    %add3A_434 = arith.addf %add3A_431, %get3A_433 : vector<16xf32>
    %swap3A_435 = arith.constant 352 : index
    %swap3A_436 = tpu.vector_load %arg15[%swap3A_435] {strides = array<i32>} : memref<640xf32, #tpu.memory_space<vmem>>, vector<16xf32>,
    tpu.vector_store %arg15[%swap3A_435], %add3A_434 {strides = array<i32>} : memref<640xf32, #tpu.memory_space<vmem>>, vector<16xf32>,
    %get3A_437 = arith.constant 368 : index
    %get3A_438 = tpu.vector_load %arg14[%get3A_437] {strides = array<i32>} : memref<640xf32, #tpu.memory_space<vmem>>, vector<16xf32>,
    %add3A_439 = arith.constant 1.100000e+00 : f32
    %add3A_440 = vector.broadcast %add3A_439 : f32 to vector<16xf32>
    %add3A_441 = arith.addf %add3A_440, %get3A_438 : vector<16xf32>
    %get3A_442 = arith.constant 368 : index
    %get3A_443 = tpu.vector_load %arg13[%get3A_442] {strides = array<i32>} : memref<640xf32, #tpu.memory_space<vmem>>, vector<16xf32>,
    %add3A_444 = arith.addf %add3A_441, %get3A_443 : vector<16xf32>
    %swap3A_445 = arith.constant 368 : index
    %swap3A_446 = tpu.vector_load %arg15[%swap3A_445] {strides = array<i32>} : memref<640xf32, #tpu.memory_space<vmem>>, vector<16xf32>,
    tpu.vector_store %arg15[%swap3A_445], %add3A_444 {strides = array<i32>} : memref<640xf32, #tpu.memory_space<vmem>>, vector<16xf32>,
    %get3A_447 = arith.constant 384 : index
    %get3A_448 = tpu.vector_load %arg14[%get3A_447] {strides = array<i32>} : memref<640xf32, #tpu.memory_space<vmem>>, vector<16xf32>,
    %add3A_449 = arith.constant 1.100000e+00 : f32
    %add3A_450 = vector.broadcast %add3A_449 : f32 to vector<16xf32>
    %add3A_451 = arith.addf %add3A_450, %get3A_448 : vector<16xf32>
    %get3A_452 = arith.constant 384 : index
    %get3A_453 = tpu.vector_load %arg13[%get3A_452] {strides = array<i32>} : memref<640xf32, #tpu.memory_space<vmem>>, vector<16xf32>,
    %add3A_454 = arith.addf %add3A_451, %get3A_453 : vector<16xf32>
    %swap3A_455 = arith.constant 384 : index
    %swap3A_456 = tpu.vector_load %arg15[%swap3A_455] {strides = array<i32>} : memref<640xf32, #tpu.memory_space<vmem>>, vector<16xf32>,
    tpu.vector_store %arg15[%swap3A_455], %add3A_454 {strides = array<i32>} : memref<640xf32, #tpu.memory_space<vmem>>, vector<16xf32>,
    %get3A_457 = arith.constant 400 : index
    %get3A_458 = tpu.vector_load %arg14[%get3A_457] {strides = array<i32>} : memref<640xf32, #tpu.memory_space<vmem>>, vector<16xf32>,
    %add3A_459 = arith.constant 1.100000e+00 : f32
    %add3A_460 = vector.broadcast %add3A_459 : f32 to vector<16xf32>
    %add3A_461 = arith.addf %add3A_460, %get3A_458 : vector<16xf32>
    %get3A_462 = arith.constant 400 : index
    %get3A_463 = tpu.vector_load %arg13[%get3A_462] {strides = array<i32>} : memref<640xf32, #tpu.memory_space<vmem>>, vector<16xf32>,
    %add3A_464 = arith.addf %add3A_461, %get3A_463 : vector<16xf32>
    %swap3A_465 = arith.constant 400 : index
    %swap3A_466 = tpu.vector_load %arg15[%swap3A_465] {strides = array<i32>} : memref<640xf32, #tpu.memory_space<vmem>>, vector<16xf32>,
    tpu.vector_store %arg15[%swap3A_465], %add3A_464 {strides = array<i32>} : memref<640xf32, #tpu.memory_space<vmem>>, vector<16xf32>,
    %get3A_467 = arith.constant 416 : index
    %get3A_468 = tpu.vector_load %arg14[%get3A_467] {strides = array<i32>} : memref<640xf32, #tpu.memory_space<vmem>>, vector<16xf32>,
    %add3A_469 = arith.constant 1.100000e+00 : f32
    %add3A_470 = vector.broadcast %add3A_469 : f32 to vector<16xf32>
    %add3A_471 = arith.addf %add3A_470, %get3A_468 : vector<16xf32>
    %get3A_472 = arith.constant 416 : index
    %get3A_473 = tpu.vector_load %arg13[%get3A_472] {strides = array<i32>} : memref<640xf32, #tpu.memory_space<vmem>>, vector<16xf32>,
    %add3A_474 = arith.addf %add3A_471, %get3A_473 : vector<16xf32>
    %swap3A_475 = arith.constant 416 : index
    %swap3A_476 = tpu.vector_load %arg15[%swap3A_475] {strides = array<i32>} : memref<640xf32, #tpu.memory_space<vmem>>, vector<16xf32>,
    tpu.vector_store %arg15[%swap3A_475], %add3A_474 {strides = array<i32>} : memref<640xf32, #tpu.memory_space<vmem>>, vector<16xf32>,
    %get3A_477 = arith.constant 432 : index
    %get3A_478 = tpu.vector_load %arg14[%get3A_477] {strides = array<i32>} : memref<640xf32, #tpu.memory_space<vmem>>, vector<16xf32>,
    %add3A_479 = arith.constant 1.100000e+00 : f32
    %add3A_480 = vector.broadcast %add3A_479 : f32 to vector<16xf32>
    %add3A_481 = arith.addf %add3A_480, %get3A_478 : vector<16xf32>
    %get3A_482 = arith.constant 432 : index
    %get3A_483 = tpu.vector_load %arg13[%get3A_482] {strides = array<i32>} : memref<640xf32, #tpu.memory_space<vmem>>, vector<16xf32>,
    %add3A_484 = arith.addf %add3A_481, %get3A_483 : vector<16xf32>
    %swap3A_485 = arith.constant 432 : index
    %swap3A_486 = tpu.vector_load %arg15[%swap3A_485] {strides = array<i32>} : memref<640xf32, #tpu.memory_space<vmem>>, vector<16xf32>,
    tpu.vector_store %arg15[%swap3A_485], %add3A_484 {strides = array<i32>} : memref<640xf32, #tpu.memory_space<vmem>>, vector<16xf32>,
    %get3A_487 = arith.constant 448 : index
    %get3A_488 = tpu.vector_load %arg14[%get3A_487] {strides = array<i32>} : memref<640xf32, #tpu.memory_space<vmem>>, vector<16xf32>,
    %add3A_489 = arith.constant 1.100000e+00 : f32
    %add3A_490 = vector.broadcast %add3A_489 : f32 to vector<16xf32>
    %add3A_491 = arith.addf %add3A_490, %get3A_488 : vector<16xf32>
    %get3A_492 = arith.constant 448 : index
    %get3A_493 = tpu.vector_load %arg13[%get3A_492] {strides = array<i32>} : memref<640xf32, #tpu.memory_space<vmem>>, vector<16xf32>,
    %add3A_494 = arith.addf %add3A_491, %get3A_493 : vector<16xf32>
    %swap3A_495 = arith.constant 448 : index
    %swap3A_496 = tpu.vector_load %arg15[%swap3A_495] {strides = array<i32>} : memref<640xf32, #tpu.memory_space<vmem>>, vector<16xf32>,
    tpu.vector_store %arg15[%swap3A_495], %add3A_494 {strides = array<i32>} : memref<640xf32, #tpu.memory_space<vmem>>, vector<16xf32>,
    %get3A_497 = arith.constant 464 : index
    %get3A_498 = tpu.vector_load %arg14[%get3A_497] {strides = array<i32>} : memref<640xf32, #tpu.memory_space<vmem>>, vector<16xf32>,
    %add3A_499 = arith.constant 1.100000e+00 : f32
    %add3A_500 = vector.broadcast %add3A_499 : f32 to vector<16xf32>
    %add3A_501 = arith.addf %add3A_500, %get3A_498 : vector<16xf32>
    %get3A_502 = arith.constant 464 : index
    %get3A_503 = tpu.vector_load %arg13[%get3A_502] {strides = array<i32>} : memref<640xf32, #tpu.memory_space<vmem>>, vector<16xf32>,
    %add3A_504 = arith.addf %add3A_501, %get3A_503 : vector<16xf32>
    %swap3A_505 = arith.constant 464 : index
    %swap3A_506 = tpu.vector_load %arg15[%swap3A_505] {strides = array<i32>} : memref<640xf32, #tpu.memory_space<vmem>>, vector<16xf32>,
    tpu.vector_store %arg15[%swap3A_505], %add3A_504 {strides = array<i32>} : memref<640xf32, #tpu.memory_space<vmem>>, vector<16xf32>,
    %get3A_507 = arith.constant 480 : index
    %get3A_508 = tpu.vector_load %arg14[%get3A_507] {strides = array<i32>} : memref<640xf32, #tpu.memory_space<vmem>>, vector<16xf32>,
    %add3A_509 = arith.constant 1.100000e+00 : f32
    %add3A_510 = vector.broadcast %add3A_509 : f32 to vector<16xf32>
    %add3A_511 = arith.addf %add3A_510, %get3A_508 : vector<16xf32>
    %get3A_512 = arith.constant 480 : index
    %get3A_513 = tpu.vector_load %arg13[%get3A_512] {strides = array<i32>} : memref<640xf32, #tpu.memory_space<vmem>>, vector<16xf32>,
    %add3A_514 = arith.addf %add3A_511, %get3A_513 : vector<16xf32>
    %swap3A_515 = arith.constant 480 : index
    %swap3A_516 = tpu.vector_load %arg15[%swap3A_515] {strides = array<i32>} : memref<640xf32, #tpu.memory_space<vmem>>, vector<16xf32>,
    tpu.vector_store %arg15[%swap3A_515], %add3A_514 {strides = array<i32>} : memref<640xf32, #tpu.memory_space<vmem>>, vector<16xf32>,
    %get3A_517 = arith.constant 496 : index
    %get3A_518 = tpu.vector_load %arg14[%get3A_517] {strides = array<i32>} : memref<640xf32, #tpu.memory_space<vmem>>, vector<16xf32>,
    %add3A_519 = arith.constant 1.100000e+00 : f32
    %add3A_520 = vector.broadcast %add3A_519 : f32 to vector<16xf32>
    %add3A_521 = arith.addf %add3A_520, %get3A_518 : vector<16xf32>
    %get3A_522 = arith.constant 496 : index
    %get3A_523 = tpu.vector_load %arg13[%get3A_522] {strides = array<i32>} : memref<640xf32, #tpu.memory_space<vmem>>, vector<16xf32>,
    %add3A_524 = arith.addf %add3A_521, %get3A_523 : vector<16xf32>
    %swap3A_525 = arith.constant 496 : index
    %swap3A_526 = tpu.vector_load %arg15[%swap3A_525] {strides = array<i32>} : memref<640xf32, #tpu.memory_space<vmem>>, vector<16xf32>,
    tpu.vector_store %arg15[%swap3A_525], %add3A_524 {strides = array<i32>} : memref<640xf32, #tpu.memory_space<vmem>>, vector<16xf32>,
    %get3A_527 = arith.constant 512 : index
    %get3A_528 = tpu.vector_load %arg14[%get3A_527] {strides = array<i32>} : memref<640xf32, #tpu.memory_space<vmem>>, vector<16xf32>,
    %add3A_529 = arith.constant 1.100000e+00 : f32
    %add3A_530 = vector.broadcast %add3A_529 : f32 to vector<16xf32>
    %add3A_531 = arith.addf %add3A_530, %get3A_528 : vector<16xf32>
    %get3A_532 = arith.constant 512 : index
    %get3A_533 = tpu.vector_load %arg13[%get3A_532] {strides = array<i32>} : memref<640xf32, #tpu.memory_space<vmem>>, vector<16xf32>,
    %add3A_534 = arith.addf %add3A_531, %get3A_533 : vector<16xf32>
    %swap3A_535 = arith.constant 512 : index
    %swap3A_536 = tpu.vector_load %arg15[%swap3A_535] {strides = array<i32>} : memref<640xf32, #tpu.memory_space<vmem>>, vector<16xf32>,
    tpu.vector_store %arg15[%swap3A_535], %add3A_534 {strides = array<i32>} : memref<640xf32, #tpu.memory_space<vmem>>, vector<16xf32>,
    %get3A_537 = arith.constant 528 : index
    %get3A_538 = tpu.vector_load %arg14[%get3A_537] {strides = array<i32>} : memref<640xf32, #tpu.memory_space<vmem>>, vector<16xf32>,
    %add3A_539 = arith.constant 1.100000e+00 : f32
    %add3A_540 = vector.broadcast %add3A_539 : f32 to vector<16xf32>
    %add3A_541 = arith.addf %add3A_540, %get3A_538 : vector<16xf32>
    %get3A_542 = arith.constant 528 : index
    %get3A_543 = tpu.vector_load %arg13[%get3A_542] {strides = array<i32>} : memref<640xf32, #tpu.memory_space<vmem>>, vector<16xf32>,
    %add3A_544 = arith.addf %add3A_541, %get3A_543 : vector<16xf32>
    %swap3A_545 = arith.constant 528 : index
    %swap3A_546 = tpu.vector_load %arg15[%swap3A_545] {strides = array<i32>} : memref<640xf32, #tpu.memory_space<vmem>>, vector<16xf32>,
    tpu.vector_store %arg15[%swap3A_545], %add3A_544 {strides = array<i32>} : memref<640xf32, #tpu.memory_space<vmem>>, vector<16xf32>,
    %get3A_547 = arith.constant 544 : index
    %get3A_548 = tpu.vector_load %arg14[%get3A_547] {strides = array<i32>} : memref<640xf32, #tpu.memory_space<vmem>>, vector<16xf32>,
    %add3A_549 = arith.constant 1.100000e+00 : f32
    %add3A_550 = vector.broadcast %add3A_549 : f32 to vector<16xf32>
    %add3A_551 = arith.addf %add3A_550, %get3A_548 : vector<16xf32>
    %get3A_552 = arith.constant 544 : index
    %get3A_553 = tpu.vector_load %arg13[%get3A_552] {strides = array<i32>} : memref<640xf32, #tpu.memory_space<vmem>>, vector<16xf32>,
    %add3A_554 = arith.addf %add3A_551, %get3A_553 : vector<16xf32>
    %swap3A_555 = arith.constant 544 : index
    %swap3A_556 = tpu.vector_load %arg15[%swap3A_555] {strides = array<i32>} : memref<640xf32, #tpu.memory_space<vmem>>, vector<16xf32>,
    tpu.vector_store %arg15[%swap3A_555], %add3A_554 {strides = array<i32>} : memref<640xf32, #tpu.memory_space<vmem>>, vector<16xf32>,
    %get3A_557 = arith.constant 560 : index
    %get3A_558 = tpu.vector_load %arg14[%get3A_557] {strides = array<i32>} : memref<640xf32, #tpu.memory_space<vmem>>, vector<16xf32>,
    %add3A_559 = arith.constant 1.100000e+00 : f32
    %add3A_560 = vector.broadcast %add3A_559 : f32 to vector<16xf32>
    %add3A_561 = arith.addf %add3A_560, %get3A_558 : vector<16xf32>
    %get3A_562 = arith.constant 560 : index
    %get3A_563 = tpu.vector_load %arg13[%get3A_562] {strides = array<i32>} : memref<640xf32, #tpu.memory_space<vmem>>, vector<16xf32>,
    %add3A_564 = arith.addf %add3A_561, %get3A_563 : vector<16xf32>
    %swap3A_565 = arith.constant 560 : index
    %swap3A_566 = tpu.vector_load %arg15[%swap3A_565] {strides = array<i32>} : memref<640xf32, #tpu.memory_space<vmem>>, vector<16xf32>,
    tpu.vector_store %arg15[%swap3A_565], %add3A_564 {strides = array<i32>} : memref<640xf32, #tpu.memory_space<vmem>>, vector<16xf32>,
    %get3A_567 = arith.constant 576 : index
    %get3A_568 = tpu.vector_load %arg14[%get3A_567] {strides = array<i32>} : memref<640xf32, #tpu.memory_space<vmem>>, vector<16xf32>,
    %add3A_569 = arith.constant 1.100000e+00 : f32
    %add3A_570 = vector.broadcast %add3A_569 : f32 to vector<16xf32>
    %add3A_571 = arith.addf %add3A_570, %get3A_568 : vector<16xf32>
    %get3A_572 = arith.constant 576 : index
    %get3A_573 = tpu.vector_load %arg13[%get3A_572] {strides = array<i32>} : memref<640xf32, #tpu.memory_space<vmem>>, vector<16xf32>,
    %add3A_574 = arith.addf %add3A_571, %get3A_573 : vector<16xf32>
    %swap3A_575 = arith.constant 576 : index
    %swap3A_576 = tpu.vector_load %arg15[%swap3A_575] {strides = array<i32>} : memref<640xf32, #tpu.memory_space<vmem>>, vector<16xf32>,
    tpu.vector_store %arg15[%swap3A_575], %add3A_574 {strides = array<i32>} : memref<640xf32, #tpu.memory_space<vmem>>, vector<16xf32>,
    %get3A_577 = arith.constant 592 : index
    %get3A_578 = tpu.vector_load %arg14[%get3A_577] {strides = array<i32>} : memref<640xf32, #tpu.memory_space<vmem>>, vector<16xf32>,
    %add3A_579 = arith.constant 1.100000e+00 : f32
    %add3A_580 = vector.broadcast %add3A_579 : f32 to vector<16xf32>
    %add3A_581 = arith.addf %add3A_580, %get3A_578 : vector<16xf32>
    %get3A_582 = arith.constant 592 : index
    %get3A_583 = tpu.vector_load %arg13[%get3A_582] {strides = array<i32>} : memref<640xf32, #tpu.memory_space<vmem>>, vector<16xf32>,
    %add3A_584 = arith.addf %add3A_581, %get3A_583 : vector<16xf32>
    %swap3A_585 = arith.constant 592 : index
    %swap3A_586 = tpu.vector_load %arg15[%swap3A_585] {strides = array<i32>} : memref<640xf32, #tpu.memory_space<vmem>>, vector<16xf32>,
    tpu.vector_store %arg15[%swap3A_585], %add3A_584 {strides = array<i32>} : memref<640xf32, #tpu.memory_space<vmem>>, vector<16xf32>,
    %get3A_587 = arith.constant 608 : index
    %get3A_588 = tpu.vector_load %arg14[%get3A_587] {strides = array<i32>} : memref<640xf32, #tpu.memory_space<vmem>>, vector<16xf32>,
    %add3A_589 = arith.constant 1.100000e+00 : f32
    %add3A_590 = vector.broadcast %add3A_589 : f32 to vector<16xf32>
    %add3A_591 = arith.addf %add3A_590, %get3A_588 : vector<16xf32>
    %get3A_592 = arith.constant 608 : index
    %get3A_593 = tpu.vector_load %arg13[%get3A_592] {strides = array<i32>} : memref<640xf32, #tpu.memory_space<vmem>>, vector<16xf32>,
    %add3A_594 = arith.addf %add3A_591, %get3A_593 : vector<16xf32>
    %swap3A_595 = arith.constant 608 : index
    %swap3A_596 = tpu.vector_load %arg15[%swap3A_595] {strides = array<i32>} : memref<640xf32, #tpu.memory_space<vmem>>, vector<16xf32>,
    tpu.vector_store %arg15[%swap3A_595], %add3A_594 {strides = array<i32>} : memref<640xf32, #tpu.memory_space<vmem>>, vector<16xf32>,
    %get3A_597 = arith.constant 624 : index
    %get3A_598 = tpu.vector_load %arg14[%get3A_597] {strides = array<i32>} : memref<640xf32, #tpu.memory_space<vmem>>, vector<16xf32>,
    %add3A_599 = arith.constant 1.100000e+00 : f32
    %add3A_600 = vector.broadcast %add3A_599 : f32 to vector<16xf32>
    %add3A_601 = arith.addf %add3A_600, %get3A_598 : vector<16xf32>
    %get3A_602 = arith.constant 624 : index
    %get3A_603 = tpu.vector_load %arg13[%get3A_602] {strides = array<i32>} : memref<640xf32, #tpu.memory_space<vmem>>, vector<16xf32>,
    %add3A_604 = arith.addf %add3A_601, %get3A_603 : vector<16xf32>
    %swap3A_605 = arith.constant 624 : index
    %swap3A_606 = tpu.vector_load %arg15[%swap3A_605] {strides = array<i32>} : memref<640xf32, #tpu.memory_space<vmem>>, vector<16xf32>,
    tpu.vector_store %arg15[%swap3A_605], %add3A_604 {strides = array<i32>} : memref<640xf32, #tpu.memory_space<vmem>>, vector<16xf32>,
    "tpu.region"() ({
      %run_scoped3A = tpu.sem_alloc : memref<!tpu.dma_semaphore, #tpu.memory_space<semaphore_mem>>
      %dma_start3A = tpu.memref_slice %arg22[%mul3A_2] : memref<10240xf32, #tpu.memory_space<vmem_shared>> -> memref<640xf32, #tpu.memory_space<vmem_shared>>
      %dma_start3A_1834 = tpu.memref_slice %arg22[%mul3A_2] : memref<10240xf32, #tpu.memory_space<vmem_shared>> -> memref<640xf32, #tpu.memory_space<vmem_shared>>
      tpu.enqueue_dma source(%arg15 : memref<640xf32, #tpu.memory_space<vmem>>) target(%dma_start3A_1834 : memref<640xf32, #tpu.memory_space<vmem_shared>>) target_semaphore(%run_scoped3A : memref<!tpu.dma_semaphore, #tpu.memory_space<semaphore_mem>>)
      %dma_wait3A = tpu.memref_slice %arg22[%mul3A_2] : memref<10240xf32, #tpu.memory_space<vmem_shared>> -> memref<640xf32, #tpu.memory_space<vmem_shared>>
      %dma_wait3A_1835 = tpu.memref_slice %arg22[%mul3A_2] : memref<10240xf32, #tpu.memory_space<vmem_shared>> -> memref<640xf32, #tpu.memory_space<vmem_shared>>
      tpu.wait_dma2 semaphore(%run_scoped3A : memref<!tpu.dma_semaphore, #tpu.memory_space<semaphore_mem>>) src(%arg15 : memref<640xf32, #tpu.memory_space<vmem>>) dst(%dma_wait3A_1835 : memref<640xf32, #tpu.memory_space<vmem_shared>>)
      tpu.yield
    }) : () -> ()
    "tpu.region"() ({
      %run_scoped3A = tpu.sem_alloc : memref<!tpu.dma_semaphore, #tpu.memory_space<semaphore_mem>>
      %dma_start3A = tpu.memref_slice %arg23[%mul3A_2] : memref<10240xf32, #tpu.memory_space<vmem_shared>> -> memref<640xf32, #tpu.memory_space<vmem_shared>>
      %dma_start3A_1834 = tpu.memref_slice %arg23[%mul3A_2] : memref<10240xf32, #tpu.memory_space<vmem_shared>> -> memref<640xf32, #tpu.memory_space<vmem_shared>>
      tpu.enqueue_dma source(%arg16 : memref<640xf32, #tpu.memory_space<vmem>>) target(%dma_start3A_1834 : memref<640xf32, #tpu.memory_space<vmem_shared>>) target_semaphore(%run_scoped3A : memref<!tpu.dma_semaphore, #tpu.memory_space<semaphore_mem>>)
      %dma_wait3A = tpu.memref_slice %arg23[%mul3A_2] : memref<10240xf32, #tpu.memory_space<vmem_shared>> -> memref<640xf32, #tpu.memory_space<vmem_shared>>
      %dma_wait3A_1835 = tpu.memref_slice %arg23[%mul3A_2] : memref<10240xf32, #tpu.memory_space<vmem_shared>> -> memref<640xf32, #tpu.memory_space<vmem_shared>>
      tpu.wait_dma2 semaphore(%run_scoped3A : memref<!tpu.dma_semaphore, #tpu.memory_space<semaphore_mem>>) src(%arg16 : memref<640xf32, #tpu.memory_space<vmem>>) dst(%dma_wait3A_1835 : memref<640xf32, #tpu.memory_space<vmem_shared>>)
      tpu.yield
    }) : () -> ()
    %barrier3A_607 = arith.constant 0 : index
    tpu.barrier barrier_id(%barrier3A_607)
    "tpu.region"() ({
      %run_scoped3A = tpu.sem_alloc : memref<!tpu.dma_semaphore, #tpu.memory_space<semaphore_mem>>
      tpu.enqueue_dma source(%arg22 : memref<10240xf32, #tpu.memory_space<vmem_shared>>) target(%arg11 : memref<10240xf32, #tpu.memory_space<vmem>>) target_semaphore(%run_scoped3A : memref<!tpu.dma_semaphore, #tpu.memory_space<semaphore_mem>>)
      tpu.wait_dma2 semaphore(%run_scoped3A : memref<!tpu.dma_semaphore, #tpu.memory_space<semaphore_mem>>) src(%arg22 : memref<10240xf32, #tpu.memory_space<vmem_shared>>) dst(%arg11 : memref<10240xf32, #tpu.memory_space<vmem>>)
      tpu.yield
    }) : () -> ()
    %scan3A_608 = arith.constant 0 : i32
    %scan3A_609 = arith.constant 0 : i32
    %scan3A_610 = arith.constant 125 : i32
    %scan3A_611 = arith.addi %scan3A_609, %scan3A_610 : i32
    %scan3A_612 = arith.constant 1 : i32
    scf.for %scan3A_1834 = %scan3A_609 to %scan3A_611 step %scan3A_612  : i32 {
      %get3A_1835 = arith.index_cast %scan3A_1834 : i32 to index
      %get3A_1836 = arith.constant 0 : index
      %get3A_1837 = tpu.vector_load %arg10[%get3A_1835, %get3A_1836] {strides = array<i32>} : memref<125x80xi32, #tpu.memory_space<vmem>>, vector<16xi32>,
      %gather3A = tpu.vector_load_idx %arg11[%get3A_1837] : memref<10240xf32, #tpu.memory_space<vmem>>[vector<16xi32>], vector<16xf32>,
      %swap3A_1838 = arith.index_cast %scan3A_1834 : i32 to index
      %swap3A_1839 = arith.constant 0 : index
      %swap3A_1840 = tpu.vector_load %arg12[%swap3A_1838, %swap3A_1839] {strides = array<i32>} : memref<125x80xf32, #tpu.memory_space<vmem>>, vector<16xf32>,
      tpu.vector_store %arg12[%swap3A_1838, %swap3A_1839], %gather3A {strides = array<i32>} : memref<125x80xf32, #tpu.memory_space<vmem>>, vector<16xf32>,
      %get3A_1841 = arith.index_cast %scan3A_1834 : i32 to index
      %get3A_1842 = arith.constant 16 : index
      %get3A_1843 = tpu.vector_load %arg10[%get3A_1841, %get3A_1842] {strides = array<i32>} : memref<125x80xi32, #tpu.memory_space<vmem>>, vector<16xi32>,
      %gather3A_1844 = tpu.vector_load_idx %arg11[%get3A_1843] : memref<10240xf32, #tpu.memory_space<vmem>>[vector<16xi32>], vector<16xf32>,
      %swap3A_1845 = arith.index_cast %scan3A_1834 : i32 to index
      %swap3A_1846 = arith.constant 16 : index
      %swap3A_1847 = tpu.vector_load %arg12[%swap3A_1845, %swap3A_1846] {strides = array<i32>} : memref<125x80xf32, #tpu.memory_space<vmem>>, vector<16xf32>,
      tpu.vector_store %arg12[%swap3A_1845, %swap3A_1846], %gather3A_1844 {strides = array<i32>} : memref<125x80xf32, #tpu.memory_space<vmem>>, vector<16xf32>,
      %get3A_1848 = arith.index_cast %scan3A_1834 : i32 to index
      %get3A_1849 = arith.constant 32 : index
      %get3A_1850 = tpu.vector_load %arg10[%get3A_1848, %get3A_1849] {strides = array<i32>} : memref<125x80xi32, #tpu.memory_space<vmem>>, vector<16xi32>,
      %gather3A_1851 = tpu.vector_load_idx %arg11[%get3A_1850] : memref<10240xf32, #tpu.memory_space<vmem>>[vector<16xi32>], vector<16xf32>,
      %swap3A_1852 = arith.index_cast %scan3A_1834 : i32 to index
      %swap3A_1853 = arith.constant 32 : index
      %swap3A_1854 = tpu.vector_load %arg12[%swap3A_1852, %swap3A_1853] {strides = array<i32>} : memref<125x80xf32, #tpu.memory_space<vmem>>, vector<16xf32>,
      tpu.vector_store %arg12[%swap3A_1852, %swap3A_1853], %gather3A_1851 {strides = array<i32>} : memref<125x80xf32, #tpu.memory_space<vmem>>, vector<16xf32>,
      %get3A_1855 = arith.index_cast %scan3A_1834 : i32 to index
      %get3A_1856 = arith.constant 48 : index
      %get3A_1857 = tpu.vector_load %arg10[%get3A_1855, %get3A_1856] {strides = array<i32>} : memref<125x80xi32, #tpu.memory_space<vmem>>, vector<16xi32>,
      %gather3A_1858 = tpu.vector_load_idx %arg11[%get3A_1857] : memref<10240xf32, #tpu.memory_space<vmem>>[vector<16xi32>], vector<16xf32>,
      %swap3A_1859 = arith.index_cast %scan3A_1834 : i32 to index
      %swap3A_1860 = arith.constant 48 : index
      %swap3A_1861 = tpu.vector_load %arg12[%swap3A_1859, %swap3A_1860] {strides = array<i32>} : memref<125x80xf32, #tpu.memory_space<vmem>>, vector<16xf32>,
      tpu.vector_store %arg12[%swap3A_1859, %swap3A_1860], %gather3A_1858 {strides = array<i32>} : memref<125x80xf32, #tpu.memory_space<vmem>>, vector<16xf32>,
      %get3A_1862 = arith.index_cast %scan3A_1834 : i32 to index
      %get3A_1863 = arith.constant 64 : index
      %get3A_1864 = tpu.vector_load %arg10[%get3A_1862, %get3A_1863] {strides = array<i32>} : memref<125x80xi32, #tpu.memory_space<vmem>>, vector<16xi32>,
      %gather3A_1865 = tpu.vector_load_idx %arg11[%get3A_1864] : memref<10240xf32, #tpu.memory_space<vmem>>[vector<16xi32>], vector<16xf32>,
      %swap3A_1866 = arith.index_cast %scan3A_1834 : i32 to index
      %swap3A_1867 = arith.constant 64 : index
      %swap3A_1868 = tpu.vector_load %arg12[%swap3A_1866, %swap3A_1867] {strides = array<i32>} : memref<125x80xf32, #tpu.memory_space<vmem>>, vector<16xf32>,
      tpu.vector_store %arg12[%swap3A_1866, %swap3A_1867], %gather3A_1865 {strides = array<i32>} : memref<125x80xf32, #tpu.memory_space<vmem>>, vector<16xf32>,
      %dma_start3A = arith.constant 0 : i32
      %dma_start3A_1869 = tpu.memref_slice %arg12[%scan3A_1834, %dma_start3A] : memref<125x80xf32, #tpu.memory_space<vmem>> -> memref<1x80xf32, #tpu.memory_space<vmem>>
      %dma_start3A_1870 = tpu.memref_squeeze %dma_start3A_1869 : memref<1x80xf32, #tpu.memory_space<vmem>> -> memref<80xf32, #tpu.memory_space<vmem>>
      %dma_start3A_1871 = arith.constant 0 : i32
      %dma_start3A_1872 = tpu.memref_slice %arg9[%scan3A_1834, %dma_start3A_1871] : memref<125x80xi32, #tpu.memory_space<vmem>> -> memref<1x80xi32, #tpu.memory_space<vmem>>
      %dma_start3A_1873 = tpu.memref_squeeze %dma_start3A_1872 : memref<1x80xi32, #tpu.memory_space<vmem>> -> memref<80xi32, #tpu.memory_space<vmem>>
      %dma_start3A_1874 = arith.constant 0 : i32
      %dma_start3A_1875 = tpu.memref_slice %arg23[%dma_start3A_1874] : memref<10240xf32, #tpu.memory_space<vmem_shared>> -> memref<10240xf32, #tpu.memory_space<vmem_shared>>
      tpu.enqueue_indirect_dma source(%dma_start3A_1870 : memref<80xf32, #tpu.memory_space<vmem>>) target(%dma_start3A_1875 : memref<10240xf32, #tpu.memory_space<vmem_shared>>) offsets(%dma_start3A_1873 : memref<80xi32, #tpu.memory_space<vmem>>) semaphore(%arg25 : memref<!tpu.dma_semaphore, #tpu.memory_space<semaphore_mem>>) {add = true}
    }
    %scan3A_613 = arith.constant 125 : i32
    %scan3A_614 = arith.constant 0 : i32
    %scan3A_615 = arith.constant 0 : i32
    %scan3A_616 = arith.constant 125 : i32
    %scan3A_617 = arith.addi %scan3A_615, %scan3A_616 : i32
    %scan3A_618 = arith.constant 1 : i32
    scf.for %scan3A_1834 = %scan3A_615 to %scan3A_617 step %scan3A_618  : i32 {
      %dma_wait3A = arith.constant 0 : i32
      %dma_wait3A_1835 = tpu.memref_slice %arg12[%scan3A_1834, %dma_wait3A] : memref<125x80xf32, #tpu.memory_space<vmem>> -> memref<1x80xf32, #tpu.memory_space<vmem>>
      %dma_wait3A_1836 = tpu.memref_squeeze %dma_wait3A_1835 : memref<1x80xf32, #tpu.memory_space<vmem>> -> memref<80xf32, #tpu.memory_space<vmem>>
      %dma_wait3A_1837 = arith.constant 0 : i32
      %dma_wait3A_1838 = tpu.memref_slice %arg9[%scan3A_1834, %dma_wait3A_1837] : memref<125x80xi32, #tpu.memory_space<vmem>> -> memref<1x80xi32, #tpu.memory_space<vmem>>
      %dma_wait3A_1839 = tpu.memref_squeeze %dma_wait3A_1838 : memref<1x80xi32, #tpu.memory_space<vmem>> -> memref<80xi32, #tpu.memory_space<vmem>>
      %dma_wait3A_1840 = arith.constant 0 : i32
      %dma_wait3A_1841 = tpu.memref_slice %arg23[%dma_wait3A_1840] : memref<10240xf32, #tpu.memory_space<vmem_shared>> -> memref<10240xf32, #tpu.memory_space<vmem_shared>>
      tpu.wait_indirect_dma semaphore(%arg25 : memref<!tpu.dma_semaphore, #tpu.memory_space<semaphore_mem>>) src(%dma_wait3A_1836 : memref<80xf32, #tpu.memory_space<vmem>>) dst(%dma_wait3A_1841 : memref<10240xf32, #tpu.memory_space<vmem_shared>>)
    }
    %scan3A_619 = arith.constant 125 : i32
    %barrier3A_620 = arith.constant 0 : index
    tpu.barrier barrier_id(%barrier3A_620)
    %add3A_621 = arith.constant 2 : i32
    %add3A_622 = arith.addi %add3A_621, %arg0 : i32
    %mul3A_623 = arith.constant 10240 : i32
    %mul3A_624 = arith.muli %add3A_622, %mul3A_623 : i32
    %mul3A_625 = arith.constant 640 : i32
    %mul3A_626 = arith.muli %arg1, %mul3A_625 : i32
    %add3A_627 = arith.addi %mul3A_624, %mul3A_626 : i32
    "tpu.region"() ({
      %run_scoped3A = tpu.sem_alloc : memref<!tpu.dma_semaphore, #tpu.memory_space<semaphore_mem>>
      %dma_start3A = tpu.memref_slice %arg7[%add3A_627] : memref<61440xf32, #tpu.memory_space<hbm>> -> memref<640xf32, #tpu.memory_space<hbm>>
      %dma_start3A_1834 = tpu.memref_slice %arg23[%mul3A_2] : memref<10240xf32, #tpu.memory_space<vmem_shared>> -> memref<640xf32, #tpu.memory_space<vmem_shared>>
      tpu.enqueue_dma source(%dma_start3A_1834 : memref<640xf32, #tpu.memory_space<vmem_shared>>) target(%dma_start3A : memref<640xf32, #tpu.memory_space<hbm>>) target_semaphore(%run_scoped3A : memref<!tpu.dma_semaphore, #tpu.memory_space<semaphore_mem>>)
      %dma_wait3A = tpu.memref_slice %arg7[%add3A_627] : memref<61440xf32, #tpu.memory_space<hbm>> -> memref<640xf32, #tpu.memory_space<hbm>>
      %dma_wait3A_1835 = tpu.memref_slice %arg23[%mul3A_2] : memref<10240xf32, #tpu.memory_space<vmem_shared>> -> memref<640xf32, #tpu.memory_space<vmem_shared>>
      tpu.wait_dma2 semaphore(%run_scoped3A : memref<!tpu.dma_semaphore, #tpu.memory_space<semaphore_mem>>) src(%dma_wait3A_1835 : memref<640xf32, #tpu.memory_space<vmem_shared>>) dst(%dma_wait3A : memref<640xf32, #tpu.memory_space<hbm>>)
      tpu.yield
    }) : () -> ()
    %barrier3A_628 = arith.constant 0 : index
    tpu.barrier barrier_id(%barrier3A_628)
    %eq3A_629 = arith.constant 0 : i32
    %eq3A_630 = arith.cmpi eq, %arg1, %eq3A_629 : i32
    %convert_element_type3A_631 = arith.extui %eq3A_630 : i1 to i32
    %cond3A_632 = arith.constant 0 : i32
    %cond3A_633 = arith.cmpi ne, %convert_element_type3A_631, %cond3A_632 : i32
    scf.if %cond3A_633 {
      %sub3A_1834 = arith.constant 1 : i32
      %sub3A_1835 = arith.subi %sub3A_1834, %arg0 : i32
      %semaphore_signal3A = arith.constant 1 : i32
      tpu.sem_signal %arg27, %semaphore_signal3A core_id %sub3A_1835 : memref<!tpu.semaphore, #tpu.memory_space<semaphore_mem>>
      %semaphore_wait3A = arith.constant 1 : i32
      %semaphore_wait3A_1836 = arith.constant true
      tpu.sem_wait %arg27, %semaphore_wait3A : memref<!tpu.semaphore, #tpu.memory_space<semaphore_mem>>
    } else {
    }
    %barrier3A_634 = arith.constant 0 : index
    tpu.barrier barrier_id(%barrier3A_634)
    %sub3A_635 = arith.constant 1 : i32
    %sub3A_636 = arith.subi %sub3A_635, %arg0 : i32
    %add3A_637 = arith.constant 2 : i32
    %add3A_638 = arith.addi %add3A_637, %sub3A_636 : i32
    %mul3A_639 = arith.constant 10240 : i32
    %mul3A_640 = arith.muli %add3A_638, %mul3A_639 : i32
    %mul3A_641 = arith.constant 640 : i32
    %mul3A_642 = arith.muli %arg1, %mul3A_641 : i32
    %add3A_643 = arith.addi %mul3A_640, %mul3A_642 : i32
    "tpu.region"() ({
      %run_scoped3A = tpu.sem_alloc : memref<!tpu.dma_semaphore, #tpu.memory_space<semaphore_mem>>
      %dma_start3A = tpu.memref_slice %arg7[%add3A_643] : memref<61440xf32, #tpu.memory_space<hbm>> -> memref<640xf32, #tpu.memory_space<hbm>>
      %dma_start3A_1834 = tpu.memref_slice %arg7[%add3A_643] : memref<61440xf32, #tpu.memory_space<hbm>> -> memref<640xf32, #tpu.memory_space<hbm>>
      tpu.enqueue_dma source(%dma_start3A_1834 : memref<640xf32, #tpu.memory_space<hbm>>) target(%arg13 : memref<640xf32, #tpu.memory_space<vmem>>) target_semaphore(%run_scoped3A : memref<!tpu.dma_semaphore, #tpu.memory_space<semaphore_mem>>)
      %dma_wait3A = tpu.memref_slice %arg7[%add3A_643] : memref<61440xf32, #tpu.memory_space<hbm>> -> memref<640xf32, #tpu.memory_space<hbm>>
      %dma_wait3A_1835 = tpu.memref_slice %arg7[%add3A_643] : memref<61440xf32, #tpu.memory_space<hbm>> -> memref<640xf32, #tpu.memory_space<hbm>>
      tpu.wait_dma2 semaphore(%run_scoped3A : memref<!tpu.dma_semaphore, #tpu.memory_space<semaphore_mem>>) src(%dma_wait3A_1835 : memref<640xf32, #tpu.memory_space<hbm>>) dst(%arg13 : memref<640xf32, #tpu.memory_space<vmem>>)
      tpu.yield
    }) : () -> ()
    "tpu.region"() ({
      %run_scoped3A = tpu.sem_alloc : memref<!tpu.dma_semaphore, #tpu.memory_space<semaphore_mem>>
      %dma_start3A = tpu.memref_slice %arg23[%mul3A_2] : memref<10240xf32, #tpu.memory_space<vmem_shared>> -> memref<640xf32, #tpu.memory_space<vmem_shared>>
      %dma_start3A_1834 = tpu.memref_slice %arg23[%mul3A_2] : memref<10240xf32, #tpu.memory_space<vmem_shared>> -> memref<640xf32, #tpu.memory_space<vmem_shared>>
      tpu.enqueue_dma source(%dma_start3A_1834 : memref<640xf32, #tpu.memory_space<vmem_shared>>) target(%arg14 : memref<640xf32, #tpu.memory_space<vmem>>) target_semaphore(%run_scoped3A : memref<!tpu.dma_semaphore, #tpu.memory_space<semaphore_mem>>)
      %dma_wait3A = tpu.memref_slice %arg23[%mul3A_2] : memref<10240xf32, #tpu.memory_space<vmem_shared>> -> memref<640xf32, #tpu.memory_space<vmem_shared>>
      %dma_wait3A_1835 = tpu.memref_slice %arg23[%mul3A_2] : memref<10240xf32, #tpu.memory_space<vmem_shared>> -> memref<640xf32, #tpu.memory_space<vmem_shared>>
      tpu.wait_dma2 semaphore(%run_scoped3A : memref<!tpu.dma_semaphore, #tpu.memory_space<semaphore_mem>>) src(%dma_wait3A_1835 : memref<640xf32, #tpu.memory_space<vmem_shared>>) dst(%arg14 : memref<640xf32, #tpu.memory_space<vmem>>)
      tpu.yield
    }) : () -> ()
    %mul3A_644 = arith.constant 640 : i32
    %mul3A_645 = arith.muli %arg1, %mul3A_644 : i32
    %add3A_646 = arith.constant 0 : i32
    %add3A_647 = arith.addi %mul3A_645, %add3A_646 : i32
    %get3A_648 = arith.index_cast %add3A_647 : i32 to index
    %get3A_649 = tpu.vector_load %arg11[%get3A_648] {strides = array<i32>} : memref<10240xf32, #tpu.memory_space<vmem>>, vector<16xf32>,
    %mul3A_650 = arith.constant 1.100000e+00 : f32
    %mul3A_651 = vector.broadcast %mul3A_650 : f32 to vector<16xf32>
    %mul3A_652 = arith.mulf %mul3A_651, %get3A_649 : vector<16xf32>
    %get3A_653 = arith.constant 0 : index
    %get3A_654 = tpu.vector_load %arg14[%get3A_653] {strides = array<i32>} : memref<640xf32, #tpu.memory_space<vmem>>, vector<16xf32>,
    %add3A_655 = arith.addf %mul3A_652, %get3A_654 : vector<16xf32>
    %get3A_656 = arith.constant 0 : index
    %get3A_657 = tpu.vector_load %arg13[%get3A_656] {strides = array<i32>} : memref<640xf32, #tpu.memory_space<vmem>>, vector<16xf32>,
    %add3A_658 = arith.addf %add3A_655, %get3A_657 : vector<16xf32>
    %swap3A_659 = arith.constant 0 : index
    %swap3A_660 = tpu.vector_load %arg15[%swap3A_659] {strides = array<i32>} : memref<640xf32, #tpu.memory_space<vmem>>, vector<16xf32>,
    tpu.vector_store %arg15[%swap3A_659], %add3A_658 {strides = array<i32>} : memref<640xf32, #tpu.memory_space<vmem>>, vector<16xf32>,
    %mul3A_661 = arith.constant 640 : i32
    %mul3A_662 = arith.muli %arg1, %mul3A_661 : i32
    %add3A_663 = arith.constant 16 : i32
    %add3A_664 = arith.addi %mul3A_662, %add3A_663 : i32
    %get3A_665 = arith.index_cast %add3A_664 : i32 to index
    %get3A_666 = tpu.vector_load %arg11[%get3A_665] {strides = array<i32>} : memref<10240xf32, #tpu.memory_space<vmem>>, vector<16xf32>,
    %mul3A_667 = arith.constant 1.100000e+00 : f32
    %mul3A_668 = vector.broadcast %mul3A_667 : f32 to vector<16xf32>
    %mul3A_669 = arith.mulf %mul3A_668, %get3A_666 : vector<16xf32>
    %get3A_670 = arith.constant 16 : index
    %get3A_671 = tpu.vector_load %arg14[%get3A_670] {strides = array<i32>} : memref<640xf32, #tpu.memory_space<vmem>>, vector<16xf32>,
    %add3A_672 = arith.addf %mul3A_669, %get3A_671 : vector<16xf32>
    %get3A_673 = arith.constant 16 : index
    %get3A_674 = tpu.vector_load %arg13[%get3A_673] {strides = array<i32>} : memref<640xf32, #tpu.memory_space<vmem>>, vector<16xf32>,
    %add3A_675 = arith.addf %add3A_672, %get3A_674 : vector<16xf32>
    %swap3A_676 = arith.constant 16 : index
    %swap3A_677 = tpu.vector_load %arg15[%swap3A_676] {strides = array<i32>} : memref<640xf32, #tpu.memory_space<vmem>>, vector<16xf32>,
    tpu.vector_store %arg15[%swap3A_676], %add3A_675 {strides = array<i32>} : memref<640xf32, #tpu.memory_space<vmem>>, vector<16xf32>,
    %mul3A_678 = arith.constant 640 : i32
    %mul3A_679 = arith.muli %arg1, %mul3A_678 : i32
    %add3A_680 = arith.constant 32 : i32
    %add3A_681 = arith.addi %mul3A_679, %add3A_680 : i32
    %get3A_682 = arith.index_cast %add3A_681 : i32 to index
    %get3A_683 = tpu.vector_load %arg11[%get3A_682] {strides = array<i32>} : memref<10240xf32, #tpu.memory_space<vmem>>, vector<16xf32>,
    %mul3A_684 = arith.constant 1.100000e+00 : f32
    %mul3A_685 = vector.broadcast %mul3A_684 : f32 to vector<16xf32>
    %mul3A_686 = arith.mulf %mul3A_685, %get3A_683 : vector<16xf32>
    %get3A_687 = arith.constant 32 : index
    %get3A_688 = tpu.vector_load %arg14[%get3A_687] {strides = array<i32>} : memref<640xf32, #tpu.memory_space<vmem>>, vector<16xf32>,
    %add3A_689 = arith.addf %mul3A_686, %get3A_688 : vector<16xf32>
    %get3A_690 = arith.constant 32 : index
    %get3A_691 = tpu.vector_load %arg13[%get3A_690] {strides = array<i32>} : memref<640xf32, #tpu.memory_space<vmem>>, vector<16xf32>,
    %add3A_692 = arith.addf %add3A_689, %get3A_691 : vector<16xf32>
    %swap3A_693 = arith.constant 32 : index
    %swap3A_694 = tpu.vector_load %arg15[%swap3A_693] {strides = array<i32>} : memref<640xf32, #tpu.memory_space<vmem>>, vector<16xf32>,
    tpu.vector_store %arg15[%swap3A_693], %add3A_692 {strides = array<i32>} : memref<640xf32, #tpu.memory_space<vmem>>, vector<16xf32>,
    %mul3A_695 = arith.constant 640 : i32
    %mul3A_696 = arith.muli %arg1, %mul3A_695 : i32
    %add3A_697 = arith.constant 48 : i32
    %add3A_698 = arith.addi %mul3A_696, %add3A_697 : i32
    %get3A_699 = arith.index_cast %add3A_698 : i32 to index
    %get3A_700 = tpu.vector_load %arg11[%get3A_699] {strides = array<i32>} : memref<10240xf32, #tpu.memory_space<vmem>>, vector<16xf32>,
    %mul3A_701 = arith.constant 1.100000e+00 : f32
    %mul3A_702 = vector.broadcast %mul3A_701 : f32 to vector<16xf32>
    %mul3A_703 = arith.mulf %mul3A_702, %get3A_700 : vector<16xf32>
    %get3A_704 = arith.constant 48 : index
    %get3A_705 = tpu.vector_load %arg14[%get3A_704] {strides = array<i32>} : memref<640xf32, #tpu.memory_space<vmem>>, vector<16xf32>,
    %add3A_706 = arith.addf %mul3A_703, %get3A_705 : vector<16xf32>
    %get3A_707 = arith.constant 48 : index
    %get3A_708 = tpu.vector_load %arg13[%get3A_707] {strides = array<i32>} : memref<640xf32, #tpu.memory_space<vmem>>, vector<16xf32>,
    %add3A_709 = arith.addf %add3A_706, %get3A_708 : vector<16xf32>
    %swap3A_710 = arith.constant 48 : index
    %swap3A_711 = tpu.vector_load %arg15[%swap3A_710] {strides = array<i32>} : memref<640xf32, #tpu.memory_space<vmem>>, vector<16xf32>,
    tpu.vector_store %arg15[%swap3A_710], %add3A_709 {strides = array<i32>} : memref<640xf32, #tpu.memory_space<vmem>>, vector<16xf32>,
    %mul3A_712 = arith.constant 640 : i32
    %mul3A_713 = arith.muli %arg1, %mul3A_712 : i32
    %add3A_714 = arith.constant 64 : i32
    %add3A_715 = arith.addi %mul3A_713, %add3A_714 : i32
    %get3A_716 = arith.index_cast %add3A_715 : i32 to index
    %get3A_717 = tpu.vector_load %arg11[%get3A_716] {strides = array<i32>} : memref<10240xf32, #tpu.memory_space<vmem>>, vector<16xf32>,
    %mul3A_718 = arith.constant 1.100000e+00 : f32
    %mul3A_719 = vector.broadcast %mul3A_718 : f32 to vector<16xf32>
    %mul3A_720 = arith.mulf %mul3A_719, %get3A_717 : vector<16xf32>
    %get3A_721 = arith.constant 64 : index
    %get3A_722 = tpu.vector_load %arg14[%get3A_721] {strides = array<i32>} : memref<640xf32, #tpu.memory_space<vmem>>, vector<16xf32>,
    %add3A_723 = arith.addf %mul3A_720, %get3A_722 : vector<16xf32>
    %get3A_724 = arith.constant 64 : index
    %get3A_725 = tpu.vector_load %arg13[%get3A_724] {strides = array<i32>} : memref<640xf32, #tpu.memory_space<vmem>>, vector<16xf32>,
    %add3A_726 = arith.addf %add3A_723, %get3A_725 : vector<16xf32>
    %swap3A_727 = arith.constant 64 : index
    %swap3A_728 = tpu.vector_load %arg15[%swap3A_727] {strides = array<i32>} : memref<640xf32, #tpu.memory_space<vmem>>, vector<16xf32>,
    tpu.vector_store %arg15[%swap3A_727], %add3A_726 {strides = array<i32>} : memref<640xf32, #tpu.memory_space<vmem>>, vector<16xf32>,
    %mul3A_729 = arith.constant 640 : i32
    %mul3A_730 = arith.muli %arg1, %mul3A_729 : i32
    %add3A_731 = arith.constant 80 : i32
    %add3A_732 = arith.addi %mul3A_730, %add3A_731 : i32
    %get3A_733 = arith.index_cast %add3A_732 : i32 to index
    %get3A_734 = tpu.vector_load %arg11[%get3A_733] {strides = array<i32>} : memref<10240xf32, #tpu.memory_space<vmem>>, vector<16xf32>,
    %mul3A_735 = arith.constant 1.100000e+00 : f32
    %mul3A_736 = vector.broadcast %mul3A_735 : f32 to vector<16xf32>
    %mul3A_737 = arith.mulf %mul3A_736, %get3A_734 : vector<16xf32>
    %get3A_738 = arith.constant 80 : index
    %get3A_739 = tpu.vector_load %arg14[%get3A_738] {strides = array<i32>} : memref<640xf32, #tpu.memory_space<vmem>>, vector<16xf32>,
    %add3A_740 = arith.addf %mul3A_737, %get3A_739 : vector<16xf32>
    %get3A_741 = arith.constant 80 : index
    %get3A_742 = tpu.vector_load %arg13[%get3A_741] {strides = array<i32>} : memref<640xf32, #tpu.memory_space<vmem>>, vector<16xf32>,
    %add3A_743 = arith.addf %add3A_740, %get3A_742 : vector<16xf32>
    %swap3A_744 = arith.constant 80 : index
    %swap3A_745 = tpu.vector_load %arg15[%swap3A_744] {strides = array<i32>} : memref<640xf32, #tpu.memory_space<vmem>>, vector<16xf32>,
    tpu.vector_store %arg15[%swap3A_744], %add3A_743 {strides = array<i32>} : memref<640xf32, #tpu.memory_space<vmem>>, vector<16xf32>,
    %mul3A_746 = arith.constant 640 : i32
    %mul3A_747 = arith.muli %arg1, %mul3A_746 : i32
    %add3A_748 = arith.constant 96 : i32
    %add3A_749 = arith.addi %mul3A_747, %add3A_748 : i32
    %get3A_750 = arith.index_cast %add3A_749 : i32 to index
    %get3A_751 = tpu.vector_load %arg11[%get3A_750] {strides = array<i32>} : memref<10240xf32, #tpu.memory_space<vmem>>, vector<16xf32>,
    %mul3A_752 = arith.constant 1.100000e+00 : f32
    %mul3A_753 = vector.broadcast %mul3A_752 : f32 to vector<16xf32>
    %mul3A_754 = arith.mulf %mul3A_753, %get3A_751 : vector<16xf32>
    %get3A_755 = arith.constant 96 : index
    %get3A_756 = tpu.vector_load %arg14[%get3A_755] {strides = array<i32>} : memref<640xf32, #tpu.memory_space<vmem>>, vector<16xf32>,
    %add3A_757 = arith.addf %mul3A_754, %get3A_756 : vector<16xf32>
    %get3A_758 = arith.constant 96 : index
    %get3A_759 = tpu.vector_load %arg13[%get3A_758] {strides = array<i32>} : memref<640xf32, #tpu.memory_space<vmem>>, vector<16xf32>,
    %add3A_760 = arith.addf %add3A_757, %get3A_759 : vector<16xf32>
    %swap3A_761 = arith.constant 96 : index
    %swap3A_762 = tpu.vector_load %arg15[%swap3A_761] {strides = array<i32>} : memref<640xf32, #tpu.memory_space<vmem>>, vector<16xf32>,
    tpu.vector_store %arg15[%swap3A_761], %add3A_760 {strides = array<i32>} : memref<640xf32, #tpu.memory_space<vmem>>, vector<16xf32>,
    %mul3A_763 = arith.constant 640 : i32
    %mul3A_764 = arith.muli %arg1, %mul3A_763 : i32
    %add3A_765 = arith.constant 112 : i32
    %add3A_766 = arith.addi %mul3A_764, %add3A_765 : i32
    %get3A_767 = arith.index_cast %add3A_766 : i32 to index
    %get3A_768 = tpu.vector_load %arg11[%get3A_767] {strides = array<i32>} : memref<10240xf32, #tpu.memory_space<vmem>>, vector<16xf32>,
    %mul3A_769 = arith.constant 1.100000e+00 : f32
    %mul3A_770 = vector.broadcast %mul3A_769 : f32 to vector<16xf32>
    %mul3A_771 = arith.mulf %mul3A_770, %get3A_768 : vector<16xf32>
    %get3A_772 = arith.constant 112 : index
    %get3A_773 = tpu.vector_load %arg14[%get3A_772] {strides = array<i32>} : memref<640xf32, #tpu.memory_space<vmem>>, vector<16xf32>,
    %add3A_774 = arith.addf %mul3A_771, %get3A_773 : vector<16xf32>
    %get3A_775 = arith.constant 112 : index
    %get3A_776 = tpu.vector_load %arg13[%get3A_775] {strides = array<i32>} : memref<640xf32, #tpu.memory_space<vmem>>, vector<16xf32>,
    %add3A_777 = arith.addf %add3A_774, %get3A_776 : vector<16xf32>
    %swap3A_778 = arith.constant 112 : index
    %swap3A_779 = tpu.vector_load %arg15[%swap3A_778] {strides = array<i32>} : memref<640xf32, #tpu.memory_space<vmem>>, vector<16xf32>,
    tpu.vector_store %arg15[%swap3A_778], %add3A_777 {strides = array<i32>} : memref<640xf32, #tpu.memory_space<vmem>>, vector<16xf32>,
    %mul3A_780 = arith.constant 640 : i32
    %mul3A_781 = arith.muli %arg1, %mul3A_780 : i32
    %add3A_782 = arith.constant 128 : i32
    %add3A_783 = arith.addi %mul3A_781, %add3A_782 : i32
    %get3A_784 = arith.index_cast %add3A_783 : i32 to index
    %get3A_785 = tpu.vector_load %arg11[%get3A_784] {strides = array<i32>} : memref<10240xf32, #tpu.memory_space<vmem>>, vector<16xf32>,
    %mul3A_786 = arith.constant 1.100000e+00 : f32
    %mul3A_787 = vector.broadcast %mul3A_786 : f32 to vector<16xf32>
    %mul3A_788 = arith.mulf %mul3A_787, %get3A_785 : vector<16xf32>
    %get3A_789 = arith.constant 128 : index
    %get3A_790 = tpu.vector_load %arg14[%get3A_789] {strides = array<i32>} : memref<640xf32, #tpu.memory_space<vmem>>, vector<16xf32>,
    %add3A_791 = arith.addf %mul3A_788, %get3A_790 : vector<16xf32>
    %get3A_792 = arith.constant 128 : index
    %get3A_793 = tpu.vector_load %arg13[%get3A_792] {strides = array<i32>} : memref<640xf32, #tpu.memory_space<vmem>>, vector<16xf32>,
    %add3A_794 = arith.addf %add3A_791, %get3A_793 : vector<16xf32>
    %swap3A_795 = arith.constant 128 : index
    %swap3A_796 = tpu.vector_load %arg15[%swap3A_795] {strides = array<i32>} : memref<640xf32, #tpu.memory_space<vmem>>, vector<16xf32>,
    tpu.vector_store %arg15[%swap3A_795], %add3A_794 {strides = array<i32>} : memref<640xf32, #tpu.memory_space<vmem>>, vector<16xf32>,
    %mul3A_797 = arith.constant 640 : i32
    %mul3A_798 = arith.muli %arg1, %mul3A_797 : i32
    %add3A_799 = arith.constant 144 : i32
    %add3A_800 = arith.addi %mul3A_798, %add3A_799 : i32
    %get3A_801 = arith.index_cast %add3A_800 : i32 to index
    %get3A_802 = tpu.vector_load %arg11[%get3A_801] {strides = array<i32>} : memref<10240xf32, #tpu.memory_space<vmem>>, vector<16xf32>,
    %mul3A_803 = arith.constant 1.100000e+00 : f32
    %mul3A_804 = vector.broadcast %mul3A_803 : f32 to vector<16xf32>
    %mul3A_805 = arith.mulf %mul3A_804, %get3A_802 : vector<16xf32>
    %get3A_806 = arith.constant 144 : index
    %get3A_807 = tpu.vector_load %arg14[%get3A_806] {strides = array<i32>} : memref<640xf32, #tpu.memory_space<vmem>>, vector<16xf32>,
    %add3A_808 = arith.addf %mul3A_805, %get3A_807 : vector<16xf32>
    %get3A_809 = arith.constant 144 : index
    %get3A_810 = tpu.vector_load %arg13[%get3A_809] {strides = array<i32>} : memref<640xf32, #tpu.memory_space<vmem>>, vector<16xf32>,
    %add3A_811 = arith.addf %add3A_808, %get3A_810 : vector<16xf32>
    %swap3A_812 = arith.constant 144 : index
    %swap3A_813 = tpu.vector_load %arg15[%swap3A_812] {strides = array<i32>} : memref<640xf32, #tpu.memory_space<vmem>>, vector<16xf32>,
    tpu.vector_store %arg15[%swap3A_812], %add3A_811 {strides = array<i32>} : memref<640xf32, #tpu.memory_space<vmem>>, vector<16xf32>,
    %mul3A_814 = arith.constant 640 : i32
    %mul3A_815 = arith.muli %arg1, %mul3A_814 : i32
    %add3A_816 = arith.constant 160 : i32
    %add3A_817 = arith.addi %mul3A_815, %add3A_816 : i32
    %get3A_818 = arith.index_cast %add3A_817 : i32 to index
    %get3A_819 = tpu.vector_load %arg11[%get3A_818] {strides = array<i32>} : memref<10240xf32, #tpu.memory_space<vmem>>, vector<16xf32>,
    %mul3A_820 = arith.constant 1.100000e+00 : f32
    %mul3A_821 = vector.broadcast %mul3A_820 : f32 to vector<16xf32>
    %mul3A_822 = arith.mulf %mul3A_821, %get3A_819 : vector<16xf32>
    %get3A_823 = arith.constant 160 : index
    %get3A_824 = tpu.vector_load %arg14[%get3A_823] {strides = array<i32>} : memref<640xf32, #tpu.memory_space<vmem>>, vector<16xf32>,
    %add3A_825 = arith.addf %mul3A_822, %get3A_824 : vector<16xf32>
    %get3A_826 = arith.constant 160 : index
    %get3A_827 = tpu.vector_load %arg13[%get3A_826] {strides = array<i32>} : memref<640xf32, #tpu.memory_space<vmem>>, vector<16xf32>,
    %add3A_828 = arith.addf %add3A_825, %get3A_827 : vector<16xf32>
    %swap3A_829 = arith.constant 160 : index
    %swap3A_830 = tpu.vector_load %arg15[%swap3A_829] {strides = array<i32>} : memref<640xf32, #tpu.memory_space<vmem>>, vector<16xf32>,
    tpu.vector_store %arg15[%swap3A_829], %add3A_828 {strides = array<i32>} : memref<640xf32, #tpu.memory_space<vmem>>, vector<16xf32>,
    %mul3A_831 = arith.constant 640 : i32
    %mul3A_832 = arith.muli %arg1, %mul3A_831 : i32
    %add3A_833 = arith.constant 176 : i32
    %add3A_834 = arith.addi %mul3A_832, %add3A_833 : i32
    %get3A_835 = arith.index_cast %add3A_834 : i32 to index
    %get3A_836 = tpu.vector_load %arg11[%get3A_835] {strides = array<i32>} : memref<10240xf32, #tpu.memory_space<vmem>>, vector<16xf32>,
    %mul3A_837 = arith.constant 1.100000e+00 : f32
    %mul3A_838 = vector.broadcast %mul3A_837 : f32 to vector<16xf32>
    %mul3A_839 = arith.mulf %mul3A_838, %get3A_836 : vector<16xf32>
    %get3A_840 = arith.constant 176 : index
    %get3A_841 = tpu.vector_load %arg14[%get3A_840] {strides = array<i32>} : memref<640xf32, #tpu.memory_space<vmem>>, vector<16xf32>,
    %add3A_842 = arith.addf %mul3A_839, %get3A_841 : vector<16xf32>
    %get3A_843 = arith.constant 176 : index
    %get3A_844 = tpu.vector_load %arg13[%get3A_843] {strides = array<i32>} : memref<640xf32, #tpu.memory_space<vmem>>, vector<16xf32>,
    %add3A_845 = arith.addf %add3A_842, %get3A_844 : vector<16xf32>
    %swap3A_846 = arith.constant 176 : index
    %swap3A_847 = tpu.vector_load %arg15[%swap3A_846] {strides = array<i32>} : memref<640xf32, #tpu.memory_space<vmem>>, vector<16xf32>,
    tpu.vector_store %arg15[%swap3A_846], %add3A_845 {strides = array<i32>} : memref<640xf32, #tpu.memory_space<vmem>>, vector<16xf32>,
    %mul3A_848 = arith.constant 640 : i32
    %mul3A_849 = arith.muli %arg1, %mul3A_848 : i32
    %add3A_850 = arith.constant 192 : i32
    %add3A_851 = arith.addi %mul3A_849, %add3A_850 : i32
    %get3A_852 = arith.index_cast %add3A_851 : i32 to index
    %get3A_853 = tpu.vector_load %arg11[%get3A_852] {strides = array<i32>} : memref<10240xf32, #tpu.memory_space<vmem>>, vector<16xf32>,
    %mul3A_854 = arith.constant 1.100000e+00 : f32
    %mul3A_855 = vector.broadcast %mul3A_854 : f32 to vector<16xf32>
    %mul3A_856 = arith.mulf %mul3A_855, %get3A_853 : vector<16xf32>
    %get3A_857 = arith.constant 192 : index
    %get3A_858 = tpu.vector_load %arg14[%get3A_857] {strides = array<i32>} : memref<640xf32, #tpu.memory_space<vmem>>, vector<16xf32>,
    %add3A_859 = arith.addf %mul3A_856, %get3A_858 : vector<16xf32>
    %get3A_860 = arith.constant 192 : index
    %get3A_861 = tpu.vector_load %arg13[%get3A_860] {strides = array<i32>} : memref<640xf32, #tpu.memory_space<vmem>>, vector<16xf32>,
    %add3A_862 = arith.addf %add3A_859, %get3A_861 : vector<16xf32>
    %swap3A_863 = arith.constant 192 : index
    %swap3A_864 = tpu.vector_load %arg15[%swap3A_863] {strides = array<i32>} : memref<640xf32, #tpu.memory_space<vmem>>, vector<16xf32>,
    tpu.vector_store %arg15[%swap3A_863], %add3A_862 {strides = array<i32>} : memref<640xf32, #tpu.memory_space<vmem>>, vector<16xf32>,
    %mul3A_865 = arith.constant 640 : i32
    %mul3A_866 = arith.muli %arg1, %mul3A_865 : i32
    %add3A_867 = arith.constant 208 : i32
    %add3A_868 = arith.addi %mul3A_866, %add3A_867 : i32
    %get3A_869 = arith.index_cast %add3A_868 : i32 to index
    %get3A_870 = tpu.vector_load %arg11[%get3A_869] {strides = array<i32>} : memref<10240xf32, #tpu.memory_space<vmem>>, vector<16xf32>,
    %mul3A_871 = arith.constant 1.100000e+00 : f32
    %mul3A_872 = vector.broadcast %mul3A_871 : f32 to vector<16xf32>
    %mul3A_873 = arith.mulf %mul3A_872, %get3A_870 : vector<16xf32>
    %get3A_874 = arith.constant 208 : index
    %get3A_875 = tpu.vector_load %arg14[%get3A_874] {strides = array<i32>} : memref<640xf32, #tpu.memory_space<vmem>>, vector<16xf32>,
    %add3A_876 = arith.addf %mul3A_873, %get3A_875 : vector<16xf32>
    %get3A_877 = arith.constant 208 : index
    %get3A_878 = tpu.vector_load %arg13[%get3A_877] {strides = array<i32>} : memref<640xf32, #tpu.memory_space<vmem>>, vector<16xf32>,
    %add3A_879 = arith.addf %add3A_876, %get3A_878 : vector<16xf32>
    %swap3A_880 = arith.constant 208 : index
    %swap3A_881 = tpu.vector_load %arg15[%swap3A_880] {strides = array<i32>} : memref<640xf32, #tpu.memory_space<vmem>>, vector<16xf32>,
    tpu.vector_store %arg15[%swap3A_880], %add3A_879 {strides = array<i32>} : memref<640xf32, #tpu.memory_space<vmem>>, vector<16xf32>,
    %mul3A_882 = arith.constant 640 : i32
    %mul3A_883 = arith.muli %arg1, %mul3A_882 : i32
    %add3A_884 = arith.constant 224 : i32
    %add3A_885 = arith.addi %mul3A_883, %add3A_884 : i32
    %get3A_886 = arith.index_cast %add3A_885 : i32 to index
    %get3A_887 = tpu.vector_load %arg11[%get3A_886] {strides = array<i32>} : memref<10240xf32, #tpu.memory_space<vmem>>, vector<16xf32>,
    %mul3A_888 = arith.constant 1.100000e+00 : f32
    %mul3A_889 = vector.broadcast %mul3A_888 : f32 to vector<16xf32>
    %mul3A_890 = arith.mulf %mul3A_889, %get3A_887 : vector<16xf32>
    %get3A_891 = arith.constant 224 : index
    %get3A_892 = tpu.vector_load %arg14[%get3A_891] {strides = array<i32>} : memref<640xf32, #tpu.memory_space<vmem>>, vector<16xf32>,
    %add3A_893 = arith.addf %mul3A_890, %get3A_892 : vector<16xf32>
    %get3A_894 = arith.constant 224 : index
    %get3A_895 = tpu.vector_load %arg13[%get3A_894] {strides = array<i32>} : memref<640xf32, #tpu.memory_space<vmem>>, vector<16xf32>,
    %add3A_896 = arith.addf %add3A_893, %get3A_895 : vector<16xf32>
    %swap3A_897 = arith.constant 224 : index
    %swap3A_898 = tpu.vector_load %arg15[%swap3A_897] {strides = array<i32>} : memref<640xf32, #tpu.memory_space<vmem>>, vector<16xf32>,
    tpu.vector_store %arg15[%swap3A_897], %add3A_896 {strides = array<i32>} : memref<640xf32, #tpu.memory_space<vmem>>, vector<16xf32>,
    %mul3A_899 = arith.constant 640 : i32
    %mul3A_900 = arith.muli %arg1, %mul3A_899 : i32
    %add3A_901 = arith.constant 240 : i32
    %add3A_902 = arith.addi %mul3A_900, %add3A_901 : i32
    %get3A_903 = arith.index_cast %add3A_902 : i32 to index
    %get3A_904 = tpu.vector_load %arg11[%get3A_903] {strides = array<i32>} : memref<10240xf32, #tpu.memory_space<vmem>>, vector<16xf32>,
    %mul3A_905 = arith.constant 1.100000e+00 : f32
    %mul3A_906 = vector.broadcast %mul3A_905 : f32 to vector<16xf32>
    %mul3A_907 = arith.mulf %mul3A_906, %get3A_904 : vector<16xf32>
    %get3A_908 = arith.constant 240 : index
    %get3A_909 = tpu.vector_load %arg14[%get3A_908] {strides = array<i32>} : memref<640xf32, #tpu.memory_space<vmem>>, vector<16xf32>,
    %add3A_910 = arith.addf %mul3A_907, %get3A_909 : vector<16xf32>
    %get3A_911 = arith.constant 240 : index
    %get3A_912 = tpu.vector_load %arg13[%get3A_911] {strides = array<i32>} : memref<640xf32, #tpu.memory_space<vmem>>, vector<16xf32>,
    %add3A_913 = arith.addf %add3A_910, %get3A_912 : vector<16xf32>
    %swap3A_914 = arith.constant 240 : index
    %swap3A_915 = tpu.vector_load %arg15[%swap3A_914] {strides = array<i32>} : memref<640xf32, #tpu.memory_space<vmem>>, vector<16xf32>,
    tpu.vector_store %arg15[%swap3A_914], %add3A_913 {strides = array<i32>} : memref<640xf32, #tpu.memory_space<vmem>>, vector<16xf32>,
    %mul3A_916 = arith.constant 640 : i32
    %mul3A_917 = arith.muli %arg1, %mul3A_916 : i32
    %add3A_918 = arith.constant 256 : i32
    %add3A_919 = arith.addi %mul3A_917, %add3A_918 : i32
    %get3A_920 = arith.index_cast %add3A_919 : i32 to index
    %get3A_921 = tpu.vector_load %arg11[%get3A_920] {strides = array<i32>} : memref<10240xf32, #tpu.memory_space<vmem>>, vector<16xf32>,
    %mul3A_922 = arith.constant 1.100000e+00 : f32
    %mul3A_923 = vector.broadcast %mul3A_922 : f32 to vector<16xf32>
    %mul3A_924 = arith.mulf %mul3A_923, %get3A_921 : vector<16xf32>
    %get3A_925 = arith.constant 256 : index
    %get3A_926 = tpu.vector_load %arg14[%get3A_925] {strides = array<i32>} : memref<640xf32, #tpu.memory_space<vmem>>, vector<16xf32>,
    %add3A_927 = arith.addf %mul3A_924, %get3A_926 : vector<16xf32>
    %get3A_928 = arith.constant 256 : index
    %get3A_929 = tpu.vector_load %arg13[%get3A_928] {strides = array<i32>} : memref<640xf32, #tpu.memory_space<vmem>>, vector<16xf32>,
    %add3A_930 = arith.addf %add3A_927, %get3A_929 : vector<16xf32>
    %swap3A_931 = arith.constant 256 : index
    %swap3A_932 = tpu.vector_load %arg15[%swap3A_931] {strides = array<i32>} : memref<640xf32, #tpu.memory_space<vmem>>, vector<16xf32>,
    tpu.vector_store %arg15[%swap3A_931], %add3A_930 {strides = array<i32>} : memref<640xf32, #tpu.memory_space<vmem>>, vector<16xf32>,
    %mul3A_933 = arith.constant 640 : i32
    %mul3A_934 = arith.muli %arg1, %mul3A_933 : i32
    %add3A_935 = arith.constant 272 : i32
    %add3A_936 = arith.addi %mul3A_934, %add3A_935 : i32
    %get3A_937 = arith.index_cast %add3A_936 : i32 to index
    %get3A_938 = tpu.vector_load %arg11[%get3A_937] {strides = array<i32>} : memref<10240xf32, #tpu.memory_space<vmem>>, vector<16xf32>,
    %mul3A_939 = arith.constant 1.100000e+00 : f32
    %mul3A_940 = vector.broadcast %mul3A_939 : f32 to vector<16xf32>
    %mul3A_941 = arith.mulf %mul3A_940, %get3A_938 : vector<16xf32>
    %get3A_942 = arith.constant 272 : index
    %get3A_943 = tpu.vector_load %arg14[%get3A_942] {strides = array<i32>} : memref<640xf32, #tpu.memory_space<vmem>>, vector<16xf32>,
    %add3A_944 = arith.addf %mul3A_941, %get3A_943 : vector<16xf32>
    %get3A_945 = arith.constant 272 : index
    %get3A_946 = tpu.vector_load %arg13[%get3A_945] {strides = array<i32>} : memref<640xf32, #tpu.memory_space<vmem>>, vector<16xf32>,
    %add3A_947 = arith.addf %add3A_944, %get3A_946 : vector<16xf32>
    %swap3A_948 = arith.constant 272 : index
    %swap3A_949 = tpu.vector_load %arg15[%swap3A_948] {strides = array<i32>} : memref<640xf32, #tpu.memory_space<vmem>>, vector<16xf32>,
    tpu.vector_store %arg15[%swap3A_948], %add3A_947 {strides = array<i32>} : memref<640xf32, #tpu.memory_space<vmem>>, vector<16xf32>,
    %mul3A_950 = arith.constant 640 : i32
    %mul3A_951 = arith.muli %arg1, %mul3A_950 : i32
    %add3A_952 = arith.constant 288 : i32
    %add3A_953 = arith.addi %mul3A_951, %add3A_952 : i32
    %get3A_954 = arith.index_cast %add3A_953 : i32 to index
    %get3A_955 = tpu.vector_load %arg11[%get3A_954] {strides = array<i32>} : memref<10240xf32, #tpu.memory_space<vmem>>, vector<16xf32>,
    %mul3A_956 = arith.constant 1.100000e+00 : f32
    %mul3A_957 = vector.broadcast %mul3A_956 : f32 to vector<16xf32>
    %mul3A_958 = arith.mulf %mul3A_957, %get3A_955 : vector<16xf32>
    %get3A_959 = arith.constant 288 : index
    %get3A_960 = tpu.vector_load %arg14[%get3A_959] {strides = array<i32>} : memref<640xf32, #tpu.memory_space<vmem>>, vector<16xf32>,
    %add3A_961 = arith.addf %mul3A_958, %get3A_960 : vector<16xf32>
    %get3A_962 = arith.constant 288 : index
    %get3A_963 = tpu.vector_load %arg13[%get3A_962] {strides = array<i32>} : memref<640xf32, #tpu.memory_space<vmem>>, vector<16xf32>,
    %add3A_964 = arith.addf %add3A_961, %get3A_963 : vector<16xf32>
    %swap3A_965 = arith.constant 288 : index
    %swap3A_966 = tpu.vector_load %arg15[%swap3A_965] {strides = array<i32>} : memref<640xf32, #tpu.memory_space<vmem>>, vector<16xf32>,
    tpu.vector_store %arg15[%swap3A_965], %add3A_964 {strides = array<i32>} : memref<640xf32, #tpu.memory_space<vmem>>, vector<16xf32>,
    %mul3A_967 = arith.constant 640 : i32
    %mul3A_968 = arith.muli %arg1, %mul3A_967 : i32
    %add3A_969 = arith.constant 304 : i32
    %add3A_970 = arith.addi %mul3A_968, %add3A_969 : i32
    %get3A_971 = arith.index_cast %add3A_970 : i32 to index
    %get3A_972 = tpu.vector_load %arg11[%get3A_971] {strides = array<i32>} : memref<10240xf32, #tpu.memory_space<vmem>>, vector<16xf32>,
    %mul3A_973 = arith.constant 1.100000e+00 : f32
    %mul3A_974 = vector.broadcast %mul3A_973 : f32 to vector<16xf32>
    %mul3A_975 = arith.mulf %mul3A_974, %get3A_972 : vector<16xf32>
    %get3A_976 = arith.constant 304 : index
    %get3A_977 = tpu.vector_load %arg14[%get3A_976] {strides = array<i32>} : memref<640xf32, #tpu.memory_space<vmem>>, vector<16xf32>,
    %add3A_978 = arith.addf %mul3A_975, %get3A_977 : vector<16xf32>
    %get3A_979 = arith.constant 304 : index
    %get3A_980 = tpu.vector_load %arg13[%get3A_979] {strides = array<i32>} : memref<640xf32, #tpu.memory_space<vmem>>, vector<16xf32>,
    %add3A_981 = arith.addf %add3A_978, %get3A_980 : vector<16xf32>
    %swap3A_982 = arith.constant 304 : index
    %swap3A_983 = tpu.vector_load %arg15[%swap3A_982] {strides = array<i32>} : memref<640xf32, #tpu.memory_space<vmem>>, vector<16xf32>,
    tpu.vector_store %arg15[%swap3A_982], %add3A_981 {strides = array<i32>} : memref<640xf32, #tpu.memory_space<vmem>>, vector<16xf32>,
    %mul3A_984 = arith.constant 640 : i32
    %mul3A_985 = arith.muli %arg1, %mul3A_984 : i32
    %add3A_986 = arith.constant 320 : i32
    %add3A_987 = arith.addi %mul3A_985, %add3A_986 : i32
    %get3A_988 = arith.index_cast %add3A_987 : i32 to index
    %get3A_989 = tpu.vector_load %arg11[%get3A_988] {strides = array<i32>} : memref<10240xf32, #tpu.memory_space<vmem>>, vector<16xf32>,
    %mul3A_990 = arith.constant 1.100000e+00 : f32
    %mul3A_991 = vector.broadcast %mul3A_990 : f32 to vector<16xf32>
    %mul3A_992 = arith.mulf %mul3A_991, %get3A_989 : vector<16xf32>
    %get3A_993 = arith.constant 320 : index
    %get3A_994 = tpu.vector_load %arg14[%get3A_993] {strides = array<i32>} : memref<640xf32, #tpu.memory_space<vmem>>, vector<16xf32>,
    %add3A_995 = arith.addf %mul3A_992, %get3A_994 : vector<16xf32>
    %get3A_996 = arith.constant 320 : index
    %get3A_997 = tpu.vector_load %arg13[%get3A_996] {strides = array<i32>} : memref<640xf32, #tpu.memory_space<vmem>>, vector<16xf32>,
    %add3A_998 = arith.addf %add3A_995, %get3A_997 : vector<16xf32>
    %swap3A_999 = arith.constant 320 : index
    %swap3A_1000 = tpu.vector_load %arg15[%swap3A_999] {strides = array<i32>} : memref<640xf32, #tpu.memory_space<vmem>>, vector<16xf32>,
    tpu.vector_store %arg15[%swap3A_999], %add3A_998 {strides = array<i32>} : memref<640xf32, #tpu.memory_space<vmem>>, vector<16xf32>,
    %mul3A_1001 = arith.constant 640 : i32
    %mul3A_1002 = arith.muli %arg1, %mul3A_1001 : i32
    %add3A_1003 = arith.constant 336 : i32
    %add3A_1004 = arith.addi %mul3A_1002, %add3A_1003 : i32
    %get3A_1005 = arith.index_cast %add3A_1004 : i32 to index
    %get3A_1006 = tpu.vector_load %arg11[%get3A_1005] {strides = array<i32>} : memref<10240xf32, #tpu.memory_space<vmem>>, vector<16xf32>,
    %mul3A_1007 = arith.constant 1.100000e+00 : f32
    %mul3A_1008 = vector.broadcast %mul3A_1007 : f32 to vector<16xf32>
    %mul3A_1009 = arith.mulf %mul3A_1008, %get3A_1006 : vector<16xf32>
    %get3A_1010 = arith.constant 336 : index
    %get3A_1011 = tpu.vector_load %arg14[%get3A_1010] {strides = array<i32>} : memref<640xf32, #tpu.memory_space<vmem>>, vector<16xf32>,
    %add3A_1012 = arith.addf %mul3A_1009, %get3A_1011 : vector<16xf32>
    %get3A_1013 = arith.constant 336 : index
    %get3A_1014 = tpu.vector_load %arg13[%get3A_1013] {strides = array<i32>} : memref<640xf32, #tpu.memory_space<vmem>>, vector<16xf32>,
    %add3A_1015 = arith.addf %add3A_1012, %get3A_1014 : vector<16xf32>
    %swap3A_1016 = arith.constant 336 : index
    %swap3A_1017 = tpu.vector_load %arg15[%swap3A_1016] {strides = array<i32>} : memref<640xf32, #tpu.memory_space<vmem>>, vector<16xf32>,
    tpu.vector_store %arg15[%swap3A_1016], %add3A_1015 {strides = array<i32>} : memref<640xf32, #tpu.memory_space<vmem>>, vector<16xf32>,
    %mul3A_1018 = arith.constant 640 : i32
    %mul3A_1019 = arith.muli %arg1, %mul3A_1018 : i32
    %add3A_1020 = arith.constant 352 : i32
    %add3A_1021 = arith.addi %mul3A_1019, %add3A_1020 : i32
    %get3A_1022 = arith.index_cast %add3A_1021 : i32 to index
    %get3A_1023 = tpu.vector_load %arg11[%get3A_1022] {strides = array<i32>} : memref<10240xf32, #tpu.memory_space<vmem>>, vector<16xf32>,
    %mul3A_1024 = arith.constant 1.100000e+00 : f32
    %mul3A_1025 = vector.broadcast %mul3A_1024 : f32 to vector<16xf32>
    %mul3A_1026 = arith.mulf %mul3A_1025, %get3A_1023 : vector<16xf32>
    %get3A_1027 = arith.constant 352 : index
    %get3A_1028 = tpu.vector_load %arg14[%get3A_1027] {strides = array<i32>} : memref<640xf32, #tpu.memory_space<vmem>>, vector<16xf32>,
    %add3A_1029 = arith.addf %mul3A_1026, %get3A_1028 : vector<16xf32>
    %get3A_1030 = arith.constant 352 : index
    %get3A_1031 = tpu.vector_load %arg13[%get3A_1030] {strides = array<i32>} : memref<640xf32, #tpu.memory_space<vmem>>, vector<16xf32>,
    %add3A_1032 = arith.addf %add3A_1029, %get3A_1031 : vector<16xf32>
    %swap3A_1033 = arith.constant 352 : index
    %swap3A_1034 = tpu.vector_load %arg15[%swap3A_1033] {strides = array<i32>} : memref<640xf32, #tpu.memory_space<vmem>>, vector<16xf32>,
    tpu.vector_store %arg15[%swap3A_1033], %add3A_1032 {strides = array<i32>} : memref<640xf32, #tpu.memory_space<vmem>>, vector<16xf32>,
    %mul3A_1035 = arith.constant 640 : i32
    %mul3A_1036 = arith.muli %arg1, %mul3A_1035 : i32
    %add3A_1037 = arith.constant 368 : i32
    %add3A_1038 = arith.addi %mul3A_1036, %add3A_1037 : i32
    %get3A_1039 = arith.index_cast %add3A_1038 : i32 to index
    %get3A_1040 = tpu.vector_load %arg11[%get3A_1039] {strides = array<i32>} : memref<10240xf32, #tpu.memory_space<vmem>>, vector<16xf32>,
    %mul3A_1041 = arith.constant 1.100000e+00 : f32
    %mul3A_1042 = vector.broadcast %mul3A_1041 : f32 to vector<16xf32>
    %mul3A_1043 = arith.mulf %mul3A_1042, %get3A_1040 : vector<16xf32>
    %get3A_1044 = arith.constant 368 : index
    %get3A_1045 = tpu.vector_load %arg14[%get3A_1044] {strides = array<i32>} : memref<640xf32, #tpu.memory_space<vmem>>, vector<16xf32>,
    %add3A_1046 = arith.addf %mul3A_1043, %get3A_1045 : vector<16xf32>
    %get3A_1047 = arith.constant 368 : index
    %get3A_1048 = tpu.vector_load %arg13[%get3A_1047] {strides = array<i32>} : memref<640xf32, #tpu.memory_space<vmem>>, vector<16xf32>,
    %add3A_1049 = arith.addf %add3A_1046, %get3A_1048 : vector<16xf32>
    %swap3A_1050 = arith.constant 368 : index
    %swap3A_1051 = tpu.vector_load %arg15[%swap3A_1050] {strides = array<i32>} : memref<640xf32, #tpu.memory_space<vmem>>, vector<16xf32>,
    tpu.vector_store %arg15[%swap3A_1050], %add3A_1049 {strides = array<i32>} : memref<640xf32, #tpu.memory_space<vmem>>, vector<16xf32>,
    %mul3A_1052 = arith.constant 640 : i32
    %mul3A_1053 = arith.muli %arg1, %mul3A_1052 : i32
    %add3A_1054 = arith.constant 384 : i32
    %add3A_1055 = arith.addi %mul3A_1053, %add3A_1054 : i32
    %get3A_1056 = arith.index_cast %add3A_1055 : i32 to index
    %get3A_1057 = tpu.vector_load %arg11[%get3A_1056] {strides = array<i32>} : memref<10240xf32, #tpu.memory_space<vmem>>, vector<16xf32>,
    %mul3A_1058 = arith.constant 1.100000e+00 : f32
    %mul3A_1059 = vector.broadcast %mul3A_1058 : f32 to vector<16xf32>
    %mul3A_1060 = arith.mulf %mul3A_1059, %get3A_1057 : vector<16xf32>
    %get3A_1061 = arith.constant 384 : index
    %get3A_1062 = tpu.vector_load %arg14[%get3A_1061] {strides = array<i32>} : memref<640xf32, #tpu.memory_space<vmem>>, vector<16xf32>,
    %add3A_1063 = arith.addf %mul3A_1060, %get3A_1062 : vector<16xf32>
    %get3A_1064 = arith.constant 384 : index
    %get3A_1065 = tpu.vector_load %arg13[%get3A_1064] {strides = array<i32>} : memref<640xf32, #tpu.memory_space<vmem>>, vector<16xf32>,
    %add3A_1066 = arith.addf %add3A_1063, %get3A_1065 : vector<16xf32>
    %swap3A_1067 = arith.constant 384 : index
    %swap3A_1068 = tpu.vector_load %arg15[%swap3A_1067] {strides = array<i32>} : memref<640xf32, #tpu.memory_space<vmem>>, vector<16xf32>,
    tpu.vector_store %arg15[%swap3A_1067], %add3A_1066 {strides = array<i32>} : memref<640xf32, #tpu.memory_space<vmem>>, vector<16xf32>,
    %mul3A_1069 = arith.constant 640 : i32
    %mul3A_1070 = arith.muli %arg1, %mul3A_1069 : i32
    %add3A_1071 = arith.constant 400 : i32
    %add3A_1072 = arith.addi %mul3A_1070, %add3A_1071 : i32
    %get3A_1073 = arith.index_cast %add3A_1072 : i32 to index
    %get3A_1074 = tpu.vector_load %arg11[%get3A_1073] {strides = array<i32>} : memref<10240xf32, #tpu.memory_space<vmem>>, vector<16xf32>,
    %mul3A_1075 = arith.constant 1.100000e+00 : f32
    %mul3A_1076 = vector.broadcast %mul3A_1075 : f32 to vector<16xf32>
    %mul3A_1077 = arith.mulf %mul3A_1076, %get3A_1074 : vector<16xf32>
    %get3A_1078 = arith.constant 400 : index
    %get3A_1079 = tpu.vector_load %arg14[%get3A_1078] {strides = array<i32>} : memref<640xf32, #tpu.memory_space<vmem>>, vector<16xf32>,
    %add3A_1080 = arith.addf %mul3A_1077, %get3A_1079 : vector<16xf32>
    %get3A_1081 = arith.constant 400 : index
    %get3A_1082 = tpu.vector_load %arg13[%get3A_1081] {strides = array<i32>} : memref<640xf32, #tpu.memory_space<vmem>>, vector<16xf32>,
    %add3A_1083 = arith.addf %add3A_1080, %get3A_1082 : vector<16xf32>
    %swap3A_1084 = arith.constant 400 : index
    %swap3A_1085 = tpu.vector_load %arg15[%swap3A_1084] {strides = array<i32>} : memref<640xf32, #tpu.memory_space<vmem>>, vector<16xf32>,
    tpu.vector_store %arg15[%swap3A_1084], %add3A_1083 {strides = array<i32>} : memref<640xf32, #tpu.memory_space<vmem>>, vector<16xf32>,
    %mul3A_1086 = arith.constant 640 : i32
    %mul3A_1087 = arith.muli %arg1, %mul3A_1086 : i32
    %add3A_1088 = arith.constant 416 : i32
    %add3A_1089 = arith.addi %mul3A_1087, %add3A_1088 : i32
    %get3A_1090 = arith.index_cast %add3A_1089 : i32 to index
    %get3A_1091 = tpu.vector_load %arg11[%get3A_1090] {strides = array<i32>} : memref<10240xf32, #tpu.memory_space<vmem>>, vector<16xf32>,
    %mul3A_1092 = arith.constant 1.100000e+00 : f32
    %mul3A_1093 = vector.broadcast %mul3A_1092 : f32 to vector<16xf32>
    %mul3A_1094 = arith.mulf %mul3A_1093, %get3A_1091 : vector<16xf32>
    %get3A_1095 = arith.constant 416 : index
    %get3A_1096 = tpu.vector_load %arg14[%get3A_1095] {strides = array<i32>} : memref<640xf32, #tpu.memory_space<vmem>>, vector<16xf32>,
    %add3A_1097 = arith.addf %mul3A_1094, %get3A_1096 : vector<16xf32>
    %get3A_1098 = arith.constant 416 : index
    %get3A_1099 = tpu.vector_load %arg13[%get3A_1098] {strides = array<i32>} : memref<640xf32, #tpu.memory_space<vmem>>, vector<16xf32>,
    %add3A_1100 = arith.addf %add3A_1097, %get3A_1099 : vector<16xf32>
    %swap3A_1101 = arith.constant 416 : index
    %swap3A_1102 = tpu.vector_load %arg15[%swap3A_1101] {strides = array<i32>} : memref<640xf32, #tpu.memory_space<vmem>>, vector<16xf32>,
    tpu.vector_store %arg15[%swap3A_1101], %add3A_1100 {strides = array<i32>} : memref<640xf32, #tpu.memory_space<vmem>>, vector<16xf32>,
    %mul3A_1103 = arith.constant 640 : i32
    %mul3A_1104 = arith.muli %arg1, %mul3A_1103 : i32
    %add3A_1105 = arith.constant 432 : i32
    %add3A_1106 = arith.addi %mul3A_1104, %add3A_1105 : i32
    %get3A_1107 = arith.index_cast %add3A_1106 : i32 to index
    %get3A_1108 = tpu.vector_load %arg11[%get3A_1107] {strides = array<i32>} : memref<10240xf32, #tpu.memory_space<vmem>>, vector<16xf32>,
    %mul3A_1109 = arith.constant 1.100000e+00 : f32
    %mul3A_1110 = vector.broadcast %mul3A_1109 : f32 to vector<16xf32>
    %mul3A_1111 = arith.mulf %mul3A_1110, %get3A_1108 : vector<16xf32>
    %get3A_1112 = arith.constant 432 : index
    %get3A_1113 = tpu.vector_load %arg14[%get3A_1112] {strides = array<i32>} : memref<640xf32, #tpu.memory_space<vmem>>, vector<16xf32>,
    %add3A_1114 = arith.addf %mul3A_1111, %get3A_1113 : vector<16xf32>
    %get3A_1115 = arith.constant 432 : index
    %get3A_1116 = tpu.vector_load %arg13[%get3A_1115] {strides = array<i32>} : memref<640xf32, #tpu.memory_space<vmem>>, vector<16xf32>,
    %add3A_1117 = arith.addf %add3A_1114, %get3A_1116 : vector<16xf32>
    %swap3A_1118 = arith.constant 432 : index
    %swap3A_1119 = tpu.vector_load %arg15[%swap3A_1118] {strides = array<i32>} : memref<640xf32, #tpu.memory_space<vmem>>, vector<16xf32>,
    tpu.vector_store %arg15[%swap3A_1118], %add3A_1117 {strides = array<i32>} : memref<640xf32, #tpu.memory_space<vmem>>, vector<16xf32>,
    %mul3A_1120 = arith.constant 640 : i32
    %mul3A_1121 = arith.muli %arg1, %mul3A_1120 : i32
    %add3A_1122 = arith.constant 448 : i32
    %add3A_1123 = arith.addi %mul3A_1121, %add3A_1122 : i32
    %get3A_1124 = arith.index_cast %add3A_1123 : i32 to index
    %get3A_1125 = tpu.vector_load %arg11[%get3A_1124] {strides = array<i32>} : memref<10240xf32, #tpu.memory_space<vmem>>, vector<16xf32>,
    %mul3A_1126 = arith.constant 1.100000e+00 : f32
    %mul3A_1127 = vector.broadcast %mul3A_1126 : f32 to vector<16xf32>
    %mul3A_1128 = arith.mulf %mul3A_1127, %get3A_1125 : vector<16xf32>
    %get3A_1129 = arith.constant 448 : index
    %get3A_1130 = tpu.vector_load %arg14[%get3A_1129] {strides = array<i32>} : memref<640xf32, #tpu.memory_space<vmem>>, vector<16xf32>,
    %add3A_1131 = arith.addf %mul3A_1128, %get3A_1130 : vector<16xf32>
    %get3A_1132 = arith.constant 448 : index
    %get3A_1133 = tpu.vector_load %arg13[%get3A_1132] {strides = array<i32>} : memref<640xf32, #tpu.memory_space<vmem>>, vector<16xf32>,
    %add3A_1134 = arith.addf %add3A_1131, %get3A_1133 : vector<16xf32>
    %swap3A_1135 = arith.constant 448 : index
    %swap3A_1136 = tpu.vector_load %arg15[%swap3A_1135] {strides = array<i32>} : memref<640xf32, #tpu.memory_space<vmem>>, vector<16xf32>,
    tpu.vector_store %arg15[%swap3A_1135], %add3A_1134 {strides = array<i32>} : memref<640xf32, #tpu.memory_space<vmem>>, vector<16xf32>,
    %mul3A_1137 = arith.constant 640 : i32
    %mul3A_1138 = arith.muli %arg1, %mul3A_1137 : i32
    %add3A_1139 = arith.constant 464 : i32
    %add3A_1140 = arith.addi %mul3A_1138, %add3A_1139 : i32
    %get3A_1141 = arith.index_cast %add3A_1140 : i32 to index
    %get3A_1142 = tpu.vector_load %arg11[%get3A_1141] {strides = array<i32>} : memref<10240xf32, #tpu.memory_space<vmem>>, vector<16xf32>,
    %mul3A_1143 = arith.constant 1.100000e+00 : f32
    %mul3A_1144 = vector.broadcast %mul3A_1143 : f32 to vector<16xf32>
    %mul3A_1145 = arith.mulf %mul3A_1144, %get3A_1142 : vector<16xf32>
    %get3A_1146 = arith.constant 464 : index
    %get3A_1147 = tpu.vector_load %arg14[%get3A_1146] {strides = array<i32>} : memref<640xf32, #tpu.memory_space<vmem>>, vector<16xf32>,
    %add3A_1148 = arith.addf %mul3A_1145, %get3A_1147 : vector<16xf32>
    %get3A_1149 = arith.constant 464 : index
    %get3A_1150 = tpu.vector_load %arg13[%get3A_1149] {strides = array<i32>} : memref<640xf32, #tpu.memory_space<vmem>>, vector<16xf32>,
    %add3A_1151 = arith.addf %add3A_1148, %get3A_1150 : vector<16xf32>
    %swap3A_1152 = arith.constant 464 : index
    %swap3A_1153 = tpu.vector_load %arg15[%swap3A_1152] {strides = array<i32>} : memref<640xf32, #tpu.memory_space<vmem>>, vector<16xf32>,
    tpu.vector_store %arg15[%swap3A_1152], %add3A_1151 {strides = array<i32>} : memref<640xf32, #tpu.memory_space<vmem>>, vector<16xf32>,
    %mul3A_1154 = arith.constant 640 : i32
    %mul3A_1155 = arith.muli %arg1, %mul3A_1154 : i32
    %add3A_1156 = arith.constant 480 : i32
    %add3A_1157 = arith.addi %mul3A_1155, %add3A_1156 : i32
    %get3A_1158 = arith.index_cast %add3A_1157 : i32 to index
    %get3A_1159 = tpu.vector_load %arg11[%get3A_1158] {strides = array<i32>} : memref<10240xf32, #tpu.memory_space<vmem>>, vector<16xf32>,
    %mul3A_1160 = arith.constant 1.100000e+00 : f32
    %mul3A_1161 = vector.broadcast %mul3A_1160 : f32 to vector<16xf32>
    %mul3A_1162 = arith.mulf %mul3A_1161, %get3A_1159 : vector<16xf32>
    %get3A_1163 = arith.constant 480 : index
    %get3A_1164 = tpu.vector_load %arg14[%get3A_1163] {strides = array<i32>} : memref<640xf32, #tpu.memory_space<vmem>>, vector<16xf32>,
    %add3A_1165 = arith.addf %mul3A_1162, %get3A_1164 : vector<16xf32>
    %get3A_1166 = arith.constant 480 : index
    %get3A_1167 = tpu.vector_load %arg13[%get3A_1166] {strides = array<i32>} : memref<640xf32, #tpu.memory_space<vmem>>, vector<16xf32>,
    %add3A_1168 = arith.addf %add3A_1165, %get3A_1167 : vector<16xf32>
    %swap3A_1169 = arith.constant 480 : index
    %swap3A_1170 = tpu.vector_load %arg15[%swap3A_1169] {strides = array<i32>} : memref<640xf32, #tpu.memory_space<vmem>>, vector<16xf32>,
    tpu.vector_store %arg15[%swap3A_1169], %add3A_1168 {strides = array<i32>} : memref<640xf32, #tpu.memory_space<vmem>>, vector<16xf32>,
    %mul3A_1171 = arith.constant 640 : i32
    %mul3A_1172 = arith.muli %arg1, %mul3A_1171 : i32
    %add3A_1173 = arith.constant 496 : i32
    %add3A_1174 = arith.addi %mul3A_1172, %add3A_1173 : i32
    %get3A_1175 = arith.index_cast %add3A_1174 : i32 to index
    %get3A_1176 = tpu.vector_load %arg11[%get3A_1175] {strides = array<i32>} : memref<10240xf32, #tpu.memory_space<vmem>>, vector<16xf32>,
    %mul3A_1177 = arith.constant 1.100000e+00 : f32
    %mul3A_1178 = vector.broadcast %mul3A_1177 : f32 to vector<16xf32>
    %mul3A_1179 = arith.mulf %mul3A_1178, %get3A_1176 : vector<16xf32>
    %get3A_1180 = arith.constant 496 : index
    %get3A_1181 = tpu.vector_load %arg14[%get3A_1180] {strides = array<i32>} : memref<640xf32, #tpu.memory_space<vmem>>, vector<16xf32>,
    %add3A_1182 = arith.addf %mul3A_1179, %get3A_1181 : vector<16xf32>
    %get3A_1183 = arith.constant 496 : index
    %get3A_1184 = tpu.vector_load %arg13[%get3A_1183] {strides = array<i32>} : memref<640xf32, #tpu.memory_space<vmem>>, vector<16xf32>,
    %add3A_1185 = arith.addf %add3A_1182, %get3A_1184 : vector<16xf32>
    %swap3A_1186 = arith.constant 496 : index
    %swap3A_1187 = tpu.vector_load %arg15[%swap3A_1186] {strides = array<i32>} : memref<640xf32, #tpu.memory_space<vmem>>, vector<16xf32>,
    tpu.vector_store %arg15[%swap3A_1186], %add3A_1185 {strides = array<i32>} : memref<640xf32, #tpu.memory_space<vmem>>, vector<16xf32>,
    %mul3A_1188 = arith.constant 640 : i32
    %mul3A_1189 = arith.muli %arg1, %mul3A_1188 : i32
    %add3A_1190 = arith.constant 512 : i32
    %add3A_1191 = arith.addi %mul3A_1189, %add3A_1190 : i32
    %get3A_1192 = arith.index_cast %add3A_1191 : i32 to index
    %get3A_1193 = tpu.vector_load %arg11[%get3A_1192] {strides = array<i32>} : memref<10240xf32, #tpu.memory_space<vmem>>, vector<16xf32>,
    %mul3A_1194 = arith.constant 1.100000e+00 : f32
    %mul3A_1195 = vector.broadcast %mul3A_1194 : f32 to vector<16xf32>
    %mul3A_1196 = arith.mulf %mul3A_1195, %get3A_1193 : vector<16xf32>
    %get3A_1197 = arith.constant 512 : index
    %get3A_1198 = tpu.vector_load %arg14[%get3A_1197] {strides = array<i32>} : memref<640xf32, #tpu.memory_space<vmem>>, vector<16xf32>,
    %add3A_1199 = arith.addf %mul3A_1196, %get3A_1198 : vector<16xf32>
    %get3A_1200 = arith.constant 512 : index
    %get3A_1201 = tpu.vector_load %arg13[%get3A_1200] {strides = array<i32>} : memref<640xf32, #tpu.memory_space<vmem>>, vector<16xf32>,
    %add3A_1202 = arith.addf %add3A_1199, %get3A_1201 : vector<16xf32>
    %swap3A_1203 = arith.constant 512 : index
    %swap3A_1204 = tpu.vector_load %arg15[%swap3A_1203] {strides = array<i32>} : memref<640xf32, #tpu.memory_space<vmem>>, vector<16xf32>,
    tpu.vector_store %arg15[%swap3A_1203], %add3A_1202 {strides = array<i32>} : memref<640xf32, #tpu.memory_space<vmem>>, vector<16xf32>,
    %mul3A_1205 = arith.constant 640 : i32
    %mul3A_1206 = arith.muli %arg1, %mul3A_1205 : i32
    %add3A_1207 = arith.constant 528 : i32
    %add3A_1208 = arith.addi %mul3A_1206, %add3A_1207 : i32
    %get3A_1209 = arith.index_cast %add3A_1208 : i32 to index
    %get3A_1210 = tpu.vector_load %arg11[%get3A_1209] {strides = array<i32>} : memref<10240xf32, #tpu.memory_space<vmem>>, vector<16xf32>,
    %mul3A_1211 = arith.constant 1.100000e+00 : f32
    %mul3A_1212 = vector.broadcast %mul3A_1211 : f32 to vector<16xf32>
    %mul3A_1213 = arith.mulf %mul3A_1212, %get3A_1210 : vector<16xf32>
    %get3A_1214 = arith.constant 528 : index
    %get3A_1215 = tpu.vector_load %arg14[%get3A_1214] {strides = array<i32>} : memref<640xf32, #tpu.memory_space<vmem>>, vector<16xf32>,
    %add3A_1216 = arith.addf %mul3A_1213, %get3A_1215 : vector<16xf32>
    %get3A_1217 = arith.constant 528 : index
    %get3A_1218 = tpu.vector_load %arg13[%get3A_1217] {strides = array<i32>} : memref<640xf32, #tpu.memory_space<vmem>>, vector<16xf32>,
    %add3A_1219 = arith.addf %add3A_1216, %get3A_1218 : vector<16xf32>
    %swap3A_1220 = arith.constant 528 : index
    %swap3A_1221 = tpu.vector_load %arg15[%swap3A_1220] {strides = array<i32>} : memref<640xf32, #tpu.memory_space<vmem>>, vector<16xf32>,
    tpu.vector_store %arg15[%swap3A_1220], %add3A_1219 {strides = array<i32>} : memref<640xf32, #tpu.memory_space<vmem>>, vector<16xf32>,
    %mul3A_1222 = arith.constant 640 : i32
    %mul3A_1223 = arith.muli %arg1, %mul3A_1222 : i32
    %add3A_1224 = arith.constant 544 : i32
    %add3A_1225 = arith.addi %mul3A_1223, %add3A_1224 : i32
    %get3A_1226 = arith.index_cast %add3A_1225 : i32 to index
    %get3A_1227 = tpu.vector_load %arg11[%get3A_1226] {strides = array<i32>} : memref<10240xf32, #tpu.memory_space<vmem>>, vector<16xf32>,
    %mul3A_1228 = arith.constant 1.100000e+00 : f32
    %mul3A_1229 = vector.broadcast %mul3A_1228 : f32 to vector<16xf32>
    %mul3A_1230 = arith.mulf %mul3A_1229, %get3A_1227 : vector<16xf32>
    %get3A_1231 = arith.constant 544 : index
    %get3A_1232 = tpu.vector_load %arg14[%get3A_1231] {strides = array<i32>} : memref<640xf32, #tpu.memory_space<vmem>>, vector<16xf32>,
    %add3A_1233 = arith.addf %mul3A_1230, %get3A_1232 : vector<16xf32>
    %get3A_1234 = arith.constant 544 : index
    %get3A_1235 = tpu.vector_load %arg13[%get3A_1234] {strides = array<i32>} : memref<640xf32, #tpu.memory_space<vmem>>, vector<16xf32>,
    %add3A_1236 = arith.addf %add3A_1233, %get3A_1235 : vector<16xf32>
    %swap3A_1237 = arith.constant 544 : index
    %swap3A_1238 = tpu.vector_load %arg15[%swap3A_1237] {strides = array<i32>} : memref<640xf32, #tpu.memory_space<vmem>>, vector<16xf32>,
    tpu.vector_store %arg15[%swap3A_1237], %add3A_1236 {strides = array<i32>} : memref<640xf32, #tpu.memory_space<vmem>>, vector<16xf32>,
    %mul3A_1239 = arith.constant 640 : i32
    %mul3A_1240 = arith.muli %arg1, %mul3A_1239 : i32
    %add3A_1241 = arith.constant 560 : i32
    %add3A_1242 = arith.addi %mul3A_1240, %add3A_1241 : i32
    %get3A_1243 = arith.index_cast %add3A_1242 : i32 to index
    %get3A_1244 = tpu.vector_load %arg11[%get3A_1243] {strides = array<i32>} : memref<10240xf32, #tpu.memory_space<vmem>>, vector<16xf32>,
    %mul3A_1245 = arith.constant 1.100000e+00 : f32
    %mul3A_1246 = vector.broadcast %mul3A_1245 : f32 to vector<16xf32>
    %mul3A_1247 = arith.mulf %mul3A_1246, %get3A_1244 : vector<16xf32>
    %get3A_1248 = arith.constant 560 : index
    %get3A_1249 = tpu.vector_load %arg14[%get3A_1248] {strides = array<i32>} : memref<640xf32, #tpu.memory_space<vmem>>, vector<16xf32>,
    %add3A_1250 = arith.addf %mul3A_1247, %get3A_1249 : vector<16xf32>
    %get3A_1251 = arith.constant 560 : index
    %get3A_1252 = tpu.vector_load %arg13[%get3A_1251] {strides = array<i32>} : memref<640xf32, #tpu.memory_space<vmem>>, vector<16xf32>,
    %add3A_1253 = arith.addf %add3A_1250, %get3A_1252 : vector<16xf32>
    %swap3A_1254 = arith.constant 560 : index
    %swap3A_1255 = tpu.vector_load %arg15[%swap3A_1254] {strides = array<i32>} : memref<640xf32, #tpu.memory_space<vmem>>, vector<16xf32>,
    tpu.vector_store %arg15[%swap3A_1254], %add3A_1253 {strides = array<i32>} : memref<640xf32, #tpu.memory_space<vmem>>, vector<16xf32>,
    %mul3A_1256 = arith.constant 640 : i32
    %mul3A_1257 = arith.muli %arg1, %mul3A_1256 : i32
    %add3A_1258 = arith.constant 576 : i32
    %add3A_1259 = arith.addi %mul3A_1257, %add3A_1258 : i32
    %get3A_1260 = arith.index_cast %add3A_1259 : i32 to index
    %get3A_1261 = tpu.vector_load %arg11[%get3A_1260] {strides = array<i32>} : memref<10240xf32, #tpu.memory_space<vmem>>, vector<16xf32>,
    %mul3A_1262 = arith.constant 1.100000e+00 : f32
    %mul3A_1263 = vector.broadcast %mul3A_1262 : f32 to vector<16xf32>
    %mul3A_1264 = arith.mulf %mul3A_1263, %get3A_1261 : vector<16xf32>
    %get3A_1265 = arith.constant 576 : index
    %get3A_1266 = tpu.vector_load %arg14[%get3A_1265] {strides = array<i32>} : memref<640xf32, #tpu.memory_space<vmem>>, vector<16xf32>,
    %add3A_1267 = arith.addf %mul3A_1264, %get3A_1266 : vector<16xf32>
    %get3A_1268 = arith.constant 576 : index
    %get3A_1269 = tpu.vector_load %arg13[%get3A_1268] {strides = array<i32>} : memref<640xf32, #tpu.memory_space<vmem>>, vector<16xf32>,
    %add3A_1270 = arith.addf %add3A_1267, %get3A_1269 : vector<16xf32>
    %swap3A_1271 = arith.constant 576 : index
    %swap3A_1272 = tpu.vector_load %arg15[%swap3A_1271] {strides = array<i32>} : memref<640xf32, #tpu.memory_space<vmem>>, vector<16xf32>,
    tpu.vector_store %arg15[%swap3A_1271], %add3A_1270 {strides = array<i32>} : memref<640xf32, #tpu.memory_space<vmem>>, vector<16xf32>,
    %mul3A_1273 = arith.constant 640 : i32
    %mul3A_1274 = arith.muli %arg1, %mul3A_1273 : i32
    %add3A_1275 = arith.constant 592 : i32
    %add3A_1276 = arith.addi %mul3A_1274, %add3A_1275 : i32
    %get3A_1277 = arith.index_cast %add3A_1276 : i32 to index
    %get3A_1278 = tpu.vector_load %arg11[%get3A_1277] {strides = array<i32>} : memref<10240xf32, #tpu.memory_space<vmem>>, vector<16xf32>,
    %mul3A_1279 = arith.constant 1.100000e+00 : f32
    %mul3A_1280 = vector.broadcast %mul3A_1279 : f32 to vector<16xf32>
    %mul3A_1281 = arith.mulf %mul3A_1280, %get3A_1278 : vector<16xf32>
    %get3A_1282 = arith.constant 592 : index
    %get3A_1283 = tpu.vector_load %arg14[%get3A_1282] {strides = array<i32>} : memref<640xf32, #tpu.memory_space<vmem>>, vector<16xf32>,
    %add3A_1284 = arith.addf %mul3A_1281, %get3A_1283 : vector<16xf32>
    %get3A_1285 = arith.constant 592 : index
    %get3A_1286 = tpu.vector_load %arg13[%get3A_1285] {strides = array<i32>} : memref<640xf32, #tpu.memory_space<vmem>>, vector<16xf32>,
    %add3A_1287 = arith.addf %add3A_1284, %get3A_1286 : vector<16xf32>
    %swap3A_1288 = arith.constant 592 : index
    %swap3A_1289 = tpu.vector_load %arg15[%swap3A_1288] {strides = array<i32>} : memref<640xf32, #tpu.memory_space<vmem>>, vector<16xf32>,
    tpu.vector_store %arg15[%swap3A_1288], %add3A_1287 {strides = array<i32>} : memref<640xf32, #tpu.memory_space<vmem>>, vector<16xf32>,
    %mul3A_1290 = arith.constant 640 : i32
    %mul3A_1291 = arith.muli %arg1, %mul3A_1290 : i32
    %add3A_1292 = arith.constant 608 : i32
    %add3A_1293 = arith.addi %mul3A_1291, %add3A_1292 : i32
    %get3A_1294 = arith.index_cast %add3A_1293 : i32 to index
    %get3A_1295 = tpu.vector_load %arg11[%get3A_1294] {strides = array<i32>} : memref<10240xf32, #tpu.memory_space<vmem>>, vector<16xf32>,
    %mul3A_1296 = arith.constant 1.100000e+00 : f32
    %mul3A_1297 = vector.broadcast %mul3A_1296 : f32 to vector<16xf32>
    %mul3A_1298 = arith.mulf %mul3A_1297, %get3A_1295 : vector<16xf32>
    %get3A_1299 = arith.constant 608 : index
    %get3A_1300 = tpu.vector_load %arg14[%get3A_1299] {strides = array<i32>} : memref<640xf32, #tpu.memory_space<vmem>>, vector<16xf32>,
    %add3A_1301 = arith.addf %mul3A_1298, %get3A_1300 : vector<16xf32>
    %get3A_1302 = arith.constant 608 : index
    %get3A_1303 = tpu.vector_load %arg13[%get3A_1302] {strides = array<i32>} : memref<640xf32, #tpu.memory_space<vmem>>, vector<16xf32>,
    %add3A_1304 = arith.addf %add3A_1301, %get3A_1303 : vector<16xf32>
    %swap3A_1305 = arith.constant 608 : index
    %swap3A_1306 = tpu.vector_load %arg15[%swap3A_1305] {strides = array<i32>} : memref<640xf32, #tpu.memory_space<vmem>>, vector<16xf32>,
    tpu.vector_store %arg15[%swap3A_1305], %add3A_1304 {strides = array<i32>} : memref<640xf32, #tpu.memory_space<vmem>>, vector<16xf32>,
    %mul3A_1307 = arith.constant 640 : i32
    %mul3A_1308 = arith.muli %arg1, %mul3A_1307 : i32
    %add3A_1309 = arith.constant 624 : i32
    %add3A_1310 = arith.addi %mul3A_1308, %add3A_1309 : i32
    %get3A_1311 = arith.index_cast %add3A_1310 : i32 to index
    %get3A_1312 = tpu.vector_load %arg11[%get3A_1311] {strides = array<i32>} : memref<10240xf32, #tpu.memory_space<vmem>>, vector<16xf32>,
    %mul3A_1313 = arith.constant 1.100000e+00 : f32
    %mul3A_1314 = vector.broadcast %mul3A_1313 : f32 to vector<16xf32>
    %mul3A_1315 = arith.mulf %mul3A_1314, %get3A_1312 : vector<16xf32>
    %get3A_1316 = arith.constant 624 : index
    %get3A_1317 = tpu.vector_load %arg14[%get3A_1316] {strides = array<i32>} : memref<640xf32, #tpu.memory_space<vmem>>, vector<16xf32>,
    %add3A_1318 = arith.addf %mul3A_1315, %get3A_1317 : vector<16xf32>
    %get3A_1319 = arith.constant 624 : index
    %get3A_1320 = tpu.vector_load %arg13[%get3A_1319] {strides = array<i32>} : memref<640xf32, #tpu.memory_space<vmem>>, vector<16xf32>,
    %add3A_1321 = arith.addf %add3A_1318, %get3A_1320 : vector<16xf32>
    %swap3A_1322 = arith.constant 624 : index
    %swap3A_1323 = tpu.vector_load %arg15[%swap3A_1322] {strides = array<i32>} : memref<640xf32, #tpu.memory_space<vmem>>, vector<16xf32>,
    tpu.vector_store %arg15[%swap3A_1322], %add3A_1321 {strides = array<i32>} : memref<640xf32, #tpu.memory_space<vmem>>, vector<16xf32>,
    "tpu.region"() ({
      %run_scoped3A = tpu.sem_alloc : memref<!tpu.dma_semaphore, #tpu.memory_space<semaphore_mem>>
      %dma_start3A = tpu.memref_slice %arg22[%mul3A_2] : memref<10240xf32, #tpu.memory_space<vmem_shared>> -> memref<640xf32, #tpu.memory_space<vmem_shared>>
      %dma_start3A_1834 = tpu.memref_slice %arg22[%mul3A_2] : memref<10240xf32, #tpu.memory_space<vmem_shared>> -> memref<640xf32, #tpu.memory_space<vmem_shared>>
      tpu.enqueue_dma source(%arg15 : memref<640xf32, #tpu.memory_space<vmem>>) target(%dma_start3A_1834 : memref<640xf32, #tpu.memory_space<vmem_shared>>) target_semaphore(%run_scoped3A : memref<!tpu.dma_semaphore, #tpu.memory_space<semaphore_mem>>)
      %dma_wait3A = tpu.memref_slice %arg22[%mul3A_2] : memref<10240xf32, #tpu.memory_space<vmem_shared>> -> memref<640xf32, #tpu.memory_space<vmem_shared>>
      %dma_wait3A_1835 = tpu.memref_slice %arg22[%mul3A_2] : memref<10240xf32, #tpu.memory_space<vmem_shared>> -> memref<640xf32, #tpu.memory_space<vmem_shared>>
      tpu.wait_dma2 semaphore(%run_scoped3A : memref<!tpu.dma_semaphore, #tpu.memory_space<semaphore_mem>>) src(%arg15 : memref<640xf32, #tpu.memory_space<vmem>>) dst(%dma_wait3A_1835 : memref<640xf32, #tpu.memory_space<vmem_shared>>)
      tpu.yield
    }) : () -> ()
    "tpu.region"() ({
      %run_scoped3A = tpu.sem_alloc : memref<!tpu.dma_semaphore, #tpu.memory_space<semaphore_mem>>
      %dma_start3A = tpu.memref_slice %arg23[%mul3A_2] : memref<10240xf32, #tpu.memory_space<vmem_shared>> -> memref<640xf32, #tpu.memory_space<vmem_shared>>
      %dma_start3A_1834 = tpu.memref_slice %arg23[%mul3A_2] : memref<10240xf32, #tpu.memory_space<vmem_shared>> -> memref<640xf32, #tpu.memory_space<vmem_shared>>
      tpu.enqueue_dma source(%arg16 : memref<640xf32, #tpu.memory_space<vmem>>) target(%dma_start3A_1834 : memref<640xf32, #tpu.memory_space<vmem_shared>>) target_semaphore(%run_scoped3A : memref<!tpu.dma_semaphore, #tpu.memory_space<semaphore_mem>>)
      %dma_wait3A = tpu.memref_slice %arg23[%mul3A_2] : memref<10240xf32, #tpu.memory_space<vmem_shared>> -> memref<640xf32, #tpu.memory_space<vmem_shared>>
      %dma_wait3A_1835 = tpu.memref_slice %arg23[%mul3A_2] : memref<10240xf32, #tpu.memory_space<vmem_shared>> -> memref<640xf32, #tpu.memory_space<vmem_shared>>
      tpu.wait_dma2 semaphore(%run_scoped3A : memref<!tpu.dma_semaphore, #tpu.memory_space<semaphore_mem>>) src(%arg16 : memref<640xf32, #tpu.memory_space<vmem>>) dst(%dma_wait3A_1835 : memref<640xf32, #tpu.memory_space<vmem_shared>>)
      tpu.yield
    }) : () -> ()
    %barrier3A_1324 = arith.constant 0 : index
    tpu.barrier barrier_id(%barrier3A_1324)
    "tpu.region"() ({
      %run_scoped3A = tpu.sem_alloc : memref<!tpu.dma_semaphore, #tpu.memory_space<semaphore_mem>>
      tpu.enqueue_dma source(%arg22 : memref<10240xf32, #tpu.memory_space<vmem_shared>>) target(%arg11 : memref<10240xf32, #tpu.memory_space<vmem>>) target_semaphore(%run_scoped3A : memref<!tpu.dma_semaphore, #tpu.memory_space<semaphore_mem>>)
      tpu.wait_dma2 semaphore(%run_scoped3A : memref<!tpu.dma_semaphore, #tpu.memory_space<semaphore_mem>>) src(%arg22 : memref<10240xf32, #tpu.memory_space<vmem_shared>>) dst(%arg11 : memref<10240xf32, #tpu.memory_space<vmem>>)
      tpu.yield
    }) : () -> ()
    %scan3A_1325 = arith.constant 0 : i32
    %scan3A_1326 = arith.constant 0 : i32
    %scan3A_1327 = arith.constant 125 : i32
    %scan3A_1328 = arith.addi %scan3A_1326, %scan3A_1327 : i32
    %scan3A_1329 = arith.constant 1 : i32
    scf.for %scan3A_1834 = %scan3A_1326 to %scan3A_1328 step %scan3A_1329  : i32 {
      %get3A_1835 = arith.index_cast %scan3A_1834 : i32 to index
      %get3A_1836 = arith.constant 0 : index
      %get3A_1837 = tpu.vector_load %arg10[%get3A_1835, %get3A_1836] {strides = array<i32>} : memref<125x80xi32, #tpu.memory_space<vmem>>, vector<16xi32>,
      %gather3A = tpu.vector_load_idx %arg11[%get3A_1837] : memref<10240xf32, #tpu.memory_space<vmem>>[vector<16xi32>], vector<16xf32>,
      %swap3A_1838 = arith.index_cast %scan3A_1834 : i32 to index
      %swap3A_1839 = arith.constant 0 : index
      %swap3A_1840 = tpu.vector_load %arg12[%swap3A_1838, %swap3A_1839] {strides = array<i32>} : memref<125x80xf32, #tpu.memory_space<vmem>>, vector<16xf32>,
      tpu.vector_store %arg12[%swap3A_1838, %swap3A_1839], %gather3A {strides = array<i32>} : memref<125x80xf32, #tpu.memory_space<vmem>>, vector<16xf32>,
      %get3A_1841 = arith.index_cast %scan3A_1834 : i32 to index
      %get3A_1842 = arith.constant 16 : index
      %get3A_1843 = tpu.vector_load %arg10[%get3A_1841, %get3A_1842] {strides = array<i32>} : memref<125x80xi32, #tpu.memory_space<vmem>>, vector<16xi32>,
      %gather3A_1844 = tpu.vector_load_idx %arg11[%get3A_1843] : memref<10240xf32, #tpu.memory_space<vmem>>[vector<16xi32>], vector<16xf32>,
      %swap3A_1845 = arith.index_cast %scan3A_1834 : i32 to index
      %swap3A_1846 = arith.constant 16 : index
      %swap3A_1847 = tpu.vector_load %arg12[%swap3A_1845, %swap3A_1846] {strides = array<i32>} : memref<125x80xf32, #tpu.memory_space<vmem>>, vector<16xf32>,
      tpu.vector_store %arg12[%swap3A_1845, %swap3A_1846], %gather3A_1844 {strides = array<i32>} : memref<125x80xf32, #tpu.memory_space<vmem>>, vector<16xf32>,
      %get3A_1848 = arith.index_cast %scan3A_1834 : i32 to index
      %get3A_1849 = arith.constant 32 : index
      %get3A_1850 = tpu.vector_load %arg10[%get3A_1848, %get3A_1849] {strides = array<i32>} : memref<125x80xi32, #tpu.memory_space<vmem>>, vector<16xi32>,
      %gather3A_1851 = tpu.vector_load_idx %arg11[%get3A_1850] : memref<10240xf32, #tpu.memory_space<vmem>>[vector<16xi32>], vector<16xf32>,
      %swap3A_1852 = arith.index_cast %scan3A_1834 : i32 to index
      %swap3A_1853 = arith.constant 32 : index
      %swap3A_1854 = tpu.vector_load %arg12[%swap3A_1852, %swap3A_1853] {strides = array<i32>} : memref<125x80xf32, #tpu.memory_space<vmem>>, vector<16xf32>,
      tpu.vector_store %arg12[%swap3A_1852, %swap3A_1853], %gather3A_1851 {strides = array<i32>} : memref<125x80xf32, #tpu.memory_space<vmem>>, vector<16xf32>,
      %get3A_1855 = arith.index_cast %scan3A_1834 : i32 to index
      %get3A_1856 = arith.constant 48 : index
      %get3A_1857 = tpu.vector_load %arg10[%get3A_1855, %get3A_1856] {strides = array<i32>} : memref<125x80xi32, #tpu.memory_space<vmem>>, vector<16xi32>,
      %gather3A_1858 = tpu.vector_load_idx %arg11[%get3A_1857] : memref<10240xf32, #tpu.memory_space<vmem>>[vector<16xi32>], vector<16xf32>,
      %swap3A_1859 = arith.index_cast %scan3A_1834 : i32 to index
      %swap3A_1860 = arith.constant 48 : index
      %swap3A_1861 = tpu.vector_load %arg12[%swap3A_1859, %swap3A_1860] {strides = array<i32>} : memref<125x80xf32, #tpu.memory_space<vmem>>, vector<16xf32>,
      tpu.vector_store %arg12[%swap3A_1859, %swap3A_1860], %gather3A_1858 {strides = array<i32>} : memref<125x80xf32, #tpu.memory_space<vmem>>, vector<16xf32>,
      %get3A_1862 = arith.index_cast %scan3A_1834 : i32 to index
      %get3A_1863 = arith.constant 64 : index
      %get3A_1864 = tpu.vector_load %arg10[%get3A_1862, %get3A_1863] {strides = array<i32>} : memref<125x80xi32, #tpu.memory_space<vmem>>, vector<16xi32>,
      %gather3A_1865 = tpu.vector_load_idx %arg11[%get3A_1864] : memref<10240xf32, #tpu.memory_space<vmem>>[vector<16xi32>], vector<16xf32>,
      %swap3A_1866 = arith.index_cast %scan3A_1834 : i32 to index
      %swap3A_1867 = arith.constant 64 : index
      %swap3A_1868 = tpu.vector_load %arg12[%swap3A_1866, %swap3A_1867] {strides = array<i32>} : memref<125x80xf32, #tpu.memory_space<vmem>>, vector<16xf32>,
      tpu.vector_store %arg12[%swap3A_1866, %swap3A_1867], %gather3A_1865 {strides = array<i32>} : memref<125x80xf32, #tpu.memory_space<vmem>>, vector<16xf32>,
      %dma_start3A = arith.constant 0 : i32
      %dma_start3A_1869 = tpu.memref_slice %arg12[%scan3A_1834, %dma_start3A] : memref<125x80xf32, #tpu.memory_space<vmem>> -> memref<1x80xf32, #tpu.memory_space<vmem>>
      %dma_start3A_1870 = tpu.memref_squeeze %dma_start3A_1869 : memref<1x80xf32, #tpu.memory_space<vmem>> -> memref<80xf32, #tpu.memory_space<vmem>>
      %dma_start3A_1871 = arith.constant 0 : i32
      %dma_start3A_1872 = tpu.memref_slice %arg9[%scan3A_1834, %dma_start3A_1871] : memref<125x80xi32, #tpu.memory_space<vmem>> -> memref<1x80xi32, #tpu.memory_space<vmem>>
      %dma_start3A_1873 = tpu.memref_squeeze %dma_start3A_1872 : memref<1x80xi32, #tpu.memory_space<vmem>> -> memref<80xi32, #tpu.memory_space<vmem>>
      %dma_start3A_1874 = arith.constant 0 : i32
      %dma_start3A_1875 = tpu.memref_slice %arg23[%dma_start3A_1874] : memref<10240xf32, #tpu.memory_space<vmem_shared>> -> memref<10240xf32, #tpu.memory_space<vmem_shared>>
      tpu.enqueue_indirect_dma source(%dma_start3A_1870 : memref<80xf32, #tpu.memory_space<vmem>>) target(%dma_start3A_1875 : memref<10240xf32, #tpu.memory_space<vmem_shared>>) offsets(%dma_start3A_1873 : memref<80xi32, #tpu.memory_space<vmem>>) semaphore(%arg25 : memref<!tpu.dma_semaphore, #tpu.memory_space<semaphore_mem>>) {add = true}
    }
    %scan3A_1330 = arith.constant 125 : i32
    %scan3A_1331 = arith.constant 0 : i32
    %scan3A_1332 = arith.constant 0 : i32
    %scan3A_1333 = arith.constant 125 : i32
    %scan3A_1334 = arith.addi %scan3A_1332, %scan3A_1333 : i32
    %scan3A_1335 = arith.constant 1 : i32
    scf.for %scan3A_1834 = %scan3A_1332 to %scan3A_1334 step %scan3A_1335  : i32 {
      %dma_wait3A = arith.constant 0 : i32
      %dma_wait3A_1835 = tpu.memref_slice %arg12[%scan3A_1834, %dma_wait3A] : memref<125x80xf32, #tpu.memory_space<vmem>> -> memref<1x80xf32, #tpu.memory_space<vmem>>
      %dma_wait3A_1836 = tpu.memref_squeeze %dma_wait3A_1835 : memref<1x80xf32, #tpu.memory_space<vmem>> -> memref<80xf32, #tpu.memory_space<vmem>>
      %dma_wait3A_1837 = arith.constant 0 : i32
      %dma_wait3A_1838 = tpu.memref_slice %arg9[%scan3A_1834, %dma_wait3A_1837] : memref<125x80xi32, #tpu.memory_space<vmem>> -> memref<1x80xi32, #tpu.memory_space<vmem>>
      %dma_wait3A_1839 = tpu.memref_squeeze %dma_wait3A_1838 : memref<1x80xi32, #tpu.memory_space<vmem>> -> memref<80xi32, #tpu.memory_space<vmem>>
      %dma_wait3A_1840 = arith.constant 0 : i32
      %dma_wait3A_1841 = tpu.memref_slice %arg23[%dma_wait3A_1840] : memref<10240xf32, #tpu.memory_space<vmem_shared>> -> memref<10240xf32, #tpu.memory_space<vmem_shared>>
      tpu.wait_indirect_dma semaphore(%arg25 : memref<!tpu.dma_semaphore, #tpu.memory_space<semaphore_mem>>) src(%dma_wait3A_1836 : memref<80xf32, #tpu.memory_space<vmem>>) dst(%dma_wait3A_1841 : memref<10240xf32, #tpu.memory_space<vmem_shared>>)
    }
    %scan3A_1336 = arith.constant 125 : i32
    %barrier3A_1337 = arith.constant 0 : index
    tpu.barrier barrier_id(%barrier3A_1337)
    %add3A_1338 = arith.constant 4 : i32
    %add3A_1339 = arith.addi %add3A_1338, %arg0 : i32
    %mul3A_1340 = arith.constant 10240 : i32
    %mul3A_1341 = arith.muli %add3A_1339, %mul3A_1340 : i32
    %mul3A_1342 = arith.constant 640 : i32
    %mul3A_1343 = arith.muli %arg1, %mul3A_1342 : i32
    %add3A_1344 = arith.addi %mul3A_1341, %mul3A_1343 : i32
    "tpu.region"() ({
      %run_scoped3A = tpu.sem_alloc : memref<!tpu.dma_semaphore, #tpu.memory_space<semaphore_mem>>
      %dma_start3A = tpu.memref_slice %arg7[%add3A_1344] : memref<61440xf32, #tpu.memory_space<hbm>> -> memref<640xf32, #tpu.memory_space<hbm>>
      %dma_start3A_1834 = tpu.memref_slice %arg23[%mul3A_2] : memref<10240xf32, #tpu.memory_space<vmem_shared>> -> memref<640xf32, #tpu.memory_space<vmem_shared>>
      tpu.enqueue_dma source(%dma_start3A_1834 : memref<640xf32, #tpu.memory_space<vmem_shared>>) target(%dma_start3A : memref<640xf32, #tpu.memory_space<hbm>>) target_semaphore(%run_scoped3A : memref<!tpu.dma_semaphore, #tpu.memory_space<semaphore_mem>>)
      %dma_wait3A = tpu.memref_slice %arg7[%add3A_1344] : memref<61440xf32, #tpu.memory_space<hbm>> -> memref<640xf32, #tpu.memory_space<hbm>>
      %dma_wait3A_1835 = tpu.memref_slice %arg23[%mul3A_2] : memref<10240xf32, #tpu.memory_space<vmem_shared>> -> memref<640xf32, #tpu.memory_space<vmem_shared>>
      tpu.wait_dma2 semaphore(%run_scoped3A : memref<!tpu.dma_semaphore, #tpu.memory_space<semaphore_mem>>) src(%dma_wait3A_1835 : memref<640xf32, #tpu.memory_space<vmem_shared>>) dst(%dma_wait3A : memref<640xf32, #tpu.memory_space<hbm>>)
      tpu.yield
    }) : () -> ()
    %barrier3A_1345 = arith.constant 0 : index
    tpu.barrier barrier_id(%barrier3A_1345)
    %eq3A_1346 = arith.constant 0 : i32
    %eq3A_1347 = arith.cmpi eq, %arg1, %eq3A_1346 : i32
    %convert_element_type3A_1348 = arith.extui %eq3A_1347 : i1 to i32
    %cond3A_1349 = arith.constant 0 : i32
    %cond3A_1350 = arith.cmpi ne, %convert_element_type3A_1348, %cond3A_1349 : i32
    scf.if %cond3A_1350 {
      %sub3A_1834 = arith.constant 1 : i32
      %sub3A_1835 = arith.subi %sub3A_1834, %arg0 : i32
      %semaphore_signal3A = arith.constant 1 : i32
      tpu.sem_signal %arg27, %semaphore_signal3A core_id %sub3A_1835 : memref<!tpu.semaphore, #tpu.memory_space<semaphore_mem>>
      %semaphore_wait3A = arith.constant 1 : i32
      %semaphore_wait3A_1836 = arith.constant true
      tpu.sem_wait %arg27, %semaphore_wait3A : memref<!tpu.semaphore, #tpu.memory_space<semaphore_mem>>
    } else {
    }
    %barrier3A_1351 = arith.constant 0 : index
    tpu.barrier barrier_id(%barrier3A_1351)
    %sub3A_1352 = arith.constant 1 : i32
    %sub3A_1353 = arith.subi %sub3A_1352, %arg0 : i32
    %add3A_1354 = arith.constant 4 : i32
    %add3A_1355 = arith.addi %add3A_1354, %sub3A_1353 : i32
    %mul3A_1356 = arith.constant 10240 : i32
    %mul3A_1357 = arith.muli %add3A_1355, %mul3A_1356 : i32
    %add3A_1358 = arith.addi %mul3A_1357, %mul3A_4 : i32
    "tpu.region"() ({
      %run_scoped3A = tpu.sem_alloc : memref<!tpu.dma_semaphore, #tpu.memory_space<semaphore_mem>>
      %dma_start3A = arith.constant 0 : i32
      %dma_start3A_1834 = tpu.memref_slice %arg13[%dma_start3A] : memref<640xf32, #tpu.memory_space<vmem>> -> memref<320xf32, #tpu.memory_space<vmem>>
      %dma_start3A_1835 = tpu.memref_slice %arg7[%add3A_1358] : memref<61440xf32, #tpu.memory_space<hbm>> -> memref<320xf32, #tpu.memory_space<hbm>>
      %dma_start3A_1836 = arith.constant 0 : i32
      %dma_start3A_1837 = tpu.memref_slice %arg13[%dma_start3A_1836] : memref<640xf32, #tpu.memory_space<vmem>> -> memref<320xf32, #tpu.memory_space<vmem>>
      %dma_start3A_1838 = tpu.memref_slice %arg7[%add3A_1358] : memref<61440xf32, #tpu.memory_space<hbm>> -> memref<320xf32, #tpu.memory_space<hbm>>
      tpu.enqueue_dma source(%dma_start3A_1838 : memref<320xf32, #tpu.memory_space<hbm>>) target(%dma_start3A_1837 : memref<320xf32, #tpu.memory_space<vmem>>) target_semaphore(%run_scoped3A : memref<!tpu.dma_semaphore, #tpu.memory_space<semaphore_mem>>)
      %dma_wait3A = arith.constant 0 : i32
      %dma_wait3A_1839 = tpu.memref_slice %arg13[%dma_wait3A] : memref<640xf32, #tpu.memory_space<vmem>> -> memref<320xf32, #tpu.memory_space<vmem>>
      %dma_wait3A_1840 = tpu.memref_slice %arg7[%add3A_1358] : memref<61440xf32, #tpu.memory_space<hbm>> -> memref<320xf32, #tpu.memory_space<hbm>>
      %dma_wait3A_1841 = arith.constant 0 : i32
      %dma_wait3A_1842 = tpu.memref_slice %arg13[%dma_wait3A_1841] : memref<640xf32, #tpu.memory_space<vmem>> -> memref<320xf32, #tpu.memory_space<vmem>>
      %dma_wait3A_1843 = tpu.memref_slice %arg7[%add3A_1358] : memref<61440xf32, #tpu.memory_space<hbm>> -> memref<320xf32, #tpu.memory_space<hbm>>
      tpu.wait_dma2 semaphore(%run_scoped3A : memref<!tpu.dma_semaphore, #tpu.memory_space<semaphore_mem>>) src(%dma_wait3A_1843 : memref<320xf32, #tpu.memory_space<hbm>>) dst(%dma_wait3A_1842 : memref<320xf32, #tpu.memory_space<vmem>>)
      tpu.yield
    }) : () -> ()
    "tpu.region"() ({
      %run_scoped3A = tpu.sem_alloc : memref<!tpu.dma_semaphore, #tpu.memory_space<semaphore_mem>>
      %dma_start3A = arith.constant 0 : i32
      %dma_start3A_1834 = tpu.memref_slice %arg14[%dma_start3A] : memref<640xf32, #tpu.memory_space<vmem>> -> memref<320xf32, #tpu.memory_space<vmem>>
      %dma_start3A_1835 = tpu.memref_slice %arg23[%mul3A_4] : memref<10240xf32, #tpu.memory_space<vmem_shared>> -> memref<320xf32, #tpu.memory_space<vmem_shared>>
      %dma_start3A_1836 = arith.constant 0 : i32
      %dma_start3A_1837 = tpu.memref_slice %arg14[%dma_start3A_1836] : memref<640xf32, #tpu.memory_space<vmem>> -> memref<320xf32, #tpu.memory_space<vmem>>
      %dma_start3A_1838 = tpu.memref_slice %arg23[%mul3A_4] : memref<10240xf32, #tpu.memory_space<vmem_shared>> -> memref<320xf32, #tpu.memory_space<vmem_shared>>
      tpu.enqueue_dma source(%dma_start3A_1838 : memref<320xf32, #tpu.memory_space<vmem_shared>>) target(%dma_start3A_1837 : memref<320xf32, #tpu.memory_space<vmem>>) target_semaphore(%run_scoped3A : memref<!tpu.dma_semaphore, #tpu.memory_space<semaphore_mem>>)
      %dma_wait3A = arith.constant 0 : i32
      %dma_wait3A_1839 = tpu.memref_slice %arg14[%dma_wait3A] : memref<640xf32, #tpu.memory_space<vmem>> -> memref<320xf32, #tpu.memory_space<vmem>>
      %dma_wait3A_1840 = tpu.memref_slice %arg23[%mul3A_4] : memref<10240xf32, #tpu.memory_space<vmem_shared>> -> memref<320xf32, #tpu.memory_space<vmem_shared>>
      %dma_wait3A_1841 = arith.constant 0 : i32
      %dma_wait3A_1842 = tpu.memref_slice %arg14[%dma_wait3A_1841] : memref<640xf32, #tpu.memory_space<vmem>> -> memref<320xf32, #tpu.memory_space<vmem>>
      %dma_wait3A_1843 = tpu.memref_slice %arg23[%mul3A_4] : memref<10240xf32, #tpu.memory_space<vmem_shared>> -> memref<320xf32, #tpu.memory_space<vmem_shared>>
      tpu.wait_dma2 semaphore(%run_scoped3A : memref<!tpu.dma_semaphore, #tpu.memory_space<semaphore_mem>>) src(%dma_wait3A_1843 : memref<320xf32, #tpu.memory_space<vmem_shared>>) dst(%dma_wait3A_1842 : memref<320xf32, #tpu.memory_space<vmem>>)
      tpu.yield
    }) : () -> ()
    %not3A_1359 = arith.constant true
    %not3A_1360 = arith.xori %gt3A_7, %not3A_1359 : i1
    %convert_element_type3A_1361 = arith.extui %not3A_1360 : i1 to i32
    %cond3A_1362 = arith.constant 0 : i32
    %cond3A_1363 = arith.cmpi ne, %convert_element_type3A_1361, %cond3A_1362 : i32
    scf.if %cond3A_1363 {
      %dma_wait3A = arith.constant 0 : i32
      %dma_wait3A_1834 = tpu.memref_slice %arg4[%mul3A_4, %dma_wait3A] : memref<10000x128xf32, #tpu.memory_space<hbm>> -> memref<320x128xf32, #tpu.memory_space<hbm>>
      %dma_wait3A_1835 = arith.constant 0 : i32
      %dma_wait3A_1836 = tpu.memref_slice %arg4[%mul3A_4, %dma_wait3A_1835] : memref<10000x128xf32, #tpu.memory_space<hbm>> -> memref<320x128xf32, #tpu.memory_space<hbm>>
      tpu.wait_dma2 semaphore(%arg26 : memref<!tpu.dma_semaphore, #tpu.memory_space<semaphore_mem>>) src(%dma_wait3A_1836 : memref<320x128xf32, #tpu.memory_space<hbm>>) dst(%arg17 : memref<320x128xf32, #tpu.memory_space<vmem>>)
      %dma_wait3A_1837 = tpu.memref_slice %arg5[%mul3A_4] : memref<10000xf32, #tpu.memory_space<hbm>> -> memref<320xf32, #tpu.memory_space<hbm>>
      %dma_wait3A_1838 = tpu.memref_slice %arg5[%mul3A_4] : memref<10000xf32, #tpu.memory_space<hbm>> -> memref<320xf32, #tpu.memory_space<hbm>>
      tpu.wait_dma2 semaphore(%arg26 : memref<!tpu.dma_semaphore, #tpu.memory_space<semaphore_mem>>) src(%dma_wait3A_1838 : memref<320xf32, #tpu.memory_space<hbm>>) dst(%arg18 : memref<320xf32, #tpu.memory_space<vmem>>)
    } else {
    }
    %convert_element_type3A_1364 = arith.extui %gt3A_7 : i1 to i32
    %cond3A_1365 = arith.constant 0 : i32
    %cond3A_1366 = arith.cmpi ne, %convert_element_type3A_1364, %cond3A_1365 : i32
    scf.if %cond3A_1366 {
      %dma_wait3A = arith.constant 0 : i32
      %dma_wait3A_1834 = arith.constant 0 : i32
      %dma_wait3A_1835 = tpu.memref_slice %arg17[%dma_wait3A, %dma_wait3A_1834] : memref<320x128xf32, #tpu.memory_space<vmem>> -> memref<80x128xf32, #tpu.memory_space<vmem>>
      %dma_wait3A_1836 = arith.constant 0 : i32
      %dma_wait3A_1837 = tpu.memref_slice %arg4[%mul3A_4, %dma_wait3A_1836] : memref<10000x128xf32, #tpu.memory_space<hbm>> -> memref<80x128xf32, #tpu.memory_space<hbm>>
      %dma_wait3A_1838 = arith.constant 0 : i32
      %dma_wait3A_1839 = arith.constant 0 : i32
      %dma_wait3A_1840 = tpu.memref_slice %arg17[%dma_wait3A_1838, %dma_wait3A_1839] : memref<320x128xf32, #tpu.memory_space<vmem>> -> memref<80x128xf32, #tpu.memory_space<vmem>>
      %dma_wait3A_1841 = arith.constant 0 : i32
      %dma_wait3A_1842 = tpu.memref_slice %arg4[%mul3A_4, %dma_wait3A_1841] : memref<10000x128xf32, #tpu.memory_space<hbm>> -> memref<80x128xf32, #tpu.memory_space<hbm>>
      tpu.wait_dma2 semaphore(%arg26 : memref<!tpu.dma_semaphore, #tpu.memory_space<semaphore_mem>>) src(%dma_wait3A_1842 : memref<80x128xf32, #tpu.memory_space<hbm>>) dst(%dma_wait3A_1840 : memref<80x128xf32, #tpu.memory_space<vmem>>)
      %dma_wait3A_1843 = arith.constant 0 : i32
      %dma_wait3A_1844 = tpu.memref_slice %arg18[%dma_wait3A_1843] : memref<320xf32, #tpu.memory_space<vmem>> -> memref<80xf32, #tpu.memory_space<vmem>>
      %dma_wait3A_1845 = tpu.memref_slice %arg5[%mul3A_4] : memref<10000xf32, #tpu.memory_space<hbm>> -> memref<80xf32, #tpu.memory_space<hbm>>
      %dma_wait3A_1846 = arith.constant 0 : i32
      %dma_wait3A_1847 = tpu.memref_slice %arg18[%dma_wait3A_1846] : memref<320xf32, #tpu.memory_space<vmem>> -> memref<80xf32, #tpu.memory_space<vmem>>
      %dma_wait3A_1848 = tpu.memref_slice %arg5[%mul3A_4] : memref<10000xf32, #tpu.memory_space<hbm>> -> memref<80xf32, #tpu.memory_space<hbm>>
      tpu.wait_dma2 semaphore(%arg26 : memref<!tpu.dma_semaphore, #tpu.memory_space<semaphore_mem>>) src(%dma_wait3A_1848 : memref<80xf32, #tpu.memory_space<hbm>>) dst(%dma_wait3A_1847 : memref<80xf32, #tpu.memory_space<vmem>>)
    } else {
    }
    %add3A_1367 = arith.constant 0 : i32
    %add3A_1368 = arith.addi %mul3A_4, %add3A_1367 : i32
    %get3A_1369 = arith.index_cast %add3A_1368 : i32 to index
    %get3A_1370 = tpu.vector_load %arg11[%get3A_1369] {strides = array<i32>} : memref<10240xf32, #tpu.memory_space<vmem>>, vector<16xf32>,
    %mul3A_1371 = arith.constant 1.100000e+00 : f32
    %mul3A_1372 = vector.broadcast %mul3A_1371 : f32 to vector<16xf32>
    %mul3A_1373 = arith.mulf %mul3A_1372, %get3A_1370 : vector<16xf32>
    %get3A_1374 = arith.constant 0 : index
    %get3A_1375 = tpu.vector_load %arg14[%get3A_1374] {strides = array<i32>} : memref<640xf32, #tpu.memory_space<vmem>>, vector<16xf32>,
    %add3A_1376 = arith.addf %mul3A_1373, %get3A_1375 : vector<16xf32>
    %get3A_1377 = arith.constant 0 : index
    %get3A_1378 = tpu.vector_load %arg13[%get3A_1377] {strides = array<i32>} : memref<640xf32, #tpu.memory_space<vmem>>, vector<16xf32>,
    %add3A_1379 = arith.addf %add3A_1376, %get3A_1378 : vector<16xf32>
    %get3A_1380 = arith.constant 0 : index
    %get3A_1381 = tpu.vector_load %arg18[%get3A_1380] {strides = array<i32>} : memref<320xf32, #tpu.memory_space<vmem>>, vector<16xf32>,
    %mul3A_1382 = arith.mulf %add3A_1379, %get3A_1381 : vector<16xf32>
    %swap3A_1383 = arith.constant 0 : index
    %swap3A_1384 = tpu.vector_load %arg15[%swap3A_1383] {strides = array<i32>} : memref<640xf32, #tpu.memory_space<vmem>>, vector<16xf32>,
    tpu.vector_store %arg15[%swap3A_1383], %mul3A_1382 {strides = array<i32>} : memref<640xf32, #tpu.memory_space<vmem>>, vector<16xf32>,
    %add3A_1385 = arith.constant 16 : i32
    %add3A_1386 = arith.addi %mul3A_4, %add3A_1385 : i32
    %get3A_1387 = arith.index_cast %add3A_1386 : i32 to index
    %get3A_1388 = tpu.vector_load %arg11[%get3A_1387] {strides = array<i32>} : memref<10240xf32, #tpu.memory_space<vmem>>, vector<16xf32>,
    %mul3A_1389 = arith.constant 1.100000e+00 : f32
    %mul3A_1390 = vector.broadcast %mul3A_1389 : f32 to vector<16xf32>
    %mul3A_1391 = arith.mulf %mul3A_1390, %get3A_1388 : vector<16xf32>
    %get3A_1392 = arith.constant 16 : index
    %get3A_1393 = tpu.vector_load %arg14[%get3A_1392] {strides = array<i32>} : memref<640xf32, #tpu.memory_space<vmem>>, vector<16xf32>,
    %add3A_1394 = arith.addf %mul3A_1391, %get3A_1393 : vector<16xf32>
    %get3A_1395 = arith.constant 16 : index
    %get3A_1396 = tpu.vector_load %arg13[%get3A_1395] {strides = array<i32>} : memref<640xf32, #tpu.memory_space<vmem>>, vector<16xf32>,
    %add3A_1397 = arith.addf %add3A_1394, %get3A_1396 : vector<16xf32>
    %get3A_1398 = arith.constant 16 : index
    %get3A_1399 = tpu.vector_load %arg18[%get3A_1398] {strides = array<i32>} : memref<320xf32, #tpu.memory_space<vmem>>, vector<16xf32>,
    %mul3A_1400 = arith.mulf %add3A_1397, %get3A_1399 : vector<16xf32>
    %swap3A_1401 = arith.constant 16 : index
    %swap3A_1402 = tpu.vector_load %arg15[%swap3A_1401] {strides = array<i32>} : memref<640xf32, #tpu.memory_space<vmem>>, vector<16xf32>,
    tpu.vector_store %arg15[%swap3A_1401], %mul3A_1400 {strides = array<i32>} : memref<640xf32, #tpu.memory_space<vmem>>, vector<16xf32>,
    %add3A_1403 = arith.constant 32 : i32
    %add3A_1404 = arith.addi %mul3A_4, %add3A_1403 : i32
    %get3A_1405 = arith.index_cast %add3A_1404 : i32 to index
    %get3A_1406 = tpu.vector_load %arg11[%get3A_1405] {strides = array<i32>} : memref<10240xf32, #tpu.memory_space<vmem>>, vector<16xf32>,
    %mul3A_1407 = arith.constant 1.100000e+00 : f32
    %mul3A_1408 = vector.broadcast %mul3A_1407 : f32 to vector<16xf32>
    %mul3A_1409 = arith.mulf %mul3A_1408, %get3A_1406 : vector<16xf32>
    %get3A_1410 = arith.constant 32 : index
    %get3A_1411 = tpu.vector_load %arg14[%get3A_1410] {strides = array<i32>} : memref<640xf32, #tpu.memory_space<vmem>>, vector<16xf32>,
    %add3A_1412 = arith.addf %mul3A_1409, %get3A_1411 : vector<16xf32>
    %get3A_1413 = arith.constant 32 : index
    %get3A_1414 = tpu.vector_load %arg13[%get3A_1413] {strides = array<i32>} : memref<640xf32, #tpu.memory_space<vmem>>, vector<16xf32>,
    %add3A_1415 = arith.addf %add3A_1412, %get3A_1414 : vector<16xf32>
    %get3A_1416 = arith.constant 32 : index
    %get3A_1417 = tpu.vector_load %arg18[%get3A_1416] {strides = array<i32>} : memref<320xf32, #tpu.memory_space<vmem>>, vector<16xf32>,
    %mul3A_1418 = arith.mulf %add3A_1415, %get3A_1417 : vector<16xf32>
    %swap3A_1419 = arith.constant 32 : index
    %swap3A_1420 = tpu.vector_load %arg15[%swap3A_1419] {strides = array<i32>} : memref<640xf32, #tpu.memory_space<vmem>>, vector<16xf32>,
    tpu.vector_store %arg15[%swap3A_1419], %mul3A_1418 {strides = array<i32>} : memref<640xf32, #tpu.memory_space<vmem>>, vector<16xf32>,
    %add3A_1421 = arith.constant 48 : i32
    %add3A_1422 = arith.addi %mul3A_4, %add3A_1421 : i32
    %get3A_1423 = arith.index_cast %add3A_1422 : i32 to index
    %get3A_1424 = tpu.vector_load %arg11[%get3A_1423] {strides = array<i32>} : memref<10240xf32, #tpu.memory_space<vmem>>, vector<16xf32>,
    %mul3A_1425 = arith.constant 1.100000e+00 : f32
    %mul3A_1426 = vector.broadcast %mul3A_1425 : f32 to vector<16xf32>
    %mul3A_1427 = arith.mulf %mul3A_1426, %get3A_1424 : vector<16xf32>
    %get3A_1428 = arith.constant 48 : index
    %get3A_1429 = tpu.vector_load %arg14[%get3A_1428] {strides = array<i32>} : memref<640xf32, #tpu.memory_space<vmem>>, vector<16xf32>,
    %add3A_1430 = arith.addf %mul3A_1427, %get3A_1429 : vector<16xf32>
    %get3A_1431 = arith.constant 48 : index
    %get3A_1432 = tpu.vector_load %arg13[%get3A_1431] {strides = array<i32>} : memref<640xf32, #tpu.memory_space<vmem>>, vector<16xf32>,
    %add3A_1433 = arith.addf %add3A_1430, %get3A_1432 : vector<16xf32>
    %get3A_1434 = arith.constant 48 : index
    %get3A_1435 = tpu.vector_load %arg18[%get3A_1434] {strides = array<i32>} : memref<320xf32, #tpu.memory_space<vmem>>, vector<16xf32>,
    %mul3A_1436 = arith.mulf %add3A_1433, %get3A_1435 : vector<16xf32>
    %swap3A_1437 = arith.constant 48 : index
    %swap3A_1438 = tpu.vector_load %arg15[%swap3A_1437] {strides = array<i32>} : memref<640xf32, #tpu.memory_space<vmem>>, vector<16xf32>,
    tpu.vector_store %arg15[%swap3A_1437], %mul3A_1436 {strides = array<i32>} : memref<640xf32, #tpu.memory_space<vmem>>, vector<16xf32>,
    %add3A_1439 = arith.constant 64 : i32
    %add3A_1440 = arith.addi %mul3A_4, %add3A_1439 : i32
    %get3A_1441 = arith.index_cast %add3A_1440 : i32 to index
    %get3A_1442 = tpu.vector_load %arg11[%get3A_1441] {strides = array<i32>} : memref<10240xf32, #tpu.memory_space<vmem>>, vector<16xf32>,
    %mul3A_1443 = arith.constant 1.100000e+00 : f32
    %mul3A_1444 = vector.broadcast %mul3A_1443 : f32 to vector<16xf32>
    %mul3A_1445 = arith.mulf %mul3A_1444, %get3A_1442 : vector<16xf32>
    %get3A_1446 = arith.constant 64 : index
    %get3A_1447 = tpu.vector_load %arg14[%get3A_1446] {strides = array<i32>} : memref<640xf32, #tpu.memory_space<vmem>>, vector<16xf32>,
    %add3A_1448 = arith.addf %mul3A_1445, %get3A_1447 : vector<16xf32>
    %get3A_1449 = arith.constant 64 : index
    %get3A_1450 = tpu.vector_load %arg13[%get3A_1449] {strides = array<i32>} : memref<640xf32, #tpu.memory_space<vmem>>, vector<16xf32>,
    %add3A_1451 = arith.addf %add3A_1448, %get3A_1450 : vector<16xf32>
    %get3A_1452 = arith.constant 64 : index
    %get3A_1453 = tpu.vector_load %arg18[%get3A_1452] {strides = array<i32>} : memref<320xf32, #tpu.memory_space<vmem>>, vector<16xf32>,
    %mul3A_1454 = arith.mulf %add3A_1451, %get3A_1453 : vector<16xf32>
    %swap3A_1455 = arith.constant 64 : index
    %swap3A_1456 = tpu.vector_load %arg15[%swap3A_1455] {strides = array<i32>} : memref<640xf32, #tpu.memory_space<vmem>>, vector<16xf32>,
    tpu.vector_store %arg15[%swap3A_1455], %mul3A_1454 {strides = array<i32>} : memref<640xf32, #tpu.memory_space<vmem>>, vector<16xf32>,
    %add3A_1457 = arith.constant 80 : i32
    %add3A_1458 = arith.addi %mul3A_4, %add3A_1457 : i32
    %get3A_1459 = arith.index_cast %add3A_1458 : i32 to index
    %get3A_1460 = tpu.vector_load %arg11[%get3A_1459] {strides = array<i32>} : memref<10240xf32, #tpu.memory_space<vmem>>, vector<16xf32>,
    %mul3A_1461 = arith.constant 1.100000e+00 : f32
    %mul3A_1462 = vector.broadcast %mul3A_1461 : f32 to vector<16xf32>
    %mul3A_1463 = arith.mulf %mul3A_1462, %get3A_1460 : vector<16xf32>
    %get3A_1464 = arith.constant 80 : index
    %get3A_1465 = tpu.vector_load %arg14[%get3A_1464] {strides = array<i32>} : memref<640xf32, #tpu.memory_space<vmem>>, vector<16xf32>,
    %add3A_1466 = arith.addf %mul3A_1463, %get3A_1465 : vector<16xf32>
    %get3A_1467 = arith.constant 80 : index
    %get3A_1468 = tpu.vector_load %arg13[%get3A_1467] {strides = array<i32>} : memref<640xf32, #tpu.memory_space<vmem>>, vector<16xf32>,
    %add3A_1469 = arith.addf %add3A_1466, %get3A_1468 : vector<16xf32>
    %get3A_1470 = arith.constant 80 : index
    %get3A_1471 = tpu.vector_load %arg18[%get3A_1470] {strides = array<i32>} : memref<320xf32, #tpu.memory_space<vmem>>, vector<16xf32>,
    %mul3A_1472 = arith.mulf %add3A_1469, %get3A_1471 : vector<16xf32>
    %swap3A_1473 = arith.constant 80 : index
    %swap3A_1474 = tpu.vector_load %arg15[%swap3A_1473] {strides = array<i32>} : memref<640xf32, #tpu.memory_space<vmem>>, vector<16xf32>,
    tpu.vector_store %arg15[%swap3A_1473], %mul3A_1472 {strides = array<i32>} : memref<640xf32, #tpu.memory_space<vmem>>, vector<16xf32>,
    %add3A_1475 = arith.constant 96 : i32
    %add3A_1476 = arith.addi %mul3A_4, %add3A_1475 : i32
    %get3A_1477 = arith.index_cast %add3A_1476 : i32 to index
    %get3A_1478 = tpu.vector_load %arg11[%get3A_1477] {strides = array<i32>} : memref<10240xf32, #tpu.memory_space<vmem>>, vector<16xf32>,
    %mul3A_1479 = arith.constant 1.100000e+00 : f32
    %mul3A_1480 = vector.broadcast %mul3A_1479 : f32 to vector<16xf32>
    %mul3A_1481 = arith.mulf %mul3A_1480, %get3A_1478 : vector<16xf32>
    %get3A_1482 = arith.constant 96 : index
    %get3A_1483 = tpu.vector_load %arg14[%get3A_1482] {strides = array<i32>} : memref<640xf32, #tpu.memory_space<vmem>>, vector<16xf32>,
    %add3A_1484 = arith.addf %mul3A_1481, %get3A_1483 : vector<16xf32>
    %get3A_1485 = arith.constant 96 : index
    %get3A_1486 = tpu.vector_load %arg13[%get3A_1485] {strides = array<i32>} : memref<640xf32, #tpu.memory_space<vmem>>, vector<16xf32>,
    %add3A_1487 = arith.addf %add3A_1484, %get3A_1486 : vector<16xf32>
    %get3A_1488 = arith.constant 96 : index
    %get3A_1489 = tpu.vector_load %arg18[%get3A_1488] {strides = array<i32>} : memref<320xf32, #tpu.memory_space<vmem>>, vector<16xf32>,
    %mul3A_1490 = arith.mulf %add3A_1487, %get3A_1489 : vector<16xf32>
    %swap3A_1491 = arith.constant 96 : index
    %swap3A_1492 = tpu.vector_load %arg15[%swap3A_1491] {strides = array<i32>} : memref<640xf32, #tpu.memory_space<vmem>>, vector<16xf32>,
    tpu.vector_store %arg15[%swap3A_1491], %mul3A_1490 {strides = array<i32>} : memref<640xf32, #tpu.memory_space<vmem>>, vector<16xf32>,
    %add3A_1493 = arith.constant 112 : i32
    %add3A_1494 = arith.addi %mul3A_4, %add3A_1493 : i32
    %get3A_1495 = arith.index_cast %add3A_1494 : i32 to index
    %get3A_1496 = tpu.vector_load %arg11[%get3A_1495] {strides = array<i32>} : memref<10240xf32, #tpu.memory_space<vmem>>, vector<16xf32>,
    %mul3A_1497 = arith.constant 1.100000e+00 : f32
    %mul3A_1498 = vector.broadcast %mul3A_1497 : f32 to vector<16xf32>
    %mul3A_1499 = arith.mulf %mul3A_1498, %get3A_1496 : vector<16xf32>
    %get3A_1500 = arith.constant 112 : index
    %get3A_1501 = tpu.vector_load %arg14[%get3A_1500] {strides = array<i32>} : memref<640xf32, #tpu.memory_space<vmem>>, vector<16xf32>,
    %add3A_1502 = arith.addf %mul3A_1499, %get3A_1501 : vector<16xf32>
    %get3A_1503 = arith.constant 112 : index
    %get3A_1504 = tpu.vector_load %arg13[%get3A_1503] {strides = array<i32>} : memref<640xf32, #tpu.memory_space<vmem>>, vector<16xf32>,
    %add3A_1505 = arith.addf %add3A_1502, %get3A_1504 : vector<16xf32>
    %get3A_1506 = arith.constant 112 : index
    %get3A_1507 = tpu.vector_load %arg18[%get3A_1506] {strides = array<i32>} : memref<320xf32, #tpu.memory_space<vmem>>, vector<16xf32>,
    %mul3A_1508 = arith.mulf %add3A_1505, %get3A_1507 : vector<16xf32>
    %swap3A_1509 = arith.constant 112 : index
    %swap3A_1510 = tpu.vector_load %arg15[%swap3A_1509] {strides = array<i32>} : memref<640xf32, #tpu.memory_space<vmem>>, vector<16xf32>,
    tpu.vector_store %arg15[%swap3A_1509], %mul3A_1508 {strides = array<i32>} : memref<640xf32, #tpu.memory_space<vmem>>, vector<16xf32>,
    %add3A_1511 = arith.constant 128 : i32
    %add3A_1512 = arith.addi %mul3A_4, %add3A_1511 : i32
    %get3A_1513 = arith.index_cast %add3A_1512 : i32 to index
    %get3A_1514 = tpu.vector_load %arg11[%get3A_1513] {strides = array<i32>} : memref<10240xf32, #tpu.memory_space<vmem>>, vector<16xf32>,
    %mul3A_1515 = arith.constant 1.100000e+00 : f32
    %mul3A_1516 = vector.broadcast %mul3A_1515 : f32 to vector<16xf32>
    %mul3A_1517 = arith.mulf %mul3A_1516, %get3A_1514 : vector<16xf32>
    %get3A_1518 = arith.constant 128 : index
    %get3A_1519 = tpu.vector_load %arg14[%get3A_1518] {strides = array<i32>} : memref<640xf32, #tpu.memory_space<vmem>>, vector<16xf32>,
    %add3A_1520 = arith.addf %mul3A_1517, %get3A_1519 : vector<16xf32>
    %get3A_1521 = arith.constant 128 : index
    %get3A_1522 = tpu.vector_load %arg13[%get3A_1521] {strides = array<i32>} : memref<640xf32, #tpu.memory_space<vmem>>, vector<16xf32>,
    %add3A_1523 = arith.addf %add3A_1520, %get3A_1522 : vector<16xf32>
    %get3A_1524 = arith.constant 128 : index
    %get3A_1525 = tpu.vector_load %arg18[%get3A_1524] {strides = array<i32>} : memref<320xf32, #tpu.memory_space<vmem>>, vector<16xf32>,
    %mul3A_1526 = arith.mulf %add3A_1523, %get3A_1525 : vector<16xf32>
    %swap3A_1527 = arith.constant 128 : index
    %swap3A_1528 = tpu.vector_load %arg15[%swap3A_1527] {strides = array<i32>} : memref<640xf32, #tpu.memory_space<vmem>>, vector<16xf32>,
    tpu.vector_store %arg15[%swap3A_1527], %mul3A_1526 {strides = array<i32>} : memref<640xf32, #tpu.memory_space<vmem>>, vector<16xf32>,
    %add3A_1529 = arith.constant 144 : i32
    %add3A_1530 = arith.addi %mul3A_4, %add3A_1529 : i32
    %get3A_1531 = arith.index_cast %add3A_1530 : i32 to index
    %get3A_1532 = tpu.vector_load %arg11[%get3A_1531] {strides = array<i32>} : memref<10240xf32, #tpu.memory_space<vmem>>, vector<16xf32>,
    %mul3A_1533 = arith.constant 1.100000e+00 : f32
    %mul3A_1534 = vector.broadcast %mul3A_1533 : f32 to vector<16xf32>
    %mul3A_1535 = arith.mulf %mul3A_1534, %get3A_1532 : vector<16xf32>
    %get3A_1536 = arith.constant 144 : index
    %get3A_1537 = tpu.vector_load %arg14[%get3A_1536] {strides = array<i32>} : memref<640xf32, #tpu.memory_space<vmem>>, vector<16xf32>,
    %add3A_1538 = arith.addf %mul3A_1535, %get3A_1537 : vector<16xf32>
    %get3A_1539 = arith.constant 144 : index
    %get3A_1540 = tpu.vector_load %arg13[%get3A_1539] {strides = array<i32>} : memref<640xf32, #tpu.memory_space<vmem>>, vector<16xf32>,
    %add3A_1541 = arith.addf %add3A_1538, %get3A_1540 : vector<16xf32>
    %get3A_1542 = arith.constant 144 : index
    %get3A_1543 = tpu.vector_load %arg18[%get3A_1542] {strides = array<i32>} : memref<320xf32, #tpu.memory_space<vmem>>, vector<16xf32>,
    %mul3A_1544 = arith.mulf %add3A_1541, %get3A_1543 : vector<16xf32>
    %swap3A_1545 = arith.constant 144 : index
    %swap3A_1546 = tpu.vector_load %arg15[%swap3A_1545] {strides = array<i32>} : memref<640xf32, #tpu.memory_space<vmem>>, vector<16xf32>,
    tpu.vector_store %arg15[%swap3A_1545], %mul3A_1544 {strides = array<i32>} : memref<640xf32, #tpu.memory_space<vmem>>, vector<16xf32>,
    %add3A_1547 = arith.constant 160 : i32
    %add3A_1548 = arith.addi %mul3A_4, %add3A_1547 : i32
    %get3A_1549 = arith.index_cast %add3A_1548 : i32 to index
    %get3A_1550 = tpu.vector_load %arg11[%get3A_1549] {strides = array<i32>} : memref<10240xf32, #tpu.memory_space<vmem>>, vector<16xf32>,
    %mul3A_1551 = arith.constant 1.100000e+00 : f32
    %mul3A_1552 = vector.broadcast %mul3A_1551 : f32 to vector<16xf32>
    %mul3A_1553 = arith.mulf %mul3A_1552, %get3A_1550 : vector<16xf32>
    %get3A_1554 = arith.constant 160 : index
    %get3A_1555 = tpu.vector_load %arg14[%get3A_1554] {strides = array<i32>} : memref<640xf32, #tpu.memory_space<vmem>>, vector<16xf32>,
    %add3A_1556 = arith.addf %mul3A_1553, %get3A_1555 : vector<16xf32>
    %get3A_1557 = arith.constant 160 : index
    %get3A_1558 = tpu.vector_load %arg13[%get3A_1557] {strides = array<i32>} : memref<640xf32, #tpu.memory_space<vmem>>, vector<16xf32>,
    %add3A_1559 = arith.addf %add3A_1556, %get3A_1558 : vector<16xf32>
    %get3A_1560 = arith.constant 160 : index
    %get3A_1561 = tpu.vector_load %arg18[%get3A_1560] {strides = array<i32>} : memref<320xf32, #tpu.memory_space<vmem>>, vector<16xf32>,
    %mul3A_1562 = arith.mulf %add3A_1559, %get3A_1561 : vector<16xf32>
    %swap3A_1563 = arith.constant 160 : index
    %swap3A_1564 = tpu.vector_load %arg15[%swap3A_1563] {strides = array<i32>} : memref<640xf32, #tpu.memory_space<vmem>>, vector<16xf32>,
    tpu.vector_store %arg15[%swap3A_1563], %mul3A_1562 {strides = array<i32>} : memref<640xf32, #tpu.memory_space<vmem>>, vector<16xf32>,
    %add3A_1565 = arith.constant 176 : i32
    %add3A_1566 = arith.addi %mul3A_4, %add3A_1565 : i32
    %get3A_1567 = arith.index_cast %add3A_1566 : i32 to index
    %get3A_1568 = tpu.vector_load %arg11[%get3A_1567] {strides = array<i32>} : memref<10240xf32, #tpu.memory_space<vmem>>, vector<16xf32>,
    %mul3A_1569 = arith.constant 1.100000e+00 : f32
    %mul3A_1570 = vector.broadcast %mul3A_1569 : f32 to vector<16xf32>
    %mul3A_1571 = arith.mulf %mul3A_1570, %get3A_1568 : vector<16xf32>
    %get3A_1572 = arith.constant 176 : index
    %get3A_1573 = tpu.vector_load %arg14[%get3A_1572] {strides = array<i32>} : memref<640xf32, #tpu.memory_space<vmem>>, vector<16xf32>,
    %add3A_1574 = arith.addf %mul3A_1571, %get3A_1573 : vector<16xf32>
    %get3A_1575 = arith.constant 176 : index
    %get3A_1576 = tpu.vector_load %arg13[%get3A_1575] {strides = array<i32>} : memref<640xf32, #tpu.memory_space<vmem>>, vector<16xf32>,
    %add3A_1577 = arith.addf %add3A_1574, %get3A_1576 : vector<16xf32>
    %get3A_1578 = arith.constant 176 : index
    %get3A_1579 = tpu.vector_load %arg18[%get3A_1578] {strides = array<i32>} : memref<320xf32, #tpu.memory_space<vmem>>, vector<16xf32>,
    %mul3A_1580 = arith.mulf %add3A_1577, %get3A_1579 : vector<16xf32>
    %swap3A_1581 = arith.constant 176 : index
    %swap3A_1582 = tpu.vector_load %arg15[%swap3A_1581] {strides = array<i32>} : memref<640xf32, #tpu.memory_space<vmem>>, vector<16xf32>,
    tpu.vector_store %arg15[%swap3A_1581], %mul3A_1580 {strides = array<i32>} : memref<640xf32, #tpu.memory_space<vmem>>, vector<16xf32>,
    %add3A_1583 = arith.constant 192 : i32
    %add3A_1584 = arith.addi %mul3A_4, %add3A_1583 : i32
    %get3A_1585 = arith.index_cast %add3A_1584 : i32 to index
    %get3A_1586 = tpu.vector_load %arg11[%get3A_1585] {strides = array<i32>} : memref<10240xf32, #tpu.memory_space<vmem>>, vector<16xf32>,
    %mul3A_1587 = arith.constant 1.100000e+00 : f32
    %mul3A_1588 = vector.broadcast %mul3A_1587 : f32 to vector<16xf32>
    %mul3A_1589 = arith.mulf %mul3A_1588, %get3A_1586 : vector<16xf32>
    %get3A_1590 = arith.constant 192 : index
    %get3A_1591 = tpu.vector_load %arg14[%get3A_1590] {strides = array<i32>} : memref<640xf32, #tpu.memory_space<vmem>>, vector<16xf32>,
    %add3A_1592 = arith.addf %mul3A_1589, %get3A_1591 : vector<16xf32>
    %get3A_1593 = arith.constant 192 : index
    %get3A_1594 = tpu.vector_load %arg13[%get3A_1593] {strides = array<i32>} : memref<640xf32, #tpu.memory_space<vmem>>, vector<16xf32>,
    %add3A_1595 = arith.addf %add3A_1592, %get3A_1594 : vector<16xf32>
    %get3A_1596 = arith.constant 192 : index
    %get3A_1597 = tpu.vector_load %arg18[%get3A_1596] {strides = array<i32>} : memref<320xf32, #tpu.memory_space<vmem>>, vector<16xf32>,
    %mul3A_1598 = arith.mulf %add3A_1595, %get3A_1597 : vector<16xf32>
    %swap3A_1599 = arith.constant 192 : index
    %swap3A_1600 = tpu.vector_load %arg15[%swap3A_1599] {strides = array<i32>} : memref<640xf32, #tpu.memory_space<vmem>>, vector<16xf32>,
    tpu.vector_store %arg15[%swap3A_1599], %mul3A_1598 {strides = array<i32>} : memref<640xf32, #tpu.memory_space<vmem>>, vector<16xf32>,
    %add3A_1601 = arith.constant 208 : i32
    %add3A_1602 = arith.addi %mul3A_4, %add3A_1601 : i32
    %get3A_1603 = arith.index_cast %add3A_1602 : i32 to index
    %get3A_1604 = tpu.vector_load %arg11[%get3A_1603] {strides = array<i32>} : memref<10240xf32, #tpu.memory_space<vmem>>, vector<16xf32>,
    %mul3A_1605 = arith.constant 1.100000e+00 : f32
    %mul3A_1606 = vector.broadcast %mul3A_1605 : f32 to vector<16xf32>
    %mul3A_1607 = arith.mulf %mul3A_1606, %get3A_1604 : vector<16xf32>
    %get3A_1608 = arith.constant 208 : index
    %get3A_1609 = tpu.vector_load %arg14[%get3A_1608] {strides = array<i32>} : memref<640xf32, #tpu.memory_space<vmem>>, vector<16xf32>,
    %add3A_1610 = arith.addf %mul3A_1607, %get3A_1609 : vector<16xf32>
    %get3A_1611 = arith.constant 208 : index
    %get3A_1612 = tpu.vector_load %arg13[%get3A_1611] {strides = array<i32>} : memref<640xf32, #tpu.memory_space<vmem>>, vector<16xf32>,
    %add3A_1613 = arith.addf %add3A_1610, %get3A_1612 : vector<16xf32>
    %get3A_1614 = arith.constant 208 : index
    %get3A_1615 = tpu.vector_load %arg18[%get3A_1614] {strides = array<i32>} : memref<320xf32, #tpu.memory_space<vmem>>, vector<16xf32>,
    %mul3A_1616 = arith.mulf %add3A_1613, %get3A_1615 : vector<16xf32>
    %swap3A_1617 = arith.constant 208 : index
    %swap3A_1618 = tpu.vector_load %arg15[%swap3A_1617] {strides = array<i32>} : memref<640xf32, #tpu.memory_space<vmem>>, vector<16xf32>,
    tpu.vector_store %arg15[%swap3A_1617], %mul3A_1616 {strides = array<i32>} : memref<640xf32, #tpu.memory_space<vmem>>, vector<16xf32>,
    %add3A_1619 = arith.constant 224 : i32
    %add3A_1620 = arith.addi %mul3A_4, %add3A_1619 : i32
    %get3A_1621 = arith.index_cast %add3A_1620 : i32 to index
    %get3A_1622 = tpu.vector_load %arg11[%get3A_1621] {strides = array<i32>} : memref<10240xf32, #tpu.memory_space<vmem>>, vector<16xf32>,
    %mul3A_1623 = arith.constant 1.100000e+00 : f32
    %mul3A_1624 = vector.broadcast %mul3A_1623 : f32 to vector<16xf32>
    %mul3A_1625 = arith.mulf %mul3A_1624, %get3A_1622 : vector<16xf32>
    %get3A_1626 = arith.constant 224 : index
    %get3A_1627 = tpu.vector_load %arg14[%get3A_1626] {strides = array<i32>} : memref<640xf32, #tpu.memory_space<vmem>>, vector<16xf32>,
    %add3A_1628 = arith.addf %mul3A_1625, %get3A_1627 : vector<16xf32>
    %get3A_1629 = arith.constant 224 : index
    %get3A_1630 = tpu.vector_load %arg13[%get3A_1629] {strides = array<i32>} : memref<640xf32, #tpu.memory_space<vmem>>, vector<16xf32>,
    %add3A_1631 = arith.addf %add3A_1628, %get3A_1630 : vector<16xf32>
    %get3A_1632 = arith.constant 224 : index
    %get3A_1633 = tpu.vector_load %arg18[%get3A_1632] {strides = array<i32>} : memref<320xf32, #tpu.memory_space<vmem>>, vector<16xf32>,
    %mul3A_1634 = arith.mulf %add3A_1631, %get3A_1633 : vector<16xf32>
    %swap3A_1635 = arith.constant 224 : index
    %swap3A_1636 = tpu.vector_load %arg15[%swap3A_1635] {strides = array<i32>} : memref<640xf32, #tpu.memory_space<vmem>>, vector<16xf32>,
    tpu.vector_store %arg15[%swap3A_1635], %mul3A_1634 {strides = array<i32>} : memref<640xf32, #tpu.memory_space<vmem>>, vector<16xf32>,
    %add3A_1637 = arith.constant 240 : i32
    %add3A_1638 = arith.addi %mul3A_4, %add3A_1637 : i32
    %get3A_1639 = arith.index_cast %add3A_1638 : i32 to index
    %get3A_1640 = tpu.vector_load %arg11[%get3A_1639] {strides = array<i32>} : memref<10240xf32, #tpu.memory_space<vmem>>, vector<16xf32>,
    %mul3A_1641 = arith.constant 1.100000e+00 : f32
    %mul3A_1642 = vector.broadcast %mul3A_1641 : f32 to vector<16xf32>
    %mul3A_1643 = arith.mulf %mul3A_1642, %get3A_1640 : vector<16xf32>
    %get3A_1644 = arith.constant 240 : index
    %get3A_1645 = tpu.vector_load %arg14[%get3A_1644] {strides = array<i32>} : memref<640xf32, #tpu.memory_space<vmem>>, vector<16xf32>,
    %add3A_1646 = arith.addf %mul3A_1643, %get3A_1645 : vector<16xf32>
    %get3A_1647 = arith.constant 240 : index
    %get3A_1648 = tpu.vector_load %arg13[%get3A_1647] {strides = array<i32>} : memref<640xf32, #tpu.memory_space<vmem>>, vector<16xf32>,
    %add3A_1649 = arith.addf %add3A_1646, %get3A_1648 : vector<16xf32>
    %get3A_1650 = arith.constant 240 : index
    %get3A_1651 = tpu.vector_load %arg18[%get3A_1650] {strides = array<i32>} : memref<320xf32, #tpu.memory_space<vmem>>, vector<16xf32>,
    %mul3A_1652 = arith.mulf %add3A_1649, %get3A_1651 : vector<16xf32>
    %swap3A_1653 = arith.constant 240 : index
    %swap3A_1654 = tpu.vector_load %arg15[%swap3A_1653] {strides = array<i32>} : memref<640xf32, #tpu.memory_space<vmem>>, vector<16xf32>,
    tpu.vector_store %arg15[%swap3A_1653], %mul3A_1652 {strides = array<i32>} : memref<640xf32, #tpu.memory_space<vmem>>, vector<16xf32>,
    %add3A_1655 = arith.constant 256 : i32
    %add3A_1656 = arith.addi %mul3A_4, %add3A_1655 : i32
    %get3A_1657 = arith.index_cast %add3A_1656 : i32 to index
    %get3A_1658 = tpu.vector_load %arg11[%get3A_1657] {strides = array<i32>} : memref<10240xf32, #tpu.memory_space<vmem>>, vector<16xf32>,
    %mul3A_1659 = arith.constant 1.100000e+00 : f32
    %mul3A_1660 = vector.broadcast %mul3A_1659 : f32 to vector<16xf32>
    %mul3A_1661 = arith.mulf %mul3A_1660, %get3A_1658 : vector<16xf32>
    %get3A_1662 = arith.constant 256 : index
    %get3A_1663 = tpu.vector_load %arg14[%get3A_1662] {strides = array<i32>} : memref<640xf32, #tpu.memory_space<vmem>>, vector<16xf32>,
    %add3A_1664 = arith.addf %mul3A_1661, %get3A_1663 : vector<16xf32>
    %get3A_1665 = arith.constant 256 : index
    %get3A_1666 = tpu.vector_load %arg13[%get3A_1665] {strides = array<i32>} : memref<640xf32, #tpu.memory_space<vmem>>, vector<16xf32>,
    %add3A_1667 = arith.addf %add3A_1664, %get3A_1666 : vector<16xf32>
    %get3A_1668 = arith.constant 256 : index
    %get3A_1669 = tpu.vector_load %arg18[%get3A_1668] {strides = array<i32>} : memref<320xf32, #tpu.memory_space<vmem>>, vector<16xf32>,
    %mul3A_1670 = arith.mulf %add3A_1667, %get3A_1669 : vector<16xf32>
    %swap3A_1671 = arith.constant 256 : index
    %swap3A_1672 = tpu.vector_load %arg15[%swap3A_1671] {strides = array<i32>} : memref<640xf32, #tpu.memory_space<vmem>>, vector<16xf32>,
    tpu.vector_store %arg15[%swap3A_1671], %mul3A_1670 {strides = array<i32>} : memref<640xf32, #tpu.memory_space<vmem>>, vector<16xf32>,
    %add3A_1673 = arith.constant 272 : i32
    %add3A_1674 = arith.addi %mul3A_4, %add3A_1673 : i32
    %get3A_1675 = arith.index_cast %add3A_1674 : i32 to index
    %get3A_1676 = tpu.vector_load %arg11[%get3A_1675] {strides = array<i32>} : memref<10240xf32, #tpu.memory_space<vmem>>, vector<16xf32>,
    %mul3A_1677 = arith.constant 1.100000e+00 : f32
    %mul3A_1678 = vector.broadcast %mul3A_1677 : f32 to vector<16xf32>
    %mul3A_1679 = arith.mulf %mul3A_1678, %get3A_1676 : vector<16xf32>
    %get3A_1680 = arith.constant 272 : index
    %get3A_1681 = tpu.vector_load %arg14[%get3A_1680] {strides = array<i32>} : memref<640xf32, #tpu.memory_space<vmem>>, vector<16xf32>,
    %add3A_1682 = arith.addf %mul3A_1679, %get3A_1681 : vector<16xf32>
    %get3A_1683 = arith.constant 272 : index
    %get3A_1684 = tpu.vector_load %arg13[%get3A_1683] {strides = array<i32>} : memref<640xf32, #tpu.memory_space<vmem>>, vector<16xf32>,
    %add3A_1685 = arith.addf %add3A_1682, %get3A_1684 : vector<16xf32>
    %get3A_1686 = arith.constant 272 : index
    %get3A_1687 = tpu.vector_load %arg18[%get3A_1686] {strides = array<i32>} : memref<320xf32, #tpu.memory_space<vmem>>, vector<16xf32>,
    %mul3A_1688 = arith.mulf %add3A_1685, %get3A_1687 : vector<16xf32>
    %swap3A_1689 = arith.constant 272 : index
    %swap3A_1690 = tpu.vector_load %arg15[%swap3A_1689] {strides = array<i32>} : memref<640xf32, #tpu.memory_space<vmem>>, vector<16xf32>,
    tpu.vector_store %arg15[%swap3A_1689], %mul3A_1688 {strides = array<i32>} : memref<640xf32, #tpu.memory_space<vmem>>, vector<16xf32>,
    %add3A_1691 = arith.constant 288 : i32
    %add3A_1692 = arith.addi %mul3A_4, %add3A_1691 : i32
    %get3A_1693 = arith.index_cast %add3A_1692 : i32 to index
    %get3A_1694 = tpu.vector_load %arg11[%get3A_1693] {strides = array<i32>} : memref<10240xf32, #tpu.memory_space<vmem>>, vector<16xf32>,
    %mul3A_1695 = arith.constant 1.100000e+00 : f32
    %mul3A_1696 = vector.broadcast %mul3A_1695 : f32 to vector<16xf32>
    %mul3A_1697 = arith.mulf %mul3A_1696, %get3A_1694 : vector<16xf32>
    %get3A_1698 = arith.constant 288 : index
    %get3A_1699 = tpu.vector_load %arg14[%get3A_1698] {strides = array<i32>} : memref<640xf32, #tpu.memory_space<vmem>>, vector<16xf32>,
    %add3A_1700 = arith.addf %mul3A_1697, %get3A_1699 : vector<16xf32>
    %get3A_1701 = arith.constant 288 : index
    %get3A_1702 = tpu.vector_load %arg13[%get3A_1701] {strides = array<i32>} : memref<640xf32, #tpu.memory_space<vmem>>, vector<16xf32>,
    %add3A_1703 = arith.addf %add3A_1700, %get3A_1702 : vector<16xf32>
    %get3A_1704 = arith.constant 288 : index
    %get3A_1705 = tpu.vector_load %arg18[%get3A_1704] {strides = array<i32>} : memref<320xf32, #tpu.memory_space<vmem>>, vector<16xf32>,
    %mul3A_1706 = arith.mulf %add3A_1703, %get3A_1705 : vector<16xf32>
    %swap3A_1707 = arith.constant 288 : index
    %swap3A_1708 = tpu.vector_load %arg15[%swap3A_1707] {strides = array<i32>} : memref<640xf32, #tpu.memory_space<vmem>>, vector<16xf32>,
    tpu.vector_store %arg15[%swap3A_1707], %mul3A_1706 {strides = array<i32>} : memref<640xf32, #tpu.memory_space<vmem>>, vector<16xf32>,
    %add3A_1709 = arith.constant 304 : i32
    %add3A_1710 = arith.addi %mul3A_4, %add3A_1709 : i32
    %get3A_1711 = arith.index_cast %add3A_1710 : i32 to index
    %get3A_1712 = tpu.vector_load %arg11[%get3A_1711] {strides = array<i32>} : memref<10240xf32, #tpu.memory_space<vmem>>, vector<16xf32>,
    %mul3A_1713 = arith.constant 1.100000e+00 : f32
    %mul3A_1714 = vector.broadcast %mul3A_1713 : f32 to vector<16xf32>
    %mul3A_1715 = arith.mulf %mul3A_1714, %get3A_1712 : vector<16xf32>
    %get3A_1716 = arith.constant 304 : index
    %get3A_1717 = tpu.vector_load %arg14[%get3A_1716] {strides = array<i32>} : memref<640xf32, #tpu.memory_space<vmem>>, vector<16xf32>,
    %add3A_1718 = arith.addf %mul3A_1715, %get3A_1717 : vector<16xf32>
    %get3A_1719 = arith.constant 304 : index
    %get3A_1720 = tpu.vector_load %arg13[%get3A_1719] {strides = array<i32>} : memref<640xf32, #tpu.memory_space<vmem>>, vector<16xf32>,
    %add3A_1721 = arith.addf %add3A_1718, %get3A_1720 : vector<16xf32>
    %get3A_1722 = arith.constant 304 : index
    %get3A_1723 = tpu.vector_load %arg18[%get3A_1722] {strides = array<i32>} : memref<320xf32, #tpu.memory_space<vmem>>, vector<16xf32>,
    %mul3A_1724 = arith.mulf %add3A_1721, %get3A_1723 : vector<16xf32>
    %swap3A_1725 = arith.constant 304 : index
    %swap3A_1726 = tpu.vector_load %arg15[%swap3A_1725] {strides = array<i32>} : memref<640xf32, #tpu.memory_space<vmem>>, vector<16xf32>,
    tpu.vector_store %arg15[%swap3A_1725], %mul3A_1724 {strides = array<i32>} : memref<640xf32, #tpu.memory_space<vmem>>, vector<16xf32>,
    %sub3A_1727 = arith.constant 10000 : i32
    %sub3A_1728 = arith.subi %sub3A_1727, %mul3A_4 : i32
    %min3A = arith.constant 320 : i32
    %min3A_1729 = arith.minsi %min3A, %sub3A_1728 : i32
    %jit3A = arith.constant 16 : i32
    %div3A = arith.divsi %min3A_1729, %jit3A : i32
    %sign3A = arith.constant 0 : i32
    %sign3A_1730 = arith.cmpi sgt, %min3A_1729, %sign3A : i32
    %sign3A_1731 = arith.extui %sign3A_1730 : i1 to i32
    %sign3A_1732 = arith.constant 0 : i32
    %sign3A_1733 = arith.cmpi slt, %min3A_1729, %sign3A_1732 : i32
    %sign3A_1734 = arith.extui %sign3A_1733 : i1 to i32
    %sign3A_1735 = arith.subi %sign3A_1731, %sign3A_1734 : i32
    %sign3A_1736 = arith.constant 0 : i32
    %sign3A_1737 = arith.cmpi sgt, %jit3A, %sign3A_1736 : i32
    %sign3A_1738 = arith.extui %sign3A_1737 : i1 to i32
    %sign3A_1739 = arith.constant 0 : i32
    %sign3A_1740 = arith.cmpi slt, %jit3A, %sign3A_1739 : i32
    %sign3A_1741 = arith.extui %sign3A_1740 : i1 to i32
    %sign3A_1742 = arith.subi %sign3A_1738, %sign3A_1741 : i32
    %ne3A = arith.cmpi ne, %sign3A_1735, %sign3A_1742 : i32
    %rem3A = arith.remsi %min3A_1729, %jit3A : i32
    %ne3A_1743 = arith.constant 0 : i32
    %ne3A_1744 = arith.cmpi ne, %rem3A, %ne3A_1743 : i32
    %and3A = arith.andi %ne3A, %ne3A_1744 : i1
    %sub3A_1745 = arith.constant 1 : i32
    %sub3A_1746 = arith.subi %div3A, %sub3A_1745 : i32
    %select_n3A = arith.select %and3A, %sub3A_1746, %div3A : i32
    %broadcast_in_dim3A_1747 = arith.constant 0.000000e+00 : f32
    %broadcast_in_dim3A_1748 = vector.broadcast %broadcast_in_dim3A_1747 : f32 to vector<16xf32>
    %broadcast_in_dim3A_1749 = arith.constant 0.000000e+00 : f32
    %broadcast_in_dim3A_1750 = vector.broadcast %broadcast_in_dim3A_1749 : f32 to vector<16xf32>
    %broadcast_in_dim3A_1751 = arith.constant 0.000000e+00 : f32
    %broadcast_in_dim3A_1752 = vector.broadcast %broadcast_in_dim3A_1751 : f32 to vector<16xf32>
    %broadcast_in_dim3A_1753 = arith.constant 0.000000e+00 : f32
    %broadcast_in_dim3A_1754 = vector.broadcast %broadcast_in_dim3A_1753 : f32 to vector<16xf32>
    %broadcast_in_dim3A_1755 = arith.constant 0.000000e+00 : f32
    %broadcast_in_dim3A_1756 = vector.broadcast %broadcast_in_dim3A_1755 : f32 to vector<16xf32>
    %broadcast_in_dim3A_1757 = arith.constant 0.000000e+00 : f32
    %broadcast_in_dim3A_1758 = vector.broadcast %broadcast_in_dim3A_1757 : f32 to vector<16xf32>
    %broadcast_in_dim3A_1759 = arith.constant 0.000000e+00 : f32
    %broadcast_in_dim3A_1760 = vector.broadcast %broadcast_in_dim3A_1759 : f32 to vector<16xf32>
    %broadcast_in_dim3A_1761 = arith.constant 0.000000e+00 : f32
    %broadcast_in_dim3A_1762 = vector.broadcast %broadcast_in_dim3A_1761 : f32 to vector<16xf32>
    %broadcast_in_dim3A_1763 = arith.constant 0.000000e+00 : f32
    %broadcast_in_dim3A_1764 = vector.broadcast %broadcast_in_dim3A_1763 : f32 to vector<16xf32>
    %broadcast_in_dim3A_1765 = arith.constant 0.000000e+00 : f32
    %broadcast_in_dim3A_1766 = vector.broadcast %broadcast_in_dim3A_1765 : f32 to vector<16xf32>
    %broadcast_in_dim3A_1767 = arith.constant 0.000000e+00 : f32
    %broadcast_in_dim3A_1768 = vector.broadcast %broadcast_in_dim3A_1767 : f32 to vector<16xf32>
    %broadcast_in_dim3A_1769 = arith.constant 0.000000e+00 : f32
    %broadcast_in_dim3A_1770 = vector.broadcast %broadcast_in_dim3A_1769 : f32 to vector<16xf32>
    %broadcast_in_dim3A_1771 = arith.constant 0.000000e+00 : f32
    %broadcast_in_dim3A_1772 = vector.broadcast %broadcast_in_dim3A_1771 : f32 to vector<16xf32>
    %broadcast_in_dim3A_1773 = arith.constant 0.000000e+00 : f32
    %broadcast_in_dim3A_1774 = vector.broadcast %broadcast_in_dim3A_1773 : f32 to vector<16xf32>
    %broadcast_in_dim3A_1775 = arith.constant 0.000000e+00 : f32
    %broadcast_in_dim3A_1776 = vector.broadcast %broadcast_in_dim3A_1775 : f32 to vector<16xf32>
    %broadcast_in_dim3A_1777 = arith.constant 0.000000e+00 : f32
    %broadcast_in_dim3A_1778 = vector.broadcast %broadcast_in_dim3A_1777 : f32 to vector<16xf32>
    %while3A = arith.constant 0 : i32
    %while3A_1779 = arith.subi %select_n3A, %while3A : i32
    %while3A_1780 = arith.addi %while3A, %while3A_1779 : i32
    %while3A_1781 = arith.constant 1 : i32
    %while3A_1782 = arith.divsi %while3A_1779, %while3A_1781 : i32
    %while3A_1783 = arith.muli %while3A_1782, %while3A_1781 : i32
    %while3A_1784 = arith.addi %while3A, %while3A_1783 : i32
    %while3A_1785 = arith.constant 1 : i32
    %while3A_1786:16 = scf.for %while3A_1834 = %while3A to %while3A_1784 step %while3A_1785 iter_args(%while3A_1835 = %broadcast_in_dim3A_1748, %while3A_1836 = %broadcast_in_dim3A_1750, %while3A_1837 = %broadcast_in_dim3A_1752, %while3A_1838 = %broadcast_in_dim3A_1754, %while3A_1839 = %broadcast_in_dim3A_1756, %while3A_1840 = %broadcast_in_dim3A_1758, %while3A_1841 = %broadcast_in_dim3A_1760, %while3A_1842 = %broadcast_in_dim3A_1762, %while3A_1843 = %broadcast_in_dim3A_1764, %while3A_1844 = %broadcast_in_dim3A_1766, %while3A_1845 = %broadcast_in_dim3A_1768, %while3A_1846 = %broadcast_in_dim3A_1770, %while3A_1847 = %broadcast_in_dim3A_1772, %while3A_1848 = %broadcast_in_dim3A_1774, %while3A_1849 = %broadcast_in_dim3A_1776, %while3A_1850 = %broadcast_in_dim3A_1778) -> (vector<16xf32>, vector<16xf32>, vector<16xf32>, vector<16xf32>, vector<16xf32>, vector<16xf32>, vector<16xf32>, vector<16xf32>, vector<16xf32>, vector<16xf32>, vector<16xf32>, vector<16xf32>, vector<16xf32>, vector<16xf32>, vector<16xf32>, vector<16xf32>)  : i32 {
      %mul3A_1851 = arith.constant 16 : i32
      %mul3A_1852 = arith.muli %while3A_1834, %mul3A_1851 : i32
      %get3A_1853 = arith.index_cast %mul3A_1852 : i32 to index
      %get3A_1854 = tpu.vector_load %arg15[%get3A_1853] {strides = array<i32>} : memref<640xf32, #tpu.memory_space<vmem>>, vector<16xf32>,
      %slice3A = vector.extract_strided_slice %get3A_1854 {offsets = [0], sizes = [1], strides = [1]} : vector<16xf32> to vector<1xf32>
      %squeeze3A = vector.extract %slice3A[0] : f32 from vector<1xf32>
      %broadcast_in_dim3A_1855 = vector.broadcast %squeeze3A : f32 to vector<16xf32>
      %slice3A_1856 = vector.extract_strided_slice %get3A_1854 {offsets = [1], sizes = [1], strides = [1]} : vector<16xf32> to vector<1xf32>
      %squeeze3A_1857 = vector.extract %slice3A_1856[0] : f32 from vector<1xf32>
      %broadcast_in_dim3A_1858 = vector.broadcast %squeeze3A_1857 : f32 to vector<16xf32>
      %mul3A_1859 = arith.constant 16 : i32
      %mul3A_1860 = arith.muli %while3A_1834, %mul3A_1859 : i32
      %add3A_1861 = arith.constant 0 : i32
      %add3A_1862 = arith.addi %mul3A_1860, %add3A_1861 : i32
      %mul3A_1863 = arith.constant 16 : i32
      %mul3A_1864 = arith.muli %while3A_1834, %mul3A_1863 : i32
      %add3A_1865 = arith.constant 0 : i32
      %add3A_1866 = arith.addi %mul3A_1864, %add3A_1865 : i32
      %add3A_1867 = arith.constant 1 : i32
      %add3A_1868 = arith.addi %add3A_1866, %add3A_1867 : i32
      %get3A_1869 = arith.index_cast %add3A_1862 : i32 to index
      %get3A_1870 = arith.constant 0 : index
      %get3A_1871 = tpu.vector_load %arg17[%get3A_1869, %get3A_1870] {strides = array<i32>} : memref<320x128xf32, #tpu.memory_space<vmem>>, vector<16xf32>,
      %mul3A_1872 = arith.mulf %broadcast_in_dim3A_1855, %get3A_1871 : vector<16xf32>
      %add3A_1873 = arith.addf %while3A_1835, %mul3A_1872 : vector<16xf32>
      %get3A_1874 = arith.index_cast %add3A_1862 : i32 to index
      %get3A_1875 = arith.constant 16 : index
      %get3A_1876 = tpu.vector_load %arg17[%get3A_1874, %get3A_1875] {strides = array<i32>} : memref<320x128xf32, #tpu.memory_space<vmem>>, vector<16xf32>,
      %mul3A_1877 = arith.mulf %broadcast_in_dim3A_1855, %get3A_1876 : vector<16xf32>
      %add3A_1878 = arith.addf %while3A_1836, %mul3A_1877 : vector<16xf32>
      %get3A_1879 = arith.index_cast %add3A_1862 : i32 to index
      %get3A_1880 = arith.constant 32 : index
      %get3A_1881 = tpu.vector_load %arg17[%get3A_1879, %get3A_1880] {strides = array<i32>} : memref<320x128xf32, #tpu.memory_space<vmem>>, vector<16xf32>,
      %mul3A_1882 = arith.mulf %broadcast_in_dim3A_1855, %get3A_1881 : vector<16xf32>
      %add3A_1883 = arith.addf %while3A_1837, %mul3A_1882 : vector<16xf32>
      %get3A_1884 = arith.index_cast %add3A_1862 : i32 to index
      %get3A_1885 = arith.constant 48 : index
      %get3A_1886 = tpu.vector_load %arg17[%get3A_1884, %get3A_1885] {strides = array<i32>} : memref<320x128xf32, #tpu.memory_space<vmem>>, vector<16xf32>,
      %mul3A_1887 = arith.mulf %broadcast_in_dim3A_1855, %get3A_1886 : vector<16xf32>
      %add3A_1888 = arith.addf %while3A_1838, %mul3A_1887 : vector<16xf32>
      %get3A_1889 = arith.index_cast %add3A_1862 : i32 to index
      %get3A_1890 = arith.constant 64 : index
      %get3A_1891 = tpu.vector_load %arg17[%get3A_1889, %get3A_1890] {strides = array<i32>} : memref<320x128xf32, #tpu.memory_space<vmem>>, vector<16xf32>,
      %mul3A_1892 = arith.mulf %broadcast_in_dim3A_1855, %get3A_1891 : vector<16xf32>
      %add3A_1893 = arith.addf %while3A_1839, %mul3A_1892 : vector<16xf32>
      %get3A_1894 = arith.index_cast %add3A_1862 : i32 to index
      %get3A_1895 = arith.constant 80 : index
      %get3A_1896 = tpu.vector_load %arg17[%get3A_1894, %get3A_1895] {strides = array<i32>} : memref<320x128xf32, #tpu.memory_space<vmem>>, vector<16xf32>,
      %mul3A_1897 = arith.mulf %broadcast_in_dim3A_1855, %get3A_1896 : vector<16xf32>
      %add3A_1898 = arith.addf %while3A_1840, %mul3A_1897 : vector<16xf32>
      %get3A_1899 = arith.index_cast %add3A_1862 : i32 to index
      %get3A_1900 = arith.constant 96 : index
      %get3A_1901 = tpu.vector_load %arg17[%get3A_1899, %get3A_1900] {strides = array<i32>} : memref<320x128xf32, #tpu.memory_space<vmem>>, vector<16xf32>,
      %mul3A_1902 = arith.mulf %broadcast_in_dim3A_1855, %get3A_1901 : vector<16xf32>
      %add3A_1903 = arith.addf %while3A_1841, %mul3A_1902 : vector<16xf32>
      %get3A_1904 = arith.index_cast %add3A_1862 : i32 to index
      %get3A_1905 = arith.constant 112 : index
      %get3A_1906 = tpu.vector_load %arg17[%get3A_1904, %get3A_1905] {strides = array<i32>} : memref<320x128xf32, #tpu.memory_space<vmem>>, vector<16xf32>,
      %mul3A_1907 = arith.mulf %broadcast_in_dim3A_1855, %get3A_1906 : vector<16xf32>
      %add3A_1908 = arith.addf %while3A_1842, %mul3A_1907 : vector<16xf32>
      %get3A_1909 = arith.index_cast %add3A_1868 : i32 to index
      %get3A_1910 = arith.constant 0 : index
      %get3A_1911 = tpu.vector_load %arg17[%get3A_1909, %get3A_1910] {strides = array<i32>} : memref<320x128xf32, #tpu.memory_space<vmem>>, vector<16xf32>,
      %mul3A_1912 = arith.mulf %broadcast_in_dim3A_1858, %get3A_1911 : vector<16xf32>
      %add3A_1913 = arith.addf %while3A_1843, %mul3A_1912 : vector<16xf32>
      %get3A_1914 = arith.index_cast %add3A_1868 : i32 to index
      %get3A_1915 = arith.constant 16 : index
      %get3A_1916 = tpu.vector_load %arg17[%get3A_1914, %get3A_1915] {strides = array<i32>} : memref<320x128xf32, #tpu.memory_space<vmem>>, vector<16xf32>,
      %mul3A_1917 = arith.mulf %broadcast_in_dim3A_1858, %get3A_1916 : vector<16xf32>
      %add3A_1918 = arith.addf %while3A_1844, %mul3A_1917 : vector<16xf32>
      %get3A_1919 = arith.index_cast %add3A_1868 : i32 to index
      %get3A_1920 = arith.constant 32 : index
      %get3A_1921 = tpu.vector_load %arg17[%get3A_1919, %get3A_1920] {strides = array<i32>} : memref<320x128xf32, #tpu.memory_space<vmem>>, vector<16xf32>,
      %mul3A_1922 = arith.mulf %broadcast_in_dim3A_1858, %get3A_1921 : vector<16xf32>
      %add3A_1923 = arith.addf %while3A_1845, %mul3A_1922 : vector<16xf32>
      %get3A_1924 = arith.index_cast %add3A_1868 : i32 to index
      %get3A_1925 = arith.constant 48 : index
      %get3A_1926 = tpu.vector_load %arg17[%get3A_1924, %get3A_1925] {strides = array<i32>} : memref<320x128xf32, #tpu.memory_space<vmem>>, vector<16xf32>,
      %mul3A_1927 = arith.mulf %broadcast_in_dim3A_1858, %get3A_1926 : vector<16xf32>
      %add3A_1928 = arith.addf %while3A_1846, %mul3A_1927 : vector<16xf32>
      %get3A_1929 = arith.index_cast %add3A_1868 : i32 to index
      %get3A_1930 = arith.constant 64 : index
      %get3A_1931 = tpu.vector_load %arg17[%get3A_1929, %get3A_1930] {strides = array<i32>} : memref<320x128xf32, #tpu.memory_space<vmem>>, vector<16xf32>,
      %mul3A_1932 = arith.mulf %broadcast_in_dim3A_1858, %get3A_1931 : vector<16xf32>
      %add3A_1933 = arith.addf %while3A_1847, %mul3A_1932 : vector<16xf32>
      %get3A_1934 = arith.index_cast %add3A_1868 : i32 to index
      %get3A_1935 = arith.constant 80 : index
      %get3A_1936 = tpu.vector_load %arg17[%get3A_1934, %get3A_1935] {strides = array<i32>} : memref<320x128xf32, #tpu.memory_space<vmem>>, vector<16xf32>,
      %mul3A_1937 = arith.mulf %broadcast_in_dim3A_1858, %get3A_1936 : vector<16xf32>
      %add3A_1938 = arith.addf %while3A_1848, %mul3A_1937 : vector<16xf32>
      %get3A_1939 = arith.index_cast %add3A_1868 : i32 to index
      %get3A_1940 = arith.constant 96 : index
      %get3A_1941 = tpu.vector_load %arg17[%get3A_1939, %get3A_1940] {strides = array<i32>} : memref<320x128xf32, #tpu.memory_space<vmem>>, vector<16xf32>,
      %mul3A_1942 = arith.mulf %broadcast_in_dim3A_1858, %get3A_1941 : vector<16xf32>
      %add3A_1943 = arith.addf %while3A_1849, %mul3A_1942 : vector<16xf32>
      %get3A_1944 = arith.index_cast %add3A_1868 : i32 to index
      %get3A_1945 = arith.constant 112 : index
      %get3A_1946 = tpu.vector_load %arg17[%get3A_1944, %get3A_1945] {strides = array<i32>} : memref<320x128xf32, #tpu.memory_space<vmem>>, vector<16xf32>,
      %mul3A_1947 = arith.mulf %broadcast_in_dim3A_1858, %get3A_1946 : vector<16xf32>
      %add3A_1948 = arith.addf %while3A_1850, %mul3A_1947 : vector<16xf32>
      %slice3A_1949 = vector.extract_strided_slice %get3A_1854 {offsets = [2], sizes = [1], strides = [1]} : vector<16xf32> to vector<1xf32>
      %squeeze3A_1950 = vector.extract %slice3A_1949[0] : f32 from vector<1xf32>
      %broadcast_in_dim3A_1951 = vector.broadcast %squeeze3A_1950 : f32 to vector<16xf32>
      %slice3A_1952 = vector.extract_strided_slice %get3A_1854 {offsets = [3], sizes = [1], strides = [1]} : vector<16xf32> to vector<1xf32>
      %squeeze3A_1953 = vector.extract %slice3A_1952[0] : f32 from vector<1xf32>
      %broadcast_in_dim3A_1954 = vector.broadcast %squeeze3A_1953 : f32 to vector<16xf32>
      %mul3A_1955 = arith.constant 16 : i32
      %mul3A_1956 = arith.muli %while3A_1834, %mul3A_1955 : i32
      %add3A_1957 = arith.constant 2 : i32
      %add3A_1958 = arith.addi %mul3A_1956, %add3A_1957 : i32
      %mul3A_1959 = arith.constant 16 : i32
      %mul3A_1960 = arith.muli %while3A_1834, %mul3A_1959 : i32
      %add3A_1961 = arith.constant 2 : i32
      %add3A_1962 = arith.addi %mul3A_1960, %add3A_1961 : i32
      %add3A_1963 = arith.constant 1 : i32
      %add3A_1964 = arith.addi %add3A_1962, %add3A_1963 : i32
      %get3A_1965 = arith.index_cast %add3A_1958 : i32 to index
      %get3A_1966 = arith.constant 0 : index
      %get3A_1967 = tpu.vector_load %arg17[%get3A_1965, %get3A_1966] {strides = array<i32>} : memref<320x128xf32, #tpu.memory_space<vmem>>, vector<16xf32>,
      %mul3A_1968 = arith.mulf %broadcast_in_dim3A_1951, %get3A_1967 : vector<16xf32>
      %add3A_1969 = arith.addf %add3A_1873, %mul3A_1968 : vector<16xf32>
      %get3A_1970 = arith.index_cast %add3A_1958 : i32 to index
      %get3A_1971 = arith.constant 16 : index
      %get3A_1972 = tpu.vector_load %arg17[%get3A_1970, %get3A_1971] {strides = array<i32>} : memref<320x128xf32, #tpu.memory_space<vmem>>, vector<16xf32>,
      %mul3A_1973 = arith.mulf %broadcast_in_dim3A_1951, %get3A_1972 : vector<16xf32>
      %add3A_1974 = arith.addf %add3A_1878, %mul3A_1973 : vector<16xf32>
      %get3A_1975 = arith.index_cast %add3A_1958 : i32 to index
      %get3A_1976 = arith.constant 32 : index
      %get3A_1977 = tpu.vector_load %arg17[%get3A_1975, %get3A_1976] {strides = array<i32>} : memref<320x128xf32, #tpu.memory_space<vmem>>, vector<16xf32>,
      %mul3A_1978 = arith.mulf %broadcast_in_dim3A_1951, %get3A_1977 : vector<16xf32>
      %add3A_1979 = arith.addf %add3A_1883, %mul3A_1978 : vector<16xf32>
      %get3A_1980 = arith.index_cast %add3A_1958 : i32 to index
      %get3A_1981 = arith.constant 48 : index
      %get3A_1982 = tpu.vector_load %arg17[%get3A_1980, %get3A_1981] {strides = array<i32>} : memref<320x128xf32, #tpu.memory_space<vmem>>, vector<16xf32>,
      %mul3A_1983 = arith.mulf %broadcast_in_dim3A_1951, %get3A_1982 : vector<16xf32>
      %add3A_1984 = arith.addf %add3A_1888, %mul3A_1983 : vector<16xf32>
      %get3A_1985 = arith.index_cast %add3A_1958 : i32 to index
      %get3A_1986 = arith.constant 64 : index
      %get3A_1987 = tpu.vector_load %arg17[%get3A_1985, %get3A_1986] {strides = array<i32>} : memref<320x128xf32, #tpu.memory_space<vmem>>, vector<16xf32>,
      %mul3A_1988 = arith.mulf %broadcast_in_dim3A_1951, %get3A_1987 : vector<16xf32>
      %add3A_1989 = arith.addf %add3A_1893, %mul3A_1988 : vector<16xf32>
      %get3A_1990 = arith.index_cast %add3A_1958 : i32 to index
      %get3A_1991 = arith.constant 80 : index
      %get3A_1992 = tpu.vector_load %arg17[%get3A_1990, %get3A_1991] {strides = array<i32>} : memref<320x128xf32, #tpu.memory_space<vmem>>, vector<16xf32>,
      %mul3A_1993 = arith.mulf %broadcast_in_dim3A_1951, %get3A_1992 : vector<16xf32>
      %add3A_1994 = arith.addf %add3A_1898, %mul3A_1993 : vector<16xf32>
      %get3A_1995 = arith.index_cast %add3A_1958 : i32 to index
      %get3A_1996 = arith.constant 96 : index
      %get3A_1997 = tpu.vector_load %arg17[%get3A_1995, %get3A_1996] {strides = array<i32>} : memref<320x128xf32, #tpu.memory_space<vmem>>, vector<16xf32>,
      %mul3A_1998 = arith.mulf %broadcast_in_dim3A_1951, %get3A_1997 : vector<16xf32>
      %add3A_1999 = arith.addf %add3A_1903, %mul3A_1998 : vector<16xf32>
      %get3A_2000 = arith.index_cast %add3A_1958 : i32 to index
      %get3A_2001 = arith.constant 112 : index
      %get3A_2002 = tpu.vector_load %arg17[%get3A_2000, %get3A_2001] {strides = array<i32>} : memref<320x128xf32, #tpu.memory_space<vmem>>, vector<16xf32>,
      %mul3A_2003 = arith.mulf %broadcast_in_dim3A_1951, %get3A_2002 : vector<16xf32>
      %add3A_2004 = arith.addf %add3A_1908, %mul3A_2003 : vector<16xf32>
      %get3A_2005 = arith.index_cast %add3A_1964 : i32 to index
      %get3A_2006 = arith.constant 0 : index
      %get3A_2007 = tpu.vector_load %arg17[%get3A_2005, %get3A_2006] {strides = array<i32>} : memref<320x128xf32, #tpu.memory_space<vmem>>, vector<16xf32>,
      %mul3A_2008 = arith.mulf %broadcast_in_dim3A_1954, %get3A_2007 : vector<16xf32>
      %add3A_2009 = arith.addf %add3A_1913, %mul3A_2008 : vector<16xf32>
      %get3A_2010 = arith.index_cast %add3A_1964 : i32 to index
      %get3A_2011 = arith.constant 16 : index
      %get3A_2012 = tpu.vector_load %arg17[%get3A_2010, %get3A_2011] {strides = array<i32>} : memref<320x128xf32, #tpu.memory_space<vmem>>, vector<16xf32>,
      %mul3A_2013 = arith.mulf %broadcast_in_dim3A_1954, %get3A_2012 : vector<16xf32>
      %add3A_2014 = arith.addf %add3A_1918, %mul3A_2013 : vector<16xf32>
      %get3A_2015 = arith.index_cast %add3A_1964 : i32 to index
      %get3A_2016 = arith.constant 32 : index
      %get3A_2017 = tpu.vector_load %arg17[%get3A_2015, %get3A_2016] {strides = array<i32>} : memref<320x128xf32, #tpu.memory_space<vmem>>, vector<16xf32>,
      %mul3A_2018 = arith.mulf %broadcast_in_dim3A_1954, %get3A_2017 : vector<16xf32>
      %add3A_2019 = arith.addf %add3A_1923, %mul3A_2018 : vector<16xf32>
      %get3A_2020 = arith.index_cast %add3A_1964 : i32 to index
      %get3A_2021 = arith.constant 48 : index
      %get3A_2022 = tpu.vector_load %arg17[%get3A_2020, %get3A_2021] {strides = array<i32>} : memref<320x128xf32, #tpu.memory_space<vmem>>, vector<16xf32>,
      %mul3A_2023 = arith.mulf %broadcast_in_dim3A_1954, %get3A_2022 : vector<16xf32>
      %add3A_2024 = arith.addf %add3A_1928, %mul3A_2023 : vector<16xf32>
      %get3A_2025 = arith.index_cast %add3A_1964 : i32 to index
      %get3A_2026 = arith.constant 64 : index
      %get3A_2027 = tpu.vector_load %arg17[%get3A_2025, %get3A_2026] {strides = array<i32>} : memref<320x128xf32, #tpu.memory_space<vmem>>, vector<16xf32>,
      %mul3A_2028 = arith.mulf %broadcast_in_dim3A_1954, %get3A_2027 : vector<16xf32>
      %add3A_2029 = arith.addf %add3A_1933, %mul3A_2028 : vector<16xf32>
      %get3A_2030 = arith.index_cast %add3A_1964 : i32 to index
      %get3A_2031 = arith.constant 80 : index
      %get3A_2032 = tpu.vector_load %arg17[%get3A_2030, %get3A_2031] {strides = array<i32>} : memref<320x128xf32, #tpu.memory_space<vmem>>, vector<16xf32>,
      %mul3A_2033 = arith.mulf %broadcast_in_dim3A_1954, %get3A_2032 : vector<16xf32>
      %add3A_2034 = arith.addf %add3A_1938, %mul3A_2033 : vector<16xf32>
      %get3A_2035 = arith.index_cast %add3A_1964 : i32 to index
      %get3A_2036 = arith.constant 96 : index
      %get3A_2037 = tpu.vector_load %arg17[%get3A_2035, %get3A_2036] {strides = array<i32>} : memref<320x128xf32, #tpu.memory_space<vmem>>, vector<16xf32>,
      %mul3A_2038 = arith.mulf %broadcast_in_dim3A_1954, %get3A_2037 : vector<16xf32>
      %add3A_2039 = arith.addf %add3A_1943, %mul3A_2038 : vector<16xf32>
      %get3A_2040 = arith.index_cast %add3A_1964 : i32 to index
      %get3A_2041 = arith.constant 112 : index
      %get3A_2042 = tpu.vector_load %arg17[%get3A_2040, %get3A_2041] {strides = array<i32>} : memref<320x128xf32, #tpu.memory_space<vmem>>, vector<16xf32>,
      %mul3A_2043 = arith.mulf %broadcast_in_dim3A_1954, %get3A_2042 : vector<16xf32>
      %add3A_2044 = arith.addf %add3A_1948, %mul3A_2043 : vector<16xf32>
      %slice3A_2045 = vector.extract_strided_slice %get3A_1854 {offsets = [4], sizes = [1], strides = [1]} : vector<16xf32> to vector<1xf32>
      %squeeze3A_2046 = vector.extract %slice3A_2045[0] : f32 from vector<1xf32>
      %broadcast_in_dim3A_2047 = vector.broadcast %squeeze3A_2046 : f32 to vector<16xf32>
      %slice3A_2048 = vector.extract_strided_slice %get3A_1854 {offsets = [5], sizes = [1], strides = [1]} : vector<16xf32> to vector<1xf32>
      %squeeze3A_2049 = vector.extract %slice3A_2048[0] : f32 from vector<1xf32>
      %broadcast_in_dim3A_2050 = vector.broadcast %squeeze3A_2049 : f32 to vector<16xf32>
      %mul3A_2051 = arith.constant 16 : i32
      %mul3A_2052 = arith.muli %while3A_1834, %mul3A_2051 : i32
      %add3A_2053 = arith.constant 4 : i32
      %add3A_2054 = arith.addi %mul3A_2052, %add3A_2053 : i32
      %mul3A_2055 = arith.constant 16 : i32
      %mul3A_2056 = arith.muli %while3A_1834, %mul3A_2055 : i32
      %add3A_2057 = arith.constant 4 : i32
      %add3A_2058 = arith.addi %mul3A_2056, %add3A_2057 : i32
      %add3A_2059 = arith.constant 1 : i32
      %add3A_2060 = arith.addi %add3A_2058, %add3A_2059 : i32
      %get3A_2061 = arith.index_cast %add3A_2054 : i32 to index
      %get3A_2062 = arith.constant 0 : index
      %get3A_2063 = tpu.vector_load %arg17[%get3A_2061, %get3A_2062] {strides = array<i32>} : memref<320x128xf32, #tpu.memory_space<vmem>>, vector<16xf32>,
      %mul3A_2064 = arith.mulf %broadcast_in_dim3A_2047, %get3A_2063 : vector<16xf32>
      %add3A_2065 = arith.addf %add3A_1969, %mul3A_2064 : vector<16xf32>
      %get3A_2066 = arith.index_cast %add3A_2054 : i32 to index
      %get3A_2067 = arith.constant 16 : index
      %get3A_2068 = tpu.vector_load %arg17[%get3A_2066, %get3A_2067] {strides = array<i32>} : memref<320x128xf32, #tpu.memory_space<vmem>>, vector<16xf32>,
      %mul3A_2069 = arith.mulf %broadcast_in_dim3A_2047, %get3A_2068 : vector<16xf32>
      %add3A_2070 = arith.addf %add3A_1974, %mul3A_2069 : vector<16xf32>
      %get3A_2071 = arith.index_cast %add3A_2054 : i32 to index
      %get3A_2072 = arith.constant 32 : index
      %get3A_2073 = tpu.vector_load %arg17[%get3A_2071, %get3A_2072] {strides = array<i32>} : memref<320x128xf32, #tpu.memory_space<vmem>>, vector<16xf32>,
      %mul3A_2074 = arith.mulf %broadcast_in_dim3A_2047, %get3A_2073 : vector<16xf32>
      %add3A_2075 = arith.addf %add3A_1979, %mul3A_2074 : vector<16xf32>
      %get3A_2076 = arith.index_cast %add3A_2054 : i32 to index
      %get3A_2077 = arith.constant 48 : index
      %get3A_2078 = tpu.vector_load %arg17[%get3A_2076, %get3A_2077] {strides = array<i32>} : memref<320x128xf32, #tpu.memory_space<vmem>>, vector<16xf32>,
      %mul3A_2079 = arith.mulf %broadcast_in_dim3A_2047, %get3A_2078 : vector<16xf32>
      %add3A_2080 = arith.addf %add3A_1984, %mul3A_2079 : vector<16xf32>
      %get3A_2081 = arith.index_cast %add3A_2054 : i32 to index
      %get3A_2082 = arith.constant 64 : index
      %get3A_2083 = tpu.vector_load %arg17[%get3A_2081, %get3A_2082] {strides = array<i32>} : memref<320x128xf32, #tpu.memory_space<vmem>>, vector<16xf32>,
      %mul3A_2084 = arith.mulf %broadcast_in_dim3A_2047, %get3A_2083 : vector<16xf32>
      %add3A_2085 = arith.addf %add3A_1989, %mul3A_2084 : vector<16xf32>
      %get3A_2086 = arith.index_cast %add3A_2054 : i32 to index
      %get3A_2087 = arith.constant 80 : index
      %get3A_2088 = tpu.vector_load %arg17[%get3A_2086, %get3A_2087] {strides = array<i32>} : memref<320x128xf32, #tpu.memory_space<vmem>>, vector<16xf32>,
      %mul3A_2089 = arith.mulf %broadcast_in_dim3A_2047, %get3A_2088 : vector<16xf32>
      %add3A_2090 = arith.addf %add3A_1994, %mul3A_2089 : vector<16xf32>
      %get3A_2091 = arith.index_cast %add3A_2054 : i32 to index
      %get3A_2092 = arith.constant 96 : index
      %get3A_2093 = tpu.vector_load %arg17[%get3A_2091, %get3A_2092] {strides = array<i32>} : memref<320x128xf32, #tpu.memory_space<vmem>>, vector<16xf32>,
      %mul3A_2094 = arith.mulf %broadcast_in_dim3A_2047, %get3A_2093 : vector<16xf32>
      %add3A_2095 = arith.addf %add3A_1999, %mul3A_2094 : vector<16xf32>
      %get3A_2096 = arith.index_cast %add3A_2054 : i32 to index
      %get3A_2097 = arith.constant 112 : index
      %get3A_2098 = tpu.vector_load %arg17[%get3A_2096, %get3A_2097] {strides = array<i32>} : memref<320x128xf32, #tpu.memory_space<vmem>>, vector<16xf32>,
      %mul3A_2099 = arith.mulf %broadcast_in_dim3A_2047, %get3A_2098 : vector<16xf32>
      %add3A_2100 = arith.addf %add3A_2004, %mul3A_2099 : vector<16xf32>
      %get3A_2101 = arith.index_cast %add3A_2060 : i32 to index
      %get3A_2102 = arith.constant 0 : index
      %get3A_2103 = tpu.vector_load %arg17[%get3A_2101, %get3A_2102] {strides = array<i32>} : memref<320x128xf32, #tpu.memory_space<vmem>>, vector<16xf32>,
      %mul3A_2104 = arith.mulf %broadcast_in_dim3A_2050, %get3A_2103 : vector<16xf32>
      %add3A_2105 = arith.addf %add3A_2009, %mul3A_2104 : vector<16xf32>
      %get3A_2106 = arith.index_cast %add3A_2060 : i32 to index
      %get3A_2107 = arith.constant 16 : index
      %get3A_2108 = tpu.vector_load %arg17[%get3A_2106, %get3A_2107] {strides = array<i32>} : memref<320x128xf32, #tpu.memory_space<vmem>>, vector<16xf32>,
      %mul3A_2109 = arith.mulf %broadcast_in_dim3A_2050, %get3A_2108 : vector<16xf32>
      %add3A_2110 = arith.addf %add3A_2014, %mul3A_2109 : vector<16xf32>
      %get3A_2111 = arith.index_cast %add3A_2060 : i32 to index
      %get3A_2112 = arith.constant 32 : index
      %get3A_2113 = tpu.vector_load %arg17[%get3A_2111, %get3A_2112] {strides = array<i32>} : memref<320x128xf32, #tpu.memory_space<vmem>>, vector<16xf32>,
      %mul3A_2114 = arith.mulf %broadcast_in_dim3A_2050, %get3A_2113 : vector<16xf32>
      %add3A_2115 = arith.addf %add3A_2019, %mul3A_2114 : vector<16xf32>
      %get3A_2116 = arith.index_cast %add3A_2060 : i32 to index
      %get3A_2117 = arith.constant 48 : index
      %get3A_2118 = tpu.vector_load %arg17[%get3A_2116, %get3A_2117] {strides = array<i32>} : memref<320x128xf32, #tpu.memory_space<vmem>>, vector<16xf32>,
      %mul3A_2119 = arith.mulf %broadcast_in_dim3A_2050, %get3A_2118 : vector<16xf32>
      %add3A_2120 = arith.addf %add3A_2024, %mul3A_2119 : vector<16xf32>
      %get3A_2121 = arith.index_cast %add3A_2060 : i32 to index
      %get3A_2122 = arith.constant 64 : index
      %get3A_2123 = tpu.vector_load %arg17[%get3A_2121, %get3A_2122] {strides = array<i32>} : memref<320x128xf32, #tpu.memory_space<vmem>>, vector<16xf32>,
      %mul3A_2124 = arith.mulf %broadcast_in_dim3A_2050, %get3A_2123 : vector<16xf32>
      %add3A_2125 = arith.addf %add3A_2029, %mul3A_2124 : vector<16xf32>
      %get3A_2126 = arith.index_cast %add3A_2060 : i32 to index
      %get3A_2127 = arith.constant 80 : index
      %get3A_2128 = tpu.vector_load %arg17[%get3A_2126, %get3A_2127] {strides = array<i32>} : memref<320x128xf32, #tpu.memory_space<vmem>>, vector<16xf32>,
      %mul3A_2129 = arith.mulf %broadcast_in_dim3A_2050, %get3A_2128 : vector<16xf32>
      %add3A_2130 = arith.addf %add3A_2034, %mul3A_2129 : vector<16xf32>
      %get3A_2131 = arith.index_cast %add3A_2060 : i32 to index
      %get3A_2132 = arith.constant 96 : index
      %get3A_2133 = tpu.vector_load %arg17[%get3A_2131, %get3A_2132] {strides = array<i32>} : memref<320x128xf32, #tpu.memory_space<vmem>>, vector<16xf32>,
      %mul3A_2134 = arith.mulf %broadcast_in_dim3A_2050, %get3A_2133 : vector<16xf32>
      %add3A_2135 = arith.addf %add3A_2039, %mul3A_2134 : vector<16xf32>
      %get3A_2136 = arith.index_cast %add3A_2060 : i32 to index
      %get3A_2137 = arith.constant 112 : index
      %get3A_2138 = tpu.vector_load %arg17[%get3A_2136, %get3A_2137] {strides = array<i32>} : memref<320x128xf32, #tpu.memory_space<vmem>>, vector<16xf32>,
      %mul3A_2139 = arith.mulf %broadcast_in_dim3A_2050, %get3A_2138 : vector<16xf32>
      %add3A_2140 = arith.addf %add3A_2044, %mul3A_2139 : vector<16xf32>
      %slice3A_2141 = vector.extract_strided_slice %get3A_1854 {offsets = [6], sizes = [1], strides = [1]} : vector<16xf32> to vector<1xf32>
      %squeeze3A_2142 = vector.extract %slice3A_2141[0] : f32 from vector<1xf32>
      %broadcast_in_dim3A_2143 = vector.broadcast %squeeze3A_2142 : f32 to vector<16xf32>
      %slice3A_2144 = vector.extract_strided_slice %get3A_1854 {offsets = [7], sizes = [1], strides = [1]} : vector<16xf32> to vector<1xf32>
      %squeeze3A_2145 = vector.extract %slice3A_2144[0] : f32 from vector<1xf32>
      %broadcast_in_dim3A_2146 = vector.broadcast %squeeze3A_2145 : f32 to vector<16xf32>
      %mul3A_2147 = arith.constant 16 : i32
      %mul3A_2148 = arith.muli %while3A_1834, %mul3A_2147 : i32
      %add3A_2149 = arith.constant 6 : i32
      %add3A_2150 = arith.addi %mul3A_2148, %add3A_2149 : i32
      %mul3A_2151 = arith.constant 16 : i32
      %mul3A_2152 = arith.muli %while3A_1834, %mul3A_2151 : i32
      %add3A_2153 = arith.constant 6 : i32
      %add3A_2154 = arith.addi %mul3A_2152, %add3A_2153 : i32
      %add3A_2155 = arith.constant 1 : i32
      %add3A_2156 = arith.addi %add3A_2154, %add3A_2155 : i32
      %get3A_2157 = arith.index_cast %add3A_2150 : i32 to index
      %get3A_2158 = arith.constant 0 : index
      %get3A_2159 = tpu.vector_load %arg17[%get3A_2157, %get3A_2158] {strides = array<i32>} : memref<320x128xf32, #tpu.memory_space<vmem>>, vector<16xf32>,
      %mul3A_2160 = arith.mulf %broadcast_in_dim3A_2143, %get3A_2159 : vector<16xf32>
      %add3A_2161 = arith.addf %add3A_2065, %mul3A_2160 : vector<16xf32>
      %get3A_2162 = arith.index_cast %add3A_2150 : i32 to index
      %get3A_2163 = arith.constant 16 : index
      %get3A_2164 = tpu.vector_load %arg17[%get3A_2162, %get3A_2163] {strides = array<i32>} : memref<320x128xf32, #tpu.memory_space<vmem>>, vector<16xf32>,
      %mul3A_2165 = arith.mulf %broadcast_in_dim3A_2143, %get3A_2164 : vector<16xf32>
      %add3A_2166 = arith.addf %add3A_2070, %mul3A_2165 : vector<16xf32>
      %get3A_2167 = arith.index_cast %add3A_2150 : i32 to index
      %get3A_2168 = arith.constant 32 : index
      %get3A_2169 = tpu.vector_load %arg17[%get3A_2167, %get3A_2168] {strides = array<i32>} : memref<320x128xf32, #tpu.memory_space<vmem>>, vector<16xf32>,
      %mul3A_2170 = arith.mulf %broadcast_in_dim3A_2143, %get3A_2169 : vector<16xf32>
      %add3A_2171 = arith.addf %add3A_2075, %mul3A_2170 : vector<16xf32>
      %get3A_2172 = arith.index_cast %add3A_2150 : i32 to index
      %get3A_2173 = arith.constant 48 : index
      %get3A_2174 = tpu.vector_load %arg17[%get3A_2172, %get3A_2173] {strides = array<i32>} : memref<320x128xf32, #tpu.memory_space<vmem>>, vector<16xf32>,
      %mul3A_2175 = arith.mulf %broadcast_in_dim3A_2143, %get3A_2174 : vector<16xf32>
      %add3A_2176 = arith.addf %add3A_2080, %mul3A_2175 : vector<16xf32>
      %get3A_2177 = arith.index_cast %add3A_2150 : i32 to index
      %get3A_2178 = arith.constant 64 : index
      %get3A_2179 = tpu.vector_load %arg17[%get3A_2177, %get3A_2178] {strides = array<i32>} : memref<320x128xf32, #tpu.memory_space<vmem>>, vector<16xf32>,
      %mul3A_2180 = arith.mulf %broadcast_in_dim3A_2143, %get3A_2179 : vector<16xf32>
      %add3A_2181 = arith.addf %add3A_2085, %mul3A_2180 : vector<16xf32>
      %get3A_2182 = arith.index_cast %add3A_2150 : i32 to index
      %get3A_2183 = arith.constant 80 : index
      %get3A_2184 = tpu.vector_load %arg17[%get3A_2182, %get3A_2183] {strides = array<i32>} : memref<320x128xf32, #tpu.memory_space<vmem>>, vector<16xf32>,
      %mul3A_2185 = arith.mulf %broadcast_in_dim3A_2143, %get3A_2184 : vector<16xf32>
      %add3A_2186 = arith.addf %add3A_2090, %mul3A_2185 : vector<16xf32>
      %get3A_2187 = arith.index_cast %add3A_2150 : i32 to index
      %get3A_2188 = arith.constant 96 : index
      %get3A_2189 = tpu.vector_load %arg17[%get3A_2187, %get3A_2188] {strides = array<i32>} : memref<320x128xf32, #tpu.memory_space<vmem>>, vector<16xf32>,
      %mul3A_2190 = arith.mulf %broadcast_in_dim3A_2143, %get3A_2189 : vector<16xf32>
      %add3A_2191 = arith.addf %add3A_2095, %mul3A_2190 : vector<16xf32>
      %get3A_2192 = arith.index_cast %add3A_2150 : i32 to index
      %get3A_2193 = arith.constant 112 : index
      %get3A_2194 = tpu.vector_load %arg17[%get3A_2192, %get3A_2193] {strides = array<i32>} : memref<320x128xf32, #tpu.memory_space<vmem>>, vector<16xf32>,
      %mul3A_2195 = arith.mulf %broadcast_in_dim3A_2143, %get3A_2194 : vector<16xf32>
      %add3A_2196 = arith.addf %add3A_2100, %mul3A_2195 : vector<16xf32>
      %get3A_2197 = arith.index_cast %add3A_2156 : i32 to index
      %get3A_2198 = arith.constant 0 : index
      %get3A_2199 = tpu.vector_load %arg17[%get3A_2197, %get3A_2198] {strides = array<i32>} : memref<320x128xf32, #tpu.memory_space<vmem>>, vector<16xf32>,
      %mul3A_2200 = arith.mulf %broadcast_in_dim3A_2146, %get3A_2199 : vector<16xf32>
      %add3A_2201 = arith.addf %add3A_2105, %mul3A_2200 : vector<16xf32>
      %get3A_2202 = arith.index_cast %add3A_2156 : i32 to index
      %get3A_2203 = arith.constant 16 : index
      %get3A_2204 = tpu.vector_load %arg17[%get3A_2202, %get3A_2203] {strides = array<i32>} : memref<320x128xf32, #tpu.memory_space<vmem>>, vector<16xf32>,
      %mul3A_2205 = arith.mulf %broadcast_in_dim3A_2146, %get3A_2204 : vector<16xf32>
      %add3A_2206 = arith.addf %add3A_2110, %mul3A_2205 : vector<16xf32>
      %get3A_2207 = arith.index_cast %add3A_2156 : i32 to index
      %get3A_2208 = arith.constant 32 : index
      %get3A_2209 = tpu.vector_load %arg17[%get3A_2207, %get3A_2208] {strides = array<i32>} : memref<320x128xf32, #tpu.memory_space<vmem>>, vector<16xf32>,
      %mul3A_2210 = arith.mulf %broadcast_in_dim3A_2146, %get3A_2209 : vector<16xf32>
      %add3A_2211 = arith.addf %add3A_2115, %mul3A_2210 : vector<16xf32>
      %get3A_2212 = arith.index_cast %add3A_2156 : i32 to index
      %get3A_2213 = arith.constant 48 : index
      %get3A_2214 = tpu.vector_load %arg17[%get3A_2212, %get3A_2213] {strides = array<i32>} : memref<320x128xf32, #tpu.memory_space<vmem>>, vector<16xf32>,
      %mul3A_2215 = arith.mulf %broadcast_in_dim3A_2146, %get3A_2214 : vector<16xf32>
      %add3A_2216 = arith.addf %add3A_2120, %mul3A_2215 : vector<16xf32>
      %get3A_2217 = arith.index_cast %add3A_2156 : i32 to index
      %get3A_2218 = arith.constant 64 : index
      %get3A_2219 = tpu.vector_load %arg17[%get3A_2217, %get3A_2218] {strides = array<i32>} : memref<320x128xf32, #tpu.memory_space<vmem>>, vector<16xf32>,
      %mul3A_2220 = arith.mulf %broadcast_in_dim3A_2146, %get3A_2219 : vector<16xf32>
      %add3A_2221 = arith.addf %add3A_2125, %mul3A_2220 : vector<16xf32>
      %get3A_2222 = arith.index_cast %add3A_2156 : i32 to index
      %get3A_2223 = arith.constant 80 : index
      %get3A_2224 = tpu.vector_load %arg17[%get3A_2222, %get3A_2223] {strides = array<i32>} : memref<320x128xf32, #tpu.memory_space<vmem>>, vector<16xf32>,
      %mul3A_2225 = arith.mulf %broadcast_in_dim3A_2146, %get3A_2224 : vector<16xf32>
      %add3A_2226 = arith.addf %add3A_2130, %mul3A_2225 : vector<16xf32>
      %get3A_2227 = arith.index_cast %add3A_2156 : i32 to index
      %get3A_2228 = arith.constant 96 : index
      %get3A_2229 = tpu.vector_load %arg17[%get3A_2227, %get3A_2228] {strides = array<i32>} : memref<320x128xf32, #tpu.memory_space<vmem>>, vector<16xf32>,
      %mul3A_2230 = arith.mulf %broadcast_in_dim3A_2146, %get3A_2229 : vector<16xf32>
      %add3A_2231 = arith.addf %add3A_2135, %mul3A_2230 : vector<16xf32>
      %get3A_2232 = arith.index_cast %add3A_2156 : i32 to index
      %get3A_2233 = arith.constant 112 : index
      %get3A_2234 = tpu.vector_load %arg17[%get3A_2232, %get3A_2233] {strides = array<i32>} : memref<320x128xf32, #tpu.memory_space<vmem>>, vector<16xf32>,
      %mul3A_2235 = arith.mulf %broadcast_in_dim3A_2146, %get3A_2234 : vector<16xf32>
      %add3A_2236 = arith.addf %add3A_2140, %mul3A_2235 : vector<16xf32>
      %slice3A_2237 = vector.extract_strided_slice %get3A_1854 {offsets = [8], sizes = [1], strides = [1]} : vector<16xf32> to vector<1xf32>
      %squeeze3A_2238 = vector.extract %slice3A_2237[0] : f32 from vector<1xf32>
      %broadcast_in_dim3A_2239 = vector.broadcast %squeeze3A_2238 : f32 to vector<16xf32>
      %slice3A_2240 = vector.extract_strided_slice %get3A_1854 {offsets = [9], sizes = [1], strides = [1]} : vector<16xf32> to vector<1xf32>
      %squeeze3A_2241 = vector.extract %slice3A_2240[0] : f32 from vector<1xf32>
      %broadcast_in_dim3A_2242 = vector.broadcast %squeeze3A_2241 : f32 to vector<16xf32>
      %mul3A_2243 = arith.constant 16 : i32
      %mul3A_2244 = arith.muli %while3A_1834, %mul3A_2243 : i32
      %add3A_2245 = arith.constant 8 : i32
      %add3A_2246 = arith.addi %mul3A_2244, %add3A_2245 : i32
      %mul3A_2247 = arith.constant 16 : i32
      %mul3A_2248 = arith.muli %while3A_1834, %mul3A_2247 : i32
      %add3A_2249 = arith.constant 8 : i32
      %add3A_2250 = arith.addi %mul3A_2248, %add3A_2249 : i32
      %add3A_2251 = arith.constant 1 : i32
      %add3A_2252 = arith.addi %add3A_2250, %add3A_2251 : i32
      %get3A_2253 = arith.index_cast %add3A_2246 : i32 to index
      %get3A_2254 = arith.constant 0 : index
      %get3A_2255 = tpu.vector_load %arg17[%get3A_2253, %get3A_2254] {strides = array<i32>} : memref<320x128xf32, #tpu.memory_space<vmem>>, vector<16xf32>,
      %mul3A_2256 = arith.mulf %broadcast_in_dim3A_2239, %get3A_2255 : vector<16xf32>
      %add3A_2257 = arith.addf %add3A_2161, %mul3A_2256 : vector<16xf32>
      %get3A_2258 = arith.index_cast %add3A_2246 : i32 to index
      %get3A_2259 = arith.constant 16 : index
      %get3A_2260 = tpu.vector_load %arg17[%get3A_2258, %get3A_2259] {strides = array<i32>} : memref<320x128xf32, #tpu.memory_space<vmem>>, vector<16xf32>,
      %mul3A_2261 = arith.mulf %broadcast_in_dim3A_2239, %get3A_2260 : vector<16xf32>
      %add3A_2262 = arith.addf %add3A_2166, %mul3A_2261 : vector<16xf32>
      %get3A_2263 = arith.index_cast %add3A_2246 : i32 to index
      %get3A_2264 = arith.constant 32 : index
      %get3A_2265 = tpu.vector_load %arg17[%get3A_2263, %get3A_2264] {strides = array<i32>} : memref<320x128xf32, #tpu.memory_space<vmem>>, vector<16xf32>,
      %mul3A_2266 = arith.mulf %broadcast_in_dim3A_2239, %get3A_2265 : vector<16xf32>
      %add3A_2267 = arith.addf %add3A_2171, %mul3A_2266 : vector<16xf32>
      %get3A_2268 = arith.index_cast %add3A_2246 : i32 to index
      %get3A_2269 = arith.constant 48 : index
      %get3A_2270 = tpu.vector_load %arg17[%get3A_2268, %get3A_2269] {strides = array<i32>} : memref<320x128xf32, #tpu.memory_space<vmem>>, vector<16xf32>,
      %mul3A_2271 = arith.mulf %broadcast_in_dim3A_2239, %get3A_2270 : vector<16xf32>
      %add3A_2272 = arith.addf %add3A_2176, %mul3A_2271 : vector<16xf32>
      %get3A_2273 = arith.index_cast %add3A_2246 : i32 to index
      %get3A_2274 = arith.constant 64 : index
      %get3A_2275 = tpu.vector_load %arg17[%get3A_2273, %get3A_2274] {strides = array<i32>} : memref<320x128xf32, #tpu.memory_space<vmem>>, vector<16xf32>,
      %mul3A_2276 = arith.mulf %broadcast_in_dim3A_2239, %get3A_2275 : vector<16xf32>
      %add3A_2277 = arith.addf %add3A_2181, %mul3A_2276 : vector<16xf32>
      %get3A_2278 = arith.index_cast %add3A_2246 : i32 to index
      %get3A_2279 = arith.constant 80 : index
      %get3A_2280 = tpu.vector_load %arg17[%get3A_2278, %get3A_2279] {strides = array<i32>} : memref<320x128xf32, #tpu.memory_space<vmem>>, vector<16xf32>,
      %mul3A_2281 = arith.mulf %broadcast_in_dim3A_2239, %get3A_2280 : vector<16xf32>
      %add3A_2282 = arith.addf %add3A_2186, %mul3A_2281 : vector<16xf32>
      %get3A_2283 = arith.index_cast %add3A_2246 : i32 to index
      %get3A_2284 = arith.constant 96 : index
      %get3A_2285 = tpu.vector_load %arg17[%get3A_2283, %get3A_2284] {strides = array<i32>} : memref<320x128xf32, #tpu.memory_space<vmem>>, vector<16xf32>,
      %mul3A_2286 = arith.mulf %broadcast_in_dim3A_2239, %get3A_2285 : vector<16xf32>
      %add3A_2287 = arith.addf %add3A_2191, %mul3A_2286 : vector<16xf32>
      %get3A_2288 = arith.index_cast %add3A_2246 : i32 to index
      %get3A_2289 = arith.constant 112 : index
      %get3A_2290 = tpu.vector_load %arg17[%get3A_2288, %get3A_2289] {strides = array<i32>} : memref<320x128xf32, #tpu.memory_space<vmem>>, vector<16xf32>,
      %mul3A_2291 = arith.mulf %broadcast_in_dim3A_2239, %get3A_2290 : vector<16xf32>
      %add3A_2292 = arith.addf %add3A_2196, %mul3A_2291 : vector<16xf32>
      %get3A_2293 = arith.index_cast %add3A_2252 : i32 to index
      %get3A_2294 = arith.constant 0 : index
      %get3A_2295 = tpu.vector_load %arg17[%get3A_2293, %get3A_2294] {strides = array<i32>} : memref<320x128xf32, #tpu.memory_space<vmem>>, vector<16xf32>,
      %mul3A_2296 = arith.mulf %broadcast_in_dim3A_2242, %get3A_2295 : vector<16xf32>
      %add3A_2297 = arith.addf %add3A_2201, %mul3A_2296 : vector<16xf32>
      %get3A_2298 = arith.index_cast %add3A_2252 : i32 to index
      %get3A_2299 = arith.constant 16 : index
      %get3A_2300 = tpu.vector_load %arg17[%get3A_2298, %get3A_2299] {strides = array<i32>} : memref<320x128xf32, #tpu.memory_space<vmem>>, vector<16xf32>,
      %mul3A_2301 = arith.mulf %broadcast_in_dim3A_2242, %get3A_2300 : vector<16xf32>
      %add3A_2302 = arith.addf %add3A_2206, %mul3A_2301 : vector<16xf32>
      %get3A_2303 = arith.index_cast %add3A_2252 : i32 to index
      %get3A_2304 = arith.constant 32 : index
      %get3A_2305 = tpu.vector_load %arg17[%get3A_2303, %get3A_2304] {strides = array<i32>} : memref<320x128xf32, #tpu.memory_space<vmem>>, vector<16xf32>,
      %mul3A_2306 = arith.mulf %broadcast_in_dim3A_2242, %get3A_2305 : vector<16xf32>
      %add3A_2307 = arith.addf %add3A_2211, %mul3A_2306 : vector<16xf32>
      %get3A_2308 = arith.index_cast %add3A_2252 : i32 to index
      %get3A_2309 = arith.constant 48 : index
      %get3A_2310 = tpu.vector_load %arg17[%get3A_2308, %get3A_2309] {strides = array<i32>} : memref<320x128xf32, #tpu.memory_space<vmem>>, vector<16xf32>,
      %mul3A_2311 = arith.mulf %broadcast_in_dim3A_2242, %get3A_2310 : vector<16xf32>
      %add3A_2312 = arith.addf %add3A_2216, %mul3A_2311 : vector<16xf32>
      %get3A_2313 = arith.index_cast %add3A_2252 : i32 to index
      %get3A_2314 = arith.constant 64 : index
      %get3A_2315 = tpu.vector_load %arg17[%get3A_2313, %get3A_2314] {strides = array<i32>} : memref<320x128xf32, #tpu.memory_space<vmem>>, vector<16xf32>,
      %mul3A_2316 = arith.mulf %broadcast_in_dim3A_2242, %get3A_2315 : vector<16xf32>
      %add3A_2317 = arith.addf %add3A_2221, %mul3A_2316 : vector<16xf32>
      %get3A_2318 = arith.index_cast %add3A_2252 : i32 to index
      %get3A_2319 = arith.constant 80 : index
      %get3A_2320 = tpu.vector_load %arg17[%get3A_2318, %get3A_2319] {strides = array<i32>} : memref<320x128xf32, #tpu.memory_space<vmem>>, vector<16xf32>,
      %mul3A_2321 = arith.mulf %broadcast_in_dim3A_2242, %get3A_2320 : vector<16xf32>
      %add3A_2322 = arith.addf %add3A_2226, %mul3A_2321 : vector<16xf32>
      %get3A_2323 = arith.index_cast %add3A_2252 : i32 to index
      %get3A_2324 = arith.constant 96 : index
      %get3A_2325 = tpu.vector_load %arg17[%get3A_2323, %get3A_2324] {strides = array<i32>} : memref<320x128xf32, #tpu.memory_space<vmem>>, vector<16xf32>,
      %mul3A_2326 = arith.mulf %broadcast_in_dim3A_2242, %get3A_2325 : vector<16xf32>
      %add3A_2327 = arith.addf %add3A_2231, %mul3A_2326 : vector<16xf32>
      %get3A_2328 = arith.index_cast %add3A_2252 : i32 to index
      %get3A_2329 = arith.constant 112 : index
      %get3A_2330 = tpu.vector_load %arg17[%get3A_2328, %get3A_2329] {strides = array<i32>} : memref<320x128xf32, #tpu.memory_space<vmem>>, vector<16xf32>,
      %mul3A_2331 = arith.mulf %broadcast_in_dim3A_2242, %get3A_2330 : vector<16xf32>
      %add3A_2332 = arith.addf %add3A_2236, %mul3A_2331 : vector<16xf32>
      %slice3A_2333 = vector.extract_strided_slice %get3A_1854 {offsets = [10], sizes = [1], strides = [1]} : vector<16xf32> to vector<1xf32>
      %squeeze3A_2334 = vector.extract %slice3A_2333[0] : f32 from vector<1xf32>
      %broadcast_in_dim3A_2335 = vector.broadcast %squeeze3A_2334 : f32 to vector<16xf32>
      %slice3A_2336 = vector.extract_strided_slice %get3A_1854 {offsets = [11], sizes = [1], strides = [1]} : vector<16xf32> to vector<1xf32>
      %squeeze3A_2337 = vector.extract %slice3A_2336[0] : f32 from vector<1xf32>
      %broadcast_in_dim3A_2338 = vector.broadcast %squeeze3A_2337 : f32 to vector<16xf32>
      %mul3A_2339 = arith.constant 16 : i32
      %mul3A_2340 = arith.muli %while3A_1834, %mul3A_2339 : i32
      %add3A_2341 = arith.constant 10 : i32
      %add3A_2342 = arith.addi %mul3A_2340, %add3A_2341 : i32
      %mul3A_2343 = arith.constant 16 : i32
      %mul3A_2344 = arith.muli %while3A_1834, %mul3A_2343 : i32
      %add3A_2345 = arith.constant 10 : i32
      %add3A_2346 = arith.addi %mul3A_2344, %add3A_2345 : i32
      %add3A_2347 = arith.constant 1 : i32
      %add3A_2348 = arith.addi %add3A_2346, %add3A_2347 : i32
      %get3A_2349 = arith.index_cast %add3A_2342 : i32 to index
      %get3A_2350 = arith.constant 0 : index
      %get3A_2351 = tpu.vector_load %arg17[%get3A_2349, %get3A_2350] {strides = array<i32>} : memref<320x128xf32, #tpu.memory_space<vmem>>, vector<16xf32>,
      %mul3A_2352 = arith.mulf %broadcast_in_dim3A_2335, %get3A_2351 : vector<16xf32>
      %add3A_2353 = arith.addf %add3A_2257, %mul3A_2352 : vector<16xf32>
      %get3A_2354 = arith.index_cast %add3A_2342 : i32 to index
      %get3A_2355 = arith.constant 16 : index
      %get3A_2356 = tpu.vector_load %arg17[%get3A_2354, %get3A_2355] {strides = array<i32>} : memref<320x128xf32, #tpu.memory_space<vmem>>, vector<16xf32>,
      %mul3A_2357 = arith.mulf %broadcast_in_dim3A_2335, %get3A_2356 : vector<16xf32>
      %add3A_2358 = arith.addf %add3A_2262, %mul3A_2357 : vector<16xf32>
      %get3A_2359 = arith.index_cast %add3A_2342 : i32 to index
      %get3A_2360 = arith.constant 32 : index
      %get3A_2361 = tpu.vector_load %arg17[%get3A_2359, %get3A_2360] {strides = array<i32>} : memref<320x128xf32, #tpu.memory_space<vmem>>, vector<16xf32>,
      %mul3A_2362 = arith.mulf %broadcast_in_dim3A_2335, %get3A_2361 : vector<16xf32>
      %add3A_2363 = arith.addf %add3A_2267, %mul3A_2362 : vector<16xf32>
      %get3A_2364 = arith.index_cast %add3A_2342 : i32 to index
      %get3A_2365 = arith.constant 48 : index
      %get3A_2366 = tpu.vector_load %arg17[%get3A_2364, %get3A_2365] {strides = array<i32>} : memref<320x128xf32, #tpu.memory_space<vmem>>, vector<16xf32>,
      %mul3A_2367 = arith.mulf %broadcast_in_dim3A_2335, %get3A_2366 : vector<16xf32>
      %add3A_2368 = arith.addf %add3A_2272, %mul3A_2367 : vector<16xf32>
      %get3A_2369 = arith.index_cast %add3A_2342 : i32 to index
      %get3A_2370 = arith.constant 64 : index
      %get3A_2371 = tpu.vector_load %arg17[%get3A_2369, %get3A_2370] {strides = array<i32>} : memref<320x128xf32, #tpu.memory_space<vmem>>, vector<16xf32>,
      %mul3A_2372 = arith.mulf %broadcast_in_dim3A_2335, %get3A_2371 : vector<16xf32>
      %add3A_2373 = arith.addf %add3A_2277, %mul3A_2372 : vector<16xf32>
      %get3A_2374 = arith.index_cast %add3A_2342 : i32 to index
      %get3A_2375 = arith.constant 80 : index
      %get3A_2376 = tpu.vector_load %arg17[%get3A_2374, %get3A_2375] {strides = array<i32>} : memref<320x128xf32, #tpu.memory_space<vmem>>, vector<16xf32>,
      %mul3A_2377 = arith.mulf %broadcast_in_dim3A_2335, %get3A_2376 : vector<16xf32>
      %add3A_2378 = arith.addf %add3A_2282, %mul3A_2377 : vector<16xf32>
      %get3A_2379 = arith.index_cast %add3A_2342 : i32 to index
      %get3A_2380 = arith.constant 96 : index
      %get3A_2381 = tpu.vector_load %arg17[%get3A_2379, %get3A_2380] {strides = array<i32>} : memref<320x128xf32, #tpu.memory_space<vmem>>, vector<16xf32>,
      %mul3A_2382 = arith.mulf %broadcast_in_dim3A_2335, %get3A_2381 : vector<16xf32>
      %add3A_2383 = arith.addf %add3A_2287, %mul3A_2382 : vector<16xf32>
      %get3A_2384 = arith.index_cast %add3A_2342 : i32 to index
      %get3A_2385 = arith.constant 112 : index
      %get3A_2386 = tpu.vector_load %arg17[%get3A_2384, %get3A_2385] {strides = array<i32>} : memref<320x128xf32, #tpu.memory_space<vmem>>, vector<16xf32>,
      %mul3A_2387 = arith.mulf %broadcast_in_dim3A_2335, %get3A_2386 : vector<16xf32>
      %add3A_2388 = arith.addf %add3A_2292, %mul3A_2387 : vector<16xf32>
      %get3A_2389 = arith.index_cast %add3A_2348 : i32 to index
      %get3A_2390 = arith.constant 0 : index
      %get3A_2391 = tpu.vector_load %arg17[%get3A_2389, %get3A_2390] {strides = array<i32>} : memref<320x128xf32, #tpu.memory_space<vmem>>, vector<16xf32>,
      %mul3A_2392 = arith.mulf %broadcast_in_dim3A_2338, %get3A_2391 : vector<16xf32>
      %add3A_2393 = arith.addf %add3A_2297, %mul3A_2392 : vector<16xf32>
      %get3A_2394 = arith.index_cast %add3A_2348 : i32 to index
      %get3A_2395 = arith.constant 16 : index
      %get3A_2396 = tpu.vector_load %arg17[%get3A_2394, %get3A_2395] {strides = array<i32>} : memref<320x128xf32, #tpu.memory_space<vmem>>, vector<16xf32>,
      %mul3A_2397 = arith.mulf %broadcast_in_dim3A_2338, %get3A_2396 : vector<16xf32>
      %add3A_2398 = arith.addf %add3A_2302, %mul3A_2397 : vector<16xf32>
      %get3A_2399 = arith.index_cast %add3A_2348 : i32 to index
      %get3A_2400 = arith.constant 32 : index
      %get3A_2401 = tpu.vector_load %arg17[%get3A_2399, %get3A_2400] {strides = array<i32>} : memref<320x128xf32, #tpu.memory_space<vmem>>, vector<16xf32>,
      %mul3A_2402 = arith.mulf %broadcast_in_dim3A_2338, %get3A_2401 : vector<16xf32>
      %add3A_2403 = arith.addf %add3A_2307, %mul3A_2402 : vector<16xf32>
      %get3A_2404 = arith.index_cast %add3A_2348 : i32 to index
      %get3A_2405 = arith.constant 48 : index
      %get3A_2406 = tpu.vector_load %arg17[%get3A_2404, %get3A_2405] {strides = array<i32>} : memref<320x128xf32, #tpu.memory_space<vmem>>, vector<16xf32>,
      %mul3A_2407 = arith.mulf %broadcast_in_dim3A_2338, %get3A_2406 : vector<16xf32>
      %add3A_2408 = arith.addf %add3A_2312, %mul3A_2407 : vector<16xf32>
      %get3A_2409 = arith.index_cast %add3A_2348 : i32 to index
      %get3A_2410 = arith.constant 64 : index
      %get3A_2411 = tpu.vector_load %arg17[%get3A_2409, %get3A_2410] {strides = array<i32>} : memref<320x128xf32, #tpu.memory_space<vmem>>, vector<16xf32>,
      %mul3A_2412 = arith.mulf %broadcast_in_dim3A_2338, %get3A_2411 : vector<16xf32>
      %add3A_2413 = arith.addf %add3A_2317, %mul3A_2412 : vector<16xf32>
      %get3A_2414 = arith.index_cast %add3A_2348 : i32 to index
      %get3A_2415 = arith.constant 80 : index
      %get3A_2416 = tpu.vector_load %arg17[%get3A_2414, %get3A_2415] {strides = array<i32>} : memref<320x128xf32, #tpu.memory_space<vmem>>, vector<16xf32>,
      %mul3A_2417 = arith.mulf %broadcast_in_dim3A_2338, %get3A_2416 : vector<16xf32>
      %add3A_2418 = arith.addf %add3A_2322, %mul3A_2417 : vector<16xf32>
      %get3A_2419 = arith.index_cast %add3A_2348 : i32 to index
      %get3A_2420 = arith.constant 96 : index
      %get3A_2421 = tpu.vector_load %arg17[%get3A_2419, %get3A_2420] {strides = array<i32>} : memref<320x128xf32, #tpu.memory_space<vmem>>, vector<16xf32>,
      %mul3A_2422 = arith.mulf %broadcast_in_dim3A_2338, %get3A_2421 : vector<16xf32>
      %add3A_2423 = arith.addf %add3A_2327, %mul3A_2422 : vector<16xf32>
      %get3A_2424 = arith.index_cast %add3A_2348 : i32 to index
      %get3A_2425 = arith.constant 112 : index
      %get3A_2426 = tpu.vector_load %arg17[%get3A_2424, %get3A_2425] {strides = array<i32>} : memref<320x128xf32, #tpu.memory_space<vmem>>, vector<16xf32>,
      %mul3A_2427 = arith.mulf %broadcast_in_dim3A_2338, %get3A_2426 : vector<16xf32>
      %add3A_2428 = arith.addf %add3A_2332, %mul3A_2427 : vector<16xf32>
      %slice3A_2429 = vector.extract_strided_slice %get3A_1854 {offsets = [12], sizes = [1], strides = [1]} : vector<16xf32> to vector<1xf32>
      %squeeze3A_2430 = vector.extract %slice3A_2429[0] : f32 from vector<1xf32>
      %broadcast_in_dim3A_2431 = vector.broadcast %squeeze3A_2430 : f32 to vector<16xf32>
      %slice3A_2432 = vector.extract_strided_slice %get3A_1854 {offsets = [13], sizes = [1], strides = [1]} : vector<16xf32> to vector<1xf32>
      %squeeze3A_2433 = vector.extract %slice3A_2432[0] : f32 from vector<1xf32>
      %broadcast_in_dim3A_2434 = vector.broadcast %squeeze3A_2433 : f32 to vector<16xf32>
      %mul3A_2435 = arith.constant 16 : i32
      %mul3A_2436 = arith.muli %while3A_1834, %mul3A_2435 : i32
      %add3A_2437 = arith.constant 12 : i32
      %add3A_2438 = arith.addi %mul3A_2436, %add3A_2437 : i32
      %mul3A_2439 = arith.constant 16 : i32
      %mul3A_2440 = arith.muli %while3A_1834, %mul3A_2439 : i32
      %add3A_2441 = arith.constant 12 : i32
      %add3A_2442 = arith.addi %mul3A_2440, %add3A_2441 : i32
      %add3A_2443 = arith.constant 1 : i32
      %add3A_2444 = arith.addi %add3A_2442, %add3A_2443 : i32
      %get3A_2445 = arith.index_cast %add3A_2438 : i32 to index
      %get3A_2446 = arith.constant 0 : index
      %get3A_2447 = tpu.vector_load %arg17[%get3A_2445, %get3A_2446] {strides = array<i32>} : memref<320x128xf32, #tpu.memory_space<vmem>>, vector<16xf32>,
      %mul3A_2448 = arith.mulf %broadcast_in_dim3A_2431, %get3A_2447 : vector<16xf32>
      %add3A_2449 = arith.addf %add3A_2353, %mul3A_2448 : vector<16xf32>
      %get3A_2450 = arith.index_cast %add3A_2438 : i32 to index
      %get3A_2451 = arith.constant 16 : index
      %get3A_2452 = tpu.vector_load %arg17[%get3A_2450, %get3A_2451] {strides = array<i32>} : memref<320x128xf32, #tpu.memory_space<vmem>>, vector<16xf32>,
      %mul3A_2453 = arith.mulf %broadcast_in_dim3A_2431, %get3A_2452 : vector<16xf32>
      %add3A_2454 = arith.addf %add3A_2358, %mul3A_2453 : vector<16xf32>
      %get3A_2455 = arith.index_cast %add3A_2438 : i32 to index
      %get3A_2456 = arith.constant 32 : index
      %get3A_2457 = tpu.vector_load %arg17[%get3A_2455, %get3A_2456] {strides = array<i32>} : memref<320x128xf32, #tpu.memory_space<vmem>>, vector<16xf32>,
      %mul3A_2458 = arith.mulf %broadcast_in_dim3A_2431, %get3A_2457 : vector<16xf32>
      %add3A_2459 = arith.addf %add3A_2363, %mul3A_2458 : vector<16xf32>
      %get3A_2460 = arith.index_cast %add3A_2438 : i32 to index
      %get3A_2461 = arith.constant 48 : index
      %get3A_2462 = tpu.vector_load %arg17[%get3A_2460, %get3A_2461] {strides = array<i32>} : memref<320x128xf32, #tpu.memory_space<vmem>>, vector<16xf32>,
      %mul3A_2463 = arith.mulf %broadcast_in_dim3A_2431, %get3A_2462 : vector<16xf32>
      %add3A_2464 = arith.addf %add3A_2368, %mul3A_2463 : vector<16xf32>
      %get3A_2465 = arith.index_cast %add3A_2438 : i32 to index
      %get3A_2466 = arith.constant 64 : index
      %get3A_2467 = tpu.vector_load %arg17[%get3A_2465, %get3A_2466] {strides = array<i32>} : memref<320x128xf32, #tpu.memory_space<vmem>>, vector<16xf32>,
      %mul3A_2468 = arith.mulf %broadcast_in_dim3A_2431, %get3A_2467 : vector<16xf32>
      %add3A_2469 = arith.addf %add3A_2373, %mul3A_2468 : vector<16xf32>
      %get3A_2470 = arith.index_cast %add3A_2438 : i32 to index
      %get3A_2471 = arith.constant 80 : index
      %get3A_2472 = tpu.vector_load %arg17[%get3A_2470, %get3A_2471] {strides = array<i32>} : memref<320x128xf32, #tpu.memory_space<vmem>>, vector<16xf32>,
      %mul3A_2473 = arith.mulf %broadcast_in_dim3A_2431, %get3A_2472 : vector<16xf32>
      %add3A_2474 = arith.addf %add3A_2378, %mul3A_2473 : vector<16xf32>
      %get3A_2475 = arith.index_cast %add3A_2438 : i32 to index
      %get3A_2476 = arith.constant 96 : index
      %get3A_2477 = tpu.vector_load %arg17[%get3A_2475, %get3A_2476] {strides = array<i32>} : memref<320x128xf32, #tpu.memory_space<vmem>>, vector<16xf32>,
      %mul3A_2478 = arith.mulf %broadcast_in_dim3A_2431, %get3A_2477 : vector<16xf32>
      %add3A_2479 = arith.addf %add3A_2383, %mul3A_2478 : vector<16xf32>
      %get3A_2480 = arith.index_cast %add3A_2438 : i32 to index
      %get3A_2481 = arith.constant 112 : index
      %get3A_2482 = tpu.vector_load %arg17[%get3A_2480, %get3A_2481] {strides = array<i32>} : memref<320x128xf32, #tpu.memory_space<vmem>>, vector<16xf32>,
      %mul3A_2483 = arith.mulf %broadcast_in_dim3A_2431, %get3A_2482 : vector<16xf32>
      %add3A_2484 = arith.addf %add3A_2388, %mul3A_2483 : vector<16xf32>
      %get3A_2485 = arith.index_cast %add3A_2444 : i32 to index
      %get3A_2486 = arith.constant 0 : index
      %get3A_2487 = tpu.vector_load %arg17[%get3A_2485, %get3A_2486] {strides = array<i32>} : memref<320x128xf32, #tpu.memory_space<vmem>>, vector<16xf32>,
      %mul3A_2488 = arith.mulf %broadcast_in_dim3A_2434, %get3A_2487 : vector<16xf32>
      %add3A_2489 = arith.addf %add3A_2393, %mul3A_2488 : vector<16xf32>
      %get3A_2490 = arith.index_cast %add3A_2444 : i32 to index
      %get3A_2491 = arith.constant 16 : index
      %get3A_2492 = tpu.vector_load %arg17[%get3A_2490, %get3A_2491] {strides = array<i32>} : memref<320x128xf32, #tpu.memory_space<vmem>>, vector<16xf32>,
      %mul3A_2493 = arith.mulf %broadcast_in_dim3A_2434, %get3A_2492 : vector<16xf32>
      %add3A_2494 = arith.addf %add3A_2398, %mul3A_2493 : vector<16xf32>
      %get3A_2495 = arith.index_cast %add3A_2444 : i32 to index
      %get3A_2496 = arith.constant 32 : index
      %get3A_2497 = tpu.vector_load %arg17[%get3A_2495, %get3A_2496] {strides = array<i32>} : memref<320x128xf32, #tpu.memory_space<vmem>>, vector<16xf32>,
      %mul3A_2498 = arith.mulf %broadcast_in_dim3A_2434, %get3A_2497 : vector<16xf32>
      %add3A_2499 = arith.addf %add3A_2403, %mul3A_2498 : vector<16xf32>
      %get3A_2500 = arith.index_cast %add3A_2444 : i32 to index
      %get3A_2501 = arith.constant 48 : index
      %get3A_2502 = tpu.vector_load %arg17[%get3A_2500, %get3A_2501] {strides = array<i32>} : memref<320x128xf32, #tpu.memory_space<vmem>>, vector<16xf32>,
      %mul3A_2503 = arith.mulf %broadcast_in_dim3A_2434, %get3A_2502 : vector<16xf32>
      %add3A_2504 = arith.addf %add3A_2408, %mul3A_2503 : vector<16xf32>
      %get3A_2505 = arith.index_cast %add3A_2444 : i32 to index
      %get3A_2506 = arith.constant 64 : index
      %get3A_2507 = tpu.vector_load %arg17[%get3A_2505, %get3A_2506] {strides = array<i32>} : memref<320x128xf32, #tpu.memory_space<vmem>>, vector<16xf32>,
      %mul3A_2508 = arith.mulf %broadcast_in_dim3A_2434, %get3A_2507 : vector<16xf32>
      %add3A_2509 = arith.addf %add3A_2413, %mul3A_2508 : vector<16xf32>
      %get3A_2510 = arith.index_cast %add3A_2444 : i32 to index
      %get3A_2511 = arith.constant 80 : index
      %get3A_2512 = tpu.vector_load %arg17[%get3A_2510, %get3A_2511] {strides = array<i32>} : memref<320x128xf32, #tpu.memory_space<vmem>>, vector<16xf32>,
      %mul3A_2513 = arith.mulf %broadcast_in_dim3A_2434, %get3A_2512 : vector<16xf32>
      %add3A_2514 = arith.addf %add3A_2418, %mul3A_2513 : vector<16xf32>
      %get3A_2515 = arith.index_cast %add3A_2444 : i32 to index
      %get3A_2516 = arith.constant 96 : index
      %get3A_2517 = tpu.vector_load %arg17[%get3A_2515, %get3A_2516] {strides = array<i32>} : memref<320x128xf32, #tpu.memory_space<vmem>>, vector<16xf32>,
      %mul3A_2518 = arith.mulf %broadcast_in_dim3A_2434, %get3A_2517 : vector<16xf32>
      %add3A_2519 = arith.addf %add3A_2423, %mul3A_2518 : vector<16xf32>
      %get3A_2520 = arith.index_cast %add3A_2444 : i32 to index
      %get3A_2521 = arith.constant 112 : index
      %get3A_2522 = tpu.vector_load %arg17[%get3A_2520, %get3A_2521] {strides = array<i32>} : memref<320x128xf32, #tpu.memory_space<vmem>>, vector<16xf32>,
      %mul3A_2523 = arith.mulf %broadcast_in_dim3A_2434, %get3A_2522 : vector<16xf32>
      %add3A_2524 = arith.addf %add3A_2428, %mul3A_2523 : vector<16xf32>
      %slice3A_2525 = vector.extract_strided_slice %get3A_1854 {offsets = [14], sizes = [1], strides = [1]} : vector<16xf32> to vector<1xf32>
      %squeeze3A_2526 = vector.extract %slice3A_2525[0] : f32 from vector<1xf32>
      %broadcast_in_dim3A_2527 = vector.broadcast %squeeze3A_2526 : f32 to vector<16xf32>
      %slice3A_2528 = vector.extract_strided_slice %get3A_1854 {offsets = [15], sizes = [1], strides = [1]} : vector<16xf32> to vector<1xf32>
      %squeeze3A_2529 = vector.extract %slice3A_2528[0] : f32 from vector<1xf32>
      %broadcast_in_dim3A_2530 = vector.broadcast %squeeze3A_2529 : f32 to vector<16xf32>
      %mul3A_2531 = arith.constant 16 : i32
      %mul3A_2532 = arith.muli %while3A_1834, %mul3A_2531 : i32
      %add3A_2533 = arith.constant 14 : i32
      %add3A_2534 = arith.addi %mul3A_2532, %add3A_2533 : i32
      %mul3A_2535 = arith.constant 16 : i32
      %mul3A_2536 = arith.muli %while3A_1834, %mul3A_2535 : i32
      %add3A_2537 = arith.constant 14 : i32
      %add3A_2538 = arith.addi %mul3A_2536, %add3A_2537 : i32
      %add3A_2539 = arith.constant 1 : i32
      %add3A_2540 = arith.addi %add3A_2538, %add3A_2539 : i32
      %get3A_2541 = arith.index_cast %add3A_2534 : i32 to index
      %get3A_2542 = arith.constant 0 : index
      %get3A_2543 = tpu.vector_load %arg17[%get3A_2541, %get3A_2542] {strides = array<i32>} : memref<320x128xf32, #tpu.memory_space<vmem>>, vector<16xf32>,
      %mul3A_2544 = arith.mulf %broadcast_in_dim3A_2527, %get3A_2543 : vector<16xf32>
      %add3A_2545 = arith.addf %add3A_2449, %mul3A_2544 : vector<16xf32>
      %get3A_2546 = arith.index_cast %add3A_2534 : i32 to index
      %get3A_2547 = arith.constant 16 : index
      %get3A_2548 = tpu.vector_load %arg17[%get3A_2546, %get3A_2547] {strides = array<i32>} : memref<320x128xf32, #tpu.memory_space<vmem>>, vector<16xf32>,
      %mul3A_2549 = arith.mulf %broadcast_in_dim3A_2527, %get3A_2548 : vector<16xf32>
      %add3A_2550 = arith.addf %add3A_2454, %mul3A_2549 : vector<16xf32>
      %get3A_2551 = arith.index_cast %add3A_2534 : i32 to index
      %get3A_2552 = arith.constant 32 : index
      %get3A_2553 = tpu.vector_load %arg17[%get3A_2551, %get3A_2552] {strides = array<i32>} : memref<320x128xf32, #tpu.memory_space<vmem>>, vector<16xf32>,
      %mul3A_2554 = arith.mulf %broadcast_in_dim3A_2527, %get3A_2553 : vector<16xf32>
      %add3A_2555 = arith.addf %add3A_2459, %mul3A_2554 : vector<16xf32>
      %get3A_2556 = arith.index_cast %add3A_2534 : i32 to index
      %get3A_2557 = arith.constant 48 : index
      %get3A_2558 = tpu.vector_load %arg17[%get3A_2556, %get3A_2557] {strides = array<i32>} : memref<320x128xf32, #tpu.memory_space<vmem>>, vector<16xf32>,
      %mul3A_2559 = arith.mulf %broadcast_in_dim3A_2527, %get3A_2558 : vector<16xf32>
      %add3A_2560 = arith.addf %add3A_2464, %mul3A_2559 : vector<16xf32>
      %get3A_2561 = arith.index_cast %add3A_2534 : i32 to index
      %get3A_2562 = arith.constant 64 : index
      %get3A_2563 = tpu.vector_load %arg17[%get3A_2561, %get3A_2562] {strides = array<i32>} : memref<320x128xf32, #tpu.memory_space<vmem>>, vector<16xf32>,
      %mul3A_2564 = arith.mulf %broadcast_in_dim3A_2527, %get3A_2563 : vector<16xf32>
      %add3A_2565 = arith.addf %add3A_2469, %mul3A_2564 : vector<16xf32>
      %get3A_2566 = arith.index_cast %add3A_2534 : i32 to index
      %get3A_2567 = arith.constant 80 : index
      %get3A_2568 = tpu.vector_load %arg17[%get3A_2566, %get3A_2567] {strides = array<i32>} : memref<320x128xf32, #tpu.memory_space<vmem>>, vector<16xf32>,
      %mul3A_2569 = arith.mulf %broadcast_in_dim3A_2527, %get3A_2568 : vector<16xf32>
      %add3A_2570 = arith.addf %add3A_2474, %mul3A_2569 : vector<16xf32>
      %get3A_2571 = arith.index_cast %add3A_2534 : i32 to index
      %get3A_2572 = arith.constant 96 : index
      %get3A_2573 = tpu.vector_load %arg17[%get3A_2571, %get3A_2572] {strides = array<i32>} : memref<320x128xf32, #tpu.memory_space<vmem>>, vector<16xf32>,
      %mul3A_2574 = arith.mulf %broadcast_in_dim3A_2527, %get3A_2573 : vector<16xf32>
      %add3A_2575 = arith.addf %add3A_2479, %mul3A_2574 : vector<16xf32>
      %get3A_2576 = arith.index_cast %add3A_2534 : i32 to index
      %get3A_2577 = arith.constant 112 : index
      %get3A_2578 = tpu.vector_load %arg17[%get3A_2576, %get3A_2577] {strides = array<i32>} : memref<320x128xf32, #tpu.memory_space<vmem>>, vector<16xf32>,
      %mul3A_2579 = arith.mulf %broadcast_in_dim3A_2527, %get3A_2578 : vector<16xf32>
      %add3A_2580 = arith.addf %add3A_2484, %mul3A_2579 : vector<16xf32>
      %get3A_2581 = arith.index_cast %add3A_2540 : i32 to index
      %get3A_2582 = arith.constant 0 : index
      %get3A_2583 = tpu.vector_load %arg17[%get3A_2581, %get3A_2582] {strides = array<i32>} : memref<320x128xf32, #tpu.memory_space<vmem>>, vector<16xf32>,
      %mul3A_2584 = arith.mulf %broadcast_in_dim3A_2530, %get3A_2583 : vector<16xf32>
      %add3A_2585 = arith.addf %add3A_2489, %mul3A_2584 : vector<16xf32>
      %get3A_2586 = arith.index_cast %add3A_2540 : i32 to index
      %get3A_2587 = arith.constant 16 : index
      %get3A_2588 = tpu.vector_load %arg17[%get3A_2586, %get3A_2587] {strides = array<i32>} : memref<320x128xf32, #tpu.memory_space<vmem>>, vector<16xf32>,
      %mul3A_2589 = arith.mulf %broadcast_in_dim3A_2530, %get3A_2588 : vector<16xf32>
      %add3A_2590 = arith.addf %add3A_2494, %mul3A_2589 : vector<16xf32>
      %get3A_2591 = arith.index_cast %add3A_2540 : i32 to index
      %get3A_2592 = arith.constant 32 : index
      %get3A_2593 = tpu.vector_load %arg17[%get3A_2591, %get3A_2592] {strides = array<i32>} : memref<320x128xf32, #tpu.memory_space<vmem>>, vector<16xf32>,
      %mul3A_2594 = arith.mulf %broadcast_in_dim3A_2530, %get3A_2593 : vector<16xf32>
      %add3A_2595 = arith.addf %add3A_2499, %mul3A_2594 : vector<16xf32>
      %get3A_2596 = arith.index_cast %add3A_2540 : i32 to index
      %get3A_2597 = arith.constant 48 : index
      %get3A_2598 = tpu.vector_load %arg17[%get3A_2596, %get3A_2597] {strides = array<i32>} : memref<320x128xf32, #tpu.memory_space<vmem>>, vector<16xf32>,
      %mul3A_2599 = arith.mulf %broadcast_in_dim3A_2530, %get3A_2598 : vector<16xf32>
      %add3A_2600 = arith.addf %add3A_2504, %mul3A_2599 : vector<16xf32>
      %get3A_2601 = arith.index_cast %add3A_2540 : i32 to index
      %get3A_2602 = arith.constant 64 : index
      %get3A_2603 = tpu.vector_load %arg17[%get3A_2601, %get3A_2602] {strides = array<i32>} : memref<320x128xf32, #tpu.memory_space<vmem>>, vector<16xf32>,
      %mul3A_2604 = arith.mulf %broadcast_in_dim3A_2530, %get3A_2603 : vector<16xf32>
      %add3A_2605 = arith.addf %add3A_2509, %mul3A_2604 : vector<16xf32>
      %get3A_2606 = arith.index_cast %add3A_2540 : i32 to index
      %get3A_2607 = arith.constant 80 : index
      %get3A_2608 = tpu.vector_load %arg17[%get3A_2606, %get3A_2607] {strides = array<i32>} : memref<320x128xf32, #tpu.memory_space<vmem>>, vector<16xf32>,
      %mul3A_2609 = arith.mulf %broadcast_in_dim3A_2530, %get3A_2608 : vector<16xf32>
      %add3A_2610 = arith.addf %add3A_2514, %mul3A_2609 : vector<16xf32>
      %get3A_2611 = arith.index_cast %add3A_2540 : i32 to index
      %get3A_2612 = arith.constant 96 : index
      %get3A_2613 = tpu.vector_load %arg17[%get3A_2611, %get3A_2612] {strides = array<i32>} : memref<320x128xf32, #tpu.memory_space<vmem>>, vector<16xf32>,
      %mul3A_2614 = arith.mulf %broadcast_in_dim3A_2530, %get3A_2613 : vector<16xf32>
      %add3A_2615 = arith.addf %add3A_2519, %mul3A_2614 : vector<16xf32>
      %get3A_2616 = arith.index_cast %add3A_2540 : i32 to index
      %get3A_2617 = arith.constant 112 : index
      %get3A_2618 = tpu.vector_load %arg17[%get3A_2616, %get3A_2617] {strides = array<i32>} : memref<320x128xf32, #tpu.memory_space<vmem>>, vector<16xf32>,
      %mul3A_2619 = arith.mulf %broadcast_in_dim3A_2530, %get3A_2618 : vector<16xf32>
      %add3A_2620 = arith.addf %add3A_2524, %mul3A_2619 : vector<16xf32>
      scf.yield %add3A_2545, %add3A_2550, %add3A_2555, %add3A_2560, %add3A_2565, %add3A_2570, %add3A_2575, %add3A_2580, %add3A_2585, %add3A_2590, %add3A_2595, %add3A_2600, %add3A_2605, %add3A_2610, %add3A_2615, %add3A_2620 : vector<16xf32>, vector<16xf32>, vector<16xf32>, vector<16xf32>, vector<16xf32>, vector<16xf32>, vector<16xf32>, vector<16xf32>, vector<16xf32>, vector<16xf32>, vector<16xf32>, vector<16xf32>, vector<16xf32>, vector<16xf32>, vector<16xf32>, vector<16xf32>
    }
    %while3A_1787 = arith.constant 1 : i32
    %while3A_1788:16 = scf.for %while3A_1834 = %while3A_1784 to %while3A_1780 step %while3A_1787 iter_args(%while3A_1835 = %while3A_1786#0, %while3A_1836 = %while3A_1786#1, %while3A_1837 = %while3A_1786#2, %while3A_1838 = %while3A_1786#3, %while3A_1839 = %while3A_1786#4, %while3A_1840 = %while3A_1786#5, %while3A_1841 = %while3A_1786#6, %while3A_1842 = %while3A_1786#7, %while3A_1843 = %while3A_1786#8, %while3A_1844 = %while3A_1786#9, %while3A_1845 = %while3A_1786#10, %while3A_1846 = %while3A_1786#11, %while3A_1847 = %while3A_1786#12, %while3A_1848 = %while3A_1786#13, %while3A_1849 = %while3A_1786#14, %while3A_1850 = %while3A_1786#15) -> (vector<16xf32>, vector<16xf32>, vector<16xf32>, vector<16xf32>, vector<16xf32>, vector<16xf32>, vector<16xf32>, vector<16xf32>, vector<16xf32>, vector<16xf32>, vector<16xf32>, vector<16xf32>, vector<16xf32>, vector<16xf32>, vector<16xf32>, vector<16xf32>)  : i32 {
      %mul3A_1851 = arith.constant 16 : i32
      %mul3A_1852 = arith.muli %while3A_1834, %mul3A_1851 : i32
      %get3A_1853 = arith.index_cast %mul3A_1852 : i32 to index
      %get3A_1854 = tpu.vector_load %arg15[%get3A_1853] {strides = array<i32>} : memref<640xf32, #tpu.memory_space<vmem>>, vector<16xf32>,
      %slice3A = vector.extract_strided_slice %get3A_1854 {offsets = [0], sizes = [1], strides = [1]} : vector<16xf32> to vector<1xf32>
      %squeeze3A = vector.extract %slice3A[0] : f32 from vector<1xf32>
      %broadcast_in_dim3A_1855 = vector.broadcast %squeeze3A : f32 to vector<16xf32>
      %slice3A_1856 = vector.extract_strided_slice %get3A_1854 {offsets = [1], sizes = [1], strides = [1]} : vector<16xf32> to vector<1xf32>
      %squeeze3A_1857 = vector.extract %slice3A_1856[0] : f32 from vector<1xf32>
      %broadcast_in_dim3A_1858 = vector.broadcast %squeeze3A_1857 : f32 to vector<16xf32>
      %mul3A_1859 = arith.constant 16 : i32
      %mul3A_1860 = arith.muli %while3A_1834, %mul3A_1859 : i32
      %add3A_1861 = arith.constant 0 : i32
      %add3A_1862 = arith.addi %mul3A_1860, %add3A_1861 : i32
      %mul3A_1863 = arith.constant 16 : i32
      %mul3A_1864 = arith.muli %while3A_1834, %mul3A_1863 : i32
      %add3A_1865 = arith.constant 0 : i32
      %add3A_1866 = arith.addi %mul3A_1864, %add3A_1865 : i32
      %add3A_1867 = arith.constant 1 : i32
      %add3A_1868 = arith.addi %add3A_1866, %add3A_1867 : i32
      %get3A_1869 = arith.index_cast %add3A_1862 : i32 to index
      %get3A_1870 = arith.constant 0 : index
      %get3A_1871 = tpu.vector_load %arg17[%get3A_1869, %get3A_1870] {strides = array<i32>} : memref<320x128xf32, #tpu.memory_space<vmem>>, vector<16xf32>,
      %mul3A_1872 = arith.mulf %broadcast_in_dim3A_1855, %get3A_1871 : vector<16xf32>
      %add3A_1873 = arith.addf %while3A_1835, %mul3A_1872 : vector<16xf32>
      %get3A_1874 = arith.index_cast %add3A_1862 : i32 to index
      %get3A_1875 = arith.constant 16 : index
      %get3A_1876 = tpu.vector_load %arg17[%get3A_1874, %get3A_1875] {strides = array<i32>} : memref<320x128xf32, #tpu.memory_space<vmem>>, vector<16xf32>,
      %mul3A_1877 = arith.mulf %broadcast_in_dim3A_1855, %get3A_1876 : vector<16xf32>
      %add3A_1878 = arith.addf %while3A_1836, %mul3A_1877 : vector<16xf32>
      %get3A_1879 = arith.index_cast %add3A_1862 : i32 to index
      %get3A_1880 = arith.constant 32 : index
      %get3A_1881 = tpu.vector_load %arg17[%get3A_1879, %get3A_1880] {strides = array<i32>} : memref<320x128xf32, #tpu.memory_space<vmem>>, vector<16xf32>,
      %mul3A_1882 = arith.mulf %broadcast_in_dim3A_1855, %get3A_1881 : vector<16xf32>
      %add3A_1883 = arith.addf %while3A_1837, %mul3A_1882 : vector<16xf32>
      %get3A_1884 = arith.index_cast %add3A_1862 : i32 to index
      %get3A_1885 = arith.constant 48 : index
      %get3A_1886 = tpu.vector_load %arg17[%get3A_1884, %get3A_1885] {strides = array<i32>} : memref<320x128xf32, #tpu.memory_space<vmem>>, vector<16xf32>,
      %mul3A_1887 = arith.mulf %broadcast_in_dim3A_1855, %get3A_1886 : vector<16xf32>
      %add3A_1888 = arith.addf %while3A_1838, %mul3A_1887 : vector<16xf32>
      %get3A_1889 = arith.index_cast %add3A_1862 : i32 to index
      %get3A_1890 = arith.constant 64 : index
      %get3A_1891 = tpu.vector_load %arg17[%get3A_1889, %get3A_1890] {strides = array<i32>} : memref<320x128xf32, #tpu.memory_space<vmem>>, vector<16xf32>,
      %mul3A_1892 = arith.mulf %broadcast_in_dim3A_1855, %get3A_1891 : vector<16xf32>
      %add3A_1893 = arith.addf %while3A_1839, %mul3A_1892 : vector<16xf32>
      %get3A_1894 = arith.index_cast %add3A_1862 : i32 to index
      %get3A_1895 = arith.constant 80 : index
      %get3A_1896 = tpu.vector_load %arg17[%get3A_1894, %get3A_1895] {strides = array<i32>} : memref<320x128xf32, #tpu.memory_space<vmem>>, vector<16xf32>,
      %mul3A_1897 = arith.mulf %broadcast_in_dim3A_1855, %get3A_1896 : vector<16xf32>
      %add3A_1898 = arith.addf %while3A_1840, %mul3A_1897 : vector<16xf32>
      %get3A_1899 = arith.index_cast %add3A_1862 : i32 to index
      %get3A_1900 = arith.constant 96 : index
      %get3A_1901 = tpu.vector_load %arg17[%get3A_1899, %get3A_1900] {strides = array<i32>} : memref<320x128xf32, #tpu.memory_space<vmem>>, vector<16xf32>,
      %mul3A_1902 = arith.mulf %broadcast_in_dim3A_1855, %get3A_1901 : vector<16xf32>
      %add3A_1903 = arith.addf %while3A_1841, %mul3A_1902 : vector<16xf32>
      %get3A_1904 = arith.index_cast %add3A_1862 : i32 to index
      %get3A_1905 = arith.constant 112 : index
      %get3A_1906 = tpu.vector_load %arg17[%get3A_1904, %get3A_1905] {strides = array<i32>} : memref<320x128xf32, #tpu.memory_space<vmem>>, vector<16xf32>,
      %mul3A_1907 = arith.mulf %broadcast_in_dim3A_1855, %get3A_1906 : vector<16xf32>
      %add3A_1908 = arith.addf %while3A_1842, %mul3A_1907 : vector<16xf32>
      %get3A_1909 = arith.index_cast %add3A_1868 : i32 to index
      %get3A_1910 = arith.constant 0 : index
      %get3A_1911 = tpu.vector_load %arg17[%get3A_1909, %get3A_1910] {strides = array<i32>} : memref<320x128xf32, #tpu.memory_space<vmem>>, vector<16xf32>,
      %mul3A_1912 = arith.mulf %broadcast_in_dim3A_1858, %get3A_1911 : vector<16xf32>
      %add3A_1913 = arith.addf %while3A_1843, %mul3A_1912 : vector<16xf32>
      %get3A_1914 = arith.index_cast %add3A_1868 : i32 to index
      %get3A_1915 = arith.constant 16 : index
      %get3A_1916 = tpu.vector_load %arg17[%get3A_1914, %get3A_1915] {strides = array<i32>} : memref<320x128xf32, #tpu.memory_space<vmem>>, vector<16xf32>,
      %mul3A_1917 = arith.mulf %broadcast_in_dim3A_1858, %get3A_1916 : vector<16xf32>
      %add3A_1918 = arith.addf %while3A_1844, %mul3A_1917 : vector<16xf32>
      %get3A_1919 = arith.index_cast %add3A_1868 : i32 to index
      %get3A_1920 = arith.constant 32 : index
      %get3A_1921 = tpu.vector_load %arg17[%get3A_1919, %get3A_1920] {strides = array<i32>} : memref<320x128xf32, #tpu.memory_space<vmem>>, vector<16xf32>,
      %mul3A_1922 = arith.mulf %broadcast_in_dim3A_1858, %get3A_1921 : vector<16xf32>
      %add3A_1923 = arith.addf %while3A_1845, %mul3A_1922 : vector<16xf32>
      %get3A_1924 = arith.index_cast %add3A_1868 : i32 to index
      %get3A_1925 = arith.constant 48 : index
      %get3A_1926 = tpu.vector_load %arg17[%get3A_1924, %get3A_1925] {strides = array<i32>} : memref<320x128xf32, #tpu.memory_space<vmem>>, vector<16xf32>,
      %mul3A_1927 = arith.mulf %broadcast_in_dim3A_1858, %get3A_1926 : vector<16xf32>
      %add3A_1928 = arith.addf %while3A_1846, %mul3A_1927 : vector<16xf32>
      %get3A_1929 = arith.index_cast %add3A_1868 : i32 to index
      %get3A_1930 = arith.constant 64 : index
      %get3A_1931 = tpu.vector_load %arg17[%get3A_1929, %get3A_1930] {strides = array<i32>} : memref<320x128xf32, #tpu.memory_space<vmem>>, vector<16xf32>,
      %mul3A_1932 = arith.mulf %broadcast_in_dim3A_1858, %get3A_1931 : vector<16xf32>
      %add3A_1933 = arith.addf %while3A_1847, %mul3A_1932 : vector<16xf32>
      %get3A_1934 = arith.index_cast %add3A_1868 : i32 to index
      %get3A_1935 = arith.constant 80 : index
      %get3A_1936 = tpu.vector_load %arg17[%get3A_1934, %get3A_1935] {strides = array<i32>} : memref<320x128xf32, #tpu.memory_space<vmem>>, vector<16xf32>,
      %mul3A_1937 = arith.mulf %broadcast_in_dim3A_1858, %get3A_1936 : vector<16xf32>
      %add3A_1938 = arith.addf %while3A_1848, %mul3A_1937 : vector<16xf32>
      %get3A_1939 = arith.index_cast %add3A_1868 : i32 to index
      %get3A_1940 = arith.constant 96 : index
      %get3A_1941 = tpu.vector_load %arg17[%get3A_1939, %get3A_1940] {strides = array<i32>} : memref<320x128xf32, #tpu.memory_space<vmem>>, vector<16xf32>,
      %mul3A_1942 = arith.mulf %broadcast_in_dim3A_1858, %get3A_1941 : vector<16xf32>
      %add3A_1943 = arith.addf %while3A_1849, %mul3A_1942 : vector<16xf32>
      %get3A_1944 = arith.index_cast %add3A_1868 : i32 to index
      %get3A_1945 = arith.constant 112 : index
      %get3A_1946 = tpu.vector_load %arg17[%get3A_1944, %get3A_1945] {strides = array<i32>} : memref<320x128xf32, #tpu.memory_space<vmem>>, vector<16xf32>,
      %mul3A_1947 = arith.mulf %broadcast_in_dim3A_1858, %get3A_1946 : vector<16xf32>
      %add3A_1948 = arith.addf %while3A_1850, %mul3A_1947 : vector<16xf32>
      %slice3A_1949 = vector.extract_strided_slice %get3A_1854 {offsets = [2], sizes = [1], strides = [1]} : vector<16xf32> to vector<1xf32>
      %squeeze3A_1950 = vector.extract %slice3A_1949[0] : f32 from vector<1xf32>
      %broadcast_in_dim3A_1951 = vector.broadcast %squeeze3A_1950 : f32 to vector<16xf32>
      %slice3A_1952 = vector.extract_strided_slice %get3A_1854 {offsets = [3], sizes = [1], strides = [1]} : vector<16xf32> to vector<1xf32>
      %squeeze3A_1953 = vector.extract %slice3A_1952[0] : f32 from vector<1xf32>
      %broadcast_in_dim3A_1954 = vector.broadcast %squeeze3A_1953 : f32 to vector<16xf32>
      %mul3A_1955 = arith.constant 16 : i32
      %mul3A_1956 = arith.muli %while3A_1834, %mul3A_1955 : i32
      %add3A_1957 = arith.constant 2 : i32
      %add3A_1958 = arith.addi %mul3A_1956, %add3A_1957 : i32
      %mul3A_1959 = arith.constant 16 : i32
      %mul3A_1960 = arith.muli %while3A_1834, %mul3A_1959 : i32
      %add3A_1961 = arith.constant 2 : i32
      %add3A_1962 = arith.addi %mul3A_1960, %add3A_1961 : i32
      %add3A_1963 = arith.constant 1 : i32
      %add3A_1964 = arith.addi %add3A_1962, %add3A_1963 : i32
      %get3A_1965 = arith.index_cast %add3A_1958 : i32 to index
      %get3A_1966 = arith.constant 0 : index
      %get3A_1967 = tpu.vector_load %arg17[%get3A_1965, %get3A_1966] {strides = array<i32>} : memref<320x128xf32, #tpu.memory_space<vmem>>, vector<16xf32>,
      %mul3A_1968 = arith.mulf %broadcast_in_dim3A_1951, %get3A_1967 : vector<16xf32>
      %add3A_1969 = arith.addf %add3A_1873, %mul3A_1968 : vector<16xf32>
      %get3A_1970 = arith.index_cast %add3A_1958 : i32 to index
      %get3A_1971 = arith.constant 16 : index
      %get3A_1972 = tpu.vector_load %arg17[%get3A_1970, %get3A_1971] {strides = array<i32>} : memref<320x128xf32, #tpu.memory_space<vmem>>, vector<16xf32>,
      %mul3A_1973 = arith.mulf %broadcast_in_dim3A_1951, %get3A_1972 : vector<16xf32>
      %add3A_1974 = arith.addf %add3A_1878, %mul3A_1973 : vector<16xf32>
      %get3A_1975 = arith.index_cast %add3A_1958 : i32 to index
      %get3A_1976 = arith.constant 32 : index
      %get3A_1977 = tpu.vector_load %arg17[%get3A_1975, %get3A_1976] {strides = array<i32>} : memref<320x128xf32, #tpu.memory_space<vmem>>, vector<16xf32>,
      %mul3A_1978 = arith.mulf %broadcast_in_dim3A_1951, %get3A_1977 : vector<16xf32>
      %add3A_1979 = arith.addf %add3A_1883, %mul3A_1978 : vector<16xf32>
      %get3A_1980 = arith.index_cast %add3A_1958 : i32 to index
      %get3A_1981 = arith.constant 48 : index
      %get3A_1982 = tpu.vector_load %arg17[%get3A_1980, %get3A_1981] {strides = array<i32>} : memref<320x128xf32, #tpu.memory_space<vmem>>, vector<16xf32>,
      %mul3A_1983 = arith.mulf %broadcast_in_dim3A_1951, %get3A_1982 : vector<16xf32>
      %add3A_1984 = arith.addf %add3A_1888, %mul3A_1983 : vector<16xf32>
      %get3A_1985 = arith.index_cast %add3A_1958 : i32 to index
      %get3A_1986 = arith.constant 64 : index
      %get3A_1987 = tpu.vector_load %arg17[%get3A_1985, %get3A_1986] {strides = array<i32>} : memref<320x128xf32, #tpu.memory_space<vmem>>, vector<16xf32>,
      %mul3A_1988 = arith.mulf %broadcast_in_dim3A_1951, %get3A_1987 : vector<16xf32>
      %add3A_1989 = arith.addf %add3A_1893, %mul3A_1988 : vector<16xf32>
      %get3A_1990 = arith.index_cast %add3A_1958 : i32 to index
      %get3A_1991 = arith.constant 80 : index
      %get3A_1992 = tpu.vector_load %arg17[%get3A_1990, %get3A_1991] {strides = array<i32>} : memref<320x128xf32, #tpu.memory_space<vmem>>, vector<16xf32>,
      %mul3A_1993 = arith.mulf %broadcast_in_dim3A_1951, %get3A_1992 : vector<16xf32>
      %add3A_1994 = arith.addf %add3A_1898, %mul3A_1993 : vector<16xf32>
      %get3A_1995 = arith.index_cast %add3A_1958 : i32 to index
      %get3A_1996 = arith.constant 96 : index
      %get3A_1997 = tpu.vector_load %arg17[%get3A_1995, %get3A_1996] {strides = array<i32>} : memref<320x128xf32, #tpu.memory_space<vmem>>, vector<16xf32>,
      %mul3A_1998 = arith.mulf %broadcast_in_dim3A_1951, %get3A_1997 : vector<16xf32>
      %add3A_1999 = arith.addf %add3A_1903, %mul3A_1998 : vector<16xf32>
      %get3A_2000 = arith.index_cast %add3A_1958 : i32 to index
      %get3A_2001 = arith.constant 112 : index
      %get3A_2002 = tpu.vector_load %arg17[%get3A_2000, %get3A_2001] {strides = array<i32>} : memref<320x128xf32, #tpu.memory_space<vmem>>, vector<16xf32>,
      %mul3A_2003 = arith.mulf %broadcast_in_dim3A_1951, %get3A_2002 : vector<16xf32>
      %add3A_2004 = arith.addf %add3A_1908, %mul3A_2003 : vector<16xf32>
      %get3A_2005 = arith.index_cast %add3A_1964 : i32 to index
      %get3A_2006 = arith.constant 0 : index
      %get3A_2007 = tpu.vector_load %arg17[%get3A_2005, %get3A_2006] {strides = array<i32>} : memref<320x128xf32, #tpu.memory_space<vmem>>, vector<16xf32>,
      %mul3A_2008 = arith.mulf %broadcast_in_dim3A_1954, %get3A_2007 : vector<16xf32>
      %add3A_2009 = arith.addf %add3A_1913, %mul3A_2008 : vector<16xf32>
      %get3A_2010 = arith.index_cast %add3A_1964 : i32 to index
      %get3A_2011 = arith.constant 16 : index
      %get3A_2012 = tpu.vector_load %arg17[%get3A_2010, %get3A_2011] {strides = array<i32>} : memref<320x128xf32, #tpu.memory_space<vmem>>, vector<16xf32>,
      %mul3A_2013 = arith.mulf %broadcast_in_dim3A_1954, %get3A_2012 : vector<16xf32>
      %add3A_2014 = arith.addf %add3A_1918, %mul3A_2013 : vector<16xf32>
      %get3A_2015 = arith.index_cast %add3A_1964 : i32 to index
      %get3A_2016 = arith.constant 32 : index
      %get3A_2017 = tpu.vector_load %arg17[%get3A_2015, %get3A_2016] {strides = array<i32>} : memref<320x128xf32, #tpu.memory_space<vmem>>, vector<16xf32>,
      %mul3A_2018 = arith.mulf %broadcast_in_dim3A_1954, %get3A_2017 : vector<16xf32>
      %add3A_2019 = arith.addf %add3A_1923, %mul3A_2018 : vector<16xf32>
      %get3A_2020 = arith.index_cast %add3A_1964 : i32 to index
      %get3A_2021 = arith.constant 48 : index
      %get3A_2022 = tpu.vector_load %arg17[%get3A_2020, %get3A_2021] {strides = array<i32>} : memref<320x128xf32, #tpu.memory_space<vmem>>, vector<16xf32>,
      %mul3A_2023 = arith.mulf %broadcast_in_dim3A_1954, %get3A_2022 : vector<16xf32>
      %add3A_2024 = arith.addf %add3A_1928, %mul3A_2023 : vector<16xf32>
      %get3A_2025 = arith.index_cast %add3A_1964 : i32 to index
      %get3A_2026 = arith.constant 64 : index
      %get3A_2027 = tpu.vector_load %arg17[%get3A_2025, %get3A_2026] {strides = array<i32>} : memref<320x128xf32, #tpu.memory_space<vmem>>, vector<16xf32>,
      %mul3A_2028 = arith.mulf %broadcast_in_dim3A_1954, %get3A_2027 : vector<16xf32>
      %add3A_2029 = arith.addf %add3A_1933, %mul3A_2028 : vector<16xf32>
      %get3A_2030 = arith.index_cast %add3A_1964 : i32 to index
      %get3A_2031 = arith.constant 80 : index
      %get3A_2032 = tpu.vector_load %arg17[%get3A_2030, %get3A_2031] {strides = array<i32>} : memref<320x128xf32, #tpu.memory_space<vmem>>, vector<16xf32>,
      %mul3A_2033 = arith.mulf %broadcast_in_dim3A_1954, %get3A_2032 : vector<16xf32>
      %add3A_2034 = arith.addf %add3A_1938, %mul3A_2033 : vector<16xf32>
      %get3A_2035 = arith.index_cast %add3A_1964 : i32 to index
      %get3A_2036 = arith.constant 96 : index
      %get3A_2037 = tpu.vector_load %arg17[%get3A_2035, %get3A_2036] {strides = array<i32>} : memref<320x128xf32, #tpu.memory_space<vmem>>, vector<16xf32>,
      %mul3A_2038 = arith.mulf %broadcast_in_dim3A_1954, %get3A_2037 : vector<16xf32>
      %add3A_2039 = arith.addf %add3A_1943, %mul3A_2038 : vector<16xf32>
      %get3A_2040 = arith.index_cast %add3A_1964 : i32 to index
      %get3A_2041 = arith.constant 112 : index
      %get3A_2042 = tpu.vector_load %arg17[%get3A_2040, %get3A_2041] {strides = array<i32>} : memref<320x128xf32, #tpu.memory_space<vmem>>, vector<16xf32>,
      %mul3A_2043 = arith.mulf %broadcast_in_dim3A_1954, %get3A_2042 : vector<16xf32>
      %add3A_2044 = arith.addf %add3A_1948, %mul3A_2043 : vector<16xf32>
      %slice3A_2045 = vector.extract_strided_slice %get3A_1854 {offsets = [4], sizes = [1], strides = [1]} : vector<16xf32> to vector<1xf32>
      %squeeze3A_2046 = vector.extract %slice3A_2045[0] : f32 from vector<1xf32>
      %broadcast_in_dim3A_2047 = vector.broadcast %squeeze3A_2046 : f32 to vector<16xf32>
      %slice3A_2048 = vector.extract_strided_slice %get3A_1854 {offsets = [5], sizes = [1], strides = [1]} : vector<16xf32> to vector<1xf32>
      %squeeze3A_2049 = vector.extract %slice3A_2048[0] : f32 from vector<1xf32>
      %broadcast_in_dim3A_2050 = vector.broadcast %squeeze3A_2049 : f32 to vector<16xf32>
      %mul3A_2051 = arith.constant 16 : i32
      %mul3A_2052 = arith.muli %while3A_1834, %mul3A_2051 : i32
      %add3A_2053 = arith.constant 4 : i32
      %add3A_2054 = arith.addi %mul3A_2052, %add3A_2053 : i32
      %mul3A_2055 = arith.constant 16 : i32
      %mul3A_2056 = arith.muli %while3A_1834, %mul3A_2055 : i32
      %add3A_2057 = arith.constant 4 : i32
      %add3A_2058 = arith.addi %mul3A_2056, %add3A_2057 : i32
      %add3A_2059 = arith.constant 1 : i32
      %add3A_2060 = arith.addi %add3A_2058, %add3A_2059 : i32
      %get3A_2061 = arith.index_cast %add3A_2054 : i32 to index
      %get3A_2062 = arith.constant 0 : index
      %get3A_2063 = tpu.vector_load %arg17[%get3A_2061, %get3A_2062] {strides = array<i32>} : memref<320x128xf32, #tpu.memory_space<vmem>>, vector<16xf32>,
      %mul3A_2064 = arith.mulf %broadcast_in_dim3A_2047, %get3A_2063 : vector<16xf32>
      %add3A_2065 = arith.addf %add3A_1969, %mul3A_2064 : vector<16xf32>
      %get3A_2066 = arith.index_cast %add3A_2054 : i32 to index
      %get3A_2067 = arith.constant 16 : index
      %get3A_2068 = tpu.vector_load %arg17[%get3A_2066, %get3A_2067] {strides = array<i32>} : memref<320x128xf32, #tpu.memory_space<vmem>>, vector<16xf32>,
      %mul3A_2069 = arith.mulf %broadcast_in_dim3A_2047, %get3A_2068 : vector<16xf32>
      %add3A_2070 = arith.addf %add3A_1974, %mul3A_2069 : vector<16xf32>
      %get3A_2071 = arith.index_cast %add3A_2054 : i32 to index
      %get3A_2072 = arith.constant 32 : index
      %get3A_2073 = tpu.vector_load %arg17[%get3A_2071, %get3A_2072] {strides = array<i32>} : memref<320x128xf32, #tpu.memory_space<vmem>>, vector<16xf32>,
      %mul3A_2074 = arith.mulf %broadcast_in_dim3A_2047, %get3A_2073 : vector<16xf32>
      %add3A_2075 = arith.addf %add3A_1979, %mul3A_2074 : vector<16xf32>
      %get3A_2076 = arith.index_cast %add3A_2054 : i32 to index
      %get3A_2077 = arith.constant 48 : index
      %get3A_2078 = tpu.vector_load %arg17[%get3A_2076, %get3A_2077] {strides = array<i32>} : memref<320x128xf32, #tpu.memory_space<vmem>>, vector<16xf32>,
      %mul3A_2079 = arith.mulf %broadcast_in_dim3A_2047, %get3A_2078 : vector<16xf32>
      %add3A_2080 = arith.addf %add3A_1984, %mul3A_2079 : vector<16xf32>
      %get3A_2081 = arith.index_cast %add3A_2054 : i32 to index
      %get3A_2082 = arith.constant 64 : index
      %get3A_2083 = tpu.vector_load %arg17[%get3A_2081, %get3A_2082] {strides = array<i32>} : memref<320x128xf32, #tpu.memory_space<vmem>>, vector<16xf32>,
      %mul3A_2084 = arith.mulf %broadcast_in_dim3A_2047, %get3A_2083 : vector<16xf32>
      %add3A_2085 = arith.addf %add3A_1989, %mul3A_2084 : vector<16xf32>
      %get3A_2086 = arith.index_cast %add3A_2054 : i32 to index
      %get3A_2087 = arith.constant 80 : index
      %get3A_2088 = tpu.vector_load %arg17[%get3A_2086, %get3A_2087] {strides = array<i32>} : memref<320x128xf32, #tpu.memory_space<vmem>>, vector<16xf32>,
      %mul3A_2089 = arith.mulf %broadcast_in_dim3A_2047, %get3A_2088 : vector<16xf32>
      %add3A_2090 = arith.addf %add3A_1994, %mul3A_2089 : vector<16xf32>
      %get3A_2091 = arith.index_cast %add3A_2054 : i32 to index
      %get3A_2092 = arith.constant 96 : index
      %get3A_2093 = tpu.vector_load %arg17[%get3A_2091, %get3A_2092] {strides = array<i32>} : memref<320x128xf32, #tpu.memory_space<vmem>>, vector<16xf32>,
      %mul3A_2094 = arith.mulf %broadcast_in_dim3A_2047, %get3A_2093 : vector<16xf32>
      %add3A_2095 = arith.addf %add3A_1999, %mul3A_2094 : vector<16xf32>
      %get3A_2096 = arith.index_cast %add3A_2054 : i32 to index
      %get3A_2097 = arith.constant 112 : index
      %get3A_2098 = tpu.vector_load %arg17[%get3A_2096, %get3A_2097] {strides = array<i32>} : memref<320x128xf32, #tpu.memory_space<vmem>>, vector<16xf32>,
      %mul3A_2099 = arith.mulf %broadcast_in_dim3A_2047, %get3A_2098 : vector<16xf32>
      %add3A_2100 = arith.addf %add3A_2004, %mul3A_2099 : vector<16xf32>
      %get3A_2101 = arith.index_cast %add3A_2060 : i32 to index
      %get3A_2102 = arith.constant 0 : index
      %get3A_2103 = tpu.vector_load %arg17[%get3A_2101, %get3A_2102] {strides = array<i32>} : memref<320x128xf32, #tpu.memory_space<vmem>>, vector<16xf32>,
      %mul3A_2104 = arith.mulf %broadcast_in_dim3A_2050, %get3A_2103 : vector<16xf32>
      %add3A_2105 = arith.addf %add3A_2009, %mul3A_2104 : vector<16xf32>
      %get3A_2106 = arith.index_cast %add3A_2060 : i32 to index
      %get3A_2107 = arith.constant 16 : index
      %get3A_2108 = tpu.vector_load %arg17[%get3A_2106, %get3A_2107] {strides = array<i32>} : memref<320x128xf32, #tpu.memory_space<vmem>>, vector<16xf32>,
      %mul3A_2109 = arith.mulf %broadcast_in_dim3A_2050, %get3A_2108 : vector<16xf32>
      %add3A_2110 = arith.addf %add3A_2014, %mul3A_2109 : vector<16xf32>
      %get3A_2111 = arith.index_cast %add3A_2060 : i32 to index
      %get3A_2112 = arith.constant 32 : index
      %get3A_2113 = tpu.vector_load %arg17[%get3A_2111, %get3A_2112] {strides = array<i32>} : memref<320x128xf32, #tpu.memory_space<vmem>>, vector<16xf32>,
      %mul3A_2114 = arith.mulf %broadcast_in_dim3A_2050, %get3A_2113 : vector<16xf32>
      %add3A_2115 = arith.addf %add3A_2019, %mul3A_2114 : vector<16xf32>
      %get3A_2116 = arith.index_cast %add3A_2060 : i32 to index
      %get3A_2117 = arith.constant 48 : index
      %get3A_2118 = tpu.vector_load %arg17[%get3A_2116, %get3A_2117] {strides = array<i32>} : memref<320x128xf32, #tpu.memory_space<vmem>>, vector<16xf32>,
      %mul3A_2119 = arith.mulf %broadcast_in_dim3A_2050, %get3A_2118 : vector<16xf32>
      %add3A_2120 = arith.addf %add3A_2024, %mul3A_2119 : vector<16xf32>
      %get3A_2121 = arith.index_cast %add3A_2060 : i32 to index
      %get3A_2122 = arith.constant 64 : index
      %get3A_2123 = tpu.vector_load %arg17[%get3A_2121, %get3A_2122] {strides = array<i32>} : memref<320x128xf32, #tpu.memory_space<vmem>>, vector<16xf32>,
      %mul3A_2124 = arith.mulf %broadcast_in_dim3A_2050, %get3A_2123 : vector<16xf32>
      %add3A_2125 = arith.addf %add3A_2029, %mul3A_2124 : vector<16xf32>
      %get3A_2126 = arith.index_cast %add3A_2060 : i32 to index
      %get3A_2127 = arith.constant 80 : index
      %get3A_2128 = tpu.vector_load %arg17[%get3A_2126, %get3A_2127] {strides = array<i32>} : memref<320x128xf32, #tpu.memory_space<vmem>>, vector<16xf32>,
      %mul3A_2129 = arith.mulf %broadcast_in_dim3A_2050, %get3A_2128 : vector<16xf32>
      %add3A_2130 = arith.addf %add3A_2034, %mul3A_2129 : vector<16xf32>
      %get3A_2131 = arith.index_cast %add3A_2060 : i32 to index
      %get3A_2132 = arith.constant 96 : index
      %get3A_2133 = tpu.vector_load %arg17[%get3A_2131, %get3A_2132] {strides = array<i32>} : memref<320x128xf32, #tpu.memory_space<vmem>>, vector<16xf32>,
      %mul3A_2134 = arith.mulf %broadcast_in_dim3A_2050, %get3A_2133 : vector<16xf32>
      %add3A_2135 = arith.addf %add3A_2039, %mul3A_2134 : vector<16xf32>
      %get3A_2136 = arith.index_cast %add3A_2060 : i32 to index
      %get3A_2137 = arith.constant 112 : index
      %get3A_2138 = tpu.vector_load %arg17[%get3A_2136, %get3A_2137] {strides = array<i32>} : memref<320x128xf32, #tpu.memory_space<vmem>>, vector<16xf32>,
      %mul3A_2139 = arith.mulf %broadcast_in_dim3A_2050, %get3A_2138 : vector<16xf32>
      %add3A_2140 = arith.addf %add3A_2044, %mul3A_2139 : vector<16xf32>
      %slice3A_2141 = vector.extract_strided_slice %get3A_1854 {offsets = [6], sizes = [1], strides = [1]} : vector<16xf32> to vector<1xf32>
      %squeeze3A_2142 = vector.extract %slice3A_2141[0] : f32 from vector<1xf32>
      %broadcast_in_dim3A_2143 = vector.broadcast %squeeze3A_2142 : f32 to vector<16xf32>
      %slice3A_2144 = vector.extract_strided_slice %get3A_1854 {offsets = [7], sizes = [1], strides = [1]} : vector<16xf32> to vector<1xf32>
      %squeeze3A_2145 = vector.extract %slice3A_2144[0] : f32 from vector<1xf32>
      %broadcast_in_dim3A_2146 = vector.broadcast %squeeze3A_2145 : f32 to vector<16xf32>
      %mul3A_2147 = arith.constant 16 : i32
      %mul3A_2148 = arith.muli %while3A_1834, %mul3A_2147 : i32
      %add3A_2149 = arith.constant 6 : i32
      %add3A_2150 = arith.addi %mul3A_2148, %add3A_2149 : i32
      %mul3A_2151 = arith.constant 16 : i32
      %mul3A_2152 = arith.muli %while3A_1834, %mul3A_2151 : i32
      %add3A_2153 = arith.constant 6 : i32
      %add3A_2154 = arith.addi %mul3A_2152, %add3A_2153 : i32
      %add3A_2155 = arith.constant 1 : i32
      %add3A_2156 = arith.addi %add3A_2154, %add3A_2155 : i32
      %get3A_2157 = arith.index_cast %add3A_2150 : i32 to index
      %get3A_2158 = arith.constant 0 : index
      %get3A_2159 = tpu.vector_load %arg17[%get3A_2157, %get3A_2158] {strides = array<i32>} : memref<320x128xf32, #tpu.memory_space<vmem>>, vector<16xf32>,
      %mul3A_2160 = arith.mulf %broadcast_in_dim3A_2143, %get3A_2159 : vector<16xf32>
      %add3A_2161 = arith.addf %add3A_2065, %mul3A_2160 : vector<16xf32>
      %get3A_2162 = arith.index_cast %add3A_2150 : i32 to index
      %get3A_2163 = arith.constant 16 : index
      %get3A_2164 = tpu.vector_load %arg17[%get3A_2162, %get3A_2163] {strides = array<i32>} : memref<320x128xf32, #tpu.memory_space<vmem>>, vector<16xf32>,
      %mul3A_2165 = arith.mulf %broadcast_in_dim3A_2143, %get3A_2164 : vector<16xf32>
      %add3A_2166 = arith.addf %add3A_2070, %mul3A_2165 : vector<16xf32>
      %get3A_2167 = arith.index_cast %add3A_2150 : i32 to index
      %get3A_2168 = arith.constant 32 : index
      %get3A_2169 = tpu.vector_load %arg17[%get3A_2167, %get3A_2168] {strides = array<i32>} : memref<320x128xf32, #tpu.memory_space<vmem>>, vector<16xf32>,
      %mul3A_2170 = arith.mulf %broadcast_in_dim3A_2143, %get3A_2169 : vector<16xf32>
      %add3A_2171 = arith.addf %add3A_2075, %mul3A_2170 : vector<16xf32>
      %get3A_2172 = arith.index_cast %add3A_2150 : i32 to index
      %get3A_2173 = arith.constant 48 : index
      %get3A_2174 = tpu.vector_load %arg17[%get3A_2172, %get3A_2173] {strides = array<i32>} : memref<320x128xf32, #tpu.memory_space<vmem>>, vector<16xf32>,
      %mul3A_2175 = arith.mulf %broadcast_in_dim3A_2143, %get3A_2174 : vector<16xf32>
      %add3A_2176 = arith.addf %add3A_2080, %mul3A_2175 : vector<16xf32>
      %get3A_2177 = arith.index_cast %add3A_2150 : i32 to index
      %get3A_2178 = arith.constant 64 : index
      %get3A_2179 = tpu.vector_load %arg17[%get3A_2177, %get3A_2178] {strides = array<i32>} : memref<320x128xf32, #tpu.memory_space<vmem>>, vector<16xf32>,
      %mul3A_2180 = arith.mulf %broadcast_in_dim3A_2143, %get3A_2179 : vector<16xf32>
      %add3A_2181 = arith.addf %add3A_2085, %mul3A_2180 : vector<16xf32>
      %get3A_2182 = arith.index_cast %add3A_2150 : i32 to index
      %get3A_2183 = arith.constant 80 : index
      %get3A_2184 = tpu.vector_load %arg17[%get3A_2182, %get3A_2183] {strides = array<i32>} : memref<320x128xf32, #tpu.memory_space<vmem>>, vector<16xf32>,
      %mul3A_2185 = arith.mulf %broadcast_in_dim3A_2143, %get3A_2184 : vector<16xf32>
      %add3A_2186 = arith.addf %add3A_2090, %mul3A_2185 : vector<16xf32>
      %get3A_2187 = arith.index_cast %add3A_2150 : i32 to index
      %get3A_2188 = arith.constant 96 : index
      %get3A_2189 = tpu.vector_load %arg17[%get3A_2187, %get3A_2188] {strides = array<i32>} : memref<320x128xf32, #tpu.memory_space<vmem>>, vector<16xf32>,
      %mul3A_2190 = arith.mulf %broadcast_in_dim3A_2143, %get3A_2189 : vector<16xf32>
      %add3A_2191 = arith.addf %add3A_2095, %mul3A_2190 : vector<16xf32>
      %get3A_2192 = arith.index_cast %add3A_2150 : i32 to index
      %get3A_2193 = arith.constant 112 : index
      %get3A_2194 = tpu.vector_load %arg17[%get3A_2192, %get3A_2193] {strides = array<i32>} : memref<320x128xf32, #tpu.memory_space<vmem>>, vector<16xf32>,
      %mul3A_2195 = arith.mulf %broadcast_in_dim3A_2143, %get3A_2194 : vector<16xf32>
      %add3A_2196 = arith.addf %add3A_2100, %mul3A_2195 : vector<16xf32>
      %get3A_2197 = arith.index_cast %add3A_2156 : i32 to index
      %get3A_2198 = arith.constant 0 : index
      %get3A_2199 = tpu.vector_load %arg17[%get3A_2197, %get3A_2198] {strides = array<i32>} : memref<320x128xf32, #tpu.memory_space<vmem>>, vector<16xf32>,
      %mul3A_2200 = arith.mulf %broadcast_in_dim3A_2146, %get3A_2199 : vector<16xf32>
      %add3A_2201 = arith.addf %add3A_2105, %mul3A_2200 : vector<16xf32>
      %get3A_2202 = arith.index_cast %add3A_2156 : i32 to index
      %get3A_2203 = arith.constant 16 : index
      %get3A_2204 = tpu.vector_load %arg17[%get3A_2202, %get3A_2203] {strides = array<i32>} : memref<320x128xf32, #tpu.memory_space<vmem>>, vector<16xf32>,
      %mul3A_2205 = arith.mulf %broadcast_in_dim3A_2146, %get3A_2204 : vector<16xf32>
      %add3A_2206 = arith.addf %add3A_2110, %mul3A_2205 : vector<16xf32>
      %get3A_2207 = arith.index_cast %add3A_2156 : i32 to index
      %get3A_2208 = arith.constant 32 : index
      %get3A_2209 = tpu.vector_load %arg17[%get3A_2207, %get3A_2208] {strides = array<i32>} : memref<320x128xf32, #tpu.memory_space<vmem>>, vector<16xf32>,
      %mul3A_2210 = arith.mulf %broadcast_in_dim3A_2146, %get3A_2209 : vector<16xf32>
      %add3A_2211 = arith.addf %add3A_2115, %mul3A_2210 : vector<16xf32>
      %get3A_2212 = arith.index_cast %add3A_2156 : i32 to index
      %get3A_2213 = arith.constant 48 : index
      %get3A_2214 = tpu.vector_load %arg17[%get3A_2212, %get3A_2213] {strides = array<i32>} : memref<320x128xf32, #tpu.memory_space<vmem>>, vector<16xf32>,
      %mul3A_2215 = arith.mulf %broadcast_in_dim3A_2146, %get3A_2214 : vector<16xf32>
      %add3A_2216 = arith.addf %add3A_2120, %mul3A_2215 : vector<16xf32>
      %get3A_2217 = arith.index_cast %add3A_2156 : i32 to index
      %get3A_2218 = arith.constant 64 : index
      %get3A_2219 = tpu.vector_load %arg17[%get3A_2217, %get3A_2218] {strides = array<i32>} : memref<320x128xf32, #tpu.memory_space<vmem>>, vector<16xf32>,
      %mul3A_2220 = arith.mulf %broadcast_in_dim3A_2146, %get3A_2219 : vector<16xf32>
      %add3A_2221 = arith.addf %add3A_2125, %mul3A_2220 : vector<16xf32>
      %get3A_2222 = arith.index_cast %add3A_2156 : i32 to index
      %get3A_2223 = arith.constant 80 : index
      %get3A_2224 = tpu.vector_load %arg17[%get3A_2222, %get3A_2223] {strides = array<i32>} : memref<320x128xf32, #tpu.memory_space<vmem>>, vector<16xf32>,
      %mul3A_2225 = arith.mulf %broadcast_in_dim3A_2146, %get3A_2224 : vector<16xf32>
      %add3A_2226 = arith.addf %add3A_2130, %mul3A_2225 : vector<16xf32>
      %get3A_2227 = arith.index_cast %add3A_2156 : i32 to index
      %get3A_2228 = arith.constant 96 : index
      %get3A_2229 = tpu.vector_load %arg17[%get3A_2227, %get3A_2228] {strides = array<i32>} : memref<320x128xf32, #tpu.memory_space<vmem>>, vector<16xf32>,
      %mul3A_2230 = arith.mulf %broadcast_in_dim3A_2146, %get3A_2229 : vector<16xf32>
      %add3A_2231 = arith.addf %add3A_2135, %mul3A_2230 : vector<16xf32>
      %get3A_2232 = arith.index_cast %add3A_2156 : i32 to index
      %get3A_2233 = arith.constant 112 : index
      %get3A_2234 = tpu.vector_load %arg17[%get3A_2232, %get3A_2233] {strides = array<i32>} : memref<320x128xf32, #tpu.memory_space<vmem>>, vector<16xf32>,
      %mul3A_2235 = arith.mulf %broadcast_in_dim3A_2146, %get3A_2234 : vector<16xf32>
      %add3A_2236 = arith.addf %add3A_2140, %mul3A_2235 : vector<16xf32>
      %slice3A_2237 = vector.extract_strided_slice %get3A_1854 {offsets = [8], sizes = [1], strides = [1]} : vector<16xf32> to vector<1xf32>
      %squeeze3A_2238 = vector.extract %slice3A_2237[0] : f32 from vector<1xf32>
      %broadcast_in_dim3A_2239 = vector.broadcast %squeeze3A_2238 : f32 to vector<16xf32>
      %slice3A_2240 = vector.extract_strided_slice %get3A_1854 {offsets = [9], sizes = [1], strides = [1]} : vector<16xf32> to vector<1xf32>
      %squeeze3A_2241 = vector.extract %slice3A_2240[0] : f32 from vector<1xf32>
      %broadcast_in_dim3A_2242 = vector.broadcast %squeeze3A_2241 : f32 to vector<16xf32>
      %mul3A_2243 = arith.constant 16 : i32
      %mul3A_2244 = arith.muli %while3A_1834, %mul3A_2243 : i32
      %add3A_2245 = arith.constant 8 : i32
      %add3A_2246 = arith.addi %mul3A_2244, %add3A_2245 : i32
      %mul3A_2247 = arith.constant 16 : i32
      %mul3A_2248 = arith.muli %while3A_1834, %mul3A_2247 : i32
      %add3A_2249 = arith.constant 8 : i32
      %add3A_2250 = arith.addi %mul3A_2248, %add3A_2249 : i32
      %add3A_2251 = arith.constant 1 : i32
      %add3A_2252 = arith.addi %add3A_2250, %add3A_2251 : i32
      %get3A_2253 = arith.index_cast %add3A_2246 : i32 to index
      %get3A_2254 = arith.constant 0 : index
      %get3A_2255 = tpu.vector_load %arg17[%get3A_2253, %get3A_2254] {strides = array<i32>} : memref<320x128xf32, #tpu.memory_space<vmem>>, vector<16xf32>,
      %mul3A_2256 = arith.mulf %broadcast_in_dim3A_2239, %get3A_2255 : vector<16xf32>
      %add3A_2257 = arith.addf %add3A_2161, %mul3A_2256 : vector<16xf32>
      %get3A_2258 = arith.index_cast %add3A_2246 : i32 to index
      %get3A_2259 = arith.constant 16 : index
      %get3A_2260 = tpu.vector_load %arg17[%get3A_2258, %get3A_2259] {strides = array<i32>} : memref<320x128xf32, #tpu.memory_space<vmem>>, vector<16xf32>,
      %mul3A_2261 = arith.mulf %broadcast_in_dim3A_2239, %get3A_2260 : vector<16xf32>
      %add3A_2262 = arith.addf %add3A_2166, %mul3A_2261 : vector<16xf32>
      %get3A_2263 = arith.index_cast %add3A_2246 : i32 to index
      %get3A_2264 = arith.constant 32 : index
      %get3A_2265 = tpu.vector_load %arg17[%get3A_2263, %get3A_2264] {strides = array<i32>} : memref<320x128xf32, #tpu.memory_space<vmem>>, vector<16xf32>,
      %mul3A_2266 = arith.mulf %broadcast_in_dim3A_2239, %get3A_2265 : vector<16xf32>
      %add3A_2267 = arith.addf %add3A_2171, %mul3A_2266 : vector<16xf32>
      %get3A_2268 = arith.index_cast %add3A_2246 : i32 to index
      %get3A_2269 = arith.constant 48 : index
      %get3A_2270 = tpu.vector_load %arg17[%get3A_2268, %get3A_2269] {strides = array<i32>} : memref<320x128xf32, #tpu.memory_space<vmem>>, vector<16xf32>,
      %mul3A_2271 = arith.mulf %broadcast_in_dim3A_2239, %get3A_2270 : vector<16xf32>
      %add3A_2272 = arith.addf %add3A_2176, %mul3A_2271 : vector<16xf32>
      %get3A_2273 = arith.index_cast %add3A_2246 : i32 to index
      %get3A_2274 = arith.constant 64 : index
      %get3A_2275 = tpu.vector_load %arg17[%get3A_2273, %get3A_2274] {strides = array<i32>} : memref<320x128xf32, #tpu.memory_space<vmem>>, vector<16xf32>,
      %mul3A_2276 = arith.mulf %broadcast_in_dim3A_2239, %get3A_2275 : vector<16xf32>
      %add3A_2277 = arith.addf %add3A_2181, %mul3A_2276 : vector<16xf32>
      %get3A_2278 = arith.index_cast %add3A_2246 : i32 to index
      %get3A_2279 = arith.constant 80 : index
      %get3A_2280 = tpu.vector_load %arg17[%get3A_2278, %get3A_2279] {strides = array<i32>} : memref<320x128xf32, #tpu.memory_space<vmem>>, vector<16xf32>,
      %mul3A_2281 = arith.mulf %broadcast_in_dim3A_2239, %get3A_2280 : vector<16xf32>
      %add3A_2282 = arith.addf %add3A_2186, %mul3A_2281 : vector<16xf32>
      %get3A_2283 = arith.index_cast %add3A_2246 : i32 to index
      %get3A_2284 = arith.constant 96 : index
      %get3A_2285 = tpu.vector_load %arg17[%get3A_2283, %get3A_2284] {strides = array<i32>} : memref<320x128xf32, #tpu.memory_space<vmem>>, vector<16xf32>,
      %mul3A_2286 = arith.mulf %broadcast_in_dim3A_2239, %get3A_2285 : vector<16xf32>
      %add3A_2287 = arith.addf %add3A_2191, %mul3A_2286 : vector<16xf32>
      %get3A_2288 = arith.index_cast %add3A_2246 : i32 to index
      %get3A_2289 = arith.constant 112 : index
      %get3A_2290 = tpu.vector_load %arg17[%get3A_2288, %get3A_2289] {strides = array<i32>} : memref<320x128xf32, #tpu.memory_space<vmem>>, vector<16xf32>,
      %mul3A_2291 = arith.mulf %broadcast_in_dim3A_2239, %get3A_2290 : vector<16xf32>
      %add3A_2292 = arith.addf %add3A_2196, %mul3A_2291 : vector<16xf32>
      %get3A_2293 = arith.index_cast %add3A_2252 : i32 to index
      %get3A_2294 = arith.constant 0 : index
      %get3A_2295 = tpu.vector_load %arg17[%get3A_2293, %get3A_2294] {strides = array<i32>} : memref<320x128xf32, #tpu.memory_space<vmem>>, vector<16xf32>,
      %mul3A_2296 = arith.mulf %broadcast_in_dim3A_2242, %get3A_2295 : vector<16xf32>
      %add3A_2297 = arith.addf %add3A_2201, %mul3A_2296 : vector<16xf32>
      %get3A_2298 = arith.index_cast %add3A_2252 : i32 to index
      %get3A_2299 = arith.constant 16 : index
      %get3A_2300 = tpu.vector_load %arg17[%get3A_2298, %get3A_2299] {strides = array<i32>} : memref<320x128xf32, #tpu.memory_space<vmem>>, vector<16xf32>,
      %mul3A_2301 = arith.mulf %broadcast_in_dim3A_2242, %get3A_2300 : vector<16xf32>
      %add3A_2302 = arith.addf %add3A_2206, %mul3A_2301 : vector<16xf32>
      %get3A_2303 = arith.index_cast %add3A_2252 : i32 to index
      %get3A_2304 = arith.constant 32 : index
      %get3A_2305 = tpu.vector_load %arg17[%get3A_2303, %get3A_2304] {strides = array<i32>} : memref<320x128xf32, #tpu.memory_space<vmem>>, vector<16xf32>,
      %mul3A_2306 = arith.mulf %broadcast_in_dim3A_2242, %get3A_2305 : vector<16xf32>
      %add3A_2307 = arith.addf %add3A_2211, %mul3A_2306 : vector<16xf32>
      %get3A_2308 = arith.index_cast %add3A_2252 : i32 to index
      %get3A_2309 = arith.constant 48 : index
      %get3A_2310 = tpu.vector_load %arg17[%get3A_2308, %get3A_2309] {strides = array<i32>} : memref<320x128xf32, #tpu.memory_space<vmem>>, vector<16xf32>,
      %mul3A_2311 = arith.mulf %broadcast_in_dim3A_2242, %get3A_2310 : vector<16xf32>
      %add3A_2312 = arith.addf %add3A_2216, %mul3A_2311 : vector<16xf32>
      %get3A_2313 = arith.index_cast %add3A_2252 : i32 to index
      %get3A_2314 = arith.constant 64 : index
      %get3A_2315 = tpu.vector_load %arg17[%get3A_2313, %get3A_2314] {strides = array<i32>} : memref<320x128xf32, #tpu.memory_space<vmem>>, vector<16xf32>,
      %mul3A_2316 = arith.mulf %broadcast_in_dim3A_2242, %get3A_2315 : vector<16xf32>
      %add3A_2317 = arith.addf %add3A_2221, %mul3A_2316 : vector<16xf32>
      %get3A_2318 = arith.index_cast %add3A_2252 : i32 to index
      %get3A_2319 = arith.constant 80 : index
      %get3A_2320 = tpu.vector_load %arg17[%get3A_2318, %get3A_2319] {strides = array<i32>} : memref<320x128xf32, #tpu.memory_space<vmem>>, vector<16xf32>,
      %mul3A_2321 = arith.mulf %broadcast_in_dim3A_2242, %get3A_2320 : vector<16xf32>
      %add3A_2322 = arith.addf %add3A_2226, %mul3A_2321 : vector<16xf32>
      %get3A_2323 = arith.index_cast %add3A_2252 : i32 to index
      %get3A_2324 = arith.constant 96 : index
      %get3A_2325 = tpu.vector_load %arg17[%get3A_2323, %get3A_2324] {strides = array<i32>} : memref<320x128xf32, #tpu.memory_space<vmem>>, vector<16xf32>,
      %mul3A_2326 = arith.mulf %broadcast_in_dim3A_2242, %get3A_2325 : vector<16xf32>
      %add3A_2327 = arith.addf %add3A_2231, %mul3A_2326 : vector<16xf32>
      %get3A_2328 = arith.index_cast %add3A_2252 : i32 to index
      %get3A_2329 = arith.constant 112 : index
      %get3A_2330 = tpu.vector_load %arg17[%get3A_2328, %get3A_2329] {strides = array<i32>} : memref<320x128xf32, #tpu.memory_space<vmem>>, vector<16xf32>,
      %mul3A_2331 = arith.mulf %broadcast_in_dim3A_2242, %get3A_2330 : vector<16xf32>
      %add3A_2332 = arith.addf %add3A_2236, %mul3A_2331 : vector<16xf32>
      %slice3A_2333 = vector.extract_strided_slice %get3A_1854 {offsets = [10], sizes = [1], strides = [1]} : vector<16xf32> to vector<1xf32>
      %squeeze3A_2334 = vector.extract %slice3A_2333[0] : f32 from vector<1xf32>
      %broadcast_in_dim3A_2335 = vector.broadcast %squeeze3A_2334 : f32 to vector<16xf32>
      %slice3A_2336 = vector.extract_strided_slice %get3A_1854 {offsets = [11], sizes = [1], strides = [1]} : vector<16xf32> to vector<1xf32>
      %squeeze3A_2337 = vector.extract %slice3A_2336[0] : f32 from vector<1xf32>
      %broadcast_in_dim3A_2338 = vector.broadcast %squeeze3A_2337 : f32 to vector<16xf32>
      %mul3A_2339 = arith.constant 16 : i32
      %mul3A_2340 = arith.muli %while3A_1834, %mul3A_2339 : i32
      %add3A_2341 = arith.constant 10 : i32
      %add3A_2342 = arith.addi %mul3A_2340, %add3A_2341 : i32
      %mul3A_2343 = arith.constant 16 : i32
      %mul3A_2344 = arith.muli %while3A_1834, %mul3A_2343 : i32
      %add3A_2345 = arith.constant 10 : i32
      %add3A_2346 = arith.addi %mul3A_2344, %add3A_2345 : i32
      %add3A_2347 = arith.constant 1 : i32
      %add3A_2348 = arith.addi %add3A_2346, %add3A_2347 : i32
      %get3A_2349 = arith.index_cast %add3A_2342 : i32 to index
      %get3A_2350 = arith.constant 0 : index
      %get3A_2351 = tpu.vector_load %arg17[%get3A_2349, %get3A_2350] {strides = array<i32>} : memref<320x128xf32, #tpu.memory_space<vmem>>, vector<16xf32>,
      %mul3A_2352 = arith.mulf %broadcast_in_dim3A_2335, %get3A_2351 : vector<16xf32>
      %add3A_2353 = arith.addf %add3A_2257, %mul3A_2352 : vector<16xf32>
      %get3A_2354 = arith.index_cast %add3A_2342 : i32 to index
      %get3A_2355 = arith.constant 16 : index
      %get3A_2356 = tpu.vector_load %arg17[%get3A_2354, %get3A_2355] {strides = array<i32>} : memref<320x128xf32, #tpu.memory_space<vmem>>, vector<16xf32>,
      %mul3A_2357 = arith.mulf %broadcast_in_dim3A_2335, %get3A_2356 : vector<16xf32>
      %add3A_2358 = arith.addf %add3A_2262, %mul3A_2357 : vector<16xf32>
      %get3A_2359 = arith.index_cast %add3A_2342 : i32 to index
      %get3A_2360 = arith.constant 32 : index
      %get3A_2361 = tpu.vector_load %arg17[%get3A_2359, %get3A_2360] {strides = array<i32>} : memref<320x128xf32, #tpu.memory_space<vmem>>, vector<16xf32>,
      %mul3A_2362 = arith.mulf %broadcast_in_dim3A_2335, %get3A_2361 : vector<16xf32>
      %add3A_2363 = arith.addf %add3A_2267, %mul3A_2362 : vector<16xf32>
      %get3A_2364 = arith.index_cast %add3A_2342 : i32 to index
      %get3A_2365 = arith.constant 48 : index
      %get3A_2366 = tpu.vector_load %arg17[%get3A_2364, %get3A_2365] {strides = array<i32>} : memref<320x128xf32, #tpu.memory_space<vmem>>, vector<16xf32>,
      %mul3A_2367 = arith.mulf %broadcast_in_dim3A_2335, %get3A_2366 : vector<16xf32>
      %add3A_2368 = arith.addf %add3A_2272, %mul3A_2367 : vector<16xf32>
      %get3A_2369 = arith.index_cast %add3A_2342 : i32 to index
      %get3A_2370 = arith.constant 64 : index
      %get3A_2371 = tpu.vector_load %arg17[%get3A_2369, %get3A_2370] {strides = array<i32>} : memref<320x128xf32, #tpu.memory_space<vmem>>, vector<16xf32>,
      %mul3A_2372 = arith.mulf %broadcast_in_dim3A_2335, %get3A_2371 : vector<16xf32>
      %add3A_2373 = arith.addf %add3A_2277, %mul3A_2372 : vector<16xf32>
      %get3A_2374 = arith.index_cast %add3A_2342 : i32 to index
      %get3A_2375 = arith.constant 80 : index
      %get3A_2376 = tpu.vector_load %arg17[%get3A_2374, %get3A_2375] {strides = array<i32>} : memref<320x128xf32, #tpu.memory_space<vmem>>, vector<16xf32>,
      %mul3A_2377 = arith.mulf %broadcast_in_dim3A_2335, %get3A_2376 : vector<16xf32>
      %add3A_2378 = arith.addf %add3A_2282, %mul3A_2377 : vector<16xf32>
      %get3A_2379 = arith.index_cast %add3A_2342 : i32 to index
      %get3A_2380 = arith.constant 96 : index
      %get3A_2381 = tpu.vector_load %arg17[%get3A_2379, %get3A_2380] {strides = array<i32>} : memref<320x128xf32, #tpu.memory_space<vmem>>, vector<16xf32>,
      %mul3A_2382 = arith.mulf %broadcast_in_dim3A_2335, %get3A_2381 : vector<16xf32>
      %add3A_2383 = arith.addf %add3A_2287, %mul3A_2382 : vector<16xf32>
      %get3A_2384 = arith.index_cast %add3A_2342 : i32 to index
      %get3A_2385 = arith.constant 112 : index
      %get3A_2386 = tpu.vector_load %arg17[%get3A_2384, %get3A_2385] {strides = array<i32>} : memref<320x128xf32, #tpu.memory_space<vmem>>, vector<16xf32>,
      %mul3A_2387 = arith.mulf %broadcast_in_dim3A_2335, %get3A_2386 : vector<16xf32>
      %add3A_2388 = arith.addf %add3A_2292, %mul3A_2387 : vector<16xf32>
      %get3A_2389 = arith.index_cast %add3A_2348 : i32 to index
      %get3A_2390 = arith.constant 0 : index
      %get3A_2391 = tpu.vector_load %arg17[%get3A_2389, %get3A_2390] {strides = array<i32>} : memref<320x128xf32, #tpu.memory_space<vmem>>, vector<16xf32>,
      %mul3A_2392 = arith.mulf %broadcast_in_dim3A_2338, %get3A_2391 : vector<16xf32>
      %add3A_2393 = arith.addf %add3A_2297, %mul3A_2392 : vector<16xf32>
      %get3A_2394 = arith.index_cast %add3A_2348 : i32 to index
      %get3A_2395 = arith.constant 16 : index
      %get3A_2396 = tpu.vector_load %arg17[%get3A_2394, %get3A_2395] {strides = array<i32>} : memref<320x128xf32, #tpu.memory_space<vmem>>, vector<16xf32>,
      %mul3A_2397 = arith.mulf %broadcast_in_dim3A_2338, %get3A_2396 : vector<16xf32>
      %add3A_2398 = arith.addf %add3A_2302, %mul3A_2397 : vector<16xf32>
      %get3A_2399 = arith.index_cast %add3A_2348 : i32 to index
      %get3A_2400 = arith.constant 32 : index
      %get3A_2401 = tpu.vector_load %arg17[%get3A_2399, %get3A_2400] {strides = array<i32>} : memref<320x128xf32, #tpu.memory_space<vmem>>, vector<16xf32>,
      %mul3A_2402 = arith.mulf %broadcast_in_dim3A_2338, %get3A_2401 : vector<16xf32>
      %add3A_2403 = arith.addf %add3A_2307, %mul3A_2402 : vector<16xf32>
      %get3A_2404 = arith.index_cast %add3A_2348 : i32 to index
      %get3A_2405 = arith.constant 48 : index
      %get3A_2406 = tpu.vector_load %arg17[%get3A_2404, %get3A_2405] {strides = array<i32>} : memref<320x128xf32, #tpu.memory_space<vmem>>, vector<16xf32>,
      %mul3A_2407 = arith.mulf %broadcast_in_dim3A_2338, %get3A_2406 : vector<16xf32>
      %add3A_2408 = arith.addf %add3A_2312, %mul3A_2407 : vector<16xf32>
      %get3A_2409 = arith.index_cast %add3A_2348 : i32 to index
      %get3A_2410 = arith.constant 64 : index
      %get3A_2411 = tpu.vector_load %arg17[%get3A_2409, %get3A_2410] {strides = array<i32>} : memref<320x128xf32, #tpu.memory_space<vmem>>, vector<16xf32>,
      %mul3A_2412 = arith.mulf %broadcast_in_dim3A_2338, %get3A_2411 : vector<16xf32>
      %add3A_2413 = arith.addf %add3A_2317, %mul3A_2412 : vector<16xf32>
      %get3A_2414 = arith.index_cast %add3A_2348 : i32 to index
      %get3A_2415 = arith.constant 80 : index
      %get3A_2416 = tpu.vector_load %arg17[%get3A_2414, %get3A_2415] {strides = array<i32>} : memref<320x128xf32, #tpu.memory_space<vmem>>, vector<16xf32>,
      %mul3A_2417 = arith.mulf %broadcast_in_dim3A_2338, %get3A_2416 : vector<16xf32>
      %add3A_2418 = arith.addf %add3A_2322, %mul3A_2417 : vector<16xf32>
      %get3A_2419 = arith.index_cast %add3A_2348 : i32 to index
      %get3A_2420 = arith.constant 96 : index
      %get3A_2421 = tpu.vector_load %arg17[%get3A_2419, %get3A_2420] {strides = array<i32>} : memref<320x128xf32, #tpu.memory_space<vmem>>, vector<16xf32>,
      %mul3A_2422 = arith.mulf %broadcast_in_dim3A_2338, %get3A_2421 : vector<16xf32>
      %add3A_2423 = arith.addf %add3A_2327, %mul3A_2422 : vector<16xf32>
      %get3A_2424 = arith.index_cast %add3A_2348 : i32 to index
      %get3A_2425 = arith.constant 112 : index
      %get3A_2426 = tpu.vector_load %arg17[%get3A_2424, %get3A_2425] {strides = array<i32>} : memref<320x128xf32, #tpu.memory_space<vmem>>, vector<16xf32>,
      %mul3A_2427 = arith.mulf %broadcast_in_dim3A_2338, %get3A_2426 : vector<16xf32>
      %add3A_2428 = arith.addf %add3A_2332, %mul3A_2427 : vector<16xf32>
      %slice3A_2429 = vector.extract_strided_slice %get3A_1854 {offsets = [12], sizes = [1], strides = [1]} : vector<16xf32> to vector<1xf32>
      %squeeze3A_2430 = vector.extract %slice3A_2429[0] : f32 from vector<1xf32>
      %broadcast_in_dim3A_2431 = vector.broadcast %squeeze3A_2430 : f32 to vector<16xf32>
      %slice3A_2432 = vector.extract_strided_slice %get3A_1854 {offsets = [13], sizes = [1], strides = [1]} : vector<16xf32> to vector<1xf32>
      %squeeze3A_2433 = vector.extract %slice3A_2432[0] : f32 from vector<1xf32>
      %broadcast_in_dim3A_2434 = vector.broadcast %squeeze3A_2433 : f32 to vector<16xf32>
      %mul3A_2435 = arith.constant 16 : i32
      %mul3A_2436 = arith.muli %while3A_1834, %mul3A_2435 : i32
      %add3A_2437 = arith.constant 12 : i32
      %add3A_2438 = arith.addi %mul3A_2436, %add3A_2437 : i32
      %mul3A_2439 = arith.constant 16 : i32
      %mul3A_2440 = arith.muli %while3A_1834, %mul3A_2439 : i32
      %add3A_2441 = arith.constant 12 : i32
      %add3A_2442 = arith.addi %mul3A_2440, %add3A_2441 : i32
      %add3A_2443 = arith.constant 1 : i32
      %add3A_2444 = arith.addi %add3A_2442, %add3A_2443 : i32
      %get3A_2445 = arith.index_cast %add3A_2438 : i32 to index
      %get3A_2446 = arith.constant 0 : index
      %get3A_2447 = tpu.vector_load %arg17[%get3A_2445, %get3A_2446] {strides = array<i32>} : memref<320x128xf32, #tpu.memory_space<vmem>>, vector<16xf32>,
      %mul3A_2448 = arith.mulf %broadcast_in_dim3A_2431, %get3A_2447 : vector<16xf32>
      %add3A_2449 = arith.addf %add3A_2353, %mul3A_2448 : vector<16xf32>
      %get3A_2450 = arith.index_cast %add3A_2438 : i32 to index
      %get3A_2451 = arith.constant 16 : index
      %get3A_2452 = tpu.vector_load %arg17[%get3A_2450, %get3A_2451] {strides = array<i32>} : memref<320x128xf32, #tpu.memory_space<vmem>>, vector<16xf32>,
      %mul3A_2453 = arith.mulf %broadcast_in_dim3A_2431, %get3A_2452 : vector<16xf32>
      %add3A_2454 = arith.addf %add3A_2358, %mul3A_2453 : vector<16xf32>
      %get3A_2455 = arith.index_cast %add3A_2438 : i32 to index
      %get3A_2456 = arith.constant 32 : index
      %get3A_2457 = tpu.vector_load %arg17[%get3A_2455, %get3A_2456] {strides = array<i32>} : memref<320x128xf32, #tpu.memory_space<vmem>>, vector<16xf32>,
      %mul3A_2458 = arith.mulf %broadcast_in_dim3A_2431, %get3A_2457 : vector<16xf32>
      %add3A_2459 = arith.addf %add3A_2363, %mul3A_2458 : vector<16xf32>
      %get3A_2460 = arith.index_cast %add3A_2438 : i32 to index
      %get3A_2461 = arith.constant 48 : index
      %get3A_2462 = tpu.vector_load %arg17[%get3A_2460, %get3A_2461] {strides = array<i32>} : memref<320x128xf32, #tpu.memory_space<vmem>>, vector<16xf32>,
      %mul3A_2463 = arith.mulf %broadcast_in_dim3A_2431, %get3A_2462 : vector<16xf32>
      %add3A_2464 = arith.addf %add3A_2368, %mul3A_2463 : vector<16xf32>
      %get3A_2465 = arith.index_cast %add3A_2438 : i32 to index
      %get3A_2466 = arith.constant 64 : index
      %get3A_2467 = tpu.vector_load %arg17[%get3A_2465, %get3A_2466] {strides = array<i32>} : memref<320x128xf32, #tpu.memory_space<vmem>>, vector<16xf32>,
      %mul3A_2468 = arith.mulf %broadcast_in_dim3A_2431, %get3A_2467 : vector<16xf32>
      %add3A_2469 = arith.addf %add3A_2373, %mul3A_2468 : vector<16xf32>
      %get3A_2470 = arith.index_cast %add3A_2438 : i32 to index
      %get3A_2471 = arith.constant 80 : index
      %get3A_2472 = tpu.vector_load %arg17[%get3A_2470, %get3A_2471] {strides = array<i32>} : memref<320x128xf32, #tpu.memory_space<vmem>>, vector<16xf32>,
      %mul3A_2473 = arith.mulf %broadcast_in_dim3A_2431, %get3A_2472 : vector<16xf32>
      %add3A_2474 = arith.addf %add3A_2378, %mul3A_2473 : vector<16xf32>
      %get3A_2475 = arith.index_cast %add3A_2438 : i32 to index
      %get3A_2476 = arith.constant 96 : index
      %get3A_2477 = tpu.vector_load %arg17[%get3A_2475, %get3A_2476] {strides = array<i32>} : memref<320x128xf32, #tpu.memory_space<vmem>>, vector<16xf32>,
      %mul3A_2478 = arith.mulf %broadcast_in_dim3A_2431, %get3A_2477 : vector<16xf32>
      %add3A_2479 = arith.addf %add3A_2383, %mul3A_2478 : vector<16xf32>
      %get3A_2480 = arith.index_cast %add3A_2438 : i32 to index
      %get3A_2481 = arith.constant 112 : index
      %get3A_2482 = tpu.vector_load %arg17[%get3A_2480, %get3A_2481] {strides = array<i32>} : memref<320x128xf32, #tpu.memory_space<vmem>>, vector<16xf32>,
      %mul3A_2483 = arith.mulf %broadcast_in_dim3A_2431, %get3A_2482 : vector<16xf32>
      %add3A_2484 = arith.addf %add3A_2388, %mul3A_2483 : vector<16xf32>
      %get3A_2485 = arith.index_cast %add3A_2444 : i32 to index
      %get3A_2486 = arith.constant 0 : index
      %get3A_2487 = tpu.vector_load %arg17[%get3A_2485, %get3A_2486] {strides = array<i32>} : memref<320x128xf32, #tpu.memory_space<vmem>>, vector<16xf32>,
      %mul3A_2488 = arith.mulf %broadcast_in_dim3A_2434, %get3A_2487 : vector<16xf32>
      %add3A_2489 = arith.addf %add3A_2393, %mul3A_2488 : vector<16xf32>
      %get3A_2490 = arith.index_cast %add3A_2444 : i32 to index
      %get3A_2491 = arith.constant 16 : index
      %get3A_2492 = tpu.vector_load %arg17[%get3A_2490, %get3A_2491] {strides = array<i32>} : memref<320x128xf32, #tpu.memory_space<vmem>>, vector<16xf32>,
      %mul3A_2493 = arith.mulf %broadcast_in_dim3A_2434, %get3A_2492 : vector<16xf32>
      %add3A_2494 = arith.addf %add3A_2398, %mul3A_2493 : vector<16xf32>
      %get3A_2495 = arith.index_cast %add3A_2444 : i32 to index
      %get3A_2496 = arith.constant 32 : index
      %get3A_2497 = tpu.vector_load %arg17[%get3A_2495, %get3A_2496] {strides = array<i32>} : memref<320x128xf32, #tpu.memory_space<vmem>>, vector<16xf32>,
      %mul3A_2498 = arith.mulf %broadcast_in_dim3A_2434, %get3A_2497 : vector<16xf32>
      %add3A_2499 = arith.addf %add3A_2403, %mul3A_2498 : vector<16xf32>
      %get3A_2500 = arith.index_cast %add3A_2444 : i32 to index
      %get3A_2501 = arith.constant 48 : index
      %get3A_2502 = tpu.vector_load %arg17[%get3A_2500, %get3A_2501] {strides = array<i32>} : memref<320x128xf32, #tpu.memory_space<vmem>>, vector<16xf32>,
      %mul3A_2503 = arith.mulf %broadcast_in_dim3A_2434, %get3A_2502 : vector<16xf32>
      %add3A_2504 = arith.addf %add3A_2408, %mul3A_2503 : vector<16xf32>
      %get3A_2505 = arith.index_cast %add3A_2444 : i32 to index
      %get3A_2506 = arith.constant 64 : index
      %get3A_2507 = tpu.vector_load %arg17[%get3A_2505, %get3A_2506] {strides = array<i32>} : memref<320x128xf32, #tpu.memory_space<vmem>>, vector<16xf32>,
      %mul3A_2508 = arith.mulf %broadcast_in_dim3A_2434, %get3A_2507 : vector<16xf32>
      %add3A_2509 = arith.addf %add3A_2413, %mul3A_2508 : vector<16xf32>
      %get3A_2510 = arith.index_cast %add3A_2444 : i32 to index
      %get3A_2511 = arith.constant 80 : index
      %get3A_2512 = tpu.vector_load %arg17[%get3A_2510, %get3A_2511] {strides = array<i32>} : memref<320x128xf32, #tpu.memory_space<vmem>>, vector<16xf32>,
      %mul3A_2513 = arith.mulf %broadcast_in_dim3A_2434, %get3A_2512 : vector<16xf32>
      %add3A_2514 = arith.addf %add3A_2418, %mul3A_2513 : vector<16xf32>
      %get3A_2515 = arith.index_cast %add3A_2444 : i32 to index
      %get3A_2516 = arith.constant 96 : index
      %get3A_2517 = tpu.vector_load %arg17[%get3A_2515, %get3A_2516] {strides = array<i32>} : memref<320x128xf32, #tpu.memory_space<vmem>>, vector<16xf32>,
      %mul3A_2518 = arith.mulf %broadcast_in_dim3A_2434, %get3A_2517 : vector<16xf32>
      %add3A_2519 = arith.addf %add3A_2423, %mul3A_2518 : vector<16xf32>
      %get3A_2520 = arith.index_cast %add3A_2444 : i32 to index
      %get3A_2521 = arith.constant 112 : index
      %get3A_2522 = tpu.vector_load %arg17[%get3A_2520, %get3A_2521] {strides = array<i32>} : memref<320x128xf32, #tpu.memory_space<vmem>>, vector<16xf32>,
      %mul3A_2523 = arith.mulf %broadcast_in_dim3A_2434, %get3A_2522 : vector<16xf32>
      %add3A_2524 = arith.addf %add3A_2428, %mul3A_2523 : vector<16xf32>
      %slice3A_2525 = vector.extract_strided_slice %get3A_1854 {offsets = [14], sizes = [1], strides = [1]} : vector<16xf32> to vector<1xf32>
      %squeeze3A_2526 = vector.extract %slice3A_2525[0] : f32 from vector<1xf32>
      %broadcast_in_dim3A_2527 = vector.broadcast %squeeze3A_2526 : f32 to vector<16xf32>
      %slice3A_2528 = vector.extract_strided_slice %get3A_1854 {offsets = [15], sizes = [1], strides = [1]} : vector<16xf32> to vector<1xf32>
      %squeeze3A_2529 = vector.extract %slice3A_2528[0] : f32 from vector<1xf32>
      %broadcast_in_dim3A_2530 = vector.broadcast %squeeze3A_2529 : f32 to vector<16xf32>
      %mul3A_2531 = arith.constant 16 : i32
      %mul3A_2532 = arith.muli %while3A_1834, %mul3A_2531 : i32
      %add3A_2533 = arith.constant 14 : i32
      %add3A_2534 = arith.addi %mul3A_2532, %add3A_2533 : i32
      %mul3A_2535 = arith.constant 16 : i32
      %mul3A_2536 = arith.muli %while3A_1834, %mul3A_2535 : i32
      %add3A_2537 = arith.constant 14 : i32
      %add3A_2538 = arith.addi %mul3A_2536, %add3A_2537 : i32
      %add3A_2539 = arith.constant 1 : i32
      %add3A_2540 = arith.addi %add3A_2538, %add3A_2539 : i32
      %get3A_2541 = arith.index_cast %add3A_2534 : i32 to index
      %get3A_2542 = arith.constant 0 : index
      %get3A_2543 = tpu.vector_load %arg17[%get3A_2541, %get3A_2542] {strides = array<i32>} : memref<320x128xf32, #tpu.memory_space<vmem>>, vector<16xf32>,
      %mul3A_2544 = arith.mulf %broadcast_in_dim3A_2527, %get3A_2543 : vector<16xf32>
      %add3A_2545 = arith.addf %add3A_2449, %mul3A_2544 : vector<16xf32>
      %get3A_2546 = arith.index_cast %add3A_2534 : i32 to index
      %get3A_2547 = arith.constant 16 : index
      %get3A_2548 = tpu.vector_load %arg17[%get3A_2546, %get3A_2547] {strides = array<i32>} : memref<320x128xf32, #tpu.memory_space<vmem>>, vector<16xf32>,
      %mul3A_2549 = arith.mulf %broadcast_in_dim3A_2527, %get3A_2548 : vector<16xf32>
      %add3A_2550 = arith.addf %add3A_2454, %mul3A_2549 : vector<16xf32>
      %get3A_2551 = arith.index_cast %add3A_2534 : i32 to index
      %get3A_2552 = arith.constant 32 : index
      %get3A_2553 = tpu.vector_load %arg17[%get3A_2551, %get3A_2552] {strides = array<i32>} : memref<320x128xf32, #tpu.memory_space<vmem>>, vector<16xf32>,
      %mul3A_2554 = arith.mulf %broadcast_in_dim3A_2527, %get3A_2553 : vector<16xf32>
      %add3A_2555 = arith.addf %add3A_2459, %mul3A_2554 : vector<16xf32>
      %get3A_2556 = arith.index_cast %add3A_2534 : i32 to index
      %get3A_2557 = arith.constant 48 : index
      %get3A_2558 = tpu.vector_load %arg17[%get3A_2556, %get3A_2557] {strides = array<i32>} : memref<320x128xf32, #tpu.memory_space<vmem>>, vector<16xf32>,
      %mul3A_2559 = arith.mulf %broadcast_in_dim3A_2527, %get3A_2558 : vector<16xf32>
      %add3A_2560 = arith.addf %add3A_2464, %mul3A_2559 : vector<16xf32>
      %get3A_2561 = arith.index_cast %add3A_2534 : i32 to index
      %get3A_2562 = arith.constant 64 : index
      %get3A_2563 = tpu.vector_load %arg17[%get3A_2561, %get3A_2562] {strides = array<i32>} : memref<320x128xf32, #tpu.memory_space<vmem>>, vector<16xf32>,
      %mul3A_2564 = arith.mulf %broadcast_in_dim3A_2527, %get3A_2563 : vector<16xf32>
      %add3A_2565 = arith.addf %add3A_2469, %mul3A_2564 : vector<16xf32>
      %get3A_2566 = arith.index_cast %add3A_2534 : i32 to index
      %get3A_2567 = arith.constant 80 : index
      %get3A_2568 = tpu.vector_load %arg17[%get3A_2566, %get3A_2567] {strides = array<i32>} : memref<320x128xf32, #tpu.memory_space<vmem>>, vector<16xf32>,
      %mul3A_2569 = arith.mulf %broadcast_in_dim3A_2527, %get3A_2568 : vector<16xf32>
      %add3A_2570 = arith.addf %add3A_2474, %mul3A_2569 : vector<16xf32>
      %get3A_2571 = arith.index_cast %add3A_2534 : i32 to index
      %get3A_2572 = arith.constant 96 : index
      %get3A_2573 = tpu.vector_load %arg17[%get3A_2571, %get3A_2572] {strides = array<i32>} : memref<320x128xf32, #tpu.memory_space<vmem>>, vector<16xf32>,
      %mul3A_2574 = arith.mulf %broadcast_in_dim3A_2527, %get3A_2573 : vector<16xf32>
      %add3A_2575 = arith.addf %add3A_2479, %mul3A_2574 : vector<16xf32>
      %get3A_2576 = arith.index_cast %add3A_2534 : i32 to index
      %get3A_2577 = arith.constant 112 : index
      %get3A_2578 = tpu.vector_load %arg17[%get3A_2576, %get3A_2577] {strides = array<i32>} : memref<320x128xf32, #tpu.memory_space<vmem>>, vector<16xf32>,
      %mul3A_2579 = arith.mulf %broadcast_in_dim3A_2527, %get3A_2578 : vector<16xf32>
      %add3A_2580 = arith.addf %add3A_2484, %mul3A_2579 : vector<16xf32>
      %get3A_2581 = arith.index_cast %add3A_2540 : i32 to index
      %get3A_2582 = arith.constant 0 : index
      %get3A_2583 = tpu.vector_load %arg17[%get3A_2581, %get3A_2582] {strides = array<i32>} : memref<320x128xf32, #tpu.memory_space<vmem>>, vector<16xf32>,
      %mul3A_2584 = arith.mulf %broadcast_in_dim3A_2530, %get3A_2583 : vector<16xf32>
      %add3A_2585 = arith.addf %add3A_2489, %mul3A_2584 : vector<16xf32>
      %get3A_2586 = arith.index_cast %add3A_2540 : i32 to index
      %get3A_2587 = arith.constant 16 : index
      %get3A_2588 = tpu.vector_load %arg17[%get3A_2586, %get3A_2587] {strides = array<i32>} : memref<320x128xf32, #tpu.memory_space<vmem>>, vector<16xf32>,
      %mul3A_2589 = arith.mulf %broadcast_in_dim3A_2530, %get3A_2588 : vector<16xf32>
      %add3A_2590 = arith.addf %add3A_2494, %mul3A_2589 : vector<16xf32>
      %get3A_2591 = arith.index_cast %add3A_2540 : i32 to index
      %get3A_2592 = arith.constant 32 : index
      %get3A_2593 = tpu.vector_load %arg17[%get3A_2591, %get3A_2592] {strides = array<i32>} : memref<320x128xf32, #tpu.memory_space<vmem>>, vector<16xf32>,
      %mul3A_2594 = arith.mulf %broadcast_in_dim3A_2530, %get3A_2593 : vector<16xf32>
      %add3A_2595 = arith.addf %add3A_2499, %mul3A_2594 : vector<16xf32>
      %get3A_2596 = arith.index_cast %add3A_2540 : i32 to index
      %get3A_2597 = arith.constant 48 : index
      %get3A_2598 = tpu.vector_load %arg17[%get3A_2596, %get3A_2597] {strides = array<i32>} : memref<320x128xf32, #tpu.memory_space<vmem>>, vector<16xf32>,
      %mul3A_2599 = arith.mulf %broadcast_in_dim3A_2530, %get3A_2598 : vector<16xf32>
      %add3A_2600 = arith.addf %add3A_2504, %mul3A_2599 : vector<16xf32>
      %get3A_2601 = arith.index_cast %add3A_2540 : i32 to index
      %get3A_2602 = arith.constant 64 : index
      %get3A_2603 = tpu.vector_load %arg17[%get3A_2601, %get3A_2602] {strides = array<i32>} : memref<320x128xf32, #tpu.memory_space<vmem>>, vector<16xf32>,
      %mul3A_2604 = arith.mulf %broadcast_in_dim3A_2530, %get3A_2603 : vector<16xf32>
      %add3A_2605 = arith.addf %add3A_2509, %mul3A_2604 : vector<16xf32>
      %get3A_2606 = arith.index_cast %add3A_2540 : i32 to index
      %get3A_2607 = arith.constant 80 : index
      %get3A_2608 = tpu.vector_load %arg17[%get3A_2606, %get3A_2607] {strides = array<i32>} : memref<320x128xf32, #tpu.memory_space<vmem>>, vector<16xf32>,
      %mul3A_2609 = arith.mulf %broadcast_in_dim3A_2530, %get3A_2608 : vector<16xf32>
      %add3A_2610 = arith.addf %add3A_2514, %mul3A_2609 : vector<16xf32>
      %get3A_2611 = arith.index_cast %add3A_2540 : i32 to index
      %get3A_2612 = arith.constant 96 : index
      %get3A_2613 = tpu.vector_load %arg17[%get3A_2611, %get3A_2612] {strides = array<i32>} : memref<320x128xf32, #tpu.memory_space<vmem>>, vector<16xf32>,
      %mul3A_2614 = arith.mulf %broadcast_in_dim3A_2530, %get3A_2613 : vector<16xf32>
      %add3A_2615 = arith.addf %add3A_2519, %mul3A_2614 : vector<16xf32>
      %get3A_2616 = arith.index_cast %add3A_2540 : i32 to index
      %get3A_2617 = arith.constant 112 : index
      %get3A_2618 = tpu.vector_load %arg17[%get3A_2616, %get3A_2617] {strides = array<i32>} : memref<320x128xf32, #tpu.memory_space<vmem>>, vector<16xf32>,
      %mul3A_2619 = arith.mulf %broadcast_in_dim3A_2530, %get3A_2618 : vector<16xf32>
      %add3A_2620 = arith.addf %add3A_2524, %mul3A_2619 : vector<16xf32>
      scf.yield %add3A_2545, %add3A_2550, %add3A_2555, %add3A_2560, %add3A_2565, %add3A_2570, %add3A_2575, %add3A_2580, %add3A_2585, %add3A_2590, %add3A_2595, %add3A_2600, %add3A_2605, %add3A_2610, %add3A_2615, %add3A_2620 : vector<16xf32>, vector<16xf32>, vector<16xf32>, vector<16xf32>, vector<16xf32>, vector<16xf32>, vector<16xf32>, vector<16xf32>, vector<16xf32>, vector<16xf32>, vector<16xf32>, vector<16xf32>, vector<16xf32>, vector<16xf32>, vector<16xf32>, vector<16xf32>
    }
    %add3A_1789 = arith.addf %while3A_1788#0, %while3A_1788#8 : vector<16xf32>
    %swap3A_1790 = arith.constant 0 : index
    %swap3A_1791 = tpu.vector_load %arg19[%swap3A_1790] {strides = array<i32>} : memref<128xf32, #tpu.memory_space<vmem>>, vector<16xf32>,
    tpu.vector_store %arg19[%swap3A_1790], %add3A_1789 {strides = array<i32>} : memref<128xf32, #tpu.memory_space<vmem>>, vector<16xf32>,
    %add3A_1792 = arith.addf %while3A_1788#1, %while3A_1788#9 : vector<16xf32>
    %swap3A_1793 = arith.constant 16 : index
    %swap3A_1794 = tpu.vector_load %arg19[%swap3A_1793] {strides = array<i32>} : memref<128xf32, #tpu.memory_space<vmem>>, vector<16xf32>,
    tpu.vector_store %arg19[%swap3A_1793], %add3A_1792 {strides = array<i32>} : memref<128xf32, #tpu.memory_space<vmem>>, vector<16xf32>,
    %add3A_1795 = arith.addf %while3A_1788#2, %while3A_1788#10 : vector<16xf32>
    %swap3A_1796 = arith.constant 32 : index
    %swap3A_1797 = tpu.vector_load %arg19[%swap3A_1796] {strides = array<i32>} : memref<128xf32, #tpu.memory_space<vmem>>, vector<16xf32>,
    tpu.vector_store %arg19[%swap3A_1796], %add3A_1795 {strides = array<i32>} : memref<128xf32, #tpu.memory_space<vmem>>, vector<16xf32>,
    %add3A_1798 = arith.addf %while3A_1788#3, %while3A_1788#11 : vector<16xf32>
    %swap3A_1799 = arith.constant 48 : index
    %swap3A_1800 = tpu.vector_load %arg19[%swap3A_1799] {strides = array<i32>} : memref<128xf32, #tpu.memory_space<vmem>>, vector<16xf32>,
    tpu.vector_store %arg19[%swap3A_1799], %add3A_1798 {strides = array<i32>} : memref<128xf32, #tpu.memory_space<vmem>>, vector<16xf32>,
    %add3A_1801 = arith.addf %while3A_1788#4, %while3A_1788#12 : vector<16xf32>
    %swap3A_1802 = arith.constant 64 : index
    %swap3A_1803 = tpu.vector_load %arg19[%swap3A_1802] {strides = array<i32>} : memref<128xf32, #tpu.memory_space<vmem>>, vector<16xf32>,
    tpu.vector_store %arg19[%swap3A_1802], %add3A_1801 {strides = array<i32>} : memref<128xf32, #tpu.memory_space<vmem>>, vector<16xf32>,
    %add3A_1804 = arith.addf %while3A_1788#5, %while3A_1788#13 : vector<16xf32>
    %swap3A_1805 = arith.constant 80 : index
    %swap3A_1806 = tpu.vector_load %arg19[%swap3A_1805] {strides = array<i32>} : memref<128xf32, #tpu.memory_space<vmem>>, vector<16xf32>,
    tpu.vector_store %arg19[%swap3A_1805], %add3A_1804 {strides = array<i32>} : memref<128xf32, #tpu.memory_space<vmem>>, vector<16xf32>,
    %add3A_1807 = arith.addf %while3A_1788#6, %while3A_1788#14 : vector<16xf32>
    %swap3A_1808 = arith.constant 96 : index
    %swap3A_1809 = tpu.vector_load %arg19[%swap3A_1808] {strides = array<i32>} : memref<128xf32, #tpu.memory_space<vmem>>, vector<16xf32>,
    tpu.vector_store %arg19[%swap3A_1808], %add3A_1807 {strides = array<i32>} : memref<128xf32, #tpu.memory_space<vmem>>, vector<16xf32>,
    %add3A_1810 = arith.addf %while3A_1788#7, %while3A_1788#15 : vector<16xf32>
    %swap3A_1811 = arith.constant 112 : index
    %swap3A_1812 = tpu.vector_load %arg19[%swap3A_1811] {strides = array<i32>} : memref<128xf32, #tpu.memory_space<vmem>>, vector<16xf32>,
    tpu.vector_store %arg19[%swap3A_1811], %add3A_1810 {strides = array<i32>} : memref<128xf32, #tpu.memory_space<vmem>>, vector<16xf32>,
    "tpu.region"() ({
      %run_scoped3A = tpu.sem_alloc : memref<!tpu.dma_semaphore, #tpu.memory_space<semaphore_mem>>
      %dma_start3A = arith.constant 0 : i32
      %dma_start3A_1834 = tpu.memref_slice %arg24[%dma_start3A] : memref<128xf32, #tpu.memory_space<vmem_shared>> -> memref<128xf32, #tpu.memory_space<vmem_shared>>
      tpu.enqueue_indirect_dma source(%arg19 : memref<128xf32, #tpu.memory_space<vmem>>) target(%dma_start3A_1834 : memref<128xf32, #tpu.memory_space<vmem_shared>>) offsets(%arg21 : memref<128xi32, #tpu.memory_space<vmem>>) semaphore(%run_scoped3A : memref<!tpu.dma_semaphore, #tpu.memory_space<semaphore_mem>>) {add = true}
      %dma_wait3A = arith.constant 0 : i32
      %dma_wait3A_1835 = tpu.memref_slice %arg24[%dma_wait3A] : memref<128xf32, #tpu.memory_space<vmem_shared>> -> memref<128xf32, #tpu.memory_space<vmem_shared>>
      tpu.wait_indirect_dma semaphore(%run_scoped3A : memref<!tpu.dma_semaphore, #tpu.memory_space<semaphore_mem>>) src(%arg19 : memref<128xf32, #tpu.memory_space<vmem>>) dst(%dma_wait3A_1835 : memref<128xf32, #tpu.memory_space<vmem_shared>>)
      tpu.yield
    }) : () -> ()
    %barrier3A_1813 = arith.constant 0 : index
    tpu.barrier barrier_id(%barrier3A_1813)
    %eq3A_1814 = arith.constant 0 : i32
    %eq3A_1815 = arith.cmpi eq, %arg1, %eq3A_1814 : i32
    %convert_element_type3A_1816 = arith.extui %eq3A_1815 : i1 to i32
    %cond3A_1817 = arith.constant 0 : i32
    %cond3A_1818 = arith.cmpi ne, %convert_element_type3A_1816, %cond3A_1817 : i32
    scf.if %cond3A_1818 {
      %mul3A_1834 = arith.constant 128 : i32
      %mul3A_1835 = arith.muli %arg0, %mul3A_1834 : i32
      "tpu.region"() ({
        %run_scoped3A = tpu.sem_alloc : memref<!tpu.dma_semaphore, #tpu.memory_space<semaphore_mem>>
        %dma_start3A = tpu.memref_slice %arg8[%mul3A_1835] : memref<256xf32, #tpu.memory_space<hbm>> -> memref<128xf32, #tpu.memory_space<hbm>>
        tpu.enqueue_dma source(%arg24 : memref<128xf32, #tpu.memory_space<vmem_shared>>) target(%dma_start3A : memref<128xf32, #tpu.memory_space<hbm>>) target_semaphore(%run_scoped3A : memref<!tpu.dma_semaphore, #tpu.memory_space<semaphore_mem>>)
        %dma_wait3A = tpu.memref_slice %arg8[%mul3A_1835] : memref<256xf32, #tpu.memory_space<hbm>> -> memref<128xf32, #tpu.memory_space<hbm>>
        tpu.wait_dma2 semaphore(%run_scoped3A : memref<!tpu.dma_semaphore, #tpu.memory_space<semaphore_mem>>) src(%arg24 : memref<128xf32, #tpu.memory_space<vmem_shared>>) dst(%dma_wait3A : memref<128xf32, #tpu.memory_space<hbm>>)
        tpu.yield
      }) : () -> ()
    } else {
    }
    %barrier3A_1819 = arith.constant 0 : index
    tpu.barrier barrier_id(%barrier3A_1819)
    %eq3A_1820 = arith.constant 0 : i32
    %eq3A_1821 = arith.cmpi eq, %arg1, %eq3A_1820 : i32
    %convert_element_type3A_1822 = arith.extui %eq3A_1821 : i1 to i32
    %cond3A_1823 = arith.constant 0 : i32
    %cond3A_1824 = arith.cmpi ne, %convert_element_type3A_1822, %cond3A_1823 : i32
    scf.if %cond3A_1824 {
      %sub3A_1834 = arith.constant 1 : i32
      %sub3A_1835 = arith.subi %sub3A_1834, %arg0 : i32
      %semaphore_signal3A = arith.constant 1 : i32
      tpu.sem_signal %arg27, %semaphore_signal3A core_id %sub3A_1835 : memref<!tpu.semaphore, #tpu.memory_space<semaphore_mem>>
      %semaphore_wait3A = arith.constant 1 : i32
      %semaphore_wait3A_1836 = arith.constant true
      tpu.sem_wait %arg27, %semaphore_wait3A : memref<!tpu.semaphore, #tpu.memory_space<semaphore_mem>>
    } else {
    }
    %barrier3A_1825 = arith.constant 0 : index
    tpu.barrier barrier_id(%barrier3A_1825)
    %eq3A_1826 = arith.constant 0 : i32
    %eq3A_1827 = arith.cmpi eq, %arg0, %eq3A_1826 : i32
    %eq3A_1828 = arith.constant 0 : i32
    %eq3A_1829 = arith.cmpi eq, %arg1, %eq3A_1828 : i32
    %and3A_1830 = arith.andi %eq3A_1827, %eq3A_1829 : i1
    %convert_element_type3A_1831 = arith.extui %and3A_1830 : i1 to i32
    %cond3A_1832 = arith.constant 0 : i32
    %cond3A_1833 = arith.cmpi ne, %convert_element_type3A_1831, %cond3A_1832 : i32
    scf.if %cond3A_1833 {
      "tpu.region"() ({
        %run_scoped3A = tpu.sem_alloc : memref<!tpu.dma_semaphore, #tpu.memory_space<semaphore_mem>>
        tpu.enqueue_dma source(%arg8 : memref<256xf32, #tpu.memory_space<hbm>>) target(%arg20 : memref<256xf32, #tpu.memory_space<vmem>>) target_semaphore(%run_scoped3A : memref<!tpu.dma_semaphore, #tpu.memory_space<semaphore_mem>>)
        tpu.wait_dma2 semaphore(%run_scoped3A : memref<!tpu.dma_semaphore, #tpu.memory_space<semaphore_mem>>) src(%arg8 : memref<256xf32, #tpu.memory_space<hbm>>) dst(%arg20 : memref<256xf32, #tpu.memory_space<vmem>>)
        tpu.yield
      }) : () -> ()
      %get3A_1834 = arith.constant 0 : index
      %get3A_1835 = tpu.vector_load %arg20[%get3A_1834] {strides = array<i32>} : memref<256xf32, #tpu.memory_space<vmem>>, vector<16xf32>,
      %get3A_1836 = arith.constant 128 : index
      %get3A_1837 = tpu.vector_load %arg20[%get3A_1836] {strides = array<i32>} : memref<256xf32, #tpu.memory_space<vmem>>, vector<16xf32>,
      %add3A_1838 = arith.addf %get3A_1835, %get3A_1837 : vector<16xf32>
      %swap3A_1839 = arith.constant 0 : index
      %swap3A_1840 = tpu.vector_load %arg19[%swap3A_1839] {strides = array<i32>} : memref<128xf32, #tpu.memory_space<vmem>>, vector<16xf32>,
      tpu.vector_store %arg19[%swap3A_1839], %add3A_1838 {strides = array<i32>} : memref<128xf32, #tpu.memory_space<vmem>>, vector<16xf32>,
      %get3A_1841 = arith.constant 16 : index
      %get3A_1842 = tpu.vector_load %arg20[%get3A_1841] {strides = array<i32>} : memref<256xf32, #tpu.memory_space<vmem>>, vector<16xf32>,
      %get3A_1843 = arith.constant 144 : index
      %get3A_1844 = tpu.vector_load %arg20[%get3A_1843] {strides = array<i32>} : memref<256xf32, #tpu.memory_space<vmem>>, vector<16xf32>,
      %add3A_1845 = arith.addf %get3A_1842, %get3A_1844 : vector<16xf32>
      %swap3A_1846 = arith.constant 16 : index
      %swap3A_1847 = tpu.vector_load %arg19[%swap3A_1846] {strides = array<i32>} : memref<128xf32, #tpu.memory_space<vmem>>, vector<16xf32>,
      tpu.vector_store %arg19[%swap3A_1846], %add3A_1845 {strides = array<i32>} : memref<128xf32, #tpu.memory_space<vmem>>, vector<16xf32>,
      %get3A_1848 = arith.constant 32 : index
      %get3A_1849 = tpu.vector_load %arg20[%get3A_1848] {strides = array<i32>} : memref<256xf32, #tpu.memory_space<vmem>>, vector<16xf32>,
      %get3A_1850 = arith.constant 160 : index
      %get3A_1851 = tpu.vector_load %arg20[%get3A_1850] {strides = array<i32>} : memref<256xf32, #tpu.memory_space<vmem>>, vector<16xf32>,
      %add3A_1852 = arith.addf %get3A_1849, %get3A_1851 : vector<16xf32>
      %swap3A_1853 = arith.constant 32 : index
      %swap3A_1854 = tpu.vector_load %arg19[%swap3A_1853] {strides = array<i32>} : memref<128xf32, #tpu.memory_space<vmem>>, vector<16xf32>,
      tpu.vector_store %arg19[%swap3A_1853], %add3A_1852 {strides = array<i32>} : memref<128xf32, #tpu.memory_space<vmem>>, vector<16xf32>,
      %get3A_1855 = arith.constant 48 : index
      %get3A_1856 = tpu.vector_load %arg20[%get3A_1855] {strides = array<i32>} : memref<256xf32, #tpu.memory_space<vmem>>, vector<16xf32>,
      %get3A_1857 = arith.constant 176 : index
      %get3A_1858 = tpu.vector_load %arg20[%get3A_1857] {strides = array<i32>} : memref<256xf32, #tpu.memory_space<vmem>>, vector<16xf32>,
      %add3A_1859 = arith.addf %get3A_1856, %get3A_1858 : vector<16xf32>
      %swap3A_1860 = arith.constant 48 : index
      %swap3A_1861 = tpu.vector_load %arg19[%swap3A_1860] {strides = array<i32>} : memref<128xf32, #tpu.memory_space<vmem>>, vector<16xf32>,
      tpu.vector_store %arg19[%swap3A_1860], %add3A_1859 {strides = array<i32>} : memref<128xf32, #tpu.memory_space<vmem>>, vector<16xf32>,
      %get3A_1862 = arith.constant 64 : index
      %get3A_1863 = tpu.vector_load %arg20[%get3A_1862] {strides = array<i32>} : memref<256xf32, #tpu.memory_space<vmem>>, vector<16xf32>,
      %get3A_1864 = arith.constant 192 : index
      %get3A_1865 = tpu.vector_load %arg20[%get3A_1864] {strides = array<i32>} : memref<256xf32, #tpu.memory_space<vmem>>, vector<16xf32>,
      %add3A_1866 = arith.addf %get3A_1863, %get3A_1865 : vector<16xf32>
      %swap3A_1867 = arith.constant 64 : index
      %swap3A_1868 = tpu.vector_load %arg19[%swap3A_1867] {strides = array<i32>} : memref<128xf32, #tpu.memory_space<vmem>>, vector<16xf32>,
      tpu.vector_store %arg19[%swap3A_1867], %add3A_1866 {strides = array<i32>} : memref<128xf32, #tpu.memory_space<vmem>>, vector<16xf32>,
      %get3A_1869 = arith.constant 80 : index
      %get3A_1870 = tpu.vector_load %arg20[%get3A_1869] {strides = array<i32>} : memref<256xf32, #tpu.memory_space<vmem>>, vector<16xf32>,
      %get3A_1871 = arith.constant 208 : index
      %get3A_1872 = tpu.vector_load %arg20[%get3A_1871] {strides = array<i32>} : memref<256xf32, #tpu.memory_space<vmem>>, vector<16xf32>,
      %add3A_1873 = arith.addf %get3A_1870, %get3A_1872 : vector<16xf32>
      %swap3A_1874 = arith.constant 80 : index
      %swap3A_1875 = tpu.vector_load %arg19[%swap3A_1874] {strides = array<i32>} : memref<128xf32, #tpu.memory_space<vmem>>, vector<16xf32>,
      tpu.vector_store %arg19[%swap3A_1874], %add3A_1873 {strides = array<i32>} : memref<128xf32, #tpu.memory_space<vmem>>, vector<16xf32>,
      %get3A_1876 = arith.constant 96 : index
      %get3A_1877 = tpu.vector_load %arg20[%get3A_1876] {strides = array<i32>} : memref<256xf32, #tpu.memory_space<vmem>>, vector<16xf32>,
      %get3A_1878 = arith.constant 224 : index
      %get3A_1879 = tpu.vector_load %arg20[%get3A_1878] {strides = array<i32>} : memref<256xf32, #tpu.memory_space<vmem>>, vector<16xf32>,
      %add3A_1880 = arith.addf %get3A_1877, %get3A_1879 : vector<16xf32>
      %swap3A_1881 = arith.constant 96 : index
      %swap3A_1882 = tpu.vector_load %arg19[%swap3A_1881] {strides = array<i32>} : memref<128xf32, #tpu.memory_space<vmem>>, vector<16xf32>,
      tpu.vector_store %arg19[%swap3A_1881], %add3A_1880 {strides = array<i32>} : memref<128xf32, #tpu.memory_space<vmem>>, vector<16xf32>,
      %get3A_1883 = arith.constant 112 : index
      %get3A_1884 = tpu.vector_load %arg20[%get3A_1883] {strides = array<i32>} : memref<256xf32, #tpu.memory_space<vmem>>, vector<16xf32>,
      %get3A_1885 = arith.constant 240 : index
      %get3A_1886 = tpu.vector_load %arg20[%get3A_1885] {strides = array<i32>} : memref<256xf32, #tpu.memory_space<vmem>>, vector<16xf32>,
      %add3A_1887 = arith.addf %get3A_1884, %get3A_1886 : vector<16xf32>
      %swap3A_1888 = arith.constant 112 : index
      %swap3A_1889 = tpu.vector_load %arg19[%swap3A_1888] {strides = array<i32>} : memref<128xf32, #tpu.memory_space<vmem>>, vector<16xf32>,
      tpu.vector_store %arg19[%swap3A_1888], %add3A_1887 {strides = array<i32>} : memref<128xf32, #tpu.memory_space<vmem>>, vector<16xf32>,
      "tpu.region"() ({
        %run_scoped3A = tpu.sem_alloc : memref<!tpu.dma_semaphore, #tpu.memory_space<semaphore_mem>>
        tpu.enqueue_dma source(%arg19 : memref<128xf32, #tpu.memory_space<vmem>>) target(%arg6 : memref<128xf32, #tpu.memory_space<hbm>>) target_semaphore(%run_scoped3A : memref<!tpu.dma_semaphore, #tpu.memory_space<semaphore_mem>>)
        tpu.wait_dma2 semaphore(%run_scoped3A : memref<!tpu.dma_semaphore, #tpu.memory_space<semaphore_mem>>) src(%arg19 : memref<128xf32, #tpu.memory_space<vmem>>) dst(%arg6 : memref<128xf32, #tpu.memory_space<hbm>>)
        tpu.yield
      }) : () -> ()
    } else {
    }
    return
  }
}

</mosaic_0001>

<sc_bundles>
// kernel: kernel.3.cloned.1.call-start
scs
__scs_entry_jumppad:
0x0: {  	(pc) =	sbr.rel $0x88, $3  }
0x1: {  	(tag) =	ssettag $0x0;
	lr =	simm.s32 $0x1  }
0x2: {  	[smem:$0x3F9E] =	sst lr;
	_ =	strace $0xD0000000  }
0x3: {  	_ = 	snop  }
0x4: {  	_ = 	snop  }
0x5: {  	_ = 	snop  }
0x6: {  	_ = 	snop  }
0x7: {  	_ = 	snop  }
__scs_overlays_trampoline_lowered:
0x8: {  	[smem:$0x3FAD] =	sst s0  }
0x9: {  	[smem:$0x3FAE] =	sst s1  }
0xa: {  	[smem:$0x3FAF] =	sst s2  }
0xb: {  	[smem:$0x3FB0] =	sst s3  }
0xc: {  	[smem:$0x3FB1] =	sst s4  }
0xd: {  	[smem:$0x3FB2] =	sst s5  }
0xe: {  	[smem:$0x3FB3] =	sst s6  }
0xf: {  	[smem:$0x3FB4] =	sst s7  }
0x10: {  	[smem:$0x3FB5] =	sst s8  }
0x11: {  	[smem:$0x3FB6] =	sst s9;
	s0 =	simm.s32 @!p0 $0x0  }
0x12: {  	s1 =	sld [smem:$0x3F9C];
	s0 =	simm.s32 @p0 $0x1  }
0x13: {  	[smem:$0x3FB7] =	sst s0;
	s0 =	simm.s32 @!p1 $0x0  }
0x14: {  	s2 =	sld [smem:$0x3F9B];
	s0 =	simm.s32 @p1 $0x1  }
0x15: {  	[smem:$0x3FB8] =	sst s0;
	s0 =	simm.s32 @!p2 $0x0  }
0x16: {  	s3 =	sld [smem:$0x3FDB];
	s0 =	simm.s32 @p2 $0x1  }
0x17: {  	s4 =	simm.s32 $0x1BF5;
	[smem:$0x3FBA] =	sst s0  }
0x18: {  	s0 =	sld [smem:$0x3F9D];
	_ =	swait.ge [sflag:s4], $0x0  }
0x19: {  	s7 =	sld [smem:$0x3F9E]  }
0x1a: {  	s8 =	sadd.s32 $0xFFFFE003, lr  }
0x1b: {  	s9 =	sadd.s32 $0xFFFFFEF7, lr;
	s5 =	simm.s32 $0xFFFFFFFF;
	p2 =	slt.u32 s8, $0xFFFFF086  }
0x1c: {  	p1 =	slt.u32 s9, $0xF7A;
	s5 =	simm.s32 @!p2 $0x0  }
0x1d: {  	s5 =	simm.s32 @p1 $0x1;
	p0 =	seq.s32 s7, s2  }
0x1e: {  	s7 =	smul.u32 @!p0 $0xF7A, s2;
	p2 =	seq.s32 @!p0 s5, $0x0  }
0x1f: {  	s9 =	smul.u32 $0xF7A, s1;
	s8 =	simm.s32 @!p0 $0x1BF5;
	p2 =	por !p2, p0  }
0x20: {  	[sflag:s8] =	ssyncset.s32 @!p0 $0xFFFFF086;
	s6 =	sadd.s32 @!p0 s3, s7;
	s7 =	simm.s32 @!p0 $0x108  }
0x21: {  	s3 =	sadd.s32 s3, s9;
	s6 =	sadd.s32 @!p0 $0x88, s6;
	s7 =	simm.s32 @p2 $0x1082  }
0x22: {  	[simem:s7], [sflag:s8] =	dma.local @!p0 [hbm:s6], $0xF7A  }
0x23: {  	s9 =	sor.u32 $0xD0000000, s2;
	s6 =	simm.s32 $0x108;
	_ =	swait.ge @!p0 [sflag:s8], $0x0  }
0x24: {  	s3 =	sadd.s32 $0x88, s3;
	s6 =	simm.s32 @!p1 $0x1082;
	[sflag:s4] =	ssyncset.s32 $0xFFFFF086  }
0x25: {  	[simem:s6], [sflag:s4] =	dma.local [hbm:s3], $0xF7A  }
0x26: {  	[smem:$0x3F9E] =	sst s1;
	(tag) =	ssettag s2;
	_ =	strace s9  }
0x27: {  	s1 =	sld [smem:$0x3FAE]  }
0x28: {  	s2 =	sld [smem:$0x3FAF]  }
0x29: {  	s4 =	sld [smem:$0x3FB1]  }
0x2a: {  	p0 =	seq.s32 s5, $0x0;
	s5 =	sld [smem:$0x3FB2]  }
0x2b: {  	s6 =	sld [smem:$0x3FB3]  }
0x2c: {  	s7 =	sld [smem:$0x3FB4]  }
0x2d: {  	s3 =	simm.s32 $0x108;
	s8 =	sld [smem:$0x3FB5]  }
0x2e: {  	s3 =	simm.s32 @!p0 $0x1082;
	s9 =	sld [smem:$0x3FB6]  }
0x2f: {  	lr =	sadd.s32 s0, s3;
	s0 =	sld [smem:$0x3FAD]  }
0x30: {  	s3 =	sld [smem:$0x3FB0]  }
0x31: {  	[smem:$0x3FB9] =	sst s10  }
0x32: {  	s10 =	sld [smem:$0x3FB7];
	_ =	sdelay $0x3  }
0x33: {  	p0 =	seq.s32 s10, $0x1;
	s10 =	sld [smem:$0x3FB9];
	_ =	sdelay $0x3  }
0x34: {  	[smem:$0x3FB9] =	sst s10  }
0x35: {  	s10 =	sld [smem:$0x3FB8];
	_ =	sdelay $0x3  }
0x36: {  	p1 =	seq.s32 s10, $0x1;
	s10 =	sld [smem:$0x3FB9];
	_ =	sdelay $0x3  }
0x37: {  	[smem:$0x3FB9] =	sst s10  }
0x38: {  	s10 =	sld [smem:$0x3FBA]  }
0x39: {  	_ = 	snop;
	(pc) =	sbr.ind lr, $3  }
0x3a: {  	_ = 	snop  }
0x3b: {  	_ = 	snop  }
0x3c: {  	p2 =	seq.s32 s10, $0x1;
	s10 =	sld [smem:$0x3FB9]  }
0x3d: {  	_ =	shalt  }
0x3e: {  	_ =	shalt  }
0x3f: {  	_ =	shalt  }
0x40: {  	_ =	shalt  }
0x41: {  	_ =	shalt  }
0x42: {  	_ =	shalt  }
0x43: {  	_ =	shalt  }
0x44: {  	_ =	shalt  }
0x45: {  	_ =	shalt  }
0x46: {  	_ =	shalt  }
0x47: {  	_ =	shalt  }
0x48: {  	_ =	shalt  }
0x49: {  	_ =	shalt  }
0x4a: {  	_ =	shalt  }
0x4b: {  	_ =	shalt  }
0x4c: {  	_ =	shalt  }
0x4d: {  	_ =	shalt  }
0x4e: {  	_ =	shalt  }
0x4f: {  	_ =	shalt  }
0x50: {  	_ =	shalt  }
0x51: {  	_ =	shalt  }
0x52: {  	_ =	shalt  }
0x53: {  	_ =	shalt  }
0x54: {  	_ =	shalt  }
0x55: {  	_ =	shalt  }
0x56: {  	_ =	shalt  }
0x57: {  	_ =	shalt  }
0x58: {  	_ =	shalt  }
0x59: {  	_ =	shalt  }
0x5a: {  	_ =	shalt  }
0x5b: {  	_ =	shalt  }
0x5c: {  	_ =	shalt  }
0x5d: {  	_ =	shalt  }
0x5e: {  	_ =	shalt  }
0x5f: {  	_ =	shalt  }
0x60: {  	_ =	shalt  }
0x61: {  	_ =	shalt  }
0x62: {  	_ =	shalt  }
0x63: {  	_ =	shalt  }
0x64: {  	_ =	shalt  }
0x65: {  	_ =	shalt  }
0x66: {  	_ =	shalt  }
0x67: {  	_ =	shalt  }
0x68: {  	_ =	shalt  }
0x69: {  	_ =	shalt  }
0x6a: {  	_ =	shalt  }
0x6b: {  	_ =	shalt  }
0x6c: {  	_ =	shalt  }
0x6d: {  	_ =	shalt  }
0x6e: {  	_ =	shalt  }
0x6f: {  	_ =	shalt  }
0x70: {  	_ =	shalt  }
0x71: {  	_ =	shalt  }
0x72: {  	_ =	shalt  }
0x73: {  	_ =	shalt  }
0x74: {  	_ =	shalt  }
0x75: {  	_ =	shalt  }
0x76: {  	_ =	shalt  }
0x77: {  	_ =	shalt  }
0x78: {  	_ =	shalt  }
0x79: {  	_ =	shalt  }
0x7a: {  	_ =	shalt  }
0x7b: {  	_ =	shalt  }
0x7c: {  	_ =	shalt  }
0x7d: {  	_ =	shalt  }
0x7e: {  	_ =	shalt  }
0x7f: {  	_ =	shalt  }
0x80: {  	_ =	shalt  }
0x81: {  	_ =	shalt  }
0x82: {  	_ =	shalt  }
0x83: {  	_ =	shalt  }
0x84: {  	_ =	shalt  }
0x85: {  	_ =	shalt  }
0x86: {  	_ =	shalt  }
0x87: {  	_ =	shalt  }
.Lfunc_end0:
.L_simem_size_0:
called_computation_lowered:
.L_overlay_start_0:
0x88: {  	s2 =	sld [smem:$0x3FD9]  }
0x89: {  	s3 =	sld [smem:$0x3FFE];
	_ =	sdelay $0x1  }
0x8a: {  	s1 =	srdreg.scid  }
0x8b: {  	s0 =	sand.u32 $0x1, s1  }
0x8c: {  	s17 =	sshll.u32 s0, $0xA;
	s2 =	sadd.s32 s3, s2  }
0x8d: {  	s2 =	sadd.s32 s2, s17  }
0x8e: {  	[smem:$0x3FC5] =	sst s2  }
0x8f: {  	_ = 	snop  }
0x90: {  	s2 =	sld [smem:$0x3FC9]  }
0x91: {  	s18 =	sld [smem:$0x3FC8]  }
0x92: {  	s4 =	sld [smem:$0x3FD0];
	(tm) =	ssettm $0x1  }
0x93: {  	s5 =	sld [smem:$0x3FFB];
	_ =	sdelay $0x3  }
0x94: {  	_ =	strace s5  }
0x95: {  	s5 =	sld [smem:$0x3FFC];
	_ =	sdelay $0x3  }
0x96: {  	_ =	strace s5  }
0x97: {  	s5 =	sld [smem:$0x3FFD];
	_ =	sdelay $0x3  }
0x98: {  	_ =	strace s5  }
0x99: {  	_ =	strace $0x8FFFFFFF  }
0x9a: {  	s19 =	sld [smem:$0x3FDB];
	_ =	sdelay $0x1  }
0x9b: {  	s6 =	simm.s32 $_scs_section_size  }
0x9c: {  	s7 =	simm.s32 $_size__tile_overlayer_lowered;
	s8 =	simm.s32 $_tile_overlayer_lowered  }
0x9d: {  	s22 =	simm.s32 $0x1BFF;
	s21 =	sshll.u32 s8, $0x1;
	s5 =	sadd.s32 s6, s19  }
0x9e: {  	s9 =	simm.s32 $0x0;
	s20 =	sshll.u32 s7, $0x1;
	s7 =	sadd.s32 s21, s5  }
0x9f: {  	[timem:s9], [sflag:s22] =	dma.local [hbm:s7], s20  }
0xa0: {  	_ =	swait.ge [sflag:s22], s20  }
0xa1: {  	s6 =	ssub.s32 $0x0, s20;
	[sflag:s22] =	ssyncset.done $0x0  }
0xa2: {  	[sflag:s22] =	ssyncadd.s32 s6;
	_ =	sdelay $0x1  }
0xa3: {  	s23 =	simm.s32 $0x1B8B  }
0xa4: {  	_ =	swait.ge [sflag:s23], $0x1  }
0xa5: {  	[sflag:s23] =	ssyncset.done $0x0  }
0xa6: {  	s25 =	simm.s32 $0x1B8E;
	s24 =	sld [smem:$0x3FFE];
	[sflag:s23] =	ssyncadd.s32 $0xFFFFFFFF  }
0xa7: {  	s26 =	simm.s32 $execute0_lowered;
	[smem:$0x3FD2] =	sst s25  }
0xa8: {  	s7 =	sshll.u32 s26, $0x1;
	_ =	strace $0x80000046;
	[dreg:$0x1] =	wrdreg $0xFFFFFFFF  }
0xa9: {  	s28 =	simm.s32 $_size_execute0_lowered;
	s5 =	sadd.s32 s5, s7;
	[dreg:$0x0] =	wrdreg $0x0  }
0xaa: {  	s7 =	sshll.u32 s28, $0x1;
	[dreg:$0x2] =	wrdreg s5  }
0xab: {  	[dreg:$0x3] =	wrdreg s7  }
0xac: {  	[dreg:$0x4] =	wrdreg $0xC0  }
0xad: {  	_ =	task [dreg:s9], $0x5FFFF  }
0xae: {  	[dreg:$0x1] =	wrdreg $0xFFFFFFFF  }
0xaf: {  	[dreg:$0x0] =	wrdreg $0x60  }
0xb0: {  	[dreg:$0x2] =	wrdreg s24  }
0xb1: {  	[dreg:$0x3] =	wrdreg s2  }
0xb2: {  	[dreg:$0x4] =	wrdreg s18  }
0xb3: {  	[dreg:$0x5] =	wrdreg s4  }
0xb4: {  	[dreg:$0x6] =	wrdreg $0x198000  }
0xb5: {  	[dreg:$0x7] =	wrdreg $0x19A800  }
0xb6: {  	[dreg:$0x8] =	wrdreg $0x195800  }
0xb7: {  	[dreg:$0x9] =	wrdreg $0x9  }
0xb8: {  	_ =	task.clear_ibuf [dreg:s9], $0xAFFFF;
	_ =	strace $0x90000046  }
0xb9: {  	s29 =	simm.s32 $0x9;
	_ =	strace $0x80000048  }
0xba: {  	_ =	swait.ge [sflag:s29], $0x1  }
0xbb: {  	[sflag:s29] =	ssyncadd.s32 $0xFFFFFFFF  }
0xbc: {  	_ =	strace $0x90000048  }
0xbd: {  	_ =	sfence  }
0xbe: {  	s30 =	sld [smem:$0x0];
	_ =	sdelay $0x2  }
0xbf: {  	s31 =	sshll.u32 s1, $0xD;
	s1 =	sshrl.u32 s1, $0x2  }
0xc0: {  	s3 =	sand.u32 $0x4000, s31;
	s1 =	sadd.s32 s1, s30  }
0xc1: {  	s0 =	sor.u32 s3, s0;
	s1 =	sshll.u32 s1, $0x11  }
0xc2: {  	s0 =	sor.u32 s1, s0  }
0xc3: {  	s0 =	sadd.s32 $0x8F2B, s0  }
0xc4: {  	[sflag:s0] =	ssyncadd.remote.s32 $0x1  }
0xc5: {  	_ =	sfence.sel $0xFFFF  }
0xc6: {  	[dreg:$0x0] =	wrdreg $0xFFFFFFFF;
	(pc) =	sbr.abs _section_cstart, $3  }
0xc7: {  	[dreg:$0x1] =	wrdreg $0xFFFFFFFF  }
0xc8: {  	_ =	task.clear_ibuf [dreg:s9], $0x2FFFF;
	_ =	strace $0x9FFFFFFF  }
0xc9: {  	(tm) =	ssettm $0x7FFFFFFF  }
tec
execute0_lowered:
.L_overlay_start_1:
0x0: {  	(tag) =	ssettag $0x1  }
0x1: {  	s0 =	rddreg [dreg:$0x0]  }
0x2: {  	s1 =	rddreg [dreg:$0x1]  }
0x3: {  	s4 =	rddreg [dreg:$0x2]  }
0x4: {  	s2 =	rddreg [dreg:$0x4]  }
0x5: {  	s3 =	rddreg [dreg:$0x5]  }
0x6: {  	s28 =	rddreg [dreg:$0x6];
	s5 =	simm.s32 $0x0;
	s6 =	srdreg.scid  }
0x7: {  	s21 =	stileid.u32;
	s31 =	simm.s32 $0xEF80;
	s29 =	simm.s32 $0xED00  }
0x8: {  	[smem:$0x7FF] =	sst s5;
	s11 =	sand.u32 $0x1, s6;
	s7 =	sshll.u32 s21, $0x1  }
0x9: {  	s16 =	sadd.s32 $0x20000, s0;
	s8 =	sadd.s32 $0x21E00, s0;
	s24 =	sadd.s32 $0x4D8, s4  }
0xa: {  	p2 =	sne.s32 s21, $0x0;
	s12 =	sor.u32 s11, s7;
	s25 =	smul.u32 $0x2800, s11  }
0xb: {  	_ =	strace $0x80000047;
	s9 =	ssub.s32 $0x2, s11;
	s7 =	smul.u32 $0x140, s12  }
0xc: {  	[dreg:$0x9] =	wrdreg s24;
	s15 =	sxor.u32 $0x3, s11;
	s13 =	smul.u32 $0x1400, s12  }
0xd: {  	s30 =	sxor.u32 $0x5, s11;
	s10 =	sshrl.u32 s9, $0x1;
	s19 =	smul.u32 $0x2800, s15  }
0xe: {  	s26 =	sshll.u32 s12, $0xB;
	s22 =	smul.u32 $0x2800, s30;
	p0 =	seq.s32 s12, $0x1F  }
0xf: {  	s17 =	ssub.s32 s9, s10;
	s9 =	smul.u32 $0x280, s21;
	s14 =	sshrl.u32 s7, $0x3  }
0x10: {  	s12 =	simm.s32 $0xEA80;
	s10 =	sadd.s32 s1, s13;
	s23 =	sadd.s32 s4, s14  }
0x11: {  	s13 =	sadd.s32 s9, s2;
	s4 =	sxor.u32 $0x1, s11;
	s1 =	sadd.s32 s9, s25  }
0x12: {  	s14 =	sadd.s32 s0, s26;
	s19 =	sadd.s32 s9, s19;
	s26 =	smul.u32 $0xFFFFFEC0, s11  }
0x13: {  	s25 =	sor.u32 s21, s11;
	[dreg:$0x8] =	wrdreg s23;
	s18 =	smul.u32 $0x2800, s4  }
0x14: {  	s20 =	sshrl.u32 s1, $0x3;
	s23 =	sand.u32 $0x2, s6;
	s1 =	sadd.s32 s22, s7  }
0x15: {  	s24 =	sshrl.u32 s19, $0x3;
	p1 =	sne.s32 s25, $0x0;
	s30 =	sadd.s32 $0x10000, s14  }
0x16: {  	s22 =	smax.u32 s17, $0x1;
	s17 =	simm.s32 $0x8000;
	s15 =	sadd.s32 s16, s20  }
0x17: {  	s1 =	sshrl.u32 s1, $0x3;
	[dreg:$0xd] =	wrdreg s30;
	s4 =	sor.u32 s4, s23  }
0x18: {  	s0 =	ssub.s32 s23, s11;
	[dreg:$0x10] =	wrdreg s22;
	s30 =	sadd.s32 s7, s2  }
0x19: {  	s20 =	sshrl.u32 s6, $0x2;
	s1 =	sadd.s32 s16, s1;
	[dreg:$0x14] =	wrdreg s30  }
0x1a: {  	s6 =	simm.s32 $0xA800;
	s23 =	sadd.s32 $0xA00, s15;
	[dreg:$0xc] =	wrdreg s1  }
0x1b: {  	v0 =	vlaneseq.u32;
	s18 =	sadd.s32 s9, s18;
	s25 =	sadd.s32 $0x1400, s15;
	[dreg:$0x12] =	wrdreg s23  }
0x1c: {  	v1 =	vor.u32 $0x10, v0;
	s0 =	sadd.s32 $0x5, s0;
	s1 =	sor.u32 $0x4, s4;
	[dreg:$0x13] =	wrdreg s25  }
0x1d: {  	v59 =	vor.u32 $0x20, v0;
	[tilespmem:$0x1FF90] =	vst v1;
	s18 =	sshrl.u32 s18, $0x3;
	s0 =	sshll.u32 @!p2 s0, $0xE;
	[dreg:$0xe] =	wrdreg s1  }
0x1e: {  	v60 =	vor.u32 $0x30, v0;
	[tilespmem:$0x1FFA0] =	vst v59;
	s18 =	sadd.s32 s16, s18;
	[dreg:$0x11] =	wrdreg s0;
	s0 =	simm.s32 $0x4  }
0x1f: {  	v61 =	vor.u32 $0x40, v0;
	[tilespmem:$0x1FFB0] =	vst v60;
	[dreg:$0xa] =	wrdreg s18;
	s18 =	sadd.s32 s16, s24;
	s16 =	ssub.s32 s26, s9  }
0x20: {  	v62 =	vor.u32 $0x50, v0;
	[tilespmem:$0x1FFC0] =	vst v61;
	s26 =	sadd.s32 s9, s28;
	[dreg:$0xb] =	wrdreg s18;
	s18 =	sshll.u32 s11, $0x4  }
0x21: {  	v63 =	vor.u32 $0x60, v0;
	[tilespmem:$0x1FFD0] =	vst v62;
	s4 =	sadd.s32 $0x2710, s16;
	s11 =	simm.s32 $0xE800;
	s1 =	sadd.s32 s8, s18  }
0x22: {  	v0 =	vor.u32 $0x70, v0;
	[tilespmem:$0x1FFE0] =	vst v63;
	s19 =	smin.u32 s4, $0x140;
	s4 =	simm.s32 $0x1;
	s18 =	simm.s32 $0x0  }
0x23: {  	[tilespmem:$0x1FFF0] =	vst v0;
	[dreg:$0xf] =	wrdreg s1;
	s24 =	sshll.u32 s19, $0x2;
	s1 =	simm.s32 $0x50  }
.LBB2_1:
0x24: {  	s16 =	simm.s32 @p0 $0x0;
	s19 =	simm.s32 @p0 $0xF200  }
0x25: {  	[tilespmem:s19], [sflag:$0x2] =	stream.linear.gather @p0 [hbm4b:s10+s16], $0x2800, $0x38;
	[tilespmem:$0x19A88] =	vst v63  }
0x26: {  	s21 =	rddreg [dreg:$0x9];
	s19 =	simm.s32 @p0 $0x19200  }
0x27: {  	[tilespmem:s19], [sflag:$0x2] =	stream.linear.gather @p0 [hbm4b:s21+s16], $0x50, $0x38;
	[tilespmem:$0x19A88] =	vst v63  }
0x28: {  	s16 =	simm.s32 @!p0 $0x0;
	s19 =	simm.s32 @!p0 $0xF200  }
0x29: {  	[tilespmem:s19], [sflag:$0x2] =	stream.linear.gather @!p0 [hbm4b:s10+s16], $0xA000, $0x38;
	[tilespmem:$0x19A88] =	vst v63  }
0x2a: {  	s21 =	rddreg [dreg:$0x8];
	s19 =	simm.s32 @!p0 $0x19200  }
0x2b: {  	v0 =	vimm.f32 $0.0e+00;
	[tilespmem:s19], [sflag:$0x2] =	stream.linear.gather @!p0 [hbm4b:s21+s16], $0x140, $0x38;
	[tilespmem:$0x19A88] =	vst v63  }
0x2c: {  	[tilespmem:$0xEF80] =	vst v0  }
0x2d: {  	[tilespmem:$0xEF90] =	vst v0  }
0x2e: {  	[tilespmem:$0xEFA0] =	vst v0  }
0x2f: {  	[tilespmem:$0xEFB0] =	vst v0  }
0x30: {  	[tilespmem:$0xEFC0] =	vst v0  }
0x31: {  	[tilespmem:$0xEFD0] =	vst v0  }
0x32: {  	[tilespmem:$0xEFE0] =	vst v0  }
0x33: {  	[tilespmem:$0xEFF0] =	vst v0  }
0x34: {  	[tilespmem:$0xF000] =	vst v0  }
0x35: {  	[tilespmem:$0xF010] =	vst v0  }
0x36: {  	[tilespmem:$0xF020] =	vst v0  }
0x37: {  	[tilespmem:$0xF030] =	vst v0  }
0x38: {  	[tilespmem:$0xF040] =	vst v0  }
0x39: {  	[tilespmem:$0xF050] =	vst v0  }
0x3a: {  	[tilespmem:$0xF060] =	vst v0  }
0x3b: {  	[tilespmem:$0xF070] =	vst v0  }
0x3c: {  	[tilespmem:$0xF080] =	vst v0  }
0x3d: {  	[tilespmem:$0xF090] =	vst v0  }
0x3e: {  	[tilespmem:$0xF0A0] =	vst v0  }
0x3f: {  	[tilespmem:$0xF0B0] =	vst v0  }
0x40: {  	[tilespmem:$0xF0C0] =	vst v0  }
0x41: {  	[tilespmem:$0xF0D0] =	vst v0  }
0x42: {  	[tilespmem:$0xF0E0] =	vst v0  }
0x43: {  	[tilespmem:$0xF0F0] =	vst v0  }
0x44: {  	[tilespmem:$0xF100] =	vst v0  }
0x45: {  	[tilespmem:$0xF110] =	vst v0  }
0x46: {  	[tilespmem:$0xF120] =	vst v0  }
0x47: {  	[tilespmem:$0xF130] =	vst v0  }
0x48: {  	[tilespmem:$0xF140] =	vst v0  }
0x49: {  	[tilespmem:$0xF150] =	vst v0  }
0x4a: {  	[tilespmem:$0xF160] =	vst v0  }
0x4b: {  	[tilespmem:$0xF170] =	vst v0  }
0x4c: {  	[tilespmem:$0xF180] =	vst v0  }
0x4d: {  	[tilespmem:$0xF190] =	vst v0  }
0x4e: {  	[tilespmem:$0xF1A0] =	vst v0  }
0x4f: {  	[tilespmem:$0xF1B0] =	vst v0  }
0x50: {  	[tilespmem:$0xF1C0] =	vst v0  }
0x51: {  	[tilespmem:$0xF1D0] =	vst v0  }
0x52: {  	[tilespmem:$0xF1E0] =	vst v0  }
0x53: {  	[tilespmem:$0xF1F0] =	vst v0  }
0x54: {  	[spmem:s13] =	stream.linear.scatter [tilespmem:s31], [sflag:$0x4], $0x280, $0x38;
	[tilespmem:$0x19A88] =	vst v63  }
0x55: {  	_ =	swait.ge [sflag:s0], $0x280  }
0x56: {  	v56 =	vld [tilespmem:$0x1FF90]  }
0x57: {  	v57 =	vld [tilespmem:$0x1FFA0]  }
0x58: {  	[sflag:s0] =	ssyncset.done $0x0;
	v58 =	vld [tilespmem:$0x1FFB0]  }
0x59: {  	v55 =	vlaneseq.u32;
	v59 =	vld [tilespmem:$0x1FFC0];
	[sflag:s0] =	ssyncadd.s32 $0xFFFFFD80  }
0x5a: {  	v60 =	vld [tilespmem:$0x1FFD0];
	[tilespmem:$0x19500] =	vst v55  }
0x5b: {  	v61 =	vld [tilespmem:$0x1FFE0];
	[tilespmem:$0x19510] =	vst v56  }
0x5c: {  	v62 =	vld [tilespmem:$0x1FFF0];
	[tilespmem:$0x19520] =	vst v57  }
0x5d: {  	[tilespmem:$0x19530] =	vst v58  }
0x5e: {  	[tilespmem:$0x19540] =	vst v59  }
0x5f: {  	[tilespmem:$0x19550] =	vst v60  }
0x60: {  	[tilespmem:$0x19560] =	vst v61  }
0x61: {  	s16 =	simm.s32 @!p2 $0xEF80;
	[tilespmem:$0x19570] =	vst v62  }
0x62: {  	[spmem:s3] =	stream.linear.scatter @!p2 [tilespmem:s16], [sflag:$0x4], $0x80, $0x38;
	[tilespmem:$0x19A88] =	vst v63  }
0x63: {  	s16 =	simm.s32 @!p2 $0x4  }
0x64: {  	_ =	swait.ge @!p2 [sflag:s16], $0x80  }
0x65: {  	[sflag:s16] =	ssyncset.done @!p2 $0x0  }
0x66: {  	s25 =	rddreg [dreg:$0xd];
	[sflag:s16] =	ssyncadd.s32 @!p2 $0xFFFFFF80  }
0x67: {  	[tilespmem:s5], [sflag:$0x4] =	stream.linear.gather [hbm4b:s25+s5], $0x3E80, $0x38;
	[tilespmem:$0x19A88] =	vst v63  }
0x68: {  	_ =	swait.ge [sflag:s0], $0x3E80  }
0x69: {  	[sflag:s0] =	ssyncset.done $0x0  }
0x6a: {  	s30 =	simm.s32 $0x4000;
	[sflag:s0] =	ssyncadd.s32 $0xFFFFC180  }
0x6b: {  	[tilespmem:s30], [sflag:$0x4] =	stream.linear.gather [hbm4b:s14+s5], $0x3E80, $0x38;
	[tilespmem:$0x19A88] =	vst v63  }
0x6c: {  	_ =	swait.ge [sflag:s0], $0x3E80  }
0x6d: {  	[sflag:s0] =	ssyncset.done $0x0  }
0x6e: {  	v63 =	vimm.f32 $1.000000000e+00;
	[sflag:s0] =	ssyncadd.s32 $0xFFFFC180  }
0x6f: {  	[tilespmem:$0xA800] =	vst v63  }
0x70: {  	[tilespmem:$0xA810] =	vst v63  }
0x71: {  	[tilespmem:$0xA820] =	vst v63  }
0x72: {  	[tilespmem:$0xA830] =	vst v63  }
0x73: {  	[tilespmem:$0xA840] =	vst v63  }
0x74: {  	s16 =	simm.s32 $0x0;
	[bflag:$0x0] =	sbarrier.arrive $0xFFFF  }
.LBB2_2:
0x75: {  	p3 =	sne.s32 s16, $0xF800  }
.Ltmp0:
0x76: {  	_ = 	snop;
	(pc) =	sbr.rel @p3 .LBB2_2-.Ltmp0, $3  }
0x77: {  	_ =	sdelay $0x1  }
0x78: {  	s19 =	sshra.s32 s16, $0x2;
	s16 =	sadd.s32 $0x200, s16  }
0x79: {  	[spmem:s2] =	stream.indirect.scatter.add.f32 [tilespmem:s6], [sflag:$0x1], $0x1, s19, s1, $0xb8;
	[tilespmem:$0x19A88] =	vst v63  }
0x7a: {  	_ =	swait.ge [sflag:s4], $0x50  }
0x7b: {  	s16 =	simm.s32 $0x7C;
	[sflag:s4] =	ssyncset.done $0x0  }
.LBB2_4:
0x7c: {  	p3 =	sne.s32 s16, $0x1;
	s16 =	sadd.s32 $0xFFFFFFFF, s16;
	[sflag:s4] =	ssyncadd.s32 $0xFFFFFFB0  }
.Ltmp1:
0x7d: {  	(pc) =	sbr.rel @p3 .LBB2_4-.Ltmp1, $3  }
0x7e: {  	_ =	sdelay $0x1  }
0x7f: {  	_ =	swait.ge [sflag:s4], $0x50  }
0x80: {  	[sflag:s4] =	ssyncset.done $0x0  }
0x81: {  	s16 =	stileid.u32  }
0x82: {  	[sflag:s4] =	ssyncadd.s32 $0xFFFFFFB0;
	s16 =	sshll.u32 s16, $0x6  }
0x83: {  	s21 =	sshrl.u32 s13, $0x3;
	[bflag:$0x0] =	sbarrier.arrive $0xFFFF;
	s19 =	sor.u32 $0x1C04, s16  }
0x84: {  	[hbm:s15], [sflag:s19] =	dma.local [spmem:s21], $0x50  }
0x85: {  	_ =	swait.ge [sflag:s0], $0x50  }
0x86: {  	[sflag:s0] =	ssyncset.done $0x0  }
0x87: {  	[sflag:s0] =	ssyncadd.s32 $0xFFFFFFB0  }
0x88: {  	s16 =	simm.s32 @!p2 $0x100000;
	[bflag:$0x0] =	sbarrier.arrive $0xFFFF  }
0x89: {  	[smem:s16], [sflag:$0x0] =	smem.add.s32 @!p2 $0x0;
	s16 =	simm.s32 @!p2 $0x0  }
0x8a: {  	_ =	swait.done @!p2 [sflag:s16]  }
0x8b: {  	s22 =	ssyncread @!p2 [sflag:$0x0];
	_ =	sdelay $0x2  }
0x8c: {  	s22 =	sadd.s32 @!p2 s20, s22  }
0x8d: {  	s23 =	rddreg [dreg:$0x11];
	s22 =	sshll.u32 @!p2 s22, $0x11  }
0x8e: {  	[sflag:s16] =	ssyncset.s32 @!p2 $0x0;
	s22 =	sor.u32 @!p2 s22, s23  }
0x8f: {  	[sflag:s16] =	ssyncset.done @!p2 $0x0;
	s16 =	sor.u32 @!p2 $0x1C03, s22  }
0x90: {  	[sflag:s16] =	ssyncadd.remote.s32 @!p2 $0x1;
	s16 =	simm.s32 @!p2 $0x3  }
0x91: {  	_ =	swait.ge @!p2 [sflag:s16], $0x1  }
0x92: {  	[sflag:s16] =	ssyncset.done @!p2 $0x0  }
0x93: {  	[sflag:s16] =	ssyncadd.s32 @!p2 $0xFFFFFFFF  }
0x94: {  	[bflag:$0x0] =	sbarrier.arrive $0xFFFF  }
0x95: {  	s25 =	simm.s32 $0x0;
	s30 =	rddreg [dreg:$0xa]  }
0x96: {  	[tilespmem:s11], [sflag:$0x4] =	stream.linear.gather [hbm4b:s30+s25], $0x280, $0x38;
	[tilespmem:$0x19A88] =	vst v63  }
0x97: {  	_ =	swait.ge [sflag:s0], $0x280  }
0x98: {  	[sflag:s0] =	ssyncset.done $0x0  }
0x99: {  	[sflag:s0] =	ssyncadd.s32 $0xFFFFFD80  }
0x9a: {  	[tilespmem:s12], [sflag:$0x4] =	stream.linear.gather [spmem:s13], $0x280, $0x38;
	[tilespmem:$0x19A88] =	vst v63  }
0x9b: {  	_ =	swait.ge [sflag:s0], $0x280  }
0x9c: {  	[sflag:s0] =	ssyncset.done $0x0  }
0x9d: {  	[sflag:s0] =	ssyncadd.s32 $0xFFFFFD80  }
0x9e: {  	v0 =	vld [tilespmem:$0xEA80]  }
0x9f: {  	v1 =	vld [tilespmem:$0xE800]  }
0xa0: {  	v2 =	vld [tilespmem:$0xEA90]  }
0xa1: {  	v3 =	vld [tilespmem:$0xE810]  }
0xa2: {  	v4 =	vld [tilespmem:$0xEAA0]  }
0xa3: {  	v5 =	vld [tilespmem:$0xE820]  }
0xa4: {  	v6 =	vld [tilespmem:$0xEAB0]  }
0xa5: {  	v7 =	vld [tilespmem:$0xE830]  }
0xa6: {  	v8 =	vld [tilespmem:$0xEAC0]  }
0xa7: {  	v9 =	vld [tilespmem:$0xE840]  }
0xa8: {  	v10 =	vld [tilespmem:$0xEAD0]  }
0xa9: {  	v11 =	vld [tilespmem:$0xE850]  }
0xaa: {  	v12 =	vld [tilespmem:$0xEAE0]  }
0xab: {  	v13 =	vld [tilespmem:$0xE860]  }
0xac: {  	v14 =	vld [tilespmem:$0xEAF0]  }
0xad: {  	v15 =	vld [tilespmem:$0xE870]  }
0xae: {  	v16 =	vld [tilespmem:$0xEB00]  }
0xaf: {  	v17 =	vld [tilespmem:$0xE880]  }
0xb0: {  	v18 =	vld [tilespmem:$0xEB10]  }
0xb1: {  	v19 =	vld [tilespmem:$0xE890]  }
0xb2: {  	v20 =	vld [tilespmem:$0xEB20]  }
0xb3: {  	v21 =	vld [tilespmem:$0xE8A0]  }
0xb4: {  	v22 =	vld [tilespmem:$0xEB30]  }
0xb5: {  	v23 =	vld [tilespmem:$0xE8B0]  }
0xb6: {  	v24 =	vld [tilespmem:$0xEB40]  }
0xb7: {  	v25 =	vld [tilespmem:$0xE8C0]  }
0xb8: {  	v26 =	vld [tilespmem:$0xEB50]  }
0xb9: {  	v27 =	vld [tilespmem:$0xE8D0]  }
0xba: {  	v28 =	vld [tilespmem:$0xEB60]  }
0xbb: {  	v29 =	vld [tilespmem:$0xE8E0]  }
0xbc: {  	v30 =	vld [tilespmem:$0xEB70]  }
0xbd: {  	v31 =	vld [tilespmem:$0xE8F0]  }
0xbe: {  	v32 =	vld [tilespmem:$0xEB80]  }
0xbf: {  	v33 =	vld [tilespmem:$0xE900]  }
0xc0: {  	v34 =	vld [tilespmem:$0xEB90]  }
0xc1: {  	v35 =	vld [tilespmem:$0xE910]  }
0xc2: {  	v36 =	vld [tilespmem:$0xEBA0]  }
0xc3: {  	v37 =	vld [tilespmem:$0xE920]  }
0xc4: {  	v38 =	vld [tilespmem:$0xEBB0]  }
0xc5: {  	v39 =	vld [tilespmem:$0xE930]  }
0xc6: {  	v40 =	vld [tilespmem:$0xEBC0]  }
0xc7: {  	v41 =	vld [tilespmem:$0xE940]  }
0xc8: {  	v42 =	vld [tilespmem:$0xEBD0]  }
0xc9: {  	v43 =	vld [tilespmem:$0xE950];
	v0 =	vadd.f32 $1.100000020e+00, v0  }
0xca: {  	v44 =	vld [tilespmem:$0xEBE0];
	v2 =	vadd.f32 $1.100000020e+00, v2  }
0xcb: {  	v52 =	vld [tilespmem:$0xE960];
	v0 =	vadd.f32 v1, v0;
	v1 =	vadd.f32 $1.100000020e+00, v4  }
0xcc: {  	v53 =	vld [tilespmem:$0xEBF0];
	v2 =	vadd.f32 v3, v2;
	v3 =	vadd.f32 $1.100000020e+00, v6  }
0xcd: {  	v54 =	vld [tilespmem:$0xE970];
	[tilespmem:$0xED00] =	vst v0;
	v0 =	vadd.f32 v5, v1;
	v1 =	vadd.f32 $1.100000020e+00, v8  }
0xce: {  	v55 =	vld [tilespmem:$0xEC00];
	[tilespmem:$0xED10] =	vst v2;
	v2 =	vadd.f32 v7, v3;
	v3 =	vadd.f32 $1.100000020e+00, v10  }
0xcf: {  	v56 =	vld [tilespmem:$0xE980];
	[tilespmem:$0xED20] =	vst v0;
	v0 =	vadd.f32 v9, v1;
	v1 =	vadd.f32 $1.100000020e+00, v12  }
0xd0: {  	v57 =	vld [tilespmem:$0xEC10];
	[tilespmem:$0xED30] =	vst v2;
	v2 =	vadd.f32 v11, v3;
	v3 =	vadd.f32 $1.100000020e+00, v14  }
0xd1: {  	v58 =	vld [tilespmem:$0xE990];
	[tilespmem:$0xED40] =	vst v0;
	v0 =	vadd.f32 v13, v1;
	v1 =	vadd.f32 $1.100000020e+00, v16  }
0xd2: {  	v59 =	vld [tilespmem:$0xEC20];
	[tilespmem:$0xED50] =	vst v2;
	v2 =	vadd.f32 v15, v3;
	v3 =	vadd.f32 $1.100000020e+00, v18  }
0xd3: {  	v60 =	vld [tilespmem:$0xE9A0];
	[tilespmem:$0xED60] =	vst v0;
	v0 =	vadd.f32 v17, v1;
	v1 =	vadd.f32 $1.100000020e+00, v20  }
0xd4: {  	v61 =	vld [tilespmem:$0xEC30];
	[tilespmem:$0xED70] =	vst v2;
	v2 =	vadd.f32 v19, v3;
	v3 =	vadd.f32 $1.100000020e+00, v22  }
0xd5: {  	v62 =	vld [tilespmem:$0xE9B0];
	[tilespmem:$0xED80] =	vst v0;
	v0 =	vadd.f32 v21, v1;
	v1 =	vadd.f32 $1.100000020e+00, v24  }
0xd6: {  	v63 =	vld [tilespmem:$0xEC40];
	[tilespmem:$0xED90] =	vst v2;
	v2 =	vadd.f32 v23, v3;
	v3 =	vadd.f32 $1.100000020e+00, v26  }
0xd7: {  	v45 =	vld [tilespmem:$0xE9E0];
	[tilespmem:$0xEDA0] =	vst v0;
	v0 =	vadd.f32 v25, v1;
	v1 =	vadd.f32 $1.100000020e+00, v28  }
0xd8: {  	v46 =	vld [tilespmem:$0xEC70];
	[tilespmem:$0xEDB0] =	vst v2;
	v2 =	vadd.f32 v27, v3;
	v3 =	vadd.f32 $1.100000020e+00, v30  }
0xd9: {  	v47 =	vld [tilespmem:$0xE9F0];
	[tilespmem:$0xEDC0] =	vst v0;
	v0 =	vadd.f32 v29, v1;
	v1 =	vadd.f32 $1.100000020e+00, v32  }
0xda: {  	v48 =	vld [tilespmem:$0xEC80];
	[tilespmem:$0xEDD0] =	vst v2;
	v2 =	vadd.f32 v31, v3;
	v3 =	vadd.f32 $1.100000020e+00, v34  }
0xdb: {  	v49 =	vld [tilespmem:$0xEA00];
	[tilespmem:$0xEDE0] =	vst v0;
	v0 =	vadd.f32 v33, v1;
	v1 =	vadd.f32 $1.100000020e+00, v36  }
0xdc: {  	v50 =	vld [tilespmem:$0xEC90];
	[tilespmem:$0xEDF0] =	vst v2;
	v2 =	vadd.f32 v35, v3;
	v3 =	vadd.f32 $1.100000020e+00, v38  }
0xdd: {  	v51 =	vld [tilespmem:$0xEA10];
	[tilespmem:$0xEE00] =	vst v0;
	v0 =	vadd.f32 v37, v1;
	v1 =	vadd.f32 $1.100000020e+00, v40  }
0xde: {  	v28 =	vld [tilespmem:$0xE9C0];
	[tilespmem:$0xEE10] =	vst v2;
	v2 =	vadd.f32 v39, v3;
	v3 =	vadd.f32 $1.100000020e+00, v42  }
0xdf: {  	v30 =	vld [tilespmem:$0xEC50];
	[tilespmem:$0xEE20] =	vst v0;
	v0 =	vadd.f32 v41, v1;
	v1 =	vadd.f32 $1.100000020e+00, v44  }
0xe0: {  	v32 =	vld [tilespmem:$0xE9D0];
	[tilespmem:$0xEE30] =	vst v2;
	v2 =	vadd.f32 v43, v3;
	v3 =	vadd.f32 $1.100000020e+00, v53  }
0xe1: {  	v34 =	vld [tilespmem:$0xEC60];
	[tilespmem:$0xEE40] =	vst v0;
	v0 =	vadd.f32 v52, v1;
	v1 =	vadd.f32 $1.100000020e+00, v55  }
0xe2: {  	v53 =	vld [tilespmem:$0xEA20];
	[tilespmem:$0xEE50] =	vst v2;
	v2 =	vadd.f32 v54, v3;
	v3 =	vadd.f32 $1.100000020e+00, v57  }
0xe3: {  	v52 =	vld [tilespmem:$0xECA0];
	[tilespmem:$0xEE60] =	vst v0;
	v0 =	vadd.f32 v56, v1;
	v1 =	vadd.f32 $1.100000020e+00, v59  }
0xe4: {  	v54 =	vld [tilespmem:$0xECB0];
	[tilespmem:$0xEE70] =	vst v2;
	v2 =	vadd.f32 v58, v3;
	v3 =	vadd.f32 $1.100000020e+00, v61  }
0xe5: {  	v55 =	vld [tilespmem:$0xEA30];
	[tilespmem:$0xEE80] =	vst v0;
	v0 =	vadd.f32 v60, v1;
	v1 =	vadd.f32 $1.100000020e+00, v63  }
0xe6: {  	v57 =	vld [tilespmem:$0xEA40];
	[tilespmem:$0xEE90] =	vst v2;
	v2 =	vadd.f32 v62, v3;
	v3 =	vadd.f32 $1.100000020e+00, v30  }
0xe7: {  	v56 =	vld [tilespmem:$0xECC0];
	[tilespmem:$0xEEA0] =	vst v0;
	v0 =	vadd.f32 v28, v1;
	v1 =	vadd.f32 $1.100000020e+00, v34  }
0xe8: {  	v58 =	vld [tilespmem:$0xECD0];
	[tilespmem:$0xEEB0] =	vst v2;
	v2 =	vadd.f32 v32, v3;
	v3 =	vadd.f32 $1.100000020e+00, v46  }
0xe9: {  	v59 =	vld [tilespmem:$0xEA50];
	[tilespmem:$0xEEC0] =	vst v0;
	v0 =	vadd.f32 v45, v1;
	v1 =	vadd.f32 $1.100000020e+00, v48  }
0xea: {  	v60 =	vld [tilespmem:$0xECE0];
	[tilespmem:$0xEED0] =	vst v2;
	v2 =	vadd.f32 v47, v3;
	v3 =	vadd.f32 $1.100000020e+00, v50  }
0xeb: {  	v61 =	vld [tilespmem:$0xECF0];
	[tilespmem:$0xEEE0] =	vst v0;
	v0 =	vadd.f32 v49, v1;
	v1 =	vadd.f32 $1.100000020e+00, v52  }
0xec: {  	v62 =	vld [tilespmem:$0xEA60];
	[tilespmem:$0xEEF0] =	vst v2;
	v2 =	vadd.f32 v51, v3;
	v3 =	vadd.f32 $1.100000020e+00, v54  }
0xed: {  	v63 =	vld [tilespmem:$0xEA70];
	[tilespmem:$0xEF00] =	vst v0;
	v0 =	vadd.f32 v53, v1;
	v1 =	vadd.f32 $1.100000020e+00, v56  }
0xee: {  	[tilespmem:$0xEF10] =	vst v2;
	v2 =	vadd.f32 v55, v3;
	v3 =	vadd.f32 $1.100000020e+00, v58  }
0xef: {  	[tilespmem:$0xEF20] =	vst v0;
	v0 =	vadd.f32 v57, v1;
	v1 =	vadd.f32 $1.100000020e+00, v60  }
0xf0: {  	[tilespmem:$0xEF30] =	vst v2;
	v2 =	vadd.f32 v59, v3;
	v3 =	vadd.f32 $1.100000020e+00, v61  }
0xf1: {  	[tilespmem:$0xEF40] =	vst v0;
	v0 =	vadd.f32 v62, v1  }
0xf2: {  	[tilespmem:$0xEF50] =	vst v2;
	v1 =	vadd.f32 v63, v3  }
0xf3: {  	[tilespmem:$0xEF60] =	vst v0  }
0xf4: {  	[tilespmem:$0xEF70] =	vst v1  }
0xf5: {  	[spmem:s26] =	stream.linear.scatter [tilespmem:s29], [sflag:$0x4], $0x280, $0x38;
	[tilespmem:$0x19A88] =	vst v63  }
0xf6: {  	_ =	swait.ge [sflag:s0], $0x280  }
0xf7: {  	[sflag:s0] =	ssyncset.done $0x0  }
0xf8: {  	[sflag:s0] =	ssyncadd.s32 $0xFFFFFD80  }
0xf9: {  	[spmem:s13] =	stream.linear.scatter [tilespmem:s31], [sflag:$0x4], $0x280, $0x38;
	[tilespmem:$0x19A88] =	vst v63  }
0xfa: {  	_ =	swait.ge [sflag:s0], $0x280  }
0xfb: {  	[sflag:s0] =	ssyncset.done $0x0  }
0xfc: {  	[sflag:s0] =	ssyncadd.s32 $0xFFFFFD80  }
0xfd: {  	[bflag:$0x0] =	sbarrier.arrive $0xFFFF  }
0xfe: {  	[tilespmem:s17], [sflag:$0x4] =	stream.linear.gather [spmem:s28], $0x2800, $0x38;
	[tilespmem:$0x19A88] =	vst v63  }
0xff: {  	_ =	swait.ge [sflag:s0], $0x2800  }
0x100: {  	[sflag:s0] =	ssyncset.done $0x0  }
0x101: {  	s16 =	simm.s32 $0x0;
	[sflag:s0] =	ssyncadd.s32 $0xFFFFD800  }
0x102: {  	s22 =	simm.s32 $0x200;
	v0 =	vld [tilespmem:s16+$0x4000]  }
.LBB2_6:
0x103: {  	p3 =	sne.s32 s22, $0xF800;
	_ =	sdelay $0x5  }
0x104: {  	v1 =	vld [tilespmem:s16+$0x4010]  }
0x105: {  	v0 =	vld.idx.msk [tilespmem:v0+s17+$0x0], $0xffff;
	_ =	sdelay $0x5  }
0x106: {  	[tilespmem:s16+$0xA800] =	vst v0;
	v0 =	vld [tilespmem:s16+$0x4020]  }
0x107: {  	v1 =	vld.idx.msk [tilespmem:v1+s17+$0x0], $0xffff;
	_ =	sdelay $0x5  }
0x108: {  	[tilespmem:s16+$0xA810] =	vst v1;
	v1 =	vld [tilespmem:s16+$0x4030]  }
0x109: {  	v0 =	vld.idx.msk [tilespmem:v0+s17+$0x0], $0xffff;
	_ =	sdelay $0x5  }
0x10a: {  	[tilespmem:s16+$0xA820] =	vst v0;
	v0 =	vld [tilespmem:s16+$0x4040]  }
0x10b: {  	v1 =	vld.idx.msk [tilespmem:v1+s17+$0x0], $0xffff;
	_ =	sdelay $0x5  }
0x10c: {  	[tilespmem:s16+$0xA830] =	vst v1  }
0x10d: {  	v0 =	vld.idx.msk [tilespmem:v0+s17+$0x0], $0xffff;
	_ =	sdelay $0x2  }
.Ltmp2:
0x10e: {  	(pc) =	sbr.rel @p3 .LBB2_6-.Ltmp2, $4  }
0x10f: {  	_ = 	snop  }
0x110: {  	s23 =	sshra.s32 s22, $0x2;
	s25 =	sadd.s32 $0xA800, s16  }
0x111: {  	[tilespmem:s16+$0xA840] =	vst v0;
	[spmem:s2] =	stream.indirect.scatter.add.f32 [tilespmem:s25], [sflag:$0x1], $0x1, s16, s1, $0xb8  }
0x112: {  	s22 =	sadd.s32 $0x200, s22;
	s16 =	smov.u32 s23;
	v0 =	vld [tilespmem:s23+$0x4000]  }
0x113: {  	_ =	sdelay $0x5  }
0x114: {  	v1 =	vld [tilespmem:s16+$0x4010];
	_ =	sdelay $0x1  }
0x115: {  	v0 =	vld.idx.msk [tilespmem:v0+s17+$0x0], $0xffff;
	_ =	sdelay $0x3  }
0x116: {  	v61 =	vld [tilespmem:s16+$0x4020]  }
0x117: {  	[tilespmem:s16+$0xA800] =	vst v0  }
0x118: {  	v1 =	vld.idx.msk [tilespmem:v1+s17+$0x0], $0xffff;
	_ =	sdelay $0x3  }
0x119: {  	v62 =	vld [tilespmem:s16+$0x4030]  }
0x11a: {  	[tilespmem:s16+$0xA810] =	vst v1  }
0x11b: {  	v0 =	vld.idx.msk [tilespmem:v61+s17+$0x0], $0xffff;
	_ =	sdelay $0x3  }
0x11c: {  	v63 =	vld [tilespmem:s16+$0x4040]  }
0x11d: {  	[tilespmem:s16+$0xA820] =	vst v0  }
0x11e: {  	v1 =	vld.idx.msk [tilespmem:v62+s17+$0x0], $0xffff;
	_ =	sdelay $0x4  }
0x11f: {  	[tilespmem:s16+$0xA830] =	vst v1  }
0x120: {  	v0 =	vld.idx.msk [tilespmem:v63+s17+$0x0], $0xffff;
	_ =	sdelay $0x4  }
0x121: {  	s22 =	sadd.s32 $0xA800, s16;
	[tilespmem:s16+$0xA840] =	vst v0  }
0x122: {  	[spmem:s2] =	stream.indirect.scatter.add.f32 [tilespmem:s22], [sflag:$0x1], $0x1, s16, s1, $0xb8;
	[tilespmem:$0x19A88] =	vst v63  }
0x123: {  	_ =	swait.ge [sflag:s4], $0x50  }
0x124: {  	s16 =	simm.s32 $0x7C;
	[sflag:s4] =	ssyncset.done $0x0  }
.LBB2_8:
0x125: {  	p3 =	sne.s32 s16, $0x1;
	s16 =	sadd.s32 $0xFFFFFFFF, s16;
	[sflag:s4] =	ssyncadd.s32 $0xFFFFFFB0  }
.Ltmp3:
0x126: {  	(pc) =	sbr.rel @p3 .LBB2_8-.Ltmp3, $3  }
0x127: {  	_ =	sdelay $0x1  }
0x128: {  	_ =	swait.ge [sflag:s4], $0x50  }
0x129: {  	[sflag:s4] =	ssyncset.done $0x0  }
0x12a: {  	[sflag:s4] =	ssyncadd.s32 $0xFFFFFFB0  }
0x12b: {  	[bflag:$0x0] =	sbarrier.arrive $0xFFFF  }
0x12c: {  	s16 =	rddreg [dreg:$0x12]  }
0x12d: {  	[hbm:s16], [sflag:s19] =	dma.local [spmem:s21], $0x50  }
0x12e: {  	_ =	swait.ge [sflag:s0], $0x50  }
0x12f: {  	[sflag:s0] =	ssyncset.done $0x0  }
0x130: {  	[sflag:s0] =	ssyncadd.s32 $0xFFFFFFB0  }
0x131: {  	s16 =	simm.s32 @!p2 $0x100000;
	[bflag:$0x0] =	sbarrier.arrive $0xFFFF  }
0x132: {  	s22 =	simm.s32 @!p2 $0x0;
	[smem:s16], [sflag:$0x0] =	smem.add.s32 @!p2 $0x0  }
0x133: {  	_ =	swait.done @!p2 [sflag:s22]  }
0x134: {  	s16 =	ssyncread @!p2 [sflag:$0x0];
	_ =	sdelay $0x2  }
0x135: {  	s23 =	sadd.s32 @!p2 s20, s16;
	s16 =	rddreg [dreg:$0xe]  }
0x136: {  	s16 =	sshll.u32 @!p2 s16, $0xE;
	s23 =	sshll.u32 @!p2 s23, $0x11  }
0x137: {  	[sflag:s22] =	ssyncset.s32 @!p2 $0x0;
	s23 =	sor.u32 @!p2 s23, s16  }
0x138: {  	[sflag:s22] =	ssyncset.done @!p2 $0x0;
	s22 =	sor.u32 @!p2 $0x1C03, s23  }
0x139: {  	[sflag:s22] =	ssyncadd.remote.s32 @!p2 $0x1;
	s22 =	simm.s32 @!p2 $0x3  }
0x13a: {  	_ =	swait.ge @!p2 [sflag:s22], $0x1  }
0x13b: {  	[sflag:s22] =	ssyncset.done @!p2 $0x0  }
0x13c: {  	[sflag:s22] =	ssyncadd.s32 @!p2 $0xFFFFFFFF  }
0x13d: {  	[bflag:$0x0] =	sbarrier.arrive $0xFFFF  }
0x13e: {  	s23 =	simm.s32 $0x0;
	s25 =	rddreg [dreg:$0xb]  }
0x13f: {  	[tilespmem:s11], [sflag:$0x4] =	stream.linear.gather [hbm4b:s25+s23], $0x280, $0x38;
	[tilespmem:$0x19A88] =	vst v63  }
0x140: {  	_ =	swait.ge [sflag:s0], $0x280  }
0x141: {  	[sflag:s0] =	ssyncset.done $0x0  }
0x142: {  	[sflag:s0] =	ssyncadd.s32 $0xFFFFFD80  }
0x143: {  	[tilespmem:s12], [sflag:$0x4] =	stream.linear.gather [spmem:s13], $0x280, $0x38;
	[tilespmem:$0x19A88] =	vst v63  }
0x144: {  	_ =	swait.ge [sflag:s0], $0x280  }
0x145: {  	[sflag:s0] =	ssyncset.done $0x0  }
0x146: {  	[sflag:s0] =	ssyncadd.s32 $0xFFFFFD80  }
0x147: {  	v0 =	vld [tilespmem:s9+$0x8000];
	_ =	sdelay $0x1  }
0x148: {  	v1 =	vld [tilespmem:$0xEA80];
	_ =	sdelay $0x1  }
0x149: {  	v2 =	vld [tilespmem:$0xE800]  }
0x14a: {  	v0 =	vmul.f32 $1.100000020e+00, v0;
	_ =	sdelay $0x1  }
0x14b: {  	v0 =	vadd.f32 v1, v0;
	_ =	sdelay $0x1  }
0x14c: {  	v0 =	vadd.f32 v2, v0;
	_ =	sdelay $0x1  }
0x14d: {  	[tilespmem:$0xED00] =	vst v0  }
0x14e: {  	v0 =	vld [tilespmem:s9+$0x8010];
	_ =	sdelay $0x1  }
0x14f: {  	v1 =	vld [tilespmem:$0xEA90];
	_ =	sdelay $0x1  }
0x150: {  	v2 =	vld [tilespmem:$0xE810]  }
0x151: {  	v0 =	vmul.f32 $1.100000020e+00, v0;
	_ =	sdelay $0x1  }
0x152: {  	v0 =	vadd.f32 v1, v0;
	_ =	sdelay $0x1  }
0x153: {  	v0 =	vadd.f32 v2, v0;
	_ =	sdelay $0x1  }
0x154: {  	[tilespmem:$0xED10] =	vst v0  }
0x155: {  	v0 =	vld [tilespmem:s9+$0x8020];
	_ =	sdelay $0x1  }
0x156: {  	v1 =	vld [tilespmem:$0xEAA0];
	_ =	sdelay $0x1  }
0x157: {  	v2 =	vld [tilespmem:$0xE820]  }
0x158: {  	v0 =	vmul.f32 $1.100000020e+00, v0;
	_ =	sdelay $0x1  }
0x159: {  	v0 =	vadd.f32 v1, v0;
	_ =	sdelay $0x1  }
0x15a: {  	v0 =	vadd.f32 v2, v0;
	_ =	sdelay $0x1  }
0x15b: {  	[tilespmem:$0xED20] =	vst v0  }
0x15c: {  	v0 =	vld [tilespmem:s9+$0x8030];
	_ =	sdelay $0x1  }
0x15d: {  	v1 =	vld [tilespmem:$0xEAB0];
	_ =	sdelay $0x1  }
0x15e: {  	v2 =	vld [tilespmem:$0xE830]  }
0x15f: {  	v0 =	vmul.f32 $1.100000020e+00, v0;
	_ =	sdelay $0x1  }
0x160: {  	v0 =	vadd.f32 v1, v0;
	_ =	sdelay $0x1  }
0x161: {  	v0 =	vadd.f32 v2, v0;
	_ =	sdelay $0x1  }
0x162: {  	[tilespmem:$0xED30] =	vst v0  }
0x163: {  	v0 =	vld [tilespmem:s9+$0x8040];
	_ =	sdelay $0x1  }
0x164: {  	v1 =	vld [tilespmem:$0xEAC0];
	_ =	sdelay $0x1  }
0x165: {  	v2 =	vld [tilespmem:$0xE840]  }
0x166: {  	v0 =	vmul.f32 $1.100000020e+00, v0;
	_ =	sdelay $0x1  }
0x167: {  	v0 =	vadd.f32 v1, v0;
	_ =	sdelay $0x1  }
0x168: {  	v0 =	vadd.f32 v2, v0;
	_ =	sdelay $0x1  }
0x169: {  	[tilespmem:$0xED40] =	vst v0  }
0x16a: {  	v0 =	vld [tilespmem:s9+$0x8050];
	_ =	sdelay $0x1  }
0x16b: {  	v1 =	vld [tilespmem:$0xEAD0];
	_ =	sdelay $0x1  }
0x16c: {  	v2 =	vld [tilespmem:$0xE850]  }
0x16d: {  	v0 =	vmul.f32 $1.100000020e+00, v0;
	_ =	sdelay $0x1  }
0x16e: {  	v0 =	vadd.f32 v1, v0;
	_ =	sdelay $0x1  }
0x16f: {  	v0 =	vadd.f32 v2, v0;
	_ =	sdelay $0x1  }
0x170: {  	[tilespmem:$0xED50] =	vst v0  }
0x171: {  	v0 =	vld [tilespmem:s9+$0x8060];
	_ =	sdelay $0x1  }
0x172: {  	v1 =	vld [tilespmem:$0xEAE0];
	_ =	sdelay $0x1  }
0x173: {  	v2 =	vld [tilespmem:$0xE860]  }
0x174: {  	v0 =	vmul.f32 $1.100000020e+00, v0;
	_ =	sdelay $0x1  }
0x175: {  	v0 =	vadd.f32 v1, v0;
	_ =	sdelay $0x1  }
0x176: {  	v0 =	vadd.f32 v2, v0;
	_ =	sdelay $0x1  }
0x177: {  	[tilespmem:$0xED60] =	vst v0  }
0x178: {  	v0 =	vld [tilespmem:s9+$0x8070];
	_ =	sdelay $0x1  }
0x179: {  	v1 =	vld [tilespmem:$0xEAF0];
	_ =	sdelay $0x1  }
0x17a: {  	v2 =	vld [tilespmem:$0xE870]  }
0x17b: {  	v0 =	vmul.f32 $1.100000020e+00, v0;
	_ =	sdelay $0x1  }
0x17c: {  	v0 =	vadd.f32 v1, v0;
	_ =	sdelay $0x1  }
0x17d: {  	v0 =	vadd.f32 v2, v0;
	_ =	sdelay $0x1  }
0x17e: {  	[tilespmem:$0xED70] =	vst v0  }
0x17f: {  	v0 =	vld [tilespmem:s9+$0x8080];
	_ =	sdelay $0x1  }
0x180: {  	v1 =	vld [tilespmem:$0xEB00];
	_ =	sdelay $0x1  }
0x181: {  	v2 =	vld [tilespmem:$0xE880]  }
0x182: {  	v0 =	vmul.f32 $1.100000020e+00, v0;
	_ =	sdelay $0x1  }
0x183: {  	v0 =	vadd.f32 v1, v0;
	_ =	sdelay $0x1  }
0x184: {  	v0 =	vadd.f32 v2, v0;
	_ =	sdelay $0x1  }
0x185: {  	[tilespmem:$0xED80] =	vst v0  }
0x186: {  	v0 =	vld [tilespmem:s9+$0x8090];
	_ =	sdelay $0x1  }
0x187: {  	v1 =	vld [tilespmem:$0xEB10];
	_ =	sdelay $0x1  }
0x188: {  	v2 =	vld [tilespmem:$0xE890]  }
0x189: {  	v0 =	vmul.f32 $1.100000020e+00, v0;
	_ =	sdelay $0x1  }
0x18a: {  	v0 =	vadd.f32 v1, v0;
	_ =	sdelay $0x1  }
0x18b: {  	v0 =	vadd.f32 v2, v0;
	_ =	sdelay $0x1  }
0x18c: {  	[tilespmem:$0xED90] =	vst v0  }
0x18d: {  	v0 =	vld [tilespmem:s9+$0x80A0];
	_ =	sdelay $0x1  }
0x18e: {  	v1 =	vld [tilespmem:$0xEB20];
	_ =	sdelay $0x1  }
0x18f: {  	v2 =	vld [tilespmem:$0xE8A0]  }
0x190: {  	v0 =	vmul.f32 $1.100000020e+00, v0;
	_ =	sdelay $0x1  }
0x191: {  	v0 =	vadd.f32 v1, v0;
	_ =	sdelay $0x1  }
0x192: {  	v0 =	vadd.f32 v2, v0;
	_ =	sdelay $0x1  }
0x193: {  	[tilespmem:$0xEDA0] =	vst v0  }
0x194: {  	v0 =	vld [tilespmem:s9+$0x80B0];
	_ =	sdelay $0x1  }
0x195: {  	v1 =	vld [tilespmem:$0xEB30];
	_ =	sdelay $0x1  }
0x196: {  	v2 =	vld [tilespmem:$0xE8B0]  }
0x197: {  	v0 =	vmul.f32 $1.100000020e+00, v0;
	_ =	sdelay $0x1  }
0x198: {  	v0 =	vadd.f32 v1, v0;
	_ =	sdelay $0x1  }
0x199: {  	v0 =	vadd.f32 v2, v0;
	_ =	sdelay $0x1  }
0x19a: {  	[tilespmem:$0xEDB0] =	vst v0  }
0x19b: {  	v0 =	vld [tilespmem:s9+$0x80C0];
	_ =	sdelay $0x1  }
0x19c: {  	v1 =	vld [tilespmem:$0xEB40];
	_ =	sdelay $0x1  }
0x19d: {  	v2 =	vld [tilespmem:$0xE8C0]  }
0x19e: {  	v0 =	vmul.f32 $1.100000020e+00, v0;
	_ =	sdelay $0x1  }
0x19f: {  	v0 =	vadd.f32 v1, v0;
	_ =	sdelay $0x1  }
0x1a0: {  	v0 =	vadd.f32 v2, v0;
	_ =	sdelay $0x1  }
0x1a1: {  	[tilespmem:$0xEDC0] =	vst v0  }
0x1a2: {  	v0 =	vld [tilespmem:s9+$0x80D0];
	_ =	sdelay $0x1  }
0x1a3: {  	v1 =	vld [tilespmem:$0xEB50];
	_ =	sdelay $0x1  }
0x1a4: {  	v2 =	vld [tilespmem:$0xE8D0]  }
0x1a5: {  	v0 =	vmul.f32 $1.100000020e+00, v0;
	_ =	sdelay $0x1  }
0x1a6: {  	v0 =	vadd.f32 v1, v0;
	_ =	sdelay $0x1  }
0x1a7: {  	v0 =	vadd.f32 v2, v0;
	_ =	sdelay $0x1  }
0x1a8: {  	[tilespmem:$0xEDD0] =	vst v0  }
0x1a9: {  	v0 =	vld [tilespmem:s9+$0x80E0];
	_ =	sdelay $0x1  }
0x1aa: {  	v1 =	vld [tilespmem:$0xEB60];
	_ =	sdelay $0x1  }
0x1ab: {  	v2 =	vld [tilespmem:$0xE8E0]  }
0x1ac: {  	v0 =	vmul.f32 $1.100000020e+00, v0;
	_ =	sdelay $0x1  }
0x1ad: {  	v0 =	vadd.f32 v1, v0;
	_ =	sdelay $0x1  }
0x1ae: {  	v0 =	vadd.f32 v2, v0;
	_ =	sdelay $0x1  }
0x1af: {  	[tilespmem:$0xEDE0] =	vst v0  }
0x1b0: {  	v0 =	vld [tilespmem:s9+$0x80F0];
	_ =	sdelay $0x1  }
0x1b1: {  	v1 =	vld [tilespmem:$0xEB70];
	_ =	sdelay $0x1  }
0x1b2: {  	v2 =	vld [tilespmem:$0xE8F0]  }
0x1b3: {  	v0 =	vmul.f32 $1.100000020e+00, v0;
	_ =	sdelay $0x1  }
0x1b4: {  	v0 =	vadd.f32 v1, v0;
	_ =	sdelay $0x1  }
0x1b5: {  	v0 =	vadd.f32 v2, v0;
	_ =	sdelay $0x1  }
0x1b6: {  	[tilespmem:$0xEDF0] =	vst v0  }
0x1b7: {  	v0 =	vld [tilespmem:s9+$0x8100];
	_ =	sdelay $0x1  }
0x1b8: {  	v1 =	vld [tilespmem:$0xEB80];
	_ =	sdelay $0x1  }
0x1b9: {  	v2 =	vld [tilespmem:$0xE900]  }
0x1ba: {  	v0 =	vmul.f32 $1.100000020e+00, v0;
	_ =	sdelay $0x1  }
0x1bb: {  	v0 =	vadd.f32 v1, v0;
	_ =	sdelay $0x1  }
0x1bc: {  	v0 =	vadd.f32 v2, v0;
	_ =	sdelay $0x1  }
0x1bd: {  	[tilespmem:$0xEE00] =	vst v0  }
0x1be: {  	v0 =	vld [tilespmem:s9+$0x8110];
	_ =	sdelay $0x1  }
0x1bf: {  	v1 =	vld [tilespmem:$0xEB90];
	_ =	sdelay $0x1  }
0x1c0: {  	v2 =	vld [tilespmem:$0xE910]  }
0x1c1: {  	v0 =	vmul.f32 $1.100000020e+00, v0;
	_ =	sdelay $0x1  }
0x1c2: {  	v0 =	vadd.f32 v1, v0;
	_ =	sdelay $0x1  }
0x1c3: {  	v0 =	vadd.f32 v2, v0;
	_ =	sdelay $0x1  }
0x1c4: {  	[tilespmem:$0xEE10] =	vst v0  }
0x1c5: {  	v0 =	vld [tilespmem:s9+$0x8120];
	_ =	sdelay $0x1  }
0x1c6: {  	v1 =	vld [tilespmem:$0xEBA0];
	_ =	sdelay $0x1  }
0x1c7: {  	v2 =	vld [tilespmem:$0xE920]  }
0x1c8: {  	v0 =	vmul.f32 $1.100000020e+00, v0;
	_ =	sdelay $0x1  }
0x1c9: {  	v0 =	vadd.f32 v1, v0;
	_ =	sdelay $0x1  }
0x1ca: {  	v0 =	vadd.f32 v2, v0;
	_ =	sdelay $0x1  }
0x1cb: {  	[tilespmem:$0xEE20] =	vst v0  }
0x1cc: {  	v0 =	vld [tilespmem:s9+$0x8130];
	_ =	sdelay $0x1  }
0x1cd: {  	v1 =	vld [tilespmem:$0xEBB0];
	_ =	sdelay $0x1  }
0x1ce: {  	v2 =	vld [tilespmem:$0xE930]  }
0x1cf: {  	v0 =	vmul.f32 $1.100000020e+00, v0;
	_ =	sdelay $0x1  }
0x1d0: {  	v0 =	vadd.f32 v1, v0;
	_ =	sdelay $0x1  }
0x1d1: {  	v0 =	vadd.f32 v2, v0;
	_ =	sdelay $0x1  }
0x1d2: {  	[tilespmem:$0xEE30] =	vst v0  }
0x1d3: {  	v0 =	vld [tilespmem:s9+$0x8140];
	_ =	sdelay $0x1  }
0x1d4: {  	v1 =	vld [tilespmem:$0xEBC0];
	_ =	sdelay $0x1  }
0x1d5: {  	v2 =	vld [tilespmem:$0xE940]  }
0x1d6: {  	v0 =	vmul.f32 $1.100000020e+00, v0;
	_ =	sdelay $0x1  }
0x1d7: {  	v0 =	vadd.f32 v1, v0;
	_ =	sdelay $0x1  }
0x1d8: {  	v0 =	vadd.f32 v2, v0;
	_ =	sdelay $0x1  }
0x1d9: {  	[tilespmem:$0xEE40] =	vst v0  }
0x1da: {  	v0 =	vld [tilespmem:s9+$0x8150];
	_ =	sdelay $0x1  }
0x1db: {  	v1 =	vld [tilespmem:$0xEBD0];
	_ =	sdelay $0x1  }
0x1dc: {  	v2 =	vld [tilespmem:$0xE950]  }
0x1dd: {  	v0 =	vmul.f32 $1.100000020e+00, v0;
	_ =	sdelay $0x1  }
0x1de: {  	v0 =	vadd.f32 v1, v0;
	_ =	sdelay $0x1  }
0x1df: {  	v0 =	vadd.f32 v2, v0;
	_ =	sdelay $0x1  }
0x1e0: {  	[tilespmem:$0xEE50] =	vst v0  }
0x1e1: {  	v0 =	vld [tilespmem:s9+$0x8160];
	_ =	sdelay $0x1  }
0x1e2: {  	v1 =	vld [tilespmem:$0xEBE0];
	_ =	sdelay $0x1  }
0x1e3: {  	v2 =	vld [tilespmem:$0xE960]  }
0x1e4: {  	v0 =	vmul.f32 $1.100000020e+00, v0;
	_ =	sdelay $0x1  }
0x1e5: {  	v0 =	vadd.f32 v1, v0;
	_ =	sdelay $0x1  }
0x1e6: {  	v0 =	vadd.f32 v2, v0;
	_ =	sdelay $0x1  }
0x1e7: {  	[tilespmem:$0xEE60] =	vst v0  }
0x1e8: {  	v0 =	vld [tilespmem:s9+$0x8170];
	_ =	sdelay $0x1  }
0x1e9: {  	v1 =	vld [tilespmem:$0xEBF0];
	_ =	sdelay $0x1  }
0x1ea: {  	v2 =	vld [tilespmem:$0xE970]  }
0x1eb: {  	v0 =	vmul.f32 $1.100000020e+00, v0;
	_ =	sdelay $0x1  }
0x1ec: {  	v0 =	vadd.f32 v1, v0;
	_ =	sdelay $0x1  }
0x1ed: {  	v0 =	vadd.f32 v2, v0;
	_ =	sdelay $0x1  }
0x1ee: {  	[tilespmem:$0xEE70] =	vst v0  }
0x1ef: {  	v0 =	vld [tilespmem:s9+$0x8180];
	_ =	sdelay $0x1  }
0x1f0: {  	v1 =	vld [tilespmem:$0xEC00];
	_ =	sdelay $0x1  }
0x1f1: {  	v2 =	vld [tilespmem:$0xE980]  }
0x1f2: {  	v0 =	vmul.f32 $1.100000020e+00, v0;
	_ =	sdelay $0x1  }
0x1f3: {  	v0 =	vadd.f32 v1, v0;
	_ =	sdelay $0x1  }
0x1f4: {  	v0 =	vadd.f32 v2, v0;
	_ =	sdelay $0x1  }
0x1f5: {  	[tilespmem:$0xEE80] =	vst v0  }
0x1f6: {  	v0 =	vld [tilespmem:s9+$0x8190];
	_ =	sdelay $0x1  }
0x1f7: {  	v1 =	vld [tilespmem:$0xEC10];
	_ =	sdelay $0x1  }
0x1f8: {  	v2 =	vld [tilespmem:$0xE990]  }
0x1f9: {  	v0 =	vmul.f32 $1.100000020e+00, v0;
	_ =	sdelay $0x1  }
0x1fa: {  	v0 =	vadd.f32 v1, v0;
	_ =	sdelay $0x1  }
0x1fb: {  	v0 =	vadd.f32 v2, v0;
	_ =	sdelay $0x1  }
0x1fc: {  	[tilespmem:$0xEE90] =	vst v0  }
0x1fd: {  	v0 =	vld [tilespmem:s9+$0x81A0];
	_ =	sdelay $0x1  }
0x1fe: {  	v1 =	vld [tilespmem:$0xEC20];
	_ =	sdelay $0x1  }
0x1ff: {  	v2 =	vld [tilespmem:$0xE9A0]  }
0x200: {  	v0 =	vmul.f32 $1.100000020e+00, v0;
	_ =	sdelay $0x1  }
0x201: {  	v0 =	vadd.f32 v1, v0;
	_ =	sdelay $0x1  }
0x202: {  	v0 =	vadd.f32 v2, v0;
	_ =	sdelay $0x1  }
0x203: {  	[tilespmem:$0xEEA0] =	vst v0  }
0x204: {  	v0 =	vld [tilespmem:s9+$0x81B0];
	_ =	sdelay $0x1  }
0x205: {  	v1 =	vld [tilespmem:$0xEC30];
	_ =	sdelay $0x1  }
0x206: {  	v2 =	vld [tilespmem:$0xE9B0]  }
0x207: {  	v0 =	vmul.f32 $1.100000020e+00, v0;
	_ =	sdelay $0x1  }
0x208: {  	v0 =	vadd.f32 v1, v0;
	_ =	sdelay $0x1  }
0x209: {  	v0 =	vadd.f32 v2, v0;
	_ =	sdelay $0x1  }
0x20a: {  	[tilespmem:$0xEEB0] =	vst v0  }
0x20b: {  	v0 =	vld [tilespmem:s9+$0x81C0];
	_ =	sdelay $0x1  }
0x20c: {  	v1 =	vld [tilespmem:$0xEC40];
	_ =	sdelay $0x1  }
0x20d: {  	v2 =	vld [tilespmem:$0xE9C0]  }
0x20e: {  	v0 =	vmul.f32 $1.100000020e+00, v0;
	_ =	sdelay $0x1  }
0x20f: {  	v0 =	vadd.f32 v1, v0;
	_ =	sdelay $0x1  }
0x210: {  	v0 =	vadd.f32 v2, v0;
	_ =	sdelay $0x1  }
0x211: {  	[tilespmem:$0xEEC0] =	vst v0  }
0x212: {  	v0 =	vld [tilespmem:s9+$0x81D0];
	_ =	sdelay $0x1  }
0x213: {  	v1 =	vld [tilespmem:$0xEC50];
	_ =	sdelay $0x1  }
0x214: {  	v2 =	vld [tilespmem:$0xE9D0]  }
0x215: {  	v0 =	vmul.f32 $1.100000020e+00, v0;
	_ =	sdelay $0x1  }
0x216: {  	v0 =	vadd.f32 v1, v0;
	_ =	sdelay $0x1  }
0x217: {  	v0 =	vadd.f32 v2, v0;
	_ =	sdelay $0x1  }
0x218: {  	[tilespmem:$0xEED0] =	vst v0  }
0x219: {  	v0 =	vld [tilespmem:s9+$0x81E0];
	_ =	sdelay $0x1  }
0x21a: {  	v1 =	vld [tilespmem:$0xEC60];
	_ =	sdelay $0x1  }
0x21b: {  	v2 =	vld [tilespmem:$0xE9E0]  }
0x21c: {  	v0 =	vmul.f32 $1.100000020e+00, v0;
	_ =	sdelay $0x1  }
0x21d: {  	v0 =	vadd.f32 v1, v0;
	_ =	sdelay $0x1  }
0x21e: {  	v0 =	vadd.f32 v2, v0;
	_ =	sdelay $0x1  }
0x21f: {  	[tilespmem:$0xEEE0] =	vst v0  }
0x220: {  	v0 =	vld [tilespmem:s9+$0x81F0];
	_ =	sdelay $0x1  }
0x221: {  	v1 =	vld [tilespmem:$0xEC70];
	_ =	sdelay $0x1  }
0x222: {  	v2 =	vld [tilespmem:$0xE9F0]  }
0x223: {  	v0 =	vmul.f32 $1.100000020e+00, v0;
	_ =	sdelay $0x1  }
0x224: {  	v0 =	vadd.f32 v1, v0;
	_ =	sdelay $0x1  }
0x225: {  	v0 =	vadd.f32 v2, v0;
	_ =	sdelay $0x1  }
0x226: {  	[tilespmem:$0xEEF0] =	vst v0  }
0x227: {  	v0 =	vld [tilespmem:s9+$0x8200];
	_ =	sdelay $0x1  }
0x228: {  	v1 =	vld [tilespmem:$0xEC80];
	_ =	sdelay $0x1  }
0x229: {  	v2 =	vld [tilespmem:$0xEA00]  }
0x22a: {  	v0 =	vmul.f32 $1.100000020e+00, v0;
	_ =	sdelay $0x1  }
0x22b: {  	v0 =	vadd.f32 v1, v0;
	_ =	sdelay $0x1  }
0x22c: {  	v0 =	vadd.f32 v2, v0;
	_ =	sdelay $0x1  }
0x22d: {  	[tilespmem:$0xEF00] =	vst v0  }
0x22e: {  	v0 =	vld [tilespmem:s9+$0x8210];
	_ =	sdelay $0x1  }
0x22f: {  	v1 =	vld [tilespmem:$0xEC90];
	_ =	sdelay $0x1  }
0x230: {  	v2 =	vld [tilespmem:$0xEA10]  }
0x231: {  	v0 =	vmul.f32 $1.100000020e+00, v0;
	_ =	sdelay $0x1  }
0x232: {  	v0 =	vadd.f32 v1, v0;
	_ =	sdelay $0x1  }
0x233: {  	v0 =	vadd.f32 v2, v0;
	_ =	sdelay $0x1  }
0x234: {  	[tilespmem:$0xEF10] =	vst v0  }
0x235: {  	v0 =	vld [tilespmem:s9+$0x8220];
	_ =	sdelay $0x1  }
0x236: {  	v1 =	vld [tilespmem:$0xECA0];
	_ =	sdelay $0x1  }
0x237: {  	v2 =	vld [tilespmem:$0xEA20]  }
0x238: {  	v0 =	vmul.f32 $1.100000020e+00, v0;
	_ =	sdelay $0x1  }
0x239: {  	v0 =	vadd.f32 v1, v0;
	_ =	sdelay $0x1  }
0x23a: {  	v0 =	vadd.f32 v2, v0;
	_ =	sdelay $0x1  }
0x23b: {  	[tilespmem:$0xEF20] =	vst v0  }
0x23c: {  	v0 =	vld [tilespmem:s9+$0x8230];
	_ =	sdelay $0x1  }
0x23d: {  	v1 =	vld [tilespmem:$0xECB0];
	_ =	sdelay $0x1  }
0x23e: {  	v2 =	vld [tilespmem:$0xEA30]  }
0x23f: {  	v0 =	vmul.f32 $1.100000020e+00, v0;
	_ =	sdelay $0x1  }
0x240: {  	v0 =	vadd.f32 v1, v0;
	_ =	sdelay $0x1  }
0x241: {  	v0 =	vadd.f32 v2, v0;
	_ =	sdelay $0x1  }
0x242: {  	[tilespmem:$0xEF30] =	vst v0  }
0x243: {  	v0 =	vld [tilespmem:s9+$0x8240];
	_ =	sdelay $0x1  }
0x244: {  	v1 =	vld [tilespmem:$0xECC0];
	_ =	sdelay $0x1  }
0x245: {  	v2 =	vld [tilespmem:$0xEA40]  }
0x246: {  	v0 =	vmul.f32 $1.100000020e+00, v0;
	_ =	sdelay $0x1  }
0x247: {  	v0 =	vadd.f32 v1, v0;
	_ =	sdelay $0x1  }
0x248: {  	v0 =	vadd.f32 v2, v0;
	_ =	sdelay $0x1  }
0x249: {  	[tilespmem:$0xEF40] =	vst v0  }
0x24a: {  	v0 =	vld [tilespmem:s9+$0x8250];
	_ =	sdelay $0x1  }
0x24b: {  	v1 =	vld [tilespmem:$0xECD0];
	_ =	sdelay $0x1  }
0x24c: {  	v2 =	vld [tilespmem:$0xEA50]  }
0x24d: {  	v0 =	vmul.f32 $1.100000020e+00, v0;
	_ =	sdelay $0x1  }
0x24e: {  	v0 =	vadd.f32 v1, v0;
	_ =	sdelay $0x1  }
0x24f: {  	v0 =	vadd.f32 v2, v0;
	_ =	sdelay $0x1  }
0x250: {  	[tilespmem:$0xEF50] =	vst v0  }
0x251: {  	v0 =	vld [tilespmem:s9+$0x8260];
	_ =	sdelay $0x1  }
0x252: {  	v1 =	vld [tilespmem:$0xECE0];
	_ =	sdelay $0x1  }
0x253: {  	v2 =	vld [tilespmem:$0xEA60]  }
0x254: {  	v0 =	vmul.f32 $1.100000020e+00, v0;
	_ =	sdelay $0x1  }
0x255: {  	v0 =	vadd.f32 v1, v0;
	_ =	sdelay $0x1  }
0x256: {  	v0 =	vadd.f32 v2, v0;
	_ =	sdelay $0x1  }
0x257: {  	[tilespmem:$0xEF60] =	vst v0  }
0x258: {  	v0 =	vld [tilespmem:s9+$0x8270];
	_ =	sdelay $0x1  }
0x259: {  	v1 =	vld [tilespmem:$0xECF0];
	_ =	sdelay $0x1  }
0x25a: {  	v2 =	vld [tilespmem:$0xEA70]  }
0x25b: {  	v0 =	vmul.f32 $1.100000020e+00, v0;
	_ =	sdelay $0x1  }
0x25c: {  	v0 =	vadd.f32 v1, v0;
	_ =	sdelay $0x1  }
0x25d: {  	v0 =	vadd.f32 v2, v0;
	_ =	sdelay $0x1  }
0x25e: {  	[tilespmem:$0xEF70] =	vst v0  }
0x25f: {  	[spmem:s26] =	stream.linear.scatter [tilespmem:s29], [sflag:$0x4], $0x280, $0x38;
	[tilespmem:$0x19A88] =	vst v63  }
0x260: {  	_ =	swait.ge [sflag:s0], $0x280  }
0x261: {  	[sflag:s0] =	ssyncset.done $0x0  }
0x262: {  	[sflag:s0] =	ssyncadd.s32 $0xFFFFFD80  }
0x263: {  	[spmem:s13] =	stream.linear.scatter [tilespmem:s31], [sflag:$0x4], $0x280, $0x38;
	[tilespmem:$0x19A88] =	vst v63  }
0x264: {  	_ =	swait.ge [sflag:s0], $0x280  }
0x265: {  	[sflag:s0] =	ssyncset.done $0x0  }
0x266: {  	[sflag:s0] =	ssyncadd.s32 $0xFFFFFD80  }
0x267: {  	[bflag:$0x0] =	sbarrier.arrive $0xFFFF  }
0x268: {  	[tilespmem:s17], [sflag:$0x4] =	stream.linear.gather [spmem:s28], $0x2800, $0x38;
	[tilespmem:$0x19A88] =	vst v63  }
0x269: {  	_ =	swait.ge [sflag:s0], $0x2800  }
0x26a: {  	[sflag:s0] =	ssyncset.done $0x0  }
0x26b: {  	s22 =	simm.s32 $0x0;
	[sflag:s0] =	ssyncadd.s32 $0xFFFFD800  }
0x26c: {  	s30 =	smov.u32 s28;
	s23 =	simm.s32 $0x200;
	v0 =	vld [tilespmem:s22+$0x4000]  }
.LBB2_10:
0x26d: {  	p3 =	sne.s32 s23, $0xF800;
	_ =	sdelay $0x5  }
0x26e: {  	v1 =	vld [tilespmem:s22+$0x4010]  }
0x26f: {  	v0 =	vld.idx.msk [tilespmem:v0+s17+$0x0], $0xffff;
	_ =	sdelay $0x5  }
0x270: {  	[tilespmem:s22+$0xA800] =	vst v0;
	v0 =	vld [tilespmem:s22+$0x4020]  }
0x271: {  	v1 =	vld.idx.msk [tilespmem:v1+s17+$0x0], $0xffff;
	_ =	sdelay $0x5  }
0x272: {  	[tilespmem:s22+$0xA810] =	vst v1;
	v1 =	vld [tilespmem:s22+$0x4030]  }
0x273: {  	v0 =	vld.idx.msk [tilespmem:v0+s17+$0x0], $0xffff;
	_ =	sdelay $0x5  }
0x274: {  	[tilespmem:s22+$0xA820] =	vst v0;
	v0 =	vld [tilespmem:s22+$0x4040]  }
0x275: {  	v1 =	vld.idx.msk [tilespmem:v1+s17+$0x0], $0xffff;
	_ =	sdelay $0x5  }
0x276: {  	[tilespmem:s22+$0xA830] =	vst v1  }
0x277: {  	v0 =	vld.idx.msk [tilespmem:v0+s17+$0x0], $0xffff;
	_ =	sdelay $0x2  }
.Ltmp4:
0x278: {  	(pc) =	sbr.rel @p3 .LBB2_10-.Ltmp4, $4  }
0x279: {  	_ = 	snop  }
0x27a: {  	s25 =	sshra.s32 s23, $0x2;
	s28 =	sadd.s32 $0xA800, s22  }
0x27b: {  	[tilespmem:s22+$0xA840] =	vst v0;
	[spmem:s2] =	stream.indirect.scatter.add.f32 [tilespmem:s28], [sflag:$0x1], $0x1, s22, s1, $0xb8  }
0x27c: {  	s23 =	sadd.s32 $0x200, s23;
	s22 =	smov.u32 s25;
	v0 =	vld [tilespmem:s25+$0x4000]  }
0x27d: {  	_ =	sdelay $0x5  }
0x27e: {  	v1 =	vld [tilespmem:s22+$0x4010];
	_ =	sdelay $0x1  }
0x27f: {  	v0 =	vld.idx.msk [tilespmem:v0+s17+$0x0], $0xffff;
	_ =	sdelay $0x3  }
0x280: {  	v61 =	vld [tilespmem:s22+$0x4020]  }
0x281: {  	[tilespmem:s22+$0xA800] =	vst v0  }
0x282: {  	v1 =	vld.idx.msk [tilespmem:v1+s17+$0x0], $0xffff;
	_ =	sdelay $0x3  }
0x283: {  	v62 =	vld [tilespmem:s22+$0x4030]  }
0x284: {  	[tilespmem:s22+$0xA810] =	vst v1  }
0x285: {  	v0 =	vld.idx.msk [tilespmem:v61+s17+$0x0], $0xffff;
	_ =	sdelay $0x3  }
0x286: {  	v63 =	vld [tilespmem:s22+$0x4040]  }
0x287: {  	[tilespmem:s22+$0xA820] =	vst v0  }
0x288: {  	v1 =	vld.idx.msk [tilespmem:v62+s17+$0x0], $0xffff;
	_ =	sdelay $0x4  }
0x289: {  	[tilespmem:s22+$0xA830] =	vst v1  }
0x28a: {  	v0 =	vld.idx.msk [tilespmem:v63+s17+$0x0], $0xffff;
	_ =	sdelay $0x4  }
0x28b: {  	s23 =	sadd.s32 $0xA800, s22;
	[tilespmem:s22+$0xA840] =	vst v0  }
0x28c: {  	[spmem:s2] =	stream.indirect.scatter.add.f32 [tilespmem:s23], [sflag:$0x1], $0x1, s22, s1, $0xb8;
	[tilespmem:$0x19A88] =	vst v63  }
0x28d: {  	_ =	swait.ge [sflag:s4], $0x50  }
0x28e: {  	s22 =	simm.s32 $0x7C;
	[sflag:s4] =	ssyncset.done $0x0  }
.LBB2_12:
0x28f: {  	p3 =	sne.s32 s22, $0x1;
	s22 =	sadd.s32 $0xFFFFFFFF, s22;
	[sflag:s4] =	ssyncadd.s32 $0xFFFFFFB0  }
.Ltmp5:
0x290: {  	(pc) =	sbr.rel @p3 .LBB2_12-.Ltmp5, $3  }
0x291: {  	_ =	sdelay $0x1  }
0x292: {  	_ =	swait.ge [sflag:s4], $0x50  }
0x293: {  	[sflag:s4] =	ssyncset.done $0x0  }
0x294: {  	[sflag:s4] =	ssyncadd.s32 $0xFFFFFFB0  }
0x295: {  	[bflag:$0x0] =	sbarrier.arrive $0xFFFF  }
0x296: {  	s22 =	rddreg [dreg:$0x13]  }
0x297: {  	[hbm:s22], [sflag:s19] =	dma.local [spmem:s21], $0x50  }
0x298: {  	_ =	swait.ge [sflag:s0], $0x50  }
0x299: {  	[sflag:s0] =	ssyncset.done $0x0  }
0x29a: {  	[sflag:s0] =	ssyncadd.s32 $0xFFFFFFB0  }
0x29b: {  	s22 =	simm.s32 @!p2 $0x100000;
	[bflag:$0x0] =	sbarrier.arrive $0xFFFF  }
0x29c: {  	s21 =	simm.s32 @!p2 $0x0;
	[smem:s22], [sflag:$0x0] =	smem.add.s32 @!p2 $0x0  }
0x29d: {  	_ =	swait.done @!p2 [sflag:s21]  }
0x29e: {  	s23 =	ssyncread @!p2 [sflag:$0x0];
	_ =	sdelay $0x2  }
0x29f: {  	s23 =	sadd.s32 @!p2 s20, s23  }
0x2a0: {  	s23 =	sshll.u32 @!p2 s23, $0x11  }
0x2a1: {  	[sflag:s21] =	ssyncset.s32 @!p2 $0x0;
	s23 =	sor.u32 @!p2 s23, s16  }
0x2a2: {  	[sflag:s21] =	ssyncset.done @!p2 $0x0;
	s23 =	sor.u32 @!p2 $0x1C03, s23  }
0x2a3: {  	[sflag:s23] =	ssyncadd.remote.s32 @!p2 $0x1;
	s23 =	simm.s32 @!p2 $0x3  }
0x2a4: {  	_ =	swait.ge @!p2 [sflag:s23], $0x1  }
0x2a5: {  	[sflag:s23] =	ssyncset.done @!p2 $0x0  }
0x2a6: {  	[sflag:s23] =	ssyncadd.s32 @!p2 $0xFFFFFFFF  }
0x2a7: {  	[bflag:$0x0] =	sbarrier.arrive $0xFFFF  }
0x2a8: {  	s25 =	rddreg [dreg:$0xc]  }
0x2a9: {  	[tilespmem:s11], [sflag:$0x4] =	stream.linear.gather [hbm4b:s25+s5], $0x140, $0x38;
	[tilespmem:$0x19A88] =	vst v63  }
0x2aa: {  	_ =	swait.ge [sflag:s0], $0x140  }
0x2ab: {  	[sflag:s0] =	ssyncset.done $0x0  }
0x2ac: {  	s25 =	rddreg [dreg:$0x14];
	[sflag:s0] =	ssyncadd.s32 $0xFFFFFEC0  }
0x2ad: {  	[tilespmem:s12], [sflag:$0x4] =	stream.linear.gather [spmem:s25], $0x140, $0x38;
	[tilespmem:$0x19A88] =	vst v63  }
0x2ae: {  	_ =	swait.ge [sflag:s0], $0x140  }
0x2af: {  	[sflag:s0] =	ssyncset.done $0x0  }
0x2b0: {  	s25 =	simm.s32 @p0 $0x2;
	[sflag:s0] =	ssyncadd.s32 $0xFFFFFEC0  }
0x2b1: {  	_ =	swait.ge @p0 [sflag:s25], $0x2800  }
0x2b2: {  	[sflag:s25] =	ssyncset.done @p0 $0x0  }
0x2b3: {  	[sflag:s25] =	ssyncadd.s32 @p0 $0xFFFFD800  }
0x2b4: {  	_ =	swait.ge @p0 [sflag:s25], $0x50  }
0x2b5: {  	[sflag:s25] =	ssyncset.done @p0 $0x0  }
0x2b6: {  	[sflag:s25] =	ssyncadd.s32 @p0 $0xFFFFFFB0;
	s25 =	simm.s32 @!p0 $0x2  }
0x2b7: {  	_ =	swait.ge @!p0 [sflag:s25], $0xA000  }
0x2b8: {  	[sflag:s25] =	ssyncset.done @!p0 $0x0  }
0x2b9: {  	[sflag:s25] =	ssyncadd.s32 @!p0 $0xFFFF6000  }
0x2ba: {  	_ =	swait.ge @!p0 [sflag:s25], $0x140  }
0x2bb: {  	[sflag:s25] =	ssyncset.done @!p0 $0x0  }
0x2bc: {  	[sflag:s25] =	ssyncadd.s32 @!p0 $0xFFFFFEC0  }
0x2bd: {  	v0 =	vld [tilespmem:s7+$0x8000];
	_ =	sdelay $0x1  }
0x2be: {  	v1 =	vld [tilespmem:$0xEA80];
	_ =	sdelay $0x1  }
0x2bf: {  	v2 =	vld [tilespmem:$0xE800]  }
0x2c0: {  	v0 =	vmul.f32 $1.100000020e+00, v0  }
0x2c1: {  	v3 =	vld [tilespmem:$0x19200]  }
0x2c2: {  	v0 =	vadd.f32 v1, v0;
	_ =	sdelay $0x1  }
0x2c3: {  	v0 =	vadd.f32 v2, v0;
	_ =	sdelay $0x1  }
0x2c4: {  	v0 =	vmul.f32 v3, v0;
	_ =	sdelay $0x1  }
0x2c5: {  	[tilespmem:$0xED00] =	vst v0  }
0x2c6: {  	v0 =	vld [tilespmem:s7+$0x8010];
	_ =	sdelay $0x1  }
0x2c7: {  	v1 =	vld [tilespmem:$0xEA90];
	_ =	sdelay $0x1  }
0x2c8: {  	v2 =	vld [tilespmem:$0xE810]  }
0x2c9: {  	v0 =	vmul.f32 $1.100000020e+00, v0  }
0x2ca: {  	v3 =	vld [tilespmem:$0x19210]  }
0x2cb: {  	v0 =	vadd.f32 v1, v0;
	_ =	sdelay $0x1  }
0x2cc: {  	v0 =	vadd.f32 v2, v0;
	_ =	sdelay $0x1  }
0x2cd: {  	v0 =	vmul.f32 v3, v0;
	_ =	sdelay $0x1  }
0x2ce: {  	[tilespmem:$0xED10] =	vst v0  }
0x2cf: {  	v0 =	vld [tilespmem:s7+$0x8020];
	_ =	sdelay $0x1  }
0x2d0: {  	v1 =	vld [tilespmem:$0xEAA0];
	_ =	sdelay $0x1  }
0x2d1: {  	v2 =	vld [tilespmem:$0xE820]  }
0x2d2: {  	v0 =	vmul.f32 $1.100000020e+00, v0  }
0x2d3: {  	v3 =	vld [tilespmem:$0x19220]  }
0x2d4: {  	v0 =	vadd.f32 v1, v0;
	_ =	sdelay $0x1  }
0x2d5: {  	v0 =	vadd.f32 v2, v0;
	_ =	sdelay $0x1  }
0x2d6: {  	v0 =	vmul.f32 v3, v0;
	_ =	sdelay $0x1  }
0x2d7: {  	[tilespmem:$0xED20] =	vst v0  }
0x2d8: {  	v0 =	vld [tilespmem:s7+$0x8030];
	_ =	sdelay $0x1  }
0x2d9: {  	v1 =	vld [tilespmem:$0xEAB0];
	_ =	sdelay $0x1  }
0x2da: {  	v2 =	vld [tilespmem:$0xE830]  }
0x2db: {  	v0 =	vmul.f32 $1.100000020e+00, v0  }
0x2dc: {  	v3 =	vld [tilespmem:$0x19230]  }
0x2dd: {  	v0 =	vadd.f32 v1, v0;
	_ =	sdelay $0x1  }
0x2de: {  	v0 =	vadd.f32 v2, v0;
	_ =	sdelay $0x1  }
0x2df: {  	v0 =	vmul.f32 v3, v0;
	_ =	sdelay $0x1  }
0x2e0: {  	[tilespmem:$0xED30] =	vst v0  }
0x2e1: {  	v0 =	vld [tilespmem:s7+$0x8040];
	_ =	sdelay $0x1  }
0x2e2: {  	v1 =	vld [tilespmem:$0xEAC0];
	_ =	sdelay $0x1  }
0x2e3: {  	v2 =	vld [tilespmem:$0xE840]  }
0x2e4: {  	v0 =	vmul.f32 $1.100000020e+00, v0  }
0x2e5: {  	v3 =	vld [tilespmem:$0x19240]  }
0x2e6: {  	v0 =	vadd.f32 v1, v0;
	_ =	sdelay $0x1  }
0x2e7: {  	v0 =	vadd.f32 v2, v0;
	_ =	sdelay $0x1  }
0x2e8: {  	v0 =	vmul.f32 v3, v0;
	_ =	sdelay $0x1  }
0x2e9: {  	[tilespmem:$0xED40] =	vst v0  }
0x2ea: {  	v0 =	vld [tilespmem:s7+$0x8050];
	_ =	sdelay $0x1  }
0x2eb: {  	v1 =	vld [tilespmem:$0xEAD0];
	_ =	sdelay $0x1  }
0x2ec: {  	v2 =	vld [tilespmem:$0xE850]  }
0x2ed: {  	v0 =	vmul.f32 $1.100000020e+00, v0  }
0x2ee: {  	v3 =	vld [tilespmem:$0x19250]  }
0x2ef: {  	v0 =	vadd.f32 v1, v0;
	_ =	sdelay $0x1  }
0x2f0: {  	v0 =	vadd.f32 v2, v0;
	_ =	sdelay $0x1  }
0x2f1: {  	v0 =	vmul.f32 v3, v0;
	_ =	sdelay $0x1  }
0x2f2: {  	[tilespmem:$0xED50] =	vst v0  }
0x2f3: {  	v0 =	vld [tilespmem:s7+$0x8060];
	_ =	sdelay $0x1  }
0x2f4: {  	v1 =	vld [tilespmem:$0xEAE0];
	_ =	sdelay $0x1  }
0x2f5: {  	v2 =	vld [tilespmem:$0xE860]  }
0x2f6: {  	v0 =	vmul.f32 $1.100000020e+00, v0  }
0x2f7: {  	v3 =	vld [tilespmem:$0x19260]  }
0x2f8: {  	v0 =	vadd.f32 v1, v0;
	_ =	sdelay $0x1  }
0x2f9: {  	v0 =	vadd.f32 v2, v0;
	_ =	sdelay $0x1  }
0x2fa: {  	v0 =	vmul.f32 v3, v0;
	_ =	sdelay $0x1  }
0x2fb: {  	[tilespmem:$0xED60] =	vst v0  }
0x2fc: {  	v0 =	vld [tilespmem:s7+$0x8070];
	_ =	sdelay $0x1  }
0x2fd: {  	v1 =	vld [tilespmem:$0xEAF0];
	_ =	sdelay $0x1  }
0x2fe: {  	v2 =	vld [tilespmem:$0xE870]  }
0x2ff: {  	v0 =	vmul.f32 $1.100000020e+00, v0  }
0x300: {  	v3 =	vld [tilespmem:$0x19270]  }
0x301: {  	v0 =	vadd.f32 v1, v0;
	_ =	sdelay $0x1  }
0x302: {  	v0 =	vadd.f32 v2, v0;
	_ =	sdelay $0x1  }
0x303: {  	v0 =	vmul.f32 v3, v0;
	_ =	sdelay $0x1  }
0x304: {  	[tilespmem:$0xED70] =	vst v0  }
0x305: {  	v0 =	vld [tilespmem:s7+$0x8080];
	_ =	sdelay $0x1  }
0x306: {  	v1 =	vld [tilespmem:$0xEB00];
	_ =	sdelay $0x1  }
0x307: {  	v2 =	vld [tilespmem:$0xE880]  }
0x308: {  	v0 =	vmul.f32 $1.100000020e+00, v0  }
0x309: {  	v3 =	vld [tilespmem:$0x19280]  }
0x30a: {  	v0 =	vadd.f32 v1, v0;
	_ =	sdelay $0x1  }
0x30b: {  	v0 =	vadd.f32 v2, v0;
	_ =	sdelay $0x1  }
0x30c: {  	v0 =	vmul.f32 v3, v0;
	_ =	sdelay $0x1  }
0x30d: {  	[tilespmem:$0xED80] =	vst v0  }
0x30e: {  	v0 =	vld [tilespmem:s7+$0x8090];
	_ =	sdelay $0x1  }
0x30f: {  	v1 =	vld [tilespmem:$0xEB10];
	_ =	sdelay $0x1  }
0x310: {  	v2 =	vld [tilespmem:$0xE890]  }
0x311: {  	v0 =	vmul.f32 $1.100000020e+00, v0  }
0x312: {  	v3 =	vld [tilespmem:$0x19290]  }
0x313: {  	v0 =	vadd.f32 v1, v0;
	_ =	sdelay $0x1  }
0x314: {  	v0 =	vadd.f32 v2, v0;
	_ =	sdelay $0x1  }
0x315: {  	v0 =	vmul.f32 v3, v0;
	_ =	sdelay $0x1  }
0x316: {  	[tilespmem:$0xED90] =	vst v0  }
0x317: {  	v0 =	vld [tilespmem:s7+$0x80A0];
	_ =	sdelay $0x1  }
0x318: {  	v1 =	vld [tilespmem:$0xEB20];
	_ =	sdelay $0x1  }
0x319: {  	v2 =	vld [tilespmem:$0xE8A0]  }
0x31a: {  	v0 =	vmul.f32 $1.100000020e+00, v0  }
0x31b: {  	v3 =	vld [tilespmem:$0x192A0]  }
0x31c: {  	v0 =	vadd.f32 v1, v0;
	_ =	sdelay $0x1  }
0x31d: {  	v0 =	vadd.f32 v2, v0;
	_ =	sdelay $0x1  }
0x31e: {  	v0 =	vmul.f32 v3, v0;
	_ =	sdelay $0x1  }
0x31f: {  	[tilespmem:$0xEDA0] =	vst v0  }
0x320: {  	v0 =	vld [tilespmem:s7+$0x80B0];
	_ =	sdelay $0x1  }
0x321: {  	v1 =	vld [tilespmem:$0xEB30];
	_ =	sdelay $0x1  }
0x322: {  	v2 =	vld [tilespmem:$0xE8B0]  }
0x323: {  	v0 =	vmul.f32 $1.100000020e+00, v0  }
0x324: {  	v3 =	vld [tilespmem:$0x192B0]  }
0x325: {  	v0 =	vadd.f32 v1, v0;
	_ =	sdelay $0x1  }
0x326: {  	v0 =	vadd.f32 v2, v0;
	_ =	sdelay $0x1  }
0x327: {  	v0 =	vmul.f32 v3, v0;
	_ =	sdelay $0x1  }
0x328: {  	[tilespmem:$0xEDB0] =	vst v0  }
0x329: {  	v0 =	vld [tilespmem:s7+$0x80C0];
	_ =	sdelay $0x1  }
0x32a: {  	v1 =	vld [tilespmem:$0xEB40];
	_ =	sdelay $0x1  }
0x32b: {  	v2 =	vld [tilespmem:$0xE8C0]  }
0x32c: {  	v0 =	vmul.f32 $1.100000020e+00, v0  }
0x32d: {  	v3 =	vld [tilespmem:$0x192C0]  }
0x32e: {  	v0 =	vadd.f32 v1, v0;
	_ =	sdelay $0x1  }
0x32f: {  	v0 =	vadd.f32 v2, v0;
	_ =	sdelay $0x1  }
0x330: {  	v0 =	vmul.f32 v3, v0;
	_ =	sdelay $0x1  }
0x331: {  	[tilespmem:$0xEDC0] =	vst v0  }
0x332: {  	v0 =	vld [tilespmem:s7+$0x80D0];
	_ =	sdelay $0x1  }
0x333: {  	v1 =	vld [tilespmem:$0xEB50];
	_ =	sdelay $0x1  }
0x334: {  	v2 =	vld [tilespmem:$0xE8D0]  }
0x335: {  	v0 =	vmul.f32 $1.100000020e+00, v0  }
0x336: {  	v3 =	vld [tilespmem:$0x192D0]  }
0x337: {  	v0 =	vadd.f32 v1, v0;
	_ =	sdelay $0x1  }
0x338: {  	v0 =	vadd.f32 v2, v0;
	_ =	sdelay $0x1  }
0x339: {  	v0 =	vmul.f32 v3, v0;
	_ =	sdelay $0x1  }
0x33a: {  	[tilespmem:$0xEDD0] =	vst v0  }
0x33b: {  	v0 =	vld [tilespmem:s7+$0x80E0];
	_ =	sdelay $0x1  }
0x33c: {  	v1 =	vld [tilespmem:$0xEB60];
	_ =	sdelay $0x1  }
0x33d: {  	v2 =	vld [tilespmem:$0xE8E0]  }
0x33e: {  	v0 =	vmul.f32 $1.100000020e+00, v0  }
0x33f: {  	v3 =	vld [tilespmem:$0x192E0]  }
0x340: {  	v0 =	vadd.f32 v1, v0;
	_ =	sdelay $0x1  }
0x341: {  	v0 =	vadd.f32 v2, v0;
	_ =	sdelay $0x1  }
0x342: {  	v0 =	vmul.f32 v3, v0;
	_ =	sdelay $0x1  }
0x343: {  	[tilespmem:$0xEDE0] =	vst v0  }
0x344: {  	v0 =	vld [tilespmem:s7+$0x80F0];
	_ =	sdelay $0x1  }
0x345: {  	v1 =	vld [tilespmem:$0xEB70];
	_ =	sdelay $0x1  }
0x346: {  	v2 =	vld [tilespmem:$0xE8F0]  }
0x347: {  	v0 =	vmul.f32 $1.100000020e+00, v0  }
0x348: {  	v3 =	vld [tilespmem:$0x192F0]  }
0x349: {  	v0 =	vadd.f32 v1, v0;
	_ =	sdelay $0x1  }
0x34a: {  	v0 =	vadd.f32 v2, v0;
	_ =	sdelay $0x1  }
0x34b: {  	v0 =	vmul.f32 v3, v0;
	_ =	sdelay $0x1  }
0x34c: {  	[tilespmem:$0xEDF0] =	vst v0  }
0x34d: {  	v0 =	vld [tilespmem:s7+$0x8100];
	_ =	sdelay $0x1  }
0x34e: {  	v1 =	vld [tilespmem:$0xEB80];
	_ =	sdelay $0x1  }
0x34f: {  	v2 =	vld [tilespmem:$0xE900]  }
0x350: {  	v0 =	vmul.f32 $1.100000020e+00, v0  }
0x351: {  	v3 =	vld [tilespmem:$0x19300]  }
0x352: {  	v0 =	vadd.f32 v1, v0;
	_ =	sdelay $0x1  }
0x353: {  	v0 =	vadd.f32 v2, v0;
	_ =	sdelay $0x1  }
0x354: {  	v0 =	vmul.f32 v3, v0;
	_ =	sdelay $0x1  }
0x355: {  	[tilespmem:$0xEE00] =	vst v0  }
0x356: {  	v0 =	vld [tilespmem:s7+$0x8110];
	_ =	sdelay $0x1  }
0x357: {  	v1 =	vld [tilespmem:$0xEB90];
	_ =	sdelay $0x1  }
0x358: {  	v2 =	vld [tilespmem:$0xE910]  }
0x359: {  	v0 =	vmul.f32 $1.100000020e+00, v0  }
0x35a: {  	v3 =	vld [tilespmem:$0x19310]  }
0x35b: {  	v0 =	vadd.f32 v1, v0;
	_ =	sdelay $0x1  }
0x35c: {  	v0 =	vadd.f32 v2, v0;
	_ =	sdelay $0x1  }
0x35d: {  	v0 =	vmul.f32 v3, v0;
	_ =	sdelay $0x1  }
0x35e: {  	[tilespmem:$0xEE10] =	vst v0  }
0x35f: {  	v0 =	vld [tilespmem:s7+$0x8120];
	_ =	sdelay $0x1  }
0x360: {  	v1 =	vld [tilespmem:$0xEBA0];
	_ =	sdelay $0x1  }
0x361: {  	v2 =	vld [tilespmem:$0xE920]  }
0x362: {  	v0 =	vmul.f32 $1.100000020e+00, v0  }
0x363: {  	v3 =	vld [tilespmem:$0x19320]  }
0x364: {  	v0 =	vadd.f32 v1, v0;
	_ =	sdelay $0x1  }
0x365: {  	v0 =	vadd.f32 v2, v0;
	_ =	sdelay $0x1  }
0x366: {  	v0 =	vmul.f32 v3, v0;
	_ =	sdelay $0x1  }
0x367: {  	[tilespmem:$0xEE20] =	vst v0  }
0x368: {  	v0 =	vld [tilespmem:s7+$0x8130];
	_ =	sdelay $0x1  }
0x369: {  	v1 =	vld [tilespmem:$0xEBB0];
	_ =	sdelay $0x1  }
0x36a: {  	v2 =	vld [tilespmem:$0xE930]  }
0x36b: {  	v0 =	vmul.f32 $1.100000020e+00, v0  }
0x36c: {  	v3 =	vld [tilespmem:$0x19330]  }
0x36d: {  	v0 =	vadd.f32 v1, v0;
	_ =	sdelay $0x1  }
0x36e: {  	v0 =	vadd.f32 v2, v0;
	_ =	sdelay $0x1  }
0x36f: {  	v0 =	vmul.f32 v3, v0;
	_ =	sdelay $0x1  }
0x370: {  	s25 =	simm.s32 $0xF600;
	[tilespmem:$0xEE30] =	vst v0  }
0x371: {  	v1 =	vld [tilespmem:s25+$0x300]  }
0x372: {  	v5 =	vld [tilespmem:s25+$0x310]  }
0x373: {  	v7 =	vld [tilespmem:s25+$0x320]  }
0x374: {  	v9 =	vld [tilespmem:s25+$0x330]  }
0x375: {  	v10 =	vld [tilespmem:s25+$0x340]  }
0x376: {  	v11 =	vld [tilespmem:s25+$0x350]  }
0x377: {  	v14 =	vld [tilespmem:s25+$0x360]  }
0x378: {  	v15 =	vld [tilespmem:s25+$0x370]  }
0x379: {  	v18 =	vld [tilespmem:s25+$0x380]  }
0x37a: {  	v19 =	vld [tilespmem:s25+$0x390]  }
0x37b: {  	v3 =	vld [tilespmem:s25+$0x3A0]  }
0x37c: {  	v4 =	vld [tilespmem:s25+$0x3B0]  }
0x37d: {  	v0 =	vld [tilespmem:s25+$0x3C0]  }
0x37e: {  	v2 =	vld [tilespmem:s25+$0x3D0]  }
0x37f: {  	v16 =	vld [tilespmem:s25+$0x200]  }
0x380: {  	v17 =	vld [tilespmem:s25+$0x210]  }
0x381: {  	v22 =	vld [tilespmem:s25+$0x220]  }
0x382: {  	v23 =	vld [tilespmem:s25+$0x230]  }
0x383: {  	v24 =	vld [tilespmem:s25+$0x240]  }
0x384: {  	v25 =	vld [tilespmem:s25+$0x250]  }
0x385: {  	v26 =	vld [tilespmem:s25+$0x260]  }
0x386: {  	v29 =	vld [tilespmem:s25+$0x270]  }
0x387: {  	v27 =	vld [tilespmem:s25+$0x280]  }
0x388: {  	v31 =	vld [tilespmem:s25+$0x290]  }
0x389: {  	v20 =	vld [tilespmem:s25+$0x2A0]  }
0x38a: {  	s28 =	simm.s32 $0xED00;
	v6 =	vld [tilespmem:s25+$0x2B0]  }
0x38b: {  	v8 =	vld [tilespmem:s28+$0x0]  }
0x38c: {  	v21 =	vld [tilespmem:s25+$0x2C0]  }
0x38d: {  	v28 =	vld [tilespmem:s25+$0x2D0]  }
0x38e: {  	v30 =	vld [tilespmem:s25+$0x100]  }
0x38f: {  	v36 =	vld [tilespmem:s25+$0x110]  }
0x390: {  	v37 =	vld [tilespmem:s25+$0x120]  }
0x391: {  	v38 =	vld [tilespmem:s25+$0x130]  }
0x392: {  	v39 =	vld [tilespmem:s25+$0x140]  }
0x393: {  	v42 =	vld [tilespmem:s25+$0x150]  }
0x394: {  	v43 =	vld [tilespmem:s25+$0x160]  }
0x395: {  	v44 =	vld [tilespmem:s25+$0x170]  }
0x396: {  	v34 =	vld [tilespmem:s25+$0x180]  }
0x397: {  	v49 =	vld [tilespmem:s25+$0xFFFFFE00];
	v40 =	vbroadcast v8, $0xE;
	v46 =	vbroadcast v8, $0xC  }
0x398: {  	v52 =	vld [tilespmem:s25+$0xFFFFFD00];
	v12 =	vbroadcast v8, $0x4;
	v13 =	vbroadcast v8, $0x2  }
0x399: {  	v55 =	vld [tilespmem:s25+$0xFFFFFD10];
	v48 =	vbroadcast v8, $0x0;
	v50 =	vmul.f32 v1, v40  }
0x39a: {  	v56 =	vld [tilespmem:s25+$0xFFFFFC30];
	v51 =	vmul.f32 v5, v40;
	v53 =	vmul.f32 v7, v40  }
0x39b: {  	v60 =	vld [tilespmem:s25+$0xFFFFFE30];
	v54 =	vmul.f32 v9, v40;
	v7 =	vmul.f32 v10, v40  }
0x39c: {  	v1 =	vmul.f32 v11, v40;
	v11 =	vld [tilespmem:s25+$0xFFFFFC00];
	v32 =	vmul.f32 v14, v40  }
0x39d: {  	v5 =	vmul.f32 v15, v40;
	v14 =	vld [tilespmem:s25+$0xFFFFFC10];
	v15 =	vmul.f32 v16, v46  }
0x39e: {  	v16 =	vmul.f32 v17, v46;
	v17 =	vld [tilespmem:s25+$0xFFFFFC20];
	v22 =	vmul.f32 v22, v46  }
0x39f: {  	v23 =	vmul.f32 v23, v46;
	v41 =	vmul.f32 v24, v46;
	v24 =	vld [tilespmem:s25+$0xFFFFFD20]  }
0x3a0: {  	v61 =	vmul.f32 v25, v46;
	v10 =	vmul.f32 v26, v46;
	v25 =	vld [tilespmem:s25+$0xFFFFFD30]  }
0x3a1: {  	v9 =	vmul.f32 v29, v46;
	v26 =	vld [tilespmem:s25+$0xFFFFFE10];
	v29 =	vmul.f32 v52, v13  }
0x3a2: {  	v46 =	vld [tilespmem:s25+$0xFFFFFE20];
	v63 =	vmul.f32 v55, v13;
	v56 =	vmul.f32 v56, v48  }
0x3a3: {  	v45 =	vld [tilespmem:s25+$0x0];
	v49 =	vmul.f32 v49, v12;
	v55 =	vmul.f32 v60, v12  }
0x3a4: {  	v57 =	vld [tilespmem:s25+$0xFFFFFF00];
	v40 =	vimm.f32 $0.0e+00;
	v11 =	vmul.f32 v11, v48;
	v14 =	vmul.f32 v14, v48  }
0x3a5: {  	v58 =	vld [tilespmem:s25+$0xFFFFFF10];
	v56 =	vadd.f32 v56, v40;
	v17 =	vmul.f32 v17, v48;
	v25 =	vmul.f32 v25, v13  }
0x3a6: {  	v62 =	vld [tilespmem:s25+$0xFFFFFF20];
	v24 =	vmul.f32 v24, v13;
	v26 =	vmul.f32 v26, v12;
	v11 =	vadd.f32 v11, v40  }
0x3a7: {  	v47 =	vld [tilespmem:s25+$0x10];
	v46 =	vmul.f32 v46, v12;
	v14 =	vadd.f32 v14, v40;
	v25 =	vadd.f32 v25, v56  }
0x3a8: {  	v35 =	vld [tilespmem:s25+$0x190];
	v17 =	vadd.f32 v17, v40;
	v11 =	vadd.f32 v29, v11;
	v29 =	vbroadcast v8, $0x6  }
0x3a9: {  	v33 =	vld [tilespmem:s25+$0x1A0];
	v14 =	vadd.f32 v63, v14;
	v25 =	vadd.f32 v55, v25;
	v55 =	vbroadcast v8, $0x8  }
0x3aa: {  	v60 =	vld [tilespmem:s25+$0x60];
	v11 =	vadd.f32 v49, v11;
	v49 =	vbroadcast v8, $0xA;
	v57 =	vmul.f32 v57, v29  }
0x3ab: {  	v17 =	vadd.f32 v24, v17;
	v24 =	vld [tilespmem:s25+$0xFFFFFF30];
	v58 =	vmul.f32 v58, v29;
	v52 =	vmul.f32 v62, v29  }
0x3ac: {  	v63 =	vld [tilespmem:s25+$0x20];
	v45 =	vmul.f32 v45, v55;
	v47 =	vmul.f32 v47, v55  }
0x3ad: {  	v14 =	vadd.f32 v26, v14;
	v26 =	vld [tilespmem:s25+$0x30];
	v30 =	vmul.f32 v30, v49;
	v36 =	vmul.f32 v36, v49  }
0x3ae: {  	v17 =	vadd.f32 v46, v17;
	v46 =	vld [tilespmem:s25+$0x40];
	v37 =	vmul.f32 v37, v49;
	v38 =	vmul.f32 v38, v49  }
0x3af: {  	v62 =	vld [tilespmem:s25+$0x70];
	v59 =	vmul.f32 v39, v49;
	v42 =	vmul.f32 v42, v49  }
0x3b0: {  	v11 =	vadd.f32 v57, v11;
	v57 =	vld [tilespmem:s25+$0x50];
	v43 =	vmul.f32 v43, v49;
	v49 =	vmul.f32 v44, v49  }
0x3b1: {  	v14 =	vadd.f32 v58, v14;
	v44 =	vmul.f32 v60, v55;
	v60 =	vld [tilespmem:s25+$0xFFFFFF50];
	v24 =	vmul.f32 v24, v29  }
0x3b2: {  	v17 =	vadd.f32 v52, v17;
	v56 =	vmul.f32 v63, v55;
	v11 =	vadd.f32 v45, v11;
	v45 =	vld [tilespmem:s25+$0xFFFFFE40]  }
0x3b3: {  	v14 =	vadd.f32 v47, v14;
	v47 =	vld [tilespmem:s25+$0xFFFFFC50];
	v24 =	vadd.f32 v24, v25  }
0x3b4: {  	v26 =	vmul.f32 v26, v55;
	v17 =	vadd.f32 v56, v17;
	v56 =	vld [tilespmem:s25+$0xFFFFFD40];
	v11 =	vadd.f32 v30, v11  }
0x3b5: {  	v25 =	vld [tilespmem:s25+$0xFFFFFF40];
	v14 =	vadd.f32 v36, v14;
	v30 =	vmul.f32 v46, v55;
	v46 =	vmul.f32 v62, v55  }
0x3b6: {  	v63 =	vld [tilespmem:s25+$0xFFFFFC40];
	v24 =	vadd.f32 v26, v24;
	v17 =	vadd.f32 v37, v17;
	v37 =	vmul.f32 v57, v55  }
0x3b7: {  	v26 =	vld [tilespmem:s25+$0xFFFFFC60];
	v60 =	vmul.f32 v60, v29;
	v15 =	vadd.f32 v15, v11;
	v14 =	vadd.f32 v16, v14  }
0x3b8: {  	v36 =	vld [tilespmem:s25+$0xFFFFFC70];
	v11 =	vbroadcast v8, $0xF;
	v24 =	vadd.f32 v38, v24;
	v57 =	vmul.f32 v47, v48  }
0x3b9: {  	v16 =	vld [tilespmem:s25+$0xFFFFFD50];
	v17 =	vadd.f32 v22, v17;
	v45 =	vmul.f32 v45, v12;
	v38 =	vmul.f32 v56, v13  }
0x3ba: {  	v58 =	vld [tilespmem:s25+$0xFFFFFE50];
	v62 =	vadd.f32 v50, v15;
	v25 =	vmul.f32 v25, v29;
	v47 =	vmul.f32 v18, v11  }
0x3bb: {  	v18 =	vmul.f32 v19, v11;
	v22 =	vadd.f32 v23, v24;
	v23 =	vld [tilespmem:s25+$0xFFFFFD60];
	v24 =	vmul.f32 v63, v48  }
0x3bc: {  	v15 =	vld [tilespmem:s25+$0xFFFFFD70];
	v63 =	vadd.f32 v51, v14;
	v17 =	vadd.f32 v53, v17;
	v14 =	vmul.f32 v26, v48  }
0x3bd: {  	v55 =	vld [tilespmem:s25+$0x1D0];
	v26 =	vmul.f32 v36, v48;
	v24 =	vadd.f32 v24, v40;
	v22 =	vadd.f32 v54, v22  }
0x3be: {  	v39 =	vadd.f32 v57, v40;
	[tilespmem:$0x1FF50] =	vst v17;
	v17 =	vld [tilespmem:s25+$0xFFFFFE60];
	v16 =	vmul.f32 v16, v13;
	v14 =	vadd.f32 v14, v40  }
0x3bf: {  	v36 =	vmul.f32 v2, v11;
	v26 =	vadd.f32 v26, v40;
	[tilespmem:$0x1FF60] =	vst v22;
	v22 =	vld [tilespmem:s25+$0xFFFFFE70];
	v24 =	vadd.f32 v38, v24  }
0x3c0: {  	v56 =	vld [tilespmem:s25+$0x80];
	v39 =	vadd.f32 v16, v39;
	v16 =	vbroadcast v8, $0xD;
	v23 =	vmul.f32 v23, v13  }
0x3c1: {  	v48 =	vld [tilespmem:s25+$0x1B0];
	v13 =	vmul.f32 v15, v13;
	v24 =	vadd.f32 v45, v24;
	v45 =	vmul.f32 v4, v11  }
0x3c2: {  	v15 =	vld [tilespmem:s25+$0xFFFFFF60];
	v50 =	vmul.f32 v27, v16;
	v38 =	vmul.f32 v21, v16;
	v14 =	vadd.f32 v23, v14  }
0x3c3: {  	v23 =	vld [tilespmem:s25+$0xFFFFFF70];
	v13 =	vadd.f32 v13, v26;
	v26 =	vmul.f32 v58, v12;
	v58 =	vmul.f32 v17, v12  }
0x3c4: {  	v19 =	vld [tilespmem:s25+$0xFFFFFC90];
	v17 =	vbroadcast v8, $0xB;
	v12 =	vmul.f32 v22, v12  }
0x3c5: {  	v57 =	vld [tilespmem:s25+$0x90];
	v26 =	vadd.f32 v26, v39;
	v22 =	vbroadcast v8, $0x9;
	v39 =	vmul.f32 v28, v16  }
0x3c6: {  	[tilespmem:$0x1FF70] =	vst v18;
	v18 =	vld [tilespmem:s25+$0xD0];
	v52 =	vmul.f32 v34, v17;
	v53 =	vmul.f32 v35, v17  }
0x3c7: {  	v2 =	vld [tilespmem:s25+$0xFFFFFF90];
	v14 =	vadd.f32 v58, v14;
	v21 =	vmul.f32 v33, v17;
	v15 =	vmul.f32 v15, v29  }
0x3c8: {  	v54 =	vld [tilespmem:s25+$0x1C0];
	v51 =	vmul.f32 v48, v17;
	v12 =	vadd.f32 v12, v13;
	v13 =	vmul.f32 v23, v29  }
0x3c9: {  	v4 =	vld [tilespmem:s25+$0xFFFFFF80];
	v23 =	vadd.f32 v25, v24;
	v25 =	vbroadcast v8, $0x7;
	v14 =	vadd.f32 v15, v14  }
0x3ca: {  	v58 =	vld [tilespmem:s25+$0xA0];
	v24 =	vadd.f32 v60, v26;
	v26 =	vbroadcast v8, $0x5;
	v12 =	vadd.f32 v13, v12  }
0x3cb: {  	v29 =	vbroadcast v8, $0x3;
	v60 =	vld [tilespmem:s25+$0xC0];
	v15 =	vadd.f32 v30, v23;
	v14 =	vadd.f32 v44, v14  }
0x3cc: {  	v13 =	vld [tilespmem:s25+$0xB0];
	v30 =	vbroadcast v8, $0x1;
	v8 =	vadd.f32 v37, v24;
	v37 =	vmul.f32 v0, v11  }
0x3cd: {  	v0 =	vadd.f32 v59, v15;
	v59 =	vmul.f32 v6, v16;
	v6 =	vadd.f32 v43, v14;
	v14 =	vld [tilespmem:s25+$0xFFFFFD90]  }
0x3ce: {  	v44 =	vmul.f32 v3, v11;
	v3 =	vadd.f32 v46, v12;
	v12 =	vmul.f32 v31, v16;
	v15 =	vld [tilespmem:s25+$0xFFFFFC80]  }
0x3cf: {  	v4 =	vmul.f32 v4, v25;
	v46 =	vmul.f32 v20, v16;
	v20 =	vld [tilespmem:s25+$0xFFFFFCA0]  }
0x3d0: {  	v2 =	vmul.f32 v2, v25;
	v23 =	vimm.f32 $0.0e+00;
	v8 =	vadd.f32 v42, v8;
	[tilespmem:$0x1FF80] =	vst v12;
	v12 =	vld [tilespmem:s25+$0xFFFFFD80]  }
0x3d1: {  	v24 =	vimm.f32 $0.0e+00;
	v3 =	vadd.f32 v49, v3;
	v6 =	vadd.f32 v10, v6;
	v10 =	vld [tilespmem:s25+$0xFFFFFCB0]  }
0x3d2: {  	v42 =	vmul.f32 v55, v17;
	v0 =	vadd.f32 v41, v0;
	v55 =	vmul.f32 v13, v22;
	v13 =	vld [tilespmem:s25+$0xFFFFFFC0]  }
0x3d3: {  	v31 =	vmul.f32 v56, v22;
	v8 =	vadd.f32 v61, v8;
	v3 =	vadd.f32 v9, v3;
	v9 =	vld [tilespmem:s25+$0xFFFFFDA0]  }
0x3d4: {  	v48 =	vmul.f32 v60, v22;
	v41 =	vmul.f32 v54, v17;
	v28 =	vadd.f32 v7, v0;
	v0 =	vld [tilespmem:s25+$0xFFFFFDB0]  }
0x3d5: {  	v27 =	vadd.f32 v1, v8;
	v1 =	vld [tilespmem:s25+$0xFFFFFE80];
	v8 =	vmul.f32 v19, v30;
	v34 =	vadd.f32 v32, v6  }
0x3d6: {  	v6 =	vld [tilespmem:s25+$0xFFFFFE90];
	v15 =	vmul.f32 v15, v30;
	v35 =	vadd.f32 v5, v3;
	v7 =	vmul.f32 v12, v29  }
0x3d7: {  	v3 =	vld [tilespmem:s25+$0xFFFFFEA0];
	v8 =	vadd.f32 v8, v40;
	v12 =	vmul.f32 v14, v29;
	v14 =	vmul.f32 v20, v30  }
0x3d8: {  	v61 =	vmul.f32 v57, v22;
	v15 =	vadd.f32 v15, v40;
	v5 =	vmul.f32 v10, v30;
	v10 =	vld [tilespmem:s25+$0xFFFFFEB0]  }
0x3d9: {  	v9 =	vmul.f32 v9, v29;
	v14 =	vadd.f32 v14, v40;
	v8 =	vadd.f32 v12, v8;
	v12 =	vld [tilespmem:s25+$0xFFFFFFA0]  }
0x3da: {  	v7 =	vadd.f32 v7, v15;
	v5 =	vadd.f32 v5, v40;
	v1 =	vmul.f32 v1, v26;
	v15 =	vld [tilespmem:s25+$0xFFFFFFD0]  }
0x3db: {  	v0 =	vmul.f32 v0, v29;
	v6 =	vmul.f32 v6, v26;
	v9 =	vadd.f32 v9, v14;
	v14 =	vld [tilespmem:s25+$0xFFFFFFB0]  }
0x3dc: {  	v49 =	vmul.f32 v18, v22;
	v18 =	vld [tilespmem:s25+$0xFFFFFEC0];
	v3 =	vmul.f32 v3, v26;
	v1 =	vadd.f32 v1, v7  }
0x3dd: {  	p3 =	sne.s32 s24, $0x40;
	v0 =	vadd.f32 v0, v5;
	v7 =	vadd.f32 v6, v8;
	v5 =	vmul.f32 v10, v26  }
.Ltmp6:
0x3de: {  	v54 =	vmul.f32 v58, v22;
	v6 =	vld [tilespmem:s25+$0xFFFFFED0];
	v3 =	vadd.f32 v3, v9;
	v4 =	vadd.f32 v4, v1;
	(pc) =	sbr.rel @!p3 .LBB2_15-.Ltmp6, $4  }
0x3df: {  	v8 =	vmul.f32 v12, v25;
	v9 =	vadd.f32 v5, v0;
	v5 =	vld [tilespmem:s25+$0xFFFFFDC0];
	v0 =	vmul.f32 v13, v25  }
0x3e0: {  	v1 =	vmul.f32 v15, v25;
	v12 =	vmul.f32 v14, v25;
	v14 =	vadd.f32 v2, v7;
	v7 =	vld [tilespmem:s25+$0xFFFFFDD0]  }
0x3e1: {  	v10 =	vadd.f32 v8, v3;
	v8 =	vld [tilespmem:s25+$0xFFFFFCC0];
	v2 =	vmul.f32 v18, v26;
	v3 =	vadd.f32 v31, v4  }
0x3e2: {  	s29 =	sadd.s32 $0xFFFFFFC0, s24;
	v31 =	vimm.f32 $0.0e+00;
	v12 =	vadd.f32 v12, v9;
	v4 =	vadd.f32 v61, v14;
	v9 =	vld [tilespmem:s25+$0xFFFFFCD0]  }
.LBB2_14:
0x3e3: {  	v3 =	vadd.f32 v52, v3;
	_ =	sdelay $0x1  }
0x3e4: {  	v3 =	vadd.f32 v50, v3  }
0x3e5: {  	v19 =	vld [tilespmem:$0x1FF80]  }
0x3e6: {  	v10 =	vadd.f32 v54, v10;
	v3 =	vadd.f32 v47, v3  }
0x3e7: {  	v13 =	vld [tilespmem:s25+$0xFFFFFCE0];
	v12 =	vadd.f32 v55, v12  }
0x3e8: {  	v4 =	vadd.f32 v53, v4;
	v10 =	vadd.f32 v21, v10;
	[tilespmem:$0x1FF00] =	vst v3;
	v3 =	vld [tilespmem:$0x1FF70]  }
0x3e9: {  	v14 =	vld [tilespmem:s25+$0xFFFFFCF0];
	v12 =	vadd.f32 v51, v12;
	v8 =	vmul.f32 v8, v30  }
0x3ea: {  	v15 =	vld [tilespmem:s25+$0xFFFFFDE0];
	v9 =	vmul.f32 v9, v30;
	v4 =	vadd.f32 v19, v4;
	v10 =	vadd.f32 v46, v10  }
0x3eb: {  	v18 =	vld [tilespmem:s25+$0xFFFFFDF0];
	v5 =	vmul.f32 v5, v29;
	v12 =	vadd.f32 v59, v12;
	v8 =	vadd.f32 v8, v40  }
0x3ec: {  	v20 =	vld [tilespmem:s25+$0xFFFFFEF0];
	v7 =	vmul.f32 v7, v29;
	v9 =	vadd.f32 v9, v23;
	v10 =	vadd.f32 v44, v10  }
0x3ed: {  	v19 =	vld [tilespmem:s25+$0xFFFFFEE0];
	v5 =	vadd.f32 v5, v8;
	v3 =	vadd.f32 v3, v4  }
0x3ee: {  	v13 =	vmul.f32 v13, v30;
	v7 =	vadd.f32 v7, v9;
	v9 =	vld [tilespmem:s25+$0xF0];
	[tilespmem:$0x1FF20] =	vst v10;
	v10 =	vadd.f32 v45, v12  }
0x3ef: {  	v6 =	vmul.f32 v6, v26;
	v12 =	vld [tilespmem:s25+$0xFFFFFFF0];
	[tilespmem:$0x1FF10] =	vst v3;
	v3 =	vmul.f32 v14, v30  }
0x3f0: {  	v13 =	vadd.f32 v13, v24;
	v2 =	vadd.f32 v2, v5;
	[tilespmem:$0x1FF30] =	vst v10;
	v10 =	vmul.f32 v15, v29;
	v4 =	vld [tilespmem:s25+$0xFFFFFFE0]  }
0x3f1: {  	v5 =	vadd.f32 v6, v7;
	v6 =	vld [tilespmem:s25+$0x1F0];
	v14 =	vmul.f32 v18, v29;
	v3 =	vadd.f32 v3, v31  }
0x3f2: {  	v8 =	vmul.f32 v19, v26;
	v15 =	vld [tilespmem:s25+$0xE0];
	v10 =	vadd.f32 v10, v13  }
0x3f3: {  	v1 =	vadd.f32 v1, v5;
	v5 =	vld [tilespmem:s25+$0x2F0];
	v13 =	vmul.f32 v20, v26;
	v3 =	vadd.f32 v14, v3  }
0x3f4: {  	v7 =	vadd.f32 v8, v10;
	v10 =	vld [tilespmem:s25+$0x2E0]  }
0x3f5: {  	v8 =	vmul.f32 v12, v25;
	v4 =	vmul.f32 v4, v25;
	v14 =	vld [tilespmem:s25+$0x1E0];
	v3 =	vadd.f32 v13, v3  }
0x3f6: {  	v0 =	vadd.f32 v0, v2;
	v12 =	vld [tilespmem:s25+$0x3F0]  }
0x3f7: {  	v2 =	vmul.f32 v15, v22;
	v4 =	vadd.f32 v4, v7;
	v3 =	vadd.f32 v8, v3;
	v8 =	vld [tilespmem:s25+$0x3E0];
	s25 =	sadd.s32 $0x800, s25  }
0x3f8: {  	v13 =	vld [tilespmem:s25+$0x300]  }
0x3f9: {  	v2 =	vadd.f32 v2, v4;
	v4 =	vmul.f32 v6, v17;
	v6 =	vmul.f32 v10, v16;
	v10 =	vld [tilespmem:s25+$0x320]  }
0x3fa: {  	v7 =	vmul.f32 v9, v22;
	v9 =	vmul.f32 v14, v17;
	v14 =	vld [tilespmem:s25+$0x330]  }
0x3fb: {  	v15 =	vld [tilespmem:s25+$0x340]  }
0x3fc: {  	v18 =	vld [tilespmem:s25+$0x3A0]  }
0x3fd: {  	v19 =	vld [tilespmem:s25+$0x3B0]  }
0x3fe: {  	v20 =	vld [tilespmem:s25+$0x3C0]  }
0x3ff: {  	v23 =	vld [tilespmem:s25+$0x3D0]  }
0x400: {  	[tilespmem:$0x1FDC0] =	vst v27;
	v27 =	vld [tilespmem:s25+$0x200]  }
0x401: {  	[tilespmem:$0x1FDB0] =	vst v28;
	v28 =	vld [tilespmem:s25+$0x210]  }
0x402: {  	[tilespmem:$0x1FDE0] =	vst v34;
	v34 =	vld [tilespmem:s25+$0x220]  }
0x403: {  	[tilespmem:$0x1FDF0] =	vst v35;
	v0 =	vadd.f32 v48, v0;
	v35 =	vld [tilespmem:s25+$0x230]  }
0x404: {  	v1 =	vadd.f32 v49, v1;
	v40 =	vld [tilespmem:s25+$0x240]  }
0x405: {  	v0 =	vadd.f32 v41, v0;
	v41 =	vld [tilespmem:s25+$0x250]  }
0x406: {  	v1 =	vadd.f32 v42, v1;
	v42 =	vld [tilespmem:s25+$0x260]  }
0x407: {  	v0 =	vadd.f32 v38, v0;
	v44 =	vld [tilespmem:s25+$0x270];
	v3 =	vadd.f32 v7, v3  }
0x408: {  	v1 =	vadd.f32 v39, v1;
	v45 =	vld [tilespmem:s25+$0x280];
	v2 =	vadd.f32 v9, v2  }
0x409: {  	v0 =	vadd.f32 v37, v0;
	v47 =	vld [tilespmem:s25+$0x290];
	v3 =	vadd.f32 v4, v3  }
0x40a: {  	v48 =	vld [tilespmem:s25+$0x2A0];
	v4 =	vmul.f32 v5, v16;
	v5 =	vmul.f32 v8, v11;
	v2 =	vadd.f32 v6, v2  }
0x40b: {  	[tilespmem:$0x1FD40] =	vst v0;
	v0 =	vadd.f32 v36, v1;
	v49 =	vld [tilespmem:s25+$0x2B0]  }
0x40c: {  	v50 =	vld [tilespmem:s25+$0x2C0];
	v3 =	vadd.f32 v4, v3;
	v4 =	vmul.f32 v12, v11;
	v1 =	vadd.f32 v5, v2  }
0x40d: {  	v51 =	vld [tilespmem:s25+$0x2D0]  }
0x40e: {  	v52 =	vld [tilespmem:s25+$0x100];
	[tilespmem:$0x1FF40] =	vst v1;
	v1 =	vadd.f32 v4, v3  }
0x40f: {  	s28 =	sadd.s32 $0x10, s28;
	v53 =	vld [tilespmem:s25+$0x110]  }
0x410: {  	[tilespmem:$0x1FE60] =	vst v1;
	v1 =	vld [tilespmem:s28+$0x0]  }
0x411: {  	v54 =	vld [tilespmem:s25+$0x120]  }
0x412: {  	[tilespmem:$0x1FE00] =	vst v0;
	v0 =	vld [tilespmem:s25+$0x360]  }
0x413: {  	v2 =	vld [tilespmem:s25+$0x370]  }
0x414: {  	v3 =	vld [tilespmem:s25+$0x380]  }
0x415: {  	v55 =	vld [tilespmem:s25+$0x130];
	v24 =	vbroadcast v1, $0xE;
	v11 =	vbroadcast v1, $0xF  }
0x416: {  	v4 =	vld [tilespmem:s25+$0x390];
	v46 =	vbroadcast v1, $0xC;
	v16 =	vbroadcast v1, $0xD  }
0x417: {  	v31 =	vld [tilespmem:s25+$0x140];
	v21 =	vbroadcast v1, $0xA;
	v0 =	vmul.f32 v0, v24  }
0x418: {  	v56 =	vld [tilespmem:s25+$0x150];
	v17 =	vbroadcast v1, $0xB;
	v32 =	vbroadcast v1, $0x8  }
0x419: {  	v7 =	vld [tilespmem:s25+$0x310];
	[tilespmem:$0x1FEE0] =	vst v0;
	v0 =	vmul.f32 v2, v24;
	v2 =	vmul.f32 v3, v11  }
0x41a: {  	v57 =	vld [tilespmem:s25+$0x160];
	v22 =	vbroadcast v1, $0x9;
	v60 =	vbroadcast v1, $0x6  }
0x41b: {  	v58 =	vld [tilespmem:s25+$0x170];
	v25 =	vbroadcast v1, $0x7;
	[tilespmem:$0x1FE40] =	vst v2;
	v2 =	vmul.f32 v4, v11  }
0x41c: {  	v59 =	vld [tilespmem:s25+$0x180];
	v61 =	vbroadcast v1, $0x4;
	v9 =	vmul.f32 v13, v24  }
0x41d: {  	v36 =	vld [tilespmem:s25+$0x1C0];
	v26 =	vbroadcast v1, $0x5;
	[tilespmem:$0x1FF70] =	vst v2;
	v2 =	vmul.f32 v20, v11  }
0x41e: {  	v39 =	vld [tilespmem:s25+$0xB0];
	v5 =	vbroadcast v1, $0x2;
	v7 =	vmul.f32 v7, v24;
	[tilespmem:$0x1FD70] =	vst v9  }
0x41f: {  	v8 =	vmov v62;
	v62 =	vld [tilespmem:s25+$0x1A0];
	v29 =	vbroadcast v1, $0x3;
	[tilespmem:$0x1FDD0] =	vst v2;
	v2 =	vmul.f32 v23, v11  }
0x420: {  	v12 =	vld [tilespmem:s25+$0x350];
	v6 =	vbroadcast v1, $0x0;
	[tilespmem:$0x1FD80] =	vst v7;
	v7 =	vmul.f32 v10, v24  }
0x421: {  	v30 =	vbroadcast v1, $0x1;
	v1 =	vmov v63;
	v63 =	vld [tilespmem:s25+$0x1B0];
	[tilespmem:$0x1FE10] =	vst v2;
	v2 =	vmul.f32 v34, v46  }
0x422: {  	v13 =	vmul.f32 v19, v11;
	v19 =	vld [tilespmem:s25+$0x40];
	[tilespmem:$0x1FD90] =	vst v7;
	v7 =	vmul.f32 v14, v24  }
0x423: {  	v3 =	vld [tilespmem:s25+$0x10];
	[tilespmem:$0x1FD50] =	vst v2;
	v2 =	vmul.f32 v35, v46  }
0x424: {  	[tilespmem:$0x1FDA0] =	vst v7;
	v7 =	vmul.f32 v15, v24;
	v15 =	vld [tilespmem:s25+$0x1D0]  }
0x425: {  	v34 =	vld [tilespmem:s25+$0x60];
	[tilespmem:$0x1FD60] =	vst v2;
	v2 =	vmul.f32 v40, v46  }
0x426: {  	v9 =	vmul.f32 v18, v11;
	v18 =	vld [tilespmem:s25+$0x30];
	[tilespmem:$0x1FEF0] =	vst v0;
	v23 =	vmul.f32 v31, v21  }
0x427: {  	v10 =	vld [tilespmem:s25+$0xC0];
	[tilespmem:$0x1FE80] =	vst v2;
	v2 =	vmul.f32 v41, v46  }
0x428: {  	v43 =	vmul.f32 v27, v46;
	v0 =	vld [tilespmem:s25+$0x0];
	[tilespmem:$0x1FE20] =	vst v23  }
0x429: {  	v4 =	vld [tilespmem:s25+$0x20];
	v23 =	vmul.f32 v56, v21;
	[tilespmem:$0x1FE90] =	vst v2;
	v2 =	vmul.f32 v42, v46  }
0x42a: {  	v42 =	vmul.f32 v15, v17;
	v15 =	vmul.f32 v34, v32;
	v34 =	vld [tilespmem:s25+$0xFFFFFC10]  }
0x42b: {  	v37 =	vmul.f32 v52, v21;
	v35 =	vld [tilespmem:s25+$0x70];
	[tilespmem:$0x1FEA0] =	vst v2;
	v2 =	vmul.f32 v44, v46  }
0x42c: {  	v19 =	vmul.f32 v19, v32;
	v20 =	vld [tilespmem:s25+$0x50];
	[tilespmem:$0x1FE30] =	vst v23;
	v23 =	vmul.f32 v57, v21  }
0x42d: {  	[tilespmem:$0x1FEB0] =	vst v2;
	v2 =	vmul.f32 v47, v16;
	v47 =	vmul.f32 v48, v16;
	v48 =	vld [tilespmem:s25+$0x90]  }
0x42e: {  	v31 =	vmul.f32 v62, v17;
	v62 =	vmul.f32 v3, v32;
	v56 =	vld [tilespmem:s25+$0xD0]  }
0x42f: {  	v3 =	vmul.f32 v4, v32;
	[tilespmem:$0x1FE50] =	vst v23;
	v23 =	vld [tilespmem:s25+$0xFFFFFE20];
	v34 =	vmul.f32 v34, v6  }
0x430: {  	v4 =	vmul.f32 v18, v32;
	v18 =	vmul.f32 v35, v32;
	v35 =	vld [tilespmem:s25+$0xFFFFFC20]  }
0x431: {  	v0 =	vmul.f32 v0, v32;
	v20 =	vmul.f32 v20, v32;
	v34 =	vadd.f32 v34, v1;
	v1 =	vld [tilespmem:$0x1FF50]  }
0x432: {  	[tilespmem:$0x1FEC0] =	vst v7;
	v32 =	vmul.f32 v48, v22;
	v48 =	vmul.f32 v10, v22;
	v10 =	vld [tilespmem:s25+$0xFFFFFD20]  }
0x433: {  	v7 =	vmul.f32 v12, v24;
	[tilespmem:$0x1FF80] =	vst v2;
	v2 =	vmul.f32 v49, v16;
	v49 =	vld [tilespmem:s25+$0xA0]  }
0x434: {  	v38 =	vmul.f32 v53, v21;
	v14 =	vmul.f32 v28, v46;
	v57 =	vld [tilespmem:s25+$0xFFFFFF00]  }
0x435: {  	v27 =	vld [tilespmem:s25+$0xFFFFFC00];
	[tilespmem:$0x1FED0] =	vst v7;
	v7 =	vmul.f32 v54, v21;
	v35 =	vmul.f32 v35, v6  }
0x436: {  	v41 =	vmul.f32 v36, v17;
	v36 =	vld [tilespmem:s25+$0xFFFFFF20];
	v46 =	vmul.f32 v51, v16  }
0x437: {  	v51 =	vmul.f32 v63, v17;
	v63 =	vld [tilespmem:s25+$0xFFFFFD00];
	v35 =	vadd.f32 v35, v1;
	v10 =	vmul.f32 v10, v5  }
0x438: {  	v23 =	vmul.f32 v23, v61;
	v44 =	vld [tilespmem:s25+$0xFFFFFC30];
	v54 =	vmul.f32 v49, v22  }
0x439: {  	v49 =	vmul.f32 v56, v22;
	v56 =	vmul.f32 v57, v60;
	v57 =	vld [tilespmem:s25+$0xFFFFFD30];
	v10 =	vadd.f32 v10, v35  }
0x43a: {  	v52 =	vmul.f32 v59, v17;
	v27 =	vmul.f32 v27, v6;
	v1 =	vld [tilespmem:$0x1FF60]  }
0x43b: {  	v12 =	vmul.f32 v45, v16;
	v36 =	vmul.f32 v36, v60;
	v10 =	vadd.f32 v23, v10  }
0x43c: {  	v28 =	vld [tilespmem:s25+$0xFFFFFE30];
	v45 =	vmul.f32 v50, v16;
	v50 =	vmul.f32 v55, v21  }
0x43d: {  	v59 =	vld [tilespmem:s25+$0xFFFFFE10];
	v55 =	vmul.f32 v39, v22;
	v39 =	vmul.f32 v44, v6;
	v10 =	vadd.f32 v36, v10  }
0x43e: {  	v27 =	vadd.f32 v27, v8;
	v21 =	vmul.f32 v58, v21;
	v63 =	vmul.f32 v63, v5;
	v44 =	vld [tilespmem:s25+$0xFFFFFF30]  }
0x43f: {  	v58 =	vld [tilespmem:s25+$0xFFFFFE00];
	v57 =	vmul.f32 v57, v5;
	v39 =	vadd.f32 v39, v1;
	v3 =	vadd.f32 v3, v10  }
0x440: {  	[tilespmem:$0x1FE70] =	vst v21;
	v21 =	vld [tilespmem:s25+$0xFFFFFD10];
	v27 =	vadd.f32 v63, v27  }
0x441: {  	v28 =	vmul.f32 v28, v61;
	v63 =	vadd.f32 v57, v39;
	v1 =	vadd.f32 v7, v3;
	v7 =	vld [tilespmem:$0x1FD50]  }
0x442: {  	v33 =	vld [tilespmem:s25+$0x190]  }
0x443: {  	v23 =	vadd.f32 v28, v63;
	v28 =	vmul.f32 v44, v60  }
0x444: {  	v58 =	vmul.f32 v58, v61  }
0x445: {  	v59 =	vmul.f32 v59, v61;
	v21 =	vmul.f32 v21, v5;
	v23 =	vadd.f32 v28, v23  }
0x446: {  	v27 =	vadd.f32 v58, v27;
	v1 =	vadd.f32 v7, v1;
	v7 =	vld [tilespmem:$0x1FD60]  }
0x447: {  	v53 =	vmul.f32 v33, v17;
	v33 =	vld [tilespmem:s25+$0xFFFFFF10];
	v21 =	vadd.f32 v21, v34;
	v4 =	vadd.f32 v4, v23  }
0x448: {  	v27 =	vadd.f32 v56, v27  }
0x449: {  	v21 =	vadd.f32 v59, v21;
	v59 =	vmov v2;
	v2 =	vadd.f32 v50, v4  }
0x44a: {  	v0 =	vadd.f32 v0, v27  }
0x44b: {  	v2 =	vadd.f32 v7, v2;
	v7 =	vld [tilespmem:$0x1FD70]  }
0x44c: {  	v33 =	vmul.f32 v33, v60;
	v0 =	vadd.f32 v37, v0;
	_ =	sdelay $0x1  }
0x44d: {  	v21 =	vadd.f32 v33, v21;
	v0 =	vadd.f32 v43, v0;
	_ =	sdelay $0x1  }
0x44e: {  	v21 =	vadd.f32 v62, v21;
	v62 =	vadd.f32 v7, v0;
	v7 =	vld [tilespmem:$0x1FD90]  }
0x44f: {  	v40 =	vld [tilespmem:s25+$0xFFFFFF40]  }
0x450: {  	v8 =	vld [tilespmem:s25+$0xFFFFFF70]  }
0x451: {  	v24 =	vld [tilespmem:s25+$0x80]  }
0x452: {  	v34 =	vld [tilespmem:s25+$0xFFFFFF50]  }
0x453: {  	v58 =	vld [tilespmem:s25+$0xFFFFFD40];
	v1 =	vadd.f32 v7, v1  }
0x454: {  	v33 =	vmul.f32 v40, v60;
	v40 =	vld [tilespmem:s25+$0xFFFFFC40]  }
0x455: {  	[tilespmem:$0x1FF50] =	vst v1;
	v1 =	vld [tilespmem:$0x1FDA0]  }
0x456: {  	v27 =	vld [tilespmem:s25+$0xFFFFFC60]  }
0x457: {  	v35 =	vld [tilespmem:s25+$0xFFFFFD50]  }
0x458: {  	v37 =	vld [tilespmem:$0x1FDD0]  }
0x459: {  	v39 =	vld [tilespmem:s25+$0xFFFFFE40]  }
0x45a: {  	v57 =	vld [tilespmem:s25+$0xFFFFFE50];
	v1 =	vadd.f32 v1, v2  }
0x45b: {  	v63 =	vld [tilespmem:s25+$0xFFFFFC50]  }
0x45c: {  	[tilespmem:$0x1FF60] =	vst v1;
	v1 =	vld [tilespmem:$0x1FDB0]  }
0x45d: {  	v7 =	vld [tilespmem:$0x1FDE0]  }
0x45e: {  	v10 =	vld [tilespmem:s25+$0xFFFFFC70]  }
0x45f: {  	v3 =	vmul.f32 v40, v6;
	v23 =	vmul.f32 v58, v5;
	v58 =	vld [tilespmem:s25+$0xFFFFFD60]  }
0x460: {  	v50 =	vmov v12;
	v12 =	vmul.f32 v27, v6;
	v0 =	vld [tilespmem:$0x1FD80]  }
0x461: {  	v21 =	vadd.f32 v38, v21;
	v2 =	vld [tilespmem:$0x1FDC0];
	v1 =	vadd.f32 v3, v1  }
0x462: {  	v38 =	vmov v45;
	v44 =	vmov v9;
	v9 =	vadd.f32 v12, v7;
	v7 =	vld [tilespmem:$0x1FDF0]  }
0x463: {  	v45 =	vmovc v13;
	v13 =	vadd.f32 v14, v21;
	v56 =	vmul.f32 v39, v61;
	v4 =	vld [tilespmem:s25+$0xFFFFFD70];
	v1 =	vadd.f32 v23, v1  }
0x464: {  	v21 =	vld [tilespmem:s25+$0xFFFFFE60];
	v14 =	vmul.f32 v63, v6  }
0x465: {  	v63 =	vadd.f32 v0, v13;
	v0 =	vmul.f32 v10, v6;
	v6 =	vld [tilespmem:s25+$0xFFFFFF60];
	v1 =	vadd.f32 v56, v1  }
0x466: {  	v35 =	vmul.f32 v35, v5;
	v27 =	vld [tilespmem:s25+$0xFFFFFE70];
	v2 =	vadd.f32 v14, v2  }
0x467: {  	v0 =	vadd.f32 v0, v7;
	v7 =	vld [tilespmem:$0x1FE20];
	v3 =	vmul.f32 v58, v5;
	v1 =	vadd.f32 v33, v1  }
0x468: {  	v36 =	vld [tilespmem:$0x1FE10];
	v57 =	vmul.f32 v57, v61;
	v4 =	vmul.f32 v4, v5;
	v2 =	vadd.f32 v35, v2  }
0x469: {  	v10 =	vmul.f32 v21, v61;
	v3 =	vadd.f32 v3, v9;
	v1 =	vadd.f32 v19, v1;
	v19 =	vld [tilespmem:$0x1FE80]  }
0x46a: {  	v28 =	vmul.f32 v34, v60;
	v40 =	vld [tilespmem:$0x1FD40];
	v6 =	vmul.f32 v6, v60;
	v0 =	vadd.f32 v4, v0  }
0x46b: {  	v4 =	vmul.f32 v27, v61;
	v27 =	vld [tilespmem:$0x1FEC0];
	v2 =	vadd.f32 v57, v2;
	v3 =	vadd.f32 v10, v3  }
0x46c: {  	v1 =	vadd.f32 v7, v1;
	v7 =	vld [tilespmem:$0x1FE30]  }
0x46d: {  	v39 =	vmovc v46;
	v46 =	vmov v47;
	v47 =	vld [tilespmem:$0x1FE40];
	v2 =	vadd.f32 v28, v2;
	v3 =	vadd.f32 v6, v3  }
0x46e: {  	v1 =	vadd.f32 v19, v1;
	v19 =	vld [tilespmem:$0x1FE90]  }
0x46f: {  	v2 =	vadd.f32 v20, v2;
	v3 =	vadd.f32 v15, v3;
	v15 =	vld [tilespmem:s25+$0xFFFFFCB0]  }
0x470: {  	v28 =	vadd.f32 v27, v1;
	v1 =	vld [tilespmem:$0x1FED0]  }
0x471: {  	v2 =	vadd.f32 v7, v2;
	v7 =	vld [tilespmem:$0x1FE50]  }
0x472: {  	v13 =	vld [tilespmem:s25+$0xFFFFFE90]  }
0x473: {  	v20 =	vld [tilespmem:$0x1FEA0];
	v2 =	vadd.f32 v19, v2  }
0x474: {  	v21 =	vmov v31;
	v31 =	vld [tilespmem:$0x1FE60];
	v0 =	vadd.f32 v4, v0  }
0x475: {  	v4 =	vmul.f32 v8, v60;
	v27 =	vadd.f32 v1, v2;
	v1 =	vmul.f32 v15, v30;
	v15 =	vld [tilespmem:$0x1FEE0]  }
0x476: {  	v3 =	vadd.f32 v7, v3;
	v7 =	vld [tilespmem:$0x1FE70]  }
0x477: {  	v12 =	vld [tilespmem:s25+$0xFFFFFF90];
	v0 =	vadd.f32 v4, v0  }
0x478: {  	v3 =	vadd.f32 v20, v3;
	v20 =	vld [tilespmem:$0x1FEB0]  }
0x479: {  	v14 =	vld [tilespmem:s25+$0xFFFFFD80];
	v0 =	vadd.f32 v18, v0  }
0x47a: {  	v34 =	vadd.f32 v15, v3;
	v3 =	vld [tilespmem:$0x1FEF0]  }
0x47b: {  	v5 =	vld [tilespmem:s25+$0xFFFFFF80];
	v0 =	vadd.f32 v7, v0  }
0x47c: {  	v8 =	vld [tilespmem:s25+$0xFFFFFD90]  }
0x47d: {  	v6 =	vld [tilespmem:s25+$0xFFFFFC90];
	v0 =	vadd.f32 v20, v0  }
0x47e: {  	v23 =	vld [tilespmem:$0x1FE00]  }
0x47f: {  	v35 =	vadd.f32 v3, v0;
	v3 =	vld [tilespmem:$0x1FF10]  }
0x480: {  	v9 =	vld [tilespmem:s25+$0xFFFFFE80]  }
0x481: {  	v4 =	vmul.f32 v12, v25;
	v12 =	vld [tilespmem:s25+$0xFFFFFCA0]  }
0x482: {  	v10 =	vmul.f32 v5, v25;
	v5 =	vld [tilespmem:s25+$0xFFFFFC80];
	v6 =	vmul.f32 v6, v30  }
0x483: {  	v0 =	vld [tilespmem:$0x1FF00]  }
0x484: {  	v3 =	vadd.f32 v6, v3;
	v6 =	vld [tilespmem:$0x1FF20]  }
0x485: {  	v18 =	vld [tilespmem:s25+$0xFFFFFDA0]  }
0x486: {  	v19 =	vld [tilespmem:s25+$0xFFFFFEA0]  }
0x487: {  	v12 =	vmul.f32 v12, v30;
	v5 =	vmul.f32 v5, v30;
	v2 =	vld [tilespmem:s25+$0xFFFFFFA0]  }
0x488: {  	v14 =	vmul.f32 v14, v29;
	v7 =	vld [tilespmem:s25+$0xFFFFFDB0]  }
0x489: {  	v8 =	vmul.f32 v8, v29;
	v0 =	vadd.f32 v5, v0;
	v6 =	vadd.f32 v12, v6;
	v12 =	vld [tilespmem:$0x1FF30]  }
0x48a: {  	v13 =	vmul.f32 v13, v26;
	v15 =	vld [tilespmem:s25+$0xFFFFFFB0]  }
0x48b: {  	v9 =	vmul.f32 v9, v26;
	v20 =	vld [tilespmem:s25+$0xFFFFFEB0];
	v0 =	vadd.f32 v14, v0;
	v3 =	vadd.f32 v8, v3  }
0x48c: {  	v5 =	vmul.f32 v18, v29;
	v14 =	vld [tilespmem:s25+$0xFFFFFFD0]  }
0x48d: {  	v8 =	vmul.f32 v19, v26;
	v19 =	vld [tilespmem:s25+$0xFFFFFEC0];
	v0 =	vadd.f32 v9, v0;
	v3 =	vadd.f32 v13, v3  }
0x48e: {  	v7 =	vmul.f32 v7, v29;
	v18 =	vadd.f32 v5, v6;
	v6 =	vld [tilespmem:s25+$0xFFFFFED0];
	v1 =	vadd.f32 v1, v12  }
0x48f: {  	p3 =	sne.s32 s29, $0x40;
	v24 =	vmul.f32 v24, v22;
	v13 =	vmul.f32 v15, v25;
	v15 =	vadd.f32 v10, v0;
	v12 =	vld [tilespmem:s25+$0xFFFFFFC0]  }
.Ltmp7:
0x490: {  	v4 =	vadd.f32 v4, v3;
	v5 =	vld [tilespmem:s25+$0xFFFFFDC0];
	v1 =	vadd.f32 v7, v1;
	v7 =	vmul.f32 v20, v26;
	(pc) =	sbr.rel @p3 .LBB2_14-.Ltmp7, $4  }
0x491: {  	v2 =	vmul.f32 v2, v25;
	v3 =	vadd.f32 v24, v15;
	v24 =	vld [tilespmem:$0x1FF40];
	v9 =	vadd.f32 v8, v18  }
0x492: {  	v8 =	vld [tilespmem:s25+$0xFFFFFCC0];
	v1 =	vadd.f32 v7, v1  }
0x493: {  	v4 =	vadd.f32 v32, v4;
	v10 =	vadd.f32 v2, v9;
	v9 =	vld [tilespmem:s25+$0xFFFFFCD0];
	v2 =	vmul.f32 v19, v26  }
0x494: {  	s29 =	sadd.s32 $0xFFFFFFC0, s29;
	v7 =	vld [tilespmem:s25+$0xFFFFFDD0];
	v0 =	vmul.f32 v12, v25;
	v12 =	vadd.f32 v13, v1;
	v1 =	vmul.f32 v14, v25  }
.LBB2_15:
0x495: {  	v13 =	vld [tilespmem:s25+$0xFFFFFCE0]  }
0x496: {  	v14 =	vld [tilespmem:s25+$0xFFFFFCF0]  }
0x497: {  	v15 =	vld [tilespmem:s25+$0xFFFFFDE0]  }
0x498: {  	v18 =	vld [tilespmem:s25+$0xFFFFFDF0]  }
0x499: {  	v10 =	vadd.f32 v54, v10;
	v19 =	vld [tilespmem:$0x1FF80]  }
0x49a: {  	v3 =	vadd.f32 v52, v3;
	v57 =	vld [tilespmem:s25+$0xFFFFFEE0];
	v12 =	vadd.f32 v55, v12  }
0x49b: {  	v6 =	vmul.f32 v6, v26;
	v20 =	vld [tilespmem:s25+$0xFFFFFEF0];
	v4 =	vadd.f32 v53, v4;
	v10 =	vadd.f32 v21, v10  }
0x49c: {  	v58 =	vld [tilespmem:$0x1FF70];
	v5 =	vmul.f32 v5, v29;
	v3 =	vadd.f32 v50, v3;
	v12 =	vadd.f32 v51, v12  }
0x49d: {  	v60 =	vld [tilespmem:s25+$0xFFFFFFF0];
	v8 =	vmul.f32 v8, v30;
	v7 =	vmul.f32 v7, v29;
	v10 =	vadd.f32 v46, v10  }
0x49e: {  	v61 =	vld [tilespmem:s25+$0xE0];
	v9 =	vmul.f32 v9, v30;
	v3 =	vadd.f32 v47, v3;
	v4 =	vadd.f32 v19, v4  }
0x49f: {  	v32 =	vld [tilespmem:s25+$0x1E0];
	v12 =	vadd.f32 v59, v12;
	v13 =	vmul.f32 v13, v30;
	v8 =	vadd.f32 v8, v40  }
0x4a0: {  	v43 =	vld [tilespmem:s25+$0x1F0];
	v14 =	vmul.f32 v14, v30;
	v10 =	vadd.f32 v44, v10;
	v9 =	vadd.f32 v9, v23  }
0x4a1: {  	v54 =	vld [tilespmem:s25+$0x3E0];
	v15 =	vmul.f32 v15, v29;
	v3 =	vadd.f32 v3, v62;
	v4 =	vadd.f32 v58, v4  }
0x4a2: {  	v59 =	vld [tilespmem:s25+$0xFFFFFFE0];
	v18 =	vmul.f32 v18, v29;
	v12 =	vadd.f32 v45, v12;
	v13 =	vadd.f32 v13, v24  }
0x4a3: {  	v29 =	vmul.f32 v57, v26;
	v14 =	vadd.f32 v14, v31;
	v5 =	vadd.f32 v5, v8;
	v58 =	vld [tilespmem:$0x1FF50]  }
0x4a4: {  	v45 =	vmul.f32 v60, v25;
	v60 =	vld [tilespmem:$0x1FF60];
	v7 =	vadd.f32 v7, v9;
	v13 =	vadd.f32 v15, v13  }
0x4a5: {  	v55 =	vld [tilespmem:s25+$0x3F0];
	v31 =	vmul.f32 v20, v26;
	v14 =	vadd.f32 v18, v14;
	v2 =	vadd.f32 v2, v5  }
0x4a6: {  	v30 =	vld [tilespmem:s25+$0xF0];
	v4 =	vadd.f32 v4, v63;
	v33 =	vadd.f32 v6, v7  }
0x4a7: {  	v50 =	vld [tilespmem:s25+$0x2F0];
	v8 =	vadd.f32 v29, v13;
	v44 =	vadd.f32 v31, v14  }
0x4a8: {  	v46 =	vld [tilespmem:s25+$0x2E0];
	[tilespmem:$0x19380] =	vst v3;
	v40 =	vmul.f32 v59, v25;
	v0 =	vadd.f32 v0, v2;
	v1 =	vadd.f32 v1, v33  }
0x4a9: {  	[tilespmem:$0x19390] =	vst v4;
	v3 =	vadd.f32 v10, v58;
	v4 =	vadd.f32 v12, v60  }
0x4aa: {  	v47 =	vmul.f32 v61, v22;
	v6 =	vadd.f32 v40, v8;
	v0 =	vadd.f32 v48, v0  }
0x4ab: {  	v9 =	vmul.f32 v30, v22;
	v51 =	vadd.f32 v45, v44;
	v1 =	vadd.f32 v49, v1  }
0x4ac: {  	v52 =	vmul.f32 v32, v17;
	v2 =	vadd.f32 v47, v6;
	v0 =	vadd.f32 v41, v0  }
0x4ad: {  	v7 =	vmul.f32 v43, v17;
	v53 =	vadd.f32 v9, v51;
	v1 =	vadd.f32 v42, v1  }
0x4ae: {  	v56 =	vmul.f32 v46, v16;
	v2 =	vadd.f32 v52, v2;
	v0 =	vadd.f32 v38, v0  }
0x4af: {  	v5 =	vmul.f32 v50, v16;
	v6 =	vadd.f32 v7, v53;
	v1 =	vadd.f32 v39, v1  }
0x4b0: {  	v57 =	vmul.f32 v54, v11;
	v2 =	vadd.f32 v56, v2;
	v0 =	vadd.f32 v37, v0  }
0x4b1: {  	v59 =	vmul.f32 v55, v11;
	v5 =	vadd.f32 v5, v6;
	v1 =	vadd.f32 v36, v1  }
0x4b2: {  	[tilespmem:$0x193A0] =	vst v3;
	v2 =	vadd.f32 v57, v2;
	v0 =	vadd.f32 v0, v28  }
0x4b3: {  	[tilespmem:$0x193B0] =	vst v4;
	v61 =	vadd.f32 v59, v5;
	v1 =	vadd.f32 v1, v27  }
0x4b4: {  	[tilespmem:$0x193C0] =	vst v0;
	v62 =	vadd.f32 v2, v34  }
0x4b5: {  	v63 =	vadd.f32 v61, v35;
	[tilespmem:$0x193D0] =	vst v1  }
0x4b6: {  	[tilespmem:$0x193E0] =	vst v62  }
0x4b7: {  	s28 =	simm.s32 $0x19500;
	s29 =	simm.s32 $0x19380;
	s25 =	simm.s32 $0x80;
	[tilespmem:$0x193F0] =	vst v63  }
0x4b8: {  	[spmem:s3] =	stream.indirect.scatter.add.f32 [tilespmem:s29], [sflag:$0x4], $0x1, s28, s25, $0xb8;
	[tilespmem:$0x19A88] =	vst v63  }
0x4b9: {  	_ =	swait.ge [sflag:s0], $0x80  }
0x4ba: {  	[sflag:s0] =	ssyncset.done $0x0  }
0x4bb: {  	[sflag:s0] =	ssyncadd.s32 $0xFFFFFF80  }
0x4bc: {  	[bflag:$0x0] =	sbarrier.arrive $0xFFFF  }
0x4bd: {  	[bflag:$0x0] =	sbarrier.arrive @p2 $0xFFFF  }
0x4be: {  	s25 =	sshrl.u32 @!p2 s3, $0x3;
	s28 =	rddreg [dreg:$0xf]  }
0x4bf: {  	[hbm:s28], [sflag:s19] =	dma.local @!p2 [spmem:s25], $0x10  }
0x4c0: {  	s19 =	simm.s32 @!p2 $0x4  }
0x4c1: {  	_ =	swait.ge @!p2 [sflag:s19], $0x10  }
0x4c2: {  	[sflag:s19] =	ssyncset.done @!p2 $0x0  }
0x4c3: {  	[sflag:s19] =	ssyncadd.s32 @!p2 $0xFFFFFFF0  }
0x4c4: {  	[bflag:$0x0] =	sbarrier.arrive @!p2 $0xFFFF  }
0x4c5: {  	[smem:s22], [sflag:$0x0] =	smem.add.s32 @!p2 $0x0  }
0x4c6: {  	_ =	swait.done @!p2 [sflag:s21]  }
0x4c7: {  	s19 =	ssyncread @!p2 [sflag:$0x0];
	_ =	sdelay $0x2  }
0x4c8: {  	s19 =	sadd.s32 @!p2 s20, s19  }
0x4c9: {  	s19 =	sshll.u32 @!p2 s19, $0x11  }
0x4ca: {  	[sflag:s21] =	ssyncset.s32 @!p2 $0x0;
	s16 =	sor.u32 @!p2 s19, s16  }
0x4cb: {  	[sflag:s21] =	ssyncset.done @!p2 $0x0;
	s16 =	sor.u32 @!p2 $0x1C03, s16  }
0x4cc: {  	[sflag:s16] =	ssyncadd.remote.s32 @!p2 $0x1  }
0x4cd: {  	_ =	swait.ge @!p2 [sflag:s23], $0x1  }
0x4ce: {  	[sflag:s23] =	ssyncset.done @!p2 $0x0  }
0x4cf: {  	[sflag:s23] =	ssyncadd.s32 @!p2 $0xFFFFFFFF  }
0x4d0: {  	s19 =	simm.s32 @!p1 $0x19400;
	s16 =	simm.s32 @!p1 $0x0;
	[bflag:$0x0] =	sbarrier.arrive $0xFFFF  }
0x4d1: {  	[tilespmem:s19], [sflag:$0x4] =	stream.linear.gather @!p1 [hbm4b:s8+s16], $0x100, $0x38;
	[tilespmem:$0x19A88] =	vst v63  }
0x4d2: {  	s19 =	simm.s32 @!p1 $0x4  }
0x4d3: {  	_ =	swait.ge @!p1 [sflag:s19], $0x100  }
0x4d4: {  	[sflag:s19] =	ssyncset.done @!p1 $0x0  }
0x4d5: {  	[sflag:s19] =	ssyncadd.s32 @!p1 $0xFFFFFF00  }
0x4d6: {  	v0 =	vld @!p1 [tilespmem:$0x19400]  }
0x4d7: {  	v1 =	vld @!p1 [tilespmem:$0x19480]  }
0x4d8: {  	v2 =	vld @!p1 [tilespmem:$0x19410]  }
0x4d9: {  	v3 =	vld @!p1 [tilespmem:$0x19490]  }
0x4da: {  	v4 =	vld @!p1 [tilespmem:$0x19420]  }
0x4db: {  	v5 =	vld @!p1 [tilespmem:$0x194A0]  }
0x4dc: {  	v6 =	vld @!p1 [tilespmem:$0x19430]  }
0x4dd: {  	v7 =	vld @!p1 [tilespmem:$0x194B0]  }
0x4de: {  	v8 =	vld @!p1 [tilespmem:$0x19440]  }
0x4df: {  	v9 =	vld @!p1 [tilespmem:$0x194C0]  }
0x4e0: {  	v10 =	vld @!p1 [tilespmem:$0x19450]  }
0x4e1: {  	v11 =	vld @!p1 [tilespmem:$0x194D0]  }
0x4e2: {  	v12 =	vld @!p1 [tilespmem:$0x19460]  }
0x4e3: {  	v0 =	vadd.f32 @!p1 v1, v0;
	v1 =	vld @!p1 [tilespmem:$0x194E0]  }
0x4e4: {  	v2 =	vadd.f32 @!p1 v3, v2;
	v3 =	vld @!p1 [tilespmem:$0x19470]  }
0x4e5: {  	[tilespmem:$0x19380] =	vst @!p1 v0;
	v0 =	vadd.f32 @!p1 v5, v4;
	v4 =	vld @!p1 [tilespmem:$0x194F0]  }
0x4e6: {  	[tilespmem:$0x19390] =	vst @!p1 v2;
	v2 =	vadd.f32 @!p1 v7, v6  }
0x4e7: {  	[tilespmem:$0x193A0] =	vst @!p1 v0;
	v0 =	vadd.f32 @!p1 v9, v8  }
0x4e8: {  	[tilespmem:$0x193B0] =	vst @!p1 v2;
	v2 =	vadd.f32 @!p1 v11, v10  }
0x4e9: {  	[tilespmem:$0x193C0] =	vst @!p1 v0;
	v0 =	vadd.f32 @!p1 v1, v12  }
0x4ea: {  	[tilespmem:$0x193D0] =	vst @!p1 v2;
	v1 =	vadd.f32 @!p1 v4, v3  }
0x4eb: {  	[tilespmem:$0x193E0] =	vst @!p1 v0  }
0x4ec: {  	s21 =	simm.s32 @!p1 $0x19380;
	s22 =	rddreg [dreg:$0x3];
	[tilespmem:$0x193F0] =	vst @!p1 v1  }
0x4ed: {  	[hbm4b:s22+s16] =	stream.linear.scatter @!p1 [tilespmem:s21], [sflag:$0x4], $0x80, $0x38;
	[tilespmem:$0x19A88] =	vst v63  }
0x4ee: {  	_ =	swait.ge @!p1 [sflag:s19], $0x80  }
0x4ef: {  	s18 =	sadd.s32 $0x1, s18;
	s25 =	rddreg [dreg:$0x10]  }
0x4f0: {  	p3 =	sne.s32 s18, s25  }
.Ltmp8:
0x4f1: {  	_ = 	snop;
	(pc) =	sbr.rel @p3 .LBB2_1-.Ltmp8, $3  }
0x4f2: {  	_ =	sdelay $0x1  }
0x4f3: {  	[sflag:s19] =	ssyncset.done @!p1 $0x0  }
0x4f4: {  	s29 =	simm.s32 $0xED00;
	s28 =	smov.u32 s30;
	[sflag:s19] =	ssyncadd.s32 @!p1 $0xFFFFFF80  }
0x4f5: {  	_ =	sfence.sel $0x180000  }
0x4f6: {  	[bflag:$0x0] =	sbarrier.arrive $0xFFFF  }
0x4f7: {  	_ =	strace $0x90000047  }
0x4f8: {  	[bflag:$0x2] =	sbarrier.arrive $0xFFFF  }
0x4f9: {  	s0 =	rddreg [dreg:$0x7]  }
0x4fa: {  	s0 =	sadd.s32 @!p2 $0x100000, s0  }
0x4fb: {  	[sflag:s0] =	ssyncadd.tile.s32 @!p2 $0x1;
	_ =	shalt  }
.Lfunc_end2:
_tile_overlayer_lowered:
.L_overlay_start_2:
0x4fc: {  	(tag) =	ssettag $0x2  }
0x4fd: {  	s0 =	rddreg [dreg:$0x0];
	s2 =	stileid.u32  }
0x4fe: {  	s1 =	rddreg [dreg:$0x1];
	p0 =	sne.s32 s2, $0x0  }
0x4ff: {  	s3 =	rddreg [dreg:$0x2];
	[bflag:$0x3] =	sbarrier.arrive $0xFFFF;
	s2 =	simm.s32 @!p0 $0x1C04  }
0x500: {  	[timem:s3], [sflag:s2] =	dma.local @!p0 [hbm:s0], s1  }
0x501: {  	s0 =	simm.s32 @!p0 $0x4  }
0x502: {  	_ =	swait.ge @!p0 [sflag:s0], s1  }
0x503: {  	s1 =	ssub.s32 @!p0 $0x0, s1;
	[sflag:s0] =	ssyncset.done @!p0 $0x0  }
0x504: {  	[sflag:s0] =	ssyncadd.s32 @!p0 s1  }
0x505: {  	[bflag:$0x3] =	sbarrier.arrive $0xFFFF  }
0x506: {  	_ =	shalt  }

</sc_bundles>
